<compile_context>
chip_gen: v7x
topology: tpu7x:2x2x1
jax: 0.10.2.dev20260603
libtpu: 0.0.44.dev20260713+nightly
codegen_flags: <defaults>
</compile_context>

<pallas_src>
import functools

import jax
import jax.numpy as jnp
from jax import lax
from jax.experimental import pallas as pl
from jax.experimental.pallas import tpu as pltpu
from jax.experimental.pallas import tpu_sc as plsc

NC, NS = 2, 16
NW = NC * NS
B, L, D = 1024, 200, 64
VECL = 16
BB = 128
NB = B // BB
L_PER_W = L // (NW // NB)

_mesh = plsc.VectorSubcoreMesh(core_axis_name="c", subcore_axis_name="s")


@functools.partial(
    pl.kernel,
    out_type=jax.ShapeDtypeStruct((L, D // 8, NB, 8, BB), jnp.float32),
    mesh=_mesh,
    compiler_params=pltpu.CompilerParams(use_tc_tiling_on_sc=False,
                                         needs_layout_passes=False),
    scratch_types=[
        pltpu.VMEM((L_PER_W, BB), jnp.int32),
        pltpu.VMEM((L_PER_W * D,), jnp.float32),
        pltpu.VMEM((2, BB, D), jnp.float32),
        pltpu.VMEM((2, D, BB), jnp.float32),
        pltpu.SemaphoreType.DMA((2,)),
        pltpu.SemaphoreType.DMA((2,)),
    ],
)
def _seq_embed(seq_t_hbm, tok_hbm, pos_hbm, out_hbm, idx_v, pos_v, gbuf, tbuf,
               gsem, ssem):
    wid = lax.axis_index("s") * NC + lax.axis_index("c")
    l0 = (wid // NB) * L_PER_W
    bhi = wid % NB

    pltpu.sync_copy(seq_t_hbm.at[pl.ds(l0, L_PER_W), pl.ds(bhi * BB, BB)], idx_v)
    pltpu.sync_copy(pos_hbm.at[pl.ds(l0 * D, L_PER_W * D)], pos_v)

    def gather_start(u, b):
        pltpu.async_copy(tok_hbm.at[idx_v.at[u]], gbuf.at[b], gsem.at[b])

    def gather_wait(b):
        pltpu.make_async_copy(tok_hbm.at[pl.ds(0, BB)], gbuf.at[b],
                              gsem.at[b]).wait()

    def scatter_start(u, b):
        for dhi in range(D // 8):
            pltpu.async_copy(tbuf.at[b, pl.ds(8 * dhi, 8)],
                             out_hbm.at[l0 + u, dhi, bhi], ssem.at[b])

    def scatter_wait(b):
        for dhi in range(D // 8):
            pltpu.make_async_copy(tbuf.at[b, pl.ds(8 * dhi, 8)],
                                  out_hbm.at[0, 0, 0], ssem.at[b]).wait()

    lane_ids = jnp.arange(VECL, dtype=jnp.int32)
    blvecs = [lane_ids + 16 * g for g in range(BB // VECL)]

    def transpose_add(u, b):
        pvecs = [pos_v[pl.ds(u * D + 16 * j, VECL)] for j in range(D // VECL)]

        @plsc.parallel_loop(0, VECL, unroll=8)
        def _(s, /):
            perm = (lane_ids + s) & 15
            for j in range(D // VECL):
                dvec = perm + 16 * j
                p = pvecs[j].at[perm].get(mode="promise_in_bounds")
                for g in range(BB // VECL):
                    v = plsc.load_gather(gbuf.at[b], [blvecs[g], dvec])
                    plsc.store_scatter(tbuf.at[b], [dvec, blvecs[g]], v + p)

    gather_start(0, 0)

    @pl.loop(0, L_PER_W, step=2)
    def _(uu):
        for b in range(2):
            u = uu + b

            gather_wait(b)

            @pl.when(u + 1 < L_PER_W)
            def _():
                gather_start(u + 1, 1 - b)

            @pl.when(u >= 2)
            def _():
                scatter_wait(b)

            transpose_add(u, b)
            scatter_start(u, b)

    scatter_wait(0)
    scatter_wait(1)


def kernel(seq, token_table, pos_table):
    out5 = _seq_embed(seq.T, token_table, pos_table.reshape(-1))
    return jnp.transpose(out5, (2, 4, 0, 1, 3)).reshape(B, L, D)

# --- scband reference (transcript-rebuilt; emitter-appended) ---
"""Pipeline reference for scband-seq-embedding-7816840478754 (READ-ONLY COPY).

The authoritative reference and input builder live on the scoring server;
editing this copy changes nothing except your own understanding.
"""

import jax, jax.numpy as jnp
import numpy as np

VOCAB_SIZE = 100000
MAX_LENGTH = 200
DEPTH = 64
BATCH = 1024
SEQ_LEN = 200

def setup_inputs(seed: int = 0) -> dict:
    key = jax.random.key(seed)
    k_seq, k_tok, k_pos = jax.random.split(key, 3)
    seq = jax.random.randint(k_seq, (BATCH, SEQ_LEN), 0, VOCAB_SIZE, dtype=jnp.int64 if jax.config.jax_enable_x64 else jnp.int32)
    token_table = jax.random.normal(k_tok, (VOCAB_SIZE, DEPTH), dtype=jnp.float32) * 0.05
    pos_table = jax.random.normal(k_pos, (MAX_LENGTH, DEPTH), dtype=jnp.float32) * 0.05
    return {"seq": seq, "token_table": token_table, "pos_table": pos_table}

def reference(seq, token_table, pos_table):
    # token embedding: gather rows of token_table
    tok = jnp.take(token_table, seq, axis=0)           # [B, L, D]
    # positional embedding over sequence positions
    pos_idx = jnp.arange(seq.shape[1])                 # [L]
    pos = jnp.take(pos_table, pos_idx, axis=0)         # [L, D]
    pos = pos[jnp.newaxis, :, :]                       # [1, L, D]
    return tok + pos

if __name__ == "__main__":
    import jax
    _d = setup_inputs()
    print(jax.jit(kernel)(*tuple(_d.values())))

</pallas_src>

<mosaic_0001>
#map = affine_map<(d0, d1) -> (0, 0)>
#map1 = affine_map<(d0, d1) -> (0)>
#map2 = affine_map<(d0, d1) -> (0, 0, 0, 0, 0)>
module attributes {stable_mosaic.version = 14 : i64} {
  func.func @_seq_embed(%arg0: i32, %arg1: i32, %arg2: memref<200x1024xi32, #tpu.memory_space<hbm>>, %arg3: memref<100000x64xf32, #tpu.memory_space<hbm>>, %arg4: memref<12800xf32, #tpu.memory_space<hbm>>, %arg5: memref<200x8x8x8x128xf32, #tpu.memory_space<hbm>>, %arg6: memref<50x128xi32, #tpu.memory_space<vmem>>, %arg7: memref<3200xf32, #tpu.memory_space<vmem>>, %arg8: memref<2x128x64xf32, #tpu.memory_space<vmem>>, %arg9: memref<2x64x128xf32, #tpu.memory_space<vmem>>, %arg10: memref<2x!tpu.dma_semaphore, #tpu.memory_space<semaphore_mem>>, %arg11: memref<2x!tpu.dma_semaphore, #tpu.memory_space<semaphore_mem>>) attributes {dimension_semantics = [#tpu.dimension_semantics<core_parallel>, #tpu.dimension_semantics<subcore_parallel>], iteration_bounds = array<i64: 2, 16>, scalar_prefetch = 0 : i64, scratch_operands = 6 : i64, tpu.core_type = #tpu.core_type<sc_vector_subcore>, window_params = [{transform_indices = #map}, {transform_indices = #map}, {transform_indices = #map1}, {transform_indices = #map2}]} {
    %mul3A = arith.constant 2 : i32
    %mul3A_0 = arith.muli %arg1, %mul3A : i32
    %add3A = arith.addi %mul3A_0, %arg0 : i32
    %jit3A = arith.constant 8 : i32
    %div3A = arith.divsi %add3A, %jit3A : i32
    %sign3A = arith.constant 0 : i32
    %sign3A_1 = arith.cmpi sgt, %add3A, %sign3A : i32
    %sign3A_2 = arith.extui %sign3A_1 : i1 to i32
    %sign3A_3 = arith.constant 0 : i32
    %sign3A_4 = arith.cmpi slt, %add3A, %sign3A_3 : i32
    %sign3A_5 = arith.extui %sign3A_4 : i1 to i32
    %sign3A_6 = arith.subi %sign3A_2, %sign3A_5 : i32
    %sign3A_7 = arith.constant 0 : i32
    %sign3A_8 = arith.cmpi sgt, %jit3A, %sign3A_7 : i32
    %sign3A_9 = arith.extui %sign3A_8 : i1 to i32
    %sign3A_10 = arith.constant 0 : i32
    %sign3A_11 = arith.cmpi slt, %jit3A, %sign3A_10 : i32
    %sign3A_12 = arith.extui %sign3A_11 : i1 to i32
    %sign3A_13 = arith.subi %sign3A_9, %sign3A_12 : i32
    %ne3A = arith.cmpi ne, %sign3A_6, %sign3A_13 : i32
    %rem3A = arith.remsi %add3A, %jit3A : i32
    %ne3A_14 = arith.constant 0 : i32
    %ne3A_15 = arith.cmpi ne, %rem3A, %ne3A_14 : i32
    %and3A = arith.andi %ne3A, %ne3A_15 : i1
    %sub3A = arith.constant 1 : i32
    %sub3A_16 = arith.subi %div3A, %sub3A : i32
    %select_n3A = arith.select %and3A, %sub3A_16, %div3A : i32
    %mul3A_17 = arith.constant 50 : i32
    %mul3A_18 = arith.muli %select_n3A, %mul3A_17 : i32
    %jit3A_19 = arith.constant 8 : i32
    %eq3A = arith.constant 0 : i32
    %eq3A_20 = arith.cmpi eq, %jit3A_19, %eq3A : i32
    %jit3A_21 = arith.constant 1 : i32
    %select_n3A_22 = arith.select %eq3A_20, %jit3A_21, %jit3A_19 : i32
    %rem3A_23 = arith.remsi %add3A, %select_n3A_22 : i32
    %ne3A_24 = arith.constant 0 : i32
    %ne3A_25 = arith.cmpi ne, %rem3A_23, %ne3A_24 : i32
    %lt3A = arith.constant 0 : i32
    %lt3A_26 = arith.cmpi slt, %rem3A_23, %lt3A : i32
    %lt3A_27 = arith.constant 0 : i32
    %lt3A_28 = arith.cmpi slt, %select_n3A_22, %lt3A_27 : i32
    %ne3A_29 = arith.xori %lt3A_26, %lt3A_28 : i1
    %and3A_30 = arith.andi %ne3A_29, %ne3A_25 : i1
    %add3A_31 = arith.addi %rem3A_23, %select_n3A_22 : i32
    %select_n3A_32 = arith.select %and3A_30, %add3A_31, %rem3A_23 : i32
    %mul3A_33 = arith.constant 128 : i32
    %mul3A_34 = arith.muli %select_n3A_32, %mul3A_33 : i32
    "tpu.region"() ({
      %run_scoped3A = tpu.sem_alloc : memref<!tpu.dma_semaphore, #tpu.memory_space<semaphore_mem>>
      %dma_start3A_446 = tpu.memref_slice %arg2[%mul3A_18, %mul3A_34] : memref<200x1024xi32, #tpu.memory_space<hbm>> -> memref<50x128xi32, #tpu.memory_space<hbm>>
      %dma_start3A_447 = tpu.memref_slice %arg2[%mul3A_18, %mul3A_34] : memref<200x1024xi32, #tpu.memory_space<hbm>> -> memref<50x128xi32, #tpu.memory_space<hbm>>
      tpu.enqueue_dma source(%dma_start3A_447 : memref<50x128xi32, #tpu.memory_space<hbm>>) target(%arg6 : memref<50x128xi32, #tpu.memory_space<vmem>>) target_semaphore(%run_scoped3A : memref<!tpu.dma_semaphore, #tpu.memory_space<semaphore_mem>>)
      %dma_wait3A_448 = tpu.memref_slice %arg2[%mul3A_18, %mul3A_34] : memref<200x1024xi32, #tpu.memory_space<hbm>> -> memref<50x128xi32, #tpu.memory_space<hbm>>
      %dma_wait3A_449 = tpu.memref_slice %arg2[%mul3A_18, %mul3A_34] : memref<200x1024xi32, #tpu.memory_space<hbm>> -> memref<50x128xi32, #tpu.memory_space<hbm>>
      tpu.wait_dma2 semaphore(%run_scoped3A : memref<!tpu.dma_semaphore, #tpu.memory_space<semaphore_mem>>) src(%dma_wait3A_449 : memref<50x128xi32, #tpu.memory_space<hbm>>) dst(%arg6 : memref<50x128xi32, #tpu.memory_space<vmem>>)
      tpu.yield
    }) : () -> ()
    %mul3A_35 = arith.constant 64 : i32
    %mul3A_36 = arith.muli %mul3A_18, %mul3A_35 : i32
    "tpu.region"() ({
      %run_scoped3A = tpu.sem_alloc : memref<!tpu.dma_semaphore, #tpu.memory_space<semaphore_mem>>
      %dma_start3A_446 = tpu.memref_slice %arg4[%mul3A_36] : memref<12800xf32, #tpu.memory_space<hbm>> -> memref<3200xf32, #tpu.memory_space<hbm>>
      %dma_start3A_447 = tpu.memref_slice %arg4[%mul3A_36] : memref<12800xf32, #tpu.memory_space<hbm>> -> memref<3200xf32, #tpu.memory_space<hbm>>
      tpu.enqueue_dma source(%dma_start3A_447 : memref<3200xf32, #tpu.memory_space<hbm>>) target(%arg7 : memref<3200xf32, #tpu.memory_space<vmem>>) target_semaphore(%run_scoped3A : memref<!tpu.dma_semaphore, #tpu.memory_space<semaphore_mem>>)
      %dma_wait3A_448 = tpu.memref_slice %arg4[%mul3A_36] : memref<12800xf32, #tpu.memory_space<hbm>> -> memref<3200xf32, #tpu.memory_space<hbm>>
      %dma_wait3A_449 = tpu.memref_slice %arg4[%mul3A_36] : memref<12800xf32, #tpu.memory_space<hbm>> -> memref<3200xf32, #tpu.memory_space<hbm>>
      tpu.wait_dma2 semaphore(%run_scoped3A : memref<!tpu.dma_semaphore, #tpu.memory_space<semaphore_mem>>) src(%dma_wait3A_449 : memref<3200xf32, #tpu.memory_space<hbm>>) dst(%arg7 : memref<3200xf32, #tpu.memory_space<vmem>>)
      tpu.yield
    }) : () -> ()
    %iota3A = tpu.iota {dimensions = array<i32: 0>} : vector<16xi32>
    %add3A_37 = arith.constant 0 : i32
    %add3A_38 = vector.broadcast %add3A_37 : i32 to vector<16xi32>
    %add3A_39 = arith.addi %iota3A, %add3A_38 : vector<16xi32>
    %add3A_40 = arith.constant 16 : i32
    %add3A_41 = vector.broadcast %add3A_40 : i32 to vector<16xi32>
    %add3A_42 = arith.addi %iota3A, %add3A_41 : vector<16xi32>
    %add3A_43 = arith.constant 32 : i32
    %add3A_44 = vector.broadcast %add3A_43 : i32 to vector<16xi32>
    %add3A_45 = arith.addi %iota3A, %add3A_44 : vector<16xi32>
    %add3A_46 = arith.constant 48 : i32
    %add3A_47 = vector.broadcast %add3A_46 : i32 to vector<16xi32>
    %add3A_48 = arith.addi %iota3A, %add3A_47 : vector<16xi32>
    %add3A_49 = arith.constant 64 : i32
    %add3A_50 = vector.broadcast %add3A_49 : i32 to vector<16xi32>
    %add3A_51 = arith.addi %iota3A, %add3A_50 : vector<16xi32>
    %add3A_52 = arith.constant 80 : i32
    %add3A_53 = vector.broadcast %add3A_52 : i32 to vector<16xi32>
    %add3A_54 = arith.addi %iota3A, %add3A_53 : vector<16xi32>
    %add3A_55 = arith.constant 96 : i32
    %add3A_56 = vector.broadcast %add3A_55 : i32 to vector<16xi32>
    %add3A_57 = arith.addi %iota3A, %add3A_56 : vector<16xi32>
    %add3A_58 = arith.constant 112 : i32
    %add3A_59 = vector.broadcast %add3A_58 : i32 to vector<16xi32>
    %add3A_60 = arith.addi %iota3A, %add3A_59 : vector<16xi32>
    %dma_start3A = arith.constant 0 : i32
    %dma_start3A_61 = arith.constant 0 : i32
    %dma_start3A_62 = arith.constant 0 : i32
    %dma_start3A_63 = arith.constant 0 : i32
    %dma_start3A_64 = arith.constant 0 : i32
    %dma_start3A_65 = tpu.memref_slice %arg8[%dma_start3A_61, %dma_start3A_63, %dma_start3A_64] : memref<2x128x64xf32, #tpu.memory_space<vmem>> -> memref<1x128x64xf32, #tpu.memory_space<vmem>>
    %dma_start3A_66 = tpu.memref_squeeze %dma_start3A_65 : memref<1x128x64xf32, #tpu.memory_space<vmem>> -> memref<128x64xf32, #tpu.memory_space<vmem>>
    %dma_start3A_67 = arith.constant 0 : i32
    %dma_start3A_68 = tpu.memref_slice %arg6[%dma_start3A, %dma_start3A_67] : memref<50x128xi32, #tpu.memory_space<vmem>> -> memref<1x128xi32, #tpu.memory_space<vmem>>
    %dma_start3A_69 = tpu.memref_squeeze %dma_start3A_68 : memref<1x128xi32, #tpu.memory_space<vmem>> -> memref<128xi32, #tpu.memory_space<vmem>>
    %dma_start3A_70 = arith.constant 0 : i32
    %dma_start3A_71 = arith.constant 0 : i32
    %dma_start3A_72 = tpu.memref_slice %arg3[%dma_start3A_70, %dma_start3A_71] : memref<100000x64xf32, #tpu.memory_space<hbm>> -> memref<100000x64xf32, #tpu.memory_space<hbm>>
    %dma_start3A_73 = tpu.memref_slice %arg10[%dma_start3A_62] : memref<2x!tpu.dma_semaphore, #tpu.memory_space<semaphore_mem>> -> memref<1x!tpu.dma_semaphore, #tpu.memory_space<semaphore_mem>>
    %dma_start3A_74 = tpu.memref_squeeze %dma_start3A_73 : memref<1x!tpu.dma_semaphore, #tpu.memory_space<semaphore_mem>> -> memref<!tpu.dma_semaphore, #tpu.memory_space<semaphore_mem>>
    tpu.enqueue_indirect_dma source(%dma_start3A_72 : memref<100000x64xf32, #tpu.memory_space<hbm>>) target(%dma_start3A_66 : memref<128x64xf32, #tpu.memory_space<vmem>>) offsets(%dma_start3A_69 : memref<128xi32, #tpu.memory_space<vmem>>) semaphore(%dma_start3A_74 : memref<!tpu.dma_semaphore, #tpu.memory_space<semaphore_mem>>)
    %scan3A = arith.constant 0 : i32
    %scan3A_75 = arith.constant 25 : i32
    %scan3A_76 = arith.addi %scan3A, %scan3A_75 : i32
    %scan3A_77 = arith.constant 1 : i32
    scf.for %scan3A_446 = %scan3A to %scan3A_76 step %scan3A_77  : i32 {
      %mul3A_447 = arith.constant 2 : i32
      %mul3A_448 = arith.muli %scan3A_446, %mul3A_447 : i32
      %add3A_449 = arith.constant 0 : i32
      %add3A_450 = arith.addi %add3A_449, %mul3A_448 : i32
      %add3A_451 = arith.constant 0 : i32
      %add3A_452 = arith.addi %add3A_450, %add3A_451 : i32
      %dma_wait3A_453 = arith.constant 0 : i32
      %dma_wait3A_454 = arith.constant 0 : i32
      %dma_wait3A_455 = arith.constant 0 : i32
      %dma_wait3A_456 = arith.constant 0 : i32
      %dma_wait3A_457 = tpu.memref_slice %arg8[%dma_wait3A_453, %dma_wait3A_455, %dma_wait3A_456] : memref<2x128x64xf32, #tpu.memory_space<vmem>> -> memref<1x128x64xf32, #tpu.memory_space<vmem>>
      %dma_wait3A_458 = tpu.memref_squeeze %dma_wait3A_457 : memref<1x128x64xf32, #tpu.memory_space<vmem>> -> memref<128x64xf32, #tpu.memory_space<vmem>>
      %dma_wait3A_459 = arith.constant 0 : i32
      %dma_wait3A_460 = arith.constant 0 : i32
      %dma_wait3A_461 = tpu.memref_slice %arg3[%dma_wait3A_459, %dma_wait3A_460] : memref<100000x64xf32, #tpu.memory_space<hbm>> -> memref<128x64xf32, #tpu.memory_space<hbm>>
      %dma_wait3A_462 = tpu.memref_slice %arg10[%dma_wait3A_454] : memref<2x!tpu.dma_semaphore, #tpu.memory_space<semaphore_mem>> -> memref<1x!tpu.dma_semaphore, #tpu.memory_space<semaphore_mem>>
      %dma_wait3A_463 = tpu.memref_squeeze %dma_wait3A_462 : memref<1x!tpu.dma_semaphore, #tpu.memory_space<semaphore_mem>> -> memref<!tpu.dma_semaphore, #tpu.memory_space<semaphore_mem>>
      %dma_wait3A_464 = arith.constant 0 : i32
      %dma_wait3A_465 = arith.constant 0 : i32
      %dma_wait3A_466 = tpu.memref_slice %arg8[%dma_wait3A_453, %dma_wait3A_464, %dma_wait3A_465] : memref<2x128x64xf32, #tpu.memory_space<vmem>> -> memref<1x128x64xf32, #tpu.memory_space<vmem>>
      %dma_wait3A_467 = tpu.memref_squeeze %dma_wait3A_466 : memref<1x128x64xf32, #tpu.memory_space<vmem>> -> memref<128x64xf32, #tpu.memory_space<vmem>>
      %dma_wait3A_468 = arith.constant 0 : i32
      %dma_wait3A_469 = arith.constant 0 : i32
      %dma_wait3A_470 = tpu.memref_slice %arg3[%dma_wait3A_468, %dma_wait3A_469] : memref<100000x64xf32, #tpu.memory_space<hbm>> -> memref<128x64xf32, #tpu.memory_space<hbm>>
      tpu.wait_dma2 semaphore(%dma_wait3A_463 : memref<!tpu.dma_semaphore, #tpu.memory_space<semaphore_mem>>) src(%dma_wait3A_470 : memref<128x64xf32, #tpu.memory_space<hbm>>) dst(%dma_wait3A_467 : memref<128x64xf32, #tpu.memory_space<vmem>>)
      %add3A_471 = arith.constant 1 : i32
      %add3A_472 = arith.addi %add3A_452, %add3A_471 : i32
      %lt3A_473 = arith.constant 50 : i32
      %lt3A_474 = arith.cmpi slt, %add3A_472, %lt3A_473 : i32
      %convert_element_type3A = arith.extui %lt3A_474 : i1 to i32
      %cond3A = arith.constant 0 : i32
      %cond3A_475 = arith.cmpi ne, %convert_element_type3A, %cond3A : i32
      scf.if %cond3A_475 {
        %add3A_916 = arith.constant 1 : i32
        %add3A_917 = arith.addi %add3A_452, %add3A_916 : i32
        %dma_start3A_918 = arith.constant 1 : i32
        %dma_start3A_919 = arith.constant 1 : i32
        %dma_start3A_920 = arith.constant 0 : i32
        %dma_start3A_921 = arith.constant 0 : i32
        %dma_start3A_922 = tpu.memref_slice %arg8[%dma_start3A_918, %dma_start3A_920, %dma_start3A_921] : memref<2x128x64xf32, #tpu.memory_space<vmem>> -> memref<1x128x64xf32, #tpu.memory_space<vmem>>
        %dma_start3A_923 = tpu.memref_squeeze %dma_start3A_922 : memref<1x128x64xf32, #tpu.memory_space<vmem>> -> memref<128x64xf32, #tpu.memory_space<vmem>>
        %dma_start3A_924 = arith.constant 0 : i32
        %dma_start3A_925 = tpu.memref_slice %arg6[%add3A_917, %dma_start3A_924] : memref<50x128xi32, #tpu.memory_space<vmem>> -> memref<1x128xi32, #tpu.memory_space<vmem>>
        %dma_start3A_926 = tpu.memref_squeeze %dma_start3A_925 : memref<1x128xi32, #tpu.memory_space<vmem>> -> memref<128xi32, #tpu.memory_space<vmem>>
        %dma_start3A_927 = arith.constant 0 : i32
        %dma_start3A_928 = arith.constant 0 : i32
        %dma_start3A_929 = tpu.memref_slice %arg3[%dma_start3A_927, %dma_start3A_928] : memref<100000x64xf32, #tpu.memory_space<hbm>> -> memref<100000x64xf32, #tpu.memory_space<hbm>>
        %dma_start3A_930 = tpu.memref_slice %arg10[%dma_start3A_919] : memref<2x!tpu.dma_semaphore, #tpu.memory_space<semaphore_mem>> -> memref<1x!tpu.dma_semaphore, #tpu.memory_space<semaphore_mem>>
        %dma_start3A_931 = tpu.memref_squeeze %dma_start3A_930 : memref<1x!tpu.dma_semaphore, #tpu.memory_space<semaphore_mem>> -> memref<!tpu.dma_semaphore, #tpu.memory_space<semaphore_mem>>
        tpu.enqueue_indirect_dma source(%dma_start3A_929 : memref<100000x64xf32, #tpu.memory_space<hbm>>) target(%dma_start3A_923 : memref<128x64xf32, #tpu.memory_space<vmem>>) offsets(%dma_start3A_926 : memref<128xi32, #tpu.memory_space<vmem>>) semaphore(%dma_start3A_931 : memref<!tpu.dma_semaphore, #tpu.memory_space<semaphore_mem>>)
      } else {
      }
      %ge3A = arith.constant 2 : i32
      %ge3A_476 = arith.cmpi sge, %add3A_452, %ge3A : i32
      %convert_element_type3A_477 = arith.extui %ge3A_476 : i1 to i32
      %cond3A_478 = arith.constant 0 : i32
      %cond3A_479 = arith.cmpi ne, %convert_element_type3A_477, %cond3A_478 : i32
      scf.if %cond3A_479 {
        %dma_wait3A_916 = arith.constant 0 : i32
        %dma_wait3A_917 = arith.constant 0 : i32
        %dma_wait3A_918 = arith.constant 0 : i32
        %dma_wait3A_919 = arith.constant 0 : i32
        %dma_wait3A_920 = arith.constant 0 : i32
        %dma_wait3A_921 = arith.constant 0 : i32
        %dma_wait3A_922 = arith.constant 0 : i32
        %dma_wait3A_923 = tpu.memref_slice %arg9[%dma_wait3A_916, %dma_wait3A_921, %dma_wait3A_922] : memref<2x64x128xf32, #tpu.memory_space<vmem>> -> memref<1x8x128xf32, #tpu.memory_space<vmem>>
        %dma_wait3A_924 = tpu.memref_squeeze %dma_wait3A_923 : memref<1x8x128xf32, #tpu.memory_space<vmem>> -> memref<8x128xf32, #tpu.memory_space<vmem>>
        %dma_wait3A_925 = arith.constant 0 : i32
        %dma_wait3A_926 = arith.constant 0 : i32
        %dma_wait3A_927 = tpu.memref_slice %arg5[%dma_wait3A_917, %dma_wait3A_918, %dma_wait3A_919, %dma_wait3A_925, %dma_wait3A_926] : memref<200x8x8x8x128xf32, #tpu.memory_space<hbm>> -> memref<1x1x1x8x128xf32, #tpu.memory_space<hbm>>
        %dma_wait3A_928 = tpu.memref_squeeze %dma_wait3A_927 : memref<1x1x1x8x128xf32, #tpu.memory_space<hbm>> -> memref<8x128xf32, #tpu.memory_space<hbm>>
        %dma_wait3A_929 = tpu.memref_slice %arg11[%dma_wait3A_920] : memref<2x!tpu.dma_semaphore, #tpu.memory_space<semaphore_mem>> -> memref<1x!tpu.dma_semaphore, #tpu.memory_space<semaphore_mem>>
        %dma_wait3A_930 = tpu.memref_squeeze %dma_wait3A_929 : memref<1x!tpu.dma_semaphore, #tpu.memory_space<semaphore_mem>> -> memref<!tpu.dma_semaphore, #tpu.memory_space<semaphore_mem>>
        %dma_wait3A_931 = arith.constant 0 : i32
        %dma_wait3A_932 = arith.constant 0 : i32
        %dma_wait3A_933 = tpu.memref_slice %arg5[%dma_wait3A_917, %dma_wait3A_918, %dma_wait3A_919, %dma_wait3A_931, %dma_wait3A_932] : memref<200x8x8x8x128xf32, #tpu.memory_space<hbm>> -> memref<1x1x1x8x128xf32, #tpu.memory_space<hbm>>
        %dma_wait3A_934 = tpu.memref_squeeze %dma_wait3A_933 : memref<1x1x1x8x128xf32, #tpu.memory_space<hbm>> -> memref<8x128xf32, #tpu.memory_space<hbm>>
        %dma_wait3A_935 = arith.constant 0 : i32
        %dma_wait3A_936 = arith.constant 0 : i32
        %dma_wait3A_937 = tpu.memref_slice %arg9[%dma_wait3A_916, %dma_wait3A_935, %dma_wait3A_936] : memref<2x64x128xf32, #tpu.memory_space<vmem>> -> memref<1x8x128xf32, #tpu.memory_space<vmem>>
        %dma_wait3A_938 = tpu.memref_squeeze %dma_wait3A_937 : memref<1x8x128xf32, #tpu.memory_space<vmem>> -> memref<8x128xf32, #tpu.memory_space<vmem>>
        tpu.wait_dma2 semaphore(%dma_wait3A_930 : memref<!tpu.dma_semaphore, #tpu.memory_space<semaphore_mem>>) src(%dma_wait3A_938 : memref<8x128xf32, #tpu.memory_space<vmem>>) dst(%dma_wait3A_934 : memref<8x128xf32, #tpu.memory_space<hbm>>)
        %dma_wait3A_939 = arith.constant 0 : i32
        %dma_wait3A_940 = arith.constant 0 : i32
        %dma_wait3A_941 = arith.constant 0 : i32
        %dma_wait3A_942 = arith.constant 0 : i32
        %dma_wait3A_943 = arith.constant 0 : i32
        %dma_wait3A_944 = arith.constant 8 : i32
        %dma_wait3A_945 = arith.constant 0 : i32
        %dma_wait3A_946 = tpu.memref_slice %arg9[%dma_wait3A_939, %dma_wait3A_944, %dma_wait3A_945] : memref<2x64x128xf32, #tpu.memory_space<vmem>> -> memref<1x8x128xf32, #tpu.memory_space<vmem>>
        %dma_wait3A_947 = tpu.memref_squeeze %dma_wait3A_946 : memref<1x8x128xf32, #tpu.memory_space<vmem>> -> memref<8x128xf32, #tpu.memory_space<vmem>>
        %dma_wait3A_948 = arith.constant 0 : i32
        %dma_wait3A_949 = arith.constant 0 : i32
        %dma_wait3A_950 = tpu.memref_slice %arg5[%dma_wait3A_940, %dma_wait3A_941, %dma_wait3A_942, %dma_wait3A_948, %dma_wait3A_949] : memref<200x8x8x8x128xf32, #tpu.memory_space<hbm>> -> memref<1x1x1x8x128xf32, #tpu.memory_space<hbm>>
        %dma_wait3A_951 = tpu.memref_squeeze %dma_wait3A_950 : memref<1x1x1x8x128xf32, #tpu.memory_space<hbm>> -> memref<8x128xf32, #tpu.memory_space<hbm>>
        %dma_wait3A_952 = tpu.memref_slice %arg11[%dma_wait3A_943] : memref<2x!tpu.dma_semaphore, #tpu.memory_space<semaphore_mem>> -> memref<1x!tpu.dma_semaphore, #tpu.memory_space<semaphore_mem>>
        %dma_wait3A_953 = tpu.memref_squeeze %dma_wait3A_952 : memref<1x!tpu.dma_semaphore, #tpu.memory_space<semaphore_mem>> -> memref<!tpu.dma_semaphore, #tpu.memory_space<semaphore_mem>>
        %dma_wait3A_954 = arith.constant 0 : i32
        %dma_wait3A_955 = arith.constant 0 : i32
        %dma_wait3A_956 = tpu.memref_slice %arg5[%dma_wait3A_940, %dma_wait3A_941, %dma_wait3A_942, %dma_wait3A_954, %dma_wait3A_955] : memref<200x8x8x8x128xf32, #tpu.memory_space<hbm>> -> memref<1x1x1x8x128xf32, #tpu.memory_space<hbm>>
        %dma_wait3A_957 = tpu.memref_squeeze %dma_wait3A_956 : memref<1x1x1x8x128xf32, #tpu.memory_space<hbm>> -> memref<8x128xf32, #tpu.memory_space<hbm>>
        %dma_wait3A_958 = arith.constant 8 : i32
        %dma_wait3A_959 = arith.constant 0 : i32
        %dma_wait3A_960 = tpu.memref_slice %arg9[%dma_wait3A_939, %dma_wait3A_958, %dma_wait3A_959] : memref<2x64x128xf32, #tpu.memory_space<vmem>> -> memref<1x8x128xf32, #tpu.memory_space<vmem>>
        %dma_wait3A_961 = tpu.memref_squeeze %dma_wait3A_960 : memref<1x8x128xf32, #tpu.memory_space<vmem>> -> memref<8x128xf32, #tpu.memory_space<vmem>>
        tpu.wait_dma2 semaphore(%dma_wait3A_953 : memref<!tpu.dma_semaphore, #tpu.memory_space<semaphore_mem>>) src(%dma_wait3A_961 : memref<8x128xf32, #tpu.memory_space<vmem>>) dst(%dma_wait3A_957 : memref<8x128xf32, #tpu.memory_space<hbm>>)
        %dma_wait3A_962 = arith.constant 0 : i32
        %dma_wait3A_963 = arith.constant 0 : i32
        %dma_wait3A_964 = arith.constant 0 : i32
        %dma_wait3A_965 = arith.constant 0 : i32
        %dma_wait3A_966 = arith.constant 0 : i32
        %dma_wait3A_967 = arith.constant 16 : i32
        %dma_wait3A_968 = arith.constant 0 : i32
        %dma_wait3A_969 = tpu.memref_slice %arg9[%dma_wait3A_962, %dma_wait3A_967, %dma_wait3A_968] : memref<2x64x128xf32, #tpu.memory_space<vmem>> -> memref<1x8x128xf32, #tpu.memory_space<vmem>>
        %dma_wait3A_970 = tpu.memref_squeeze %dma_wait3A_969 : memref<1x8x128xf32, #tpu.memory_space<vmem>> -> memref<8x128xf32, #tpu.memory_space<vmem>>
        %dma_wait3A_971 = arith.constant 0 : i32
        %dma_wait3A_972 = arith.constant 0 : i32
        %dma_wait3A_973 = tpu.memref_slice %arg5[%dma_wait3A_963, %dma_wait3A_964, %dma_wait3A_965, %dma_wait3A_971, %dma_wait3A_972] : memref<200x8x8x8x128xf32, #tpu.memory_space<hbm>> -> memref<1x1x1x8x128xf32, #tpu.memory_space<hbm>>
        %dma_wait3A_974 = tpu.memref_squeeze %dma_wait3A_973 : memref<1x1x1x8x128xf32, #tpu.memory_space<hbm>> -> memref<8x128xf32, #tpu.memory_space<hbm>>
        %dma_wait3A_975 = tpu.memref_slice %arg11[%dma_wait3A_966] : memref<2x!tpu.dma_semaphore, #tpu.memory_space<semaphore_mem>> -> memref<1x!tpu.dma_semaphore, #tpu.memory_space<semaphore_mem>>
        %dma_wait3A_976 = tpu.memref_squeeze %dma_wait3A_975 : memref<1x!tpu.dma_semaphore, #tpu.memory_space<semaphore_mem>> -> memref<!tpu.dma_semaphore, #tpu.memory_space<semaphore_mem>>
        %dma_wait3A_977 = arith.constant 0 : i32
        %dma_wait3A_978 = arith.constant 0 : i32
        %dma_wait3A_979 = tpu.memref_slice %arg5[%dma_wait3A_963, %dma_wait3A_964, %dma_wait3A_965, %dma_wait3A_977, %dma_wait3A_978] : memref<200x8x8x8x128xf32, #tpu.memory_space<hbm>> -> memref<1x1x1x8x128xf32, #tpu.memory_space<hbm>>
        %dma_wait3A_980 = tpu.memref_squeeze %dma_wait3A_979 : memref<1x1x1x8x128xf32, #tpu.memory_space<hbm>> -> memref<8x128xf32, #tpu.memory_space<hbm>>
        %dma_wait3A_981 = arith.constant 16 : i32
        %dma_wait3A_982 = arith.constant 0 : i32
        %dma_wait3A_983 = tpu.memref_slice %arg9[%dma_wait3A_962, %dma_wait3A_981, %dma_wait3A_982] : memref<2x64x128xf32, #tpu.memory_space<vmem>> -> memref<1x8x128xf32, #tpu.memory_space<vmem>>
        %dma_wait3A_984 = tpu.memref_squeeze %dma_wait3A_983 : memref<1x8x128xf32, #tpu.memory_space<vmem>> -> memref<8x128xf32, #tpu.memory_space<vmem>>
        tpu.wait_dma2 semaphore(%dma_wait3A_976 : memref<!tpu.dma_semaphore, #tpu.memory_space<semaphore_mem>>) src(%dma_wait3A_984 : memref<8x128xf32, #tpu.memory_space<vmem>>) dst(%dma_wait3A_980 : memref<8x128xf32, #tpu.memory_space<hbm>>)
        %dma_wait3A_985 = arith.constant 0 : i32
        %dma_wait3A_986 = arith.constant 0 : i32
        %dma_wait3A_987 = arith.constant 0 : i32
        %dma_wait3A_988 = arith.constant 0 : i32
        %dma_wait3A_989 = arith.constant 0 : i32
        %dma_wait3A_990 = arith.constant 24 : i32
        %dma_wait3A_991 = arith.constant 0 : i32
        %dma_wait3A_992 = tpu.memref_slice %arg9[%dma_wait3A_985, %dma_wait3A_990, %dma_wait3A_991] : memref<2x64x128xf32, #tpu.memory_space<vmem>> -> memref<1x8x128xf32, #tpu.memory_space<vmem>>
        %dma_wait3A_993 = tpu.memref_squeeze %dma_wait3A_992 : memref<1x8x128xf32, #tpu.memory_space<vmem>> -> memref<8x128xf32, #tpu.memory_space<vmem>>
        %dma_wait3A_994 = arith.constant 0 : i32
        %dma_wait3A_995 = arith.constant 0 : i32
        %dma_wait3A_996 = tpu.memref_slice %arg5[%dma_wait3A_986, %dma_wait3A_987, %dma_wait3A_988, %dma_wait3A_994, %dma_wait3A_995] : memref<200x8x8x8x128xf32, #tpu.memory_space<hbm>> -> memref<1x1x1x8x128xf32, #tpu.memory_space<hbm>>
        %dma_wait3A_997 = tpu.memref_squeeze %dma_wait3A_996 : memref<1x1x1x8x128xf32, #tpu.memory_space<hbm>> -> memref<8x128xf32, #tpu.memory_space<hbm>>
        %dma_wait3A_998 = tpu.memref_slice %arg11[%dma_wait3A_989] : memref<2x!tpu.dma_semaphore, #tpu.memory_space<semaphore_mem>> -> memref<1x!tpu.dma_semaphore, #tpu.memory_space<semaphore_mem>>
        %dma_wait3A_999 = tpu.memref_squeeze %dma_wait3A_998 : memref<1x!tpu.dma_semaphore, #tpu.memory_space<semaphore_mem>> -> memref<!tpu.dma_semaphore, #tpu.memory_space<semaphore_mem>>
        %dma_wait3A_1000 = arith.constant 0 : i32
        %dma_wait3A_1001 = arith.constant 0 : i32
        %dma_wait3A_1002 = tpu.memref_slice %arg5[%dma_wait3A_986, %dma_wait3A_987, %dma_wait3A_988, %dma_wait3A_1000, %dma_wait3A_1001] : memref<200x8x8x8x128xf32, #tpu.memory_space<hbm>> -> memref<1x1x1x8x128xf32, #tpu.memory_space<hbm>>
        %dma_wait3A_1003 = tpu.memref_squeeze %dma_wait3A_1002 : memref<1x1x1x8x128xf32, #tpu.memory_space<hbm>> -> memref<8x128xf32, #tpu.memory_space<hbm>>
        %dma_wait3A_1004 = arith.constant 24 : i32
        %dma_wait3A_1005 = arith.constant 0 : i32
        %dma_wait3A_1006 = tpu.memref_slice %arg9[%dma_wait3A_985, %dma_wait3A_1004, %dma_wait3A_1005] : memref<2x64x128xf32, #tpu.memory_space<vmem>> -> memref<1x8x128xf32, #tpu.memory_space<vmem>>
        %dma_wait3A_1007 = tpu.memref_squeeze %dma_wait3A_1006 : memref<1x8x128xf32, #tpu.memory_space<vmem>> -> memref<8x128xf32, #tpu.memory_space<vmem>>
        tpu.wait_dma2 semaphore(%dma_wait3A_999 : memref<!tpu.dma_semaphore, #tpu.memory_space<semaphore_mem>>) src(%dma_wait3A_1007 : memref<8x128xf32, #tpu.memory_space<vmem>>) dst(%dma_wait3A_1003 : memref<8x128xf32, #tpu.memory_space<hbm>>)
        %dma_wait3A_1008 = arith.constant 0 : i32
        %dma_wait3A_1009 = arith.constant 0 : i32
        %dma_wait3A_1010 = arith.constant 0 : i32
        %dma_wait3A_1011 = arith.constant 0 : i32
        %dma_wait3A_1012 = arith.constant 0 : i32
        %dma_wait3A_1013 = arith.constant 32 : i32
        %dma_wait3A_1014 = arith.constant 0 : i32
        %dma_wait3A_1015 = tpu.memref_slice %arg9[%dma_wait3A_1008, %dma_wait3A_1013, %dma_wait3A_1014] : memref<2x64x128xf32, #tpu.memory_space<vmem>> -> memref<1x8x128xf32, #tpu.memory_space<vmem>>
        %dma_wait3A_1016 = tpu.memref_squeeze %dma_wait3A_1015 : memref<1x8x128xf32, #tpu.memory_space<vmem>> -> memref<8x128xf32, #tpu.memory_space<vmem>>
        %dma_wait3A_1017 = arith.constant 0 : i32
        %dma_wait3A_1018 = arith.constant 0 : i32
        %dma_wait3A_1019 = tpu.memref_slice %arg5[%dma_wait3A_1009, %dma_wait3A_1010, %dma_wait3A_1011, %dma_wait3A_1017, %dma_wait3A_1018] : memref<200x8x8x8x128xf32, #tpu.memory_space<hbm>> -> memref<1x1x1x8x128xf32, #tpu.memory_space<hbm>>
        %dma_wait3A_1020 = tpu.memref_squeeze %dma_wait3A_1019 : memref<1x1x1x8x128xf32, #tpu.memory_space<hbm>> -> memref<8x128xf32, #tpu.memory_space<hbm>>
        %dma_wait3A_1021 = tpu.memref_slice %arg11[%dma_wait3A_1012] : memref<2x!tpu.dma_semaphore, #tpu.memory_space<semaphore_mem>> -> memref<1x!tpu.dma_semaphore, #tpu.memory_space<semaphore_mem>>
        %dma_wait3A_1022 = tpu.memref_squeeze %dma_wait3A_1021 : memref<1x!tpu.dma_semaphore, #tpu.memory_space<semaphore_mem>> -> memref<!tpu.dma_semaphore, #tpu.memory_space<semaphore_mem>>
        %dma_wait3A_1023 = arith.constant 0 : i32
        %dma_wait3A_1024 = arith.constant 0 : i32
        %dma_wait3A_1025 = tpu.memref_slice %arg5[%dma_wait3A_1009, %dma_wait3A_1010, %dma_wait3A_1011, %dma_wait3A_1023, %dma_wait3A_1024] : memref<200x8x8x8x128xf32, #tpu.memory_space<hbm>> -> memref<1x1x1x8x128xf32, #tpu.memory_space<hbm>>
        %dma_wait3A_1026 = tpu.memref_squeeze %dma_wait3A_1025 : memref<1x1x1x8x128xf32, #tpu.memory_space<hbm>> -> memref<8x128xf32, #tpu.memory_space<hbm>>
        %dma_wait3A_1027 = arith.constant 32 : i32
        %dma_wait3A_1028 = arith.constant 0 : i32
        %dma_wait3A_1029 = tpu.memref_slice %arg9[%dma_wait3A_1008, %dma_wait3A_1027, %dma_wait3A_1028] : memref<2x64x128xf32, #tpu.memory_space<vmem>> -> memref<1x8x128xf32, #tpu.memory_space<vmem>>
        %dma_wait3A_1030 = tpu.memref_squeeze %dma_wait3A_1029 : memref<1x8x128xf32, #tpu.memory_space<vmem>> -> memref<8x128xf32, #tpu.memory_space<vmem>>
        tpu.wait_dma2 semaphore(%dma_wait3A_1022 : memref<!tpu.dma_semaphore, #tpu.memory_space<semaphore_mem>>) src(%dma_wait3A_1030 : memref<8x128xf32, #tpu.memory_space<vmem>>) dst(%dma_wait3A_1026 : memref<8x128xf32, #tpu.memory_space<hbm>>)
        %dma_wait3A_1031 = arith.constant 0 : i32
        %dma_wait3A_1032 = arith.constant 0 : i32
        %dma_wait3A_1033 = arith.constant 0 : i32
        %dma_wait3A_1034 = arith.constant 0 : i32
        %dma_wait3A_1035 = arith.constant 0 : i32
        %dma_wait3A_1036 = arith.constant 40 : i32
        %dma_wait3A_1037 = arith.constant 0 : i32
        %dma_wait3A_1038 = tpu.memref_slice %arg9[%dma_wait3A_1031, %dma_wait3A_1036, %dma_wait3A_1037] : memref<2x64x128xf32, #tpu.memory_space<vmem>> -> memref<1x8x128xf32, #tpu.memory_space<vmem>>
        %dma_wait3A_1039 = tpu.memref_squeeze %dma_wait3A_1038 : memref<1x8x128xf32, #tpu.memory_space<vmem>> -> memref<8x128xf32, #tpu.memory_space<vmem>>
        %dma_wait3A_1040 = arith.constant 0 : i32
        %dma_wait3A_1041 = arith.constant 0 : i32
        %dma_wait3A_1042 = tpu.memref_slice %arg5[%dma_wait3A_1032, %dma_wait3A_1033, %dma_wait3A_1034, %dma_wait3A_1040, %dma_wait3A_1041] : memref<200x8x8x8x128xf32, #tpu.memory_space<hbm>> -> memref<1x1x1x8x128xf32, #tpu.memory_space<hbm>>
        %dma_wait3A_1043 = tpu.memref_squeeze %dma_wait3A_1042 : memref<1x1x1x8x128xf32, #tpu.memory_space<hbm>> -> memref<8x128xf32, #tpu.memory_space<hbm>>
        %dma_wait3A_1044 = tpu.memref_slice %arg11[%dma_wait3A_1035] : memref<2x!tpu.dma_semaphore, #tpu.memory_space<semaphore_mem>> -> memref<1x!tpu.dma_semaphore, #tpu.memory_space<semaphore_mem>>
        %dma_wait3A_1045 = tpu.memref_squeeze %dma_wait3A_1044 : memref<1x!tpu.dma_semaphore, #tpu.memory_space<semaphore_mem>> -> memref<!tpu.dma_semaphore, #tpu.memory_space<semaphore_mem>>
        %dma_wait3A_1046 = arith.constant 0 : i32
        %dma_wait3A_1047 = arith.constant 0 : i32
        %dma_wait3A_1048 = tpu.memref_slice %arg5[%dma_wait3A_1032, %dma_wait3A_1033, %dma_wait3A_1034, %dma_wait3A_1046, %dma_wait3A_1047] : memref<200x8x8x8x128xf32, #tpu.memory_space<hbm>> -> memref<1x1x1x8x128xf32, #tpu.memory_space<hbm>>
        %dma_wait3A_1049 = tpu.memref_squeeze %dma_wait3A_1048 : memref<1x1x1x8x128xf32, #tpu.memory_space<hbm>> -> memref<8x128xf32, #tpu.memory_space<hbm>>
        %dma_wait3A_1050 = arith.constant 40 : i32
        %dma_wait3A_1051 = arith.constant 0 : i32
        %dma_wait3A_1052 = tpu.memref_slice %arg9[%dma_wait3A_1031, %dma_wait3A_1050, %dma_wait3A_1051] : memref<2x64x128xf32, #tpu.memory_space<vmem>> -> memref<1x8x128xf32, #tpu.memory_space<vmem>>
        %dma_wait3A_1053 = tpu.memref_squeeze %dma_wait3A_1052 : memref<1x8x128xf32, #tpu.memory_space<vmem>> -> memref<8x128xf32, #tpu.memory_space<vmem>>
        tpu.wait_dma2 semaphore(%dma_wait3A_1045 : memref<!tpu.dma_semaphore, #tpu.memory_space<semaphore_mem>>) src(%dma_wait3A_1053 : memref<8x128xf32, #tpu.memory_space<vmem>>) dst(%dma_wait3A_1049 : memref<8x128xf32, #tpu.memory_space<hbm>>)
        %dma_wait3A_1054 = arith.constant 0 : i32
        %dma_wait3A_1055 = arith.constant 0 : i32
        %dma_wait3A_1056 = arith.constant 0 : i32
        %dma_wait3A_1057 = arith.constant 0 : i32
        %dma_wait3A_1058 = arith.constant 0 : i32
        %dma_wait3A_1059 = arith.constant 48 : i32
        %dma_wait3A_1060 = arith.constant 0 : i32
        %dma_wait3A_1061 = tpu.memref_slice %arg9[%dma_wait3A_1054, %dma_wait3A_1059, %dma_wait3A_1060] : memref<2x64x128xf32, #tpu.memory_space<vmem>> -> memref<1x8x128xf32, #tpu.memory_space<vmem>>
        %dma_wait3A_1062 = tpu.memref_squeeze %dma_wait3A_1061 : memref<1x8x128xf32, #tpu.memory_space<vmem>> -> memref<8x128xf32, #tpu.memory_space<vmem>>
        %dma_wait3A_1063 = arith.constant 0 : i32
        %dma_wait3A_1064 = arith.constant 0 : i32
        %dma_wait3A_1065 = tpu.memref_slice %arg5[%dma_wait3A_1055, %dma_wait3A_1056, %dma_wait3A_1057, %dma_wait3A_1063, %dma_wait3A_1064] : memref<200x8x8x8x128xf32, #tpu.memory_space<hbm>> -> memref<1x1x1x8x128xf32, #tpu.memory_space<hbm>>
        %dma_wait3A_1066 = tpu.memref_squeeze %dma_wait3A_1065 : memref<1x1x1x8x128xf32, #tpu.memory_space<hbm>> -> memref<8x128xf32, #tpu.memory_space<hbm>>
        %dma_wait3A_1067 = tpu.memref_slice %arg11[%dma_wait3A_1058] : memref<2x!tpu.dma_semaphore, #tpu.memory_space<semaphore_mem>> -> memref<1x!tpu.dma_semaphore, #tpu.memory_space<semaphore_mem>>
        %dma_wait3A_1068 = tpu.memref_squeeze %dma_wait3A_1067 : memref<1x!tpu.dma_semaphore, #tpu.memory_space<semaphore_mem>> -> memref<!tpu.dma_semaphore, #tpu.memory_space<semaphore_mem>>
        %dma_wait3A_1069 = arith.constant 0 : i32
        %dma_wait3A_1070 = arith.constant 0 : i32
        %dma_wait3A_1071 = tpu.memref_slice %arg5[%dma_wait3A_1055, %dma_wait3A_1056, %dma_wait3A_1057, %dma_wait3A_1069, %dma_wait3A_1070] : memref<200x8x8x8x128xf32, #tpu.memory_space<hbm>> -> memref<1x1x1x8x128xf32, #tpu.memory_space<hbm>>
        %dma_wait3A_1072 = tpu.memref_squeeze %dma_wait3A_1071 : memref<1x1x1x8x128xf32, #tpu.memory_space<hbm>> -> memref<8x128xf32, #tpu.memory_space<hbm>>
        %dma_wait3A_1073 = arith.constant 48 : i32
        %dma_wait3A_1074 = arith.constant 0 : i32
        %dma_wait3A_1075 = tpu.memref_slice %arg9[%dma_wait3A_1054, %dma_wait3A_1073, %dma_wait3A_1074] : memref<2x64x128xf32, #tpu.memory_space<vmem>> -> memref<1x8x128xf32, #tpu.memory_space<vmem>>
        %dma_wait3A_1076 = tpu.memref_squeeze %dma_wait3A_1075 : memref<1x8x128xf32, #tpu.memory_space<vmem>> -> memref<8x128xf32, #tpu.memory_space<vmem>>
        tpu.wait_dma2 semaphore(%dma_wait3A_1068 : memref<!tpu.dma_semaphore, #tpu.memory_space<semaphore_mem>>) src(%dma_wait3A_1076 : memref<8x128xf32, #tpu.memory_space<vmem>>) dst(%dma_wait3A_1072 : memref<8x128xf32, #tpu.memory_space<hbm>>)
        %dma_wait3A_1077 = arith.constant 0 : i32
        %dma_wait3A_1078 = arith.constant 0 : i32
        %dma_wait3A_1079 = arith.constant 0 : i32
        %dma_wait3A_1080 = arith.constant 0 : i32
        %dma_wait3A_1081 = arith.constant 0 : i32
        %dma_wait3A_1082 = arith.constant 56 : i32
        %dma_wait3A_1083 = arith.constant 0 : i32
        %dma_wait3A_1084 = tpu.memref_slice %arg9[%dma_wait3A_1077, %dma_wait3A_1082, %dma_wait3A_1083] : memref<2x64x128xf32, #tpu.memory_space<vmem>> -> memref<1x8x128xf32, #tpu.memory_space<vmem>>
        %dma_wait3A_1085 = tpu.memref_squeeze %dma_wait3A_1084 : memref<1x8x128xf32, #tpu.memory_space<vmem>> -> memref<8x128xf32, #tpu.memory_space<vmem>>
        %dma_wait3A_1086 = arith.constant 0 : i32
        %dma_wait3A_1087 = arith.constant 0 : i32
        %dma_wait3A_1088 = tpu.memref_slice %arg5[%dma_wait3A_1078, %dma_wait3A_1079, %dma_wait3A_1080, %dma_wait3A_1086, %dma_wait3A_1087] : memref<200x8x8x8x128xf32, #tpu.memory_space<hbm>> -> memref<1x1x1x8x128xf32, #tpu.memory_space<hbm>>
        %dma_wait3A_1089 = tpu.memref_squeeze %dma_wait3A_1088 : memref<1x1x1x8x128xf32, #tpu.memory_space<hbm>> -> memref<8x128xf32, #tpu.memory_space<hbm>>
        %dma_wait3A_1090 = tpu.memref_slice %arg11[%dma_wait3A_1081] : memref<2x!tpu.dma_semaphore, #tpu.memory_space<semaphore_mem>> -> memref<1x!tpu.dma_semaphore, #tpu.memory_space<semaphore_mem>>
        %dma_wait3A_1091 = tpu.memref_squeeze %dma_wait3A_1090 : memref<1x!tpu.dma_semaphore, #tpu.memory_space<semaphore_mem>> -> memref<!tpu.dma_semaphore, #tpu.memory_space<semaphore_mem>>
        %dma_wait3A_1092 = arith.constant 0 : i32
        %dma_wait3A_1093 = arith.constant 0 : i32
        %dma_wait3A_1094 = tpu.memref_slice %arg5[%dma_wait3A_1078, %dma_wait3A_1079, %dma_wait3A_1080, %dma_wait3A_1092, %dma_wait3A_1093] : memref<200x8x8x8x128xf32, #tpu.memory_space<hbm>> -> memref<1x1x1x8x128xf32, #tpu.memory_space<hbm>>
        %dma_wait3A_1095 = tpu.memref_squeeze %dma_wait3A_1094 : memref<1x1x1x8x128xf32, #tpu.memory_space<hbm>> -> memref<8x128xf32, #tpu.memory_space<hbm>>
        %dma_wait3A_1096 = arith.constant 56 : i32
        %dma_wait3A_1097 = arith.constant 0 : i32
        %dma_wait3A_1098 = tpu.memref_slice %arg9[%dma_wait3A_1077, %dma_wait3A_1096, %dma_wait3A_1097] : memref<2x64x128xf32, #tpu.memory_space<vmem>> -> memref<1x8x128xf32, #tpu.memory_space<vmem>>
        %dma_wait3A_1099 = tpu.memref_squeeze %dma_wait3A_1098 : memref<1x8x128xf32, #tpu.memory_space<vmem>> -> memref<8x128xf32, #tpu.memory_space<vmem>>
        tpu.wait_dma2 semaphore(%dma_wait3A_1091 : memref<!tpu.dma_semaphore, #tpu.memory_space<semaphore_mem>>) src(%dma_wait3A_1099 : memref<8x128xf32, #tpu.memory_space<vmem>>) dst(%dma_wait3A_1095 : memref<8x128xf32, #tpu.memory_space<hbm>>)
      } else {
      }
      %mul3A_480 = arith.constant 64 : i32
      %mul3A_481 = arith.muli %add3A_452, %mul3A_480 : i32
      %add3A_482 = arith.constant 0 : i32
      %add3A_483 = arith.addi %mul3A_481, %add3A_482 : i32
      %get3A = arith.index_cast %add3A_483 : i32 to index
      %get3A_484 = tpu.vector_load %arg7[%get3A] {strides = array<i32>} : memref<3200xf32, #tpu.memory_space<vmem>>, vector<16xf32>,
      %mul3A_485 = arith.constant 64 : i32
      %mul3A_486 = arith.muli %add3A_452, %mul3A_485 : i32
      %add3A_487 = arith.constant 16 : i32
      %add3A_488 = arith.addi %mul3A_486, %add3A_487 : i32
      %get3A_489 = arith.index_cast %add3A_488 : i32 to index
      %get3A_490 = tpu.vector_load %arg7[%get3A_489] {strides = array<i32>} : memref<3200xf32, #tpu.memory_space<vmem>>, vector<16xf32>,
      %mul3A_491 = arith.constant 64 : i32
      %mul3A_492 = arith.muli %add3A_452, %mul3A_491 : i32
      %add3A_493 = arith.constant 32 : i32
      %add3A_494 = arith.addi %mul3A_492, %add3A_493 : i32
      %get3A_495 = arith.index_cast %add3A_494 : i32 to index
      %get3A_496 = tpu.vector_load %arg7[%get3A_495] {strides = array<i32>} : memref<3200xf32, #tpu.memory_space<vmem>>, vector<16xf32>,
      %mul3A_497 = arith.constant 64 : i32
      %mul3A_498 = arith.muli %add3A_452, %mul3A_497 : i32
      %add3A_499 = arith.constant 48 : i32
      %add3A_500 = arith.addi %mul3A_498, %add3A_499 : i32
      %get3A_501 = arith.index_cast %add3A_500 : i32 to index
      %get3A_502 = tpu.vector_load %arg7[%get3A_501] {strides = array<i32>} : memref<3200xf32, #tpu.memory_space<vmem>>, vector<16xf32>,
      %parallel_loop3A = arith.constant 0 : i32
      %parallel_loop3A_503 = arith.constant 16 : i32
      %parallel_loop3A_504 = arith.constant 1 : i32
      scf.for %parallel_loop3A_916 = %parallel_loop3A to %parallel_loop3A_503 step %parallel_loop3A_504  : i32 {
        %parallel_loop3A_917 = vector.broadcast %parallel_loop3A_916 : i32 to vector<16xi32>
        %parallel_loop3A_918 = arith.addi %iota3A, %parallel_loop3A_917 : vector<16xi32>
        %parallel_loop3A_919 = arith.constant 15 : i32
        %parallel_loop3A_920 = vector.broadcast %parallel_loop3A_919 : i32 to vector<16xi32>
        %parallel_loop3A_921 = arith.andi %parallel_loop3A_918, %parallel_loop3A_920 : vector<16xi32>
        %parallel_loop3A_922 = arith.constant 0 : i32
        %parallel_loop3A_923 = vector.broadcast %parallel_loop3A_922 : i32 to vector<16xi32>
        %parallel_loop3A_924 = arith.addi %parallel_loop3A_921, %parallel_loop3A_923 : vector<16xi32>
        %parallel_loop3A_925 = arith.constant 0 : i32
        %parallel_loop3A_926 = vector.broadcast %parallel_loop3A_925 : i32 to vector<16xi32>
        %parallel_loop3A_927 = arith.cmpi slt, %parallel_loop3A_921, %parallel_loop3A_926 : vector<16xi32>
        %parallel_loop3A_928 = arith.constant 16 : i32
        %parallel_loop3A_929 = vector.broadcast %parallel_loop3A_928 : i32 to vector<16xi32>
        %parallel_loop3A_930 = arith.addi %parallel_loop3A_921, %parallel_loop3A_929 : vector<16xi32>
        %parallel_loop3A_931 = arith.select %parallel_loop3A_927, %parallel_loop3A_930, %parallel_loop3A_921 : vector<16xi1>, vector<16xi32>
        %parallel_loop3A_932 = vector.shape_cast %parallel_loop3A_931 : vector<16xi32> to vector<16x1xi32>
        %parallel_loop3A_933 = vector.shape_cast %parallel_loop3A_932 : vector<16x1xi32> to vector<16xi32>
        %parallel_loop3A_934 = tpu.dynamic_gather %get3A_484[%parallel_loop3A_933] in [0] : vector<16xf32>, vector<16xi32> -> vector<16xf32>
        %parallel_loop3A_935 = arith.constant 0 : i32
        %parallel_loop3A_936 = arith.constant 0 : i32
        %parallel_loop3A_937 = arith.constant 0 : i32
        %parallel_loop3A_938 = tpu.memref_slice %arg8[%parallel_loop3A_935, %parallel_loop3A_936, %parallel_loop3A_937] : memref<2x128x64xf32, #tpu.memory_space<vmem>> -> memref<1x128x64xf32, #tpu.memory_space<vmem>>
        %parallel_loop3A_939 = tpu.memref_squeeze %parallel_loop3A_938 : memref<1x128x64xf32, #tpu.memory_space<vmem>> -> memref<128x64xf32, #tpu.memory_space<vmem>>
        %parallel_loop3A_940 = tpu.vector_load_idx %parallel_loop3A_939[%add3A_39, %parallel_loop3A_924] : memref<128x64xf32, #tpu.memory_space<vmem>>[vector<16xi32>, vector<16xi32>], vector<16xf32>,
        %parallel_loop3A_941 = arith.addf %parallel_loop3A_940, %parallel_loop3A_934 : vector<16xf32>
        %parallel_loop3A_942 = arith.constant 0 : i32
        %parallel_loop3A_943 = arith.constant 0 : i32
        %parallel_loop3A_944 = arith.constant 0 : i32
        %parallel_loop3A_945 = tpu.memref_slice %arg9[%parallel_loop3A_942, %parallel_loop3A_943, %parallel_loop3A_944] : memref<2x64x128xf32, #tpu.memory_space<vmem>> -> memref<1x64x128xf32, #tpu.memory_space<vmem>>
        %parallel_loop3A_946 = tpu.memref_squeeze %parallel_loop3A_945 : memref<1x64x128xf32, #tpu.memory_space<vmem>> -> memref<64x128xf32, #tpu.memory_space<vmem>>
        tpu.vector_store_idx %parallel_loop3A_946[%parallel_loop3A_924, %add3A_39], %parallel_loop3A_941 : memref<64x128xf32, #tpu.memory_space<vmem>>[vector<16xi32>, vector<16xi32>], vector<16xf32>,
        %parallel_loop3A_947 = arith.constant 0 : i32
        %parallel_loop3A_948 = arith.constant 0 : i32
        %parallel_loop3A_949 = arith.constant 0 : i32
        %parallel_loop3A_950 = tpu.memref_slice %arg8[%parallel_loop3A_947, %parallel_loop3A_948, %parallel_loop3A_949] : memref<2x128x64xf32, #tpu.memory_space<vmem>> -> memref<1x128x64xf32, #tpu.memory_space<vmem>>
        %parallel_loop3A_951 = tpu.memref_squeeze %parallel_loop3A_950 : memref<1x128x64xf32, #tpu.memory_space<vmem>> -> memref<128x64xf32, #tpu.memory_space<vmem>>
        %parallel_loop3A_952 = tpu.vector_load_idx %parallel_loop3A_951[%add3A_42, %parallel_loop3A_924] : memref<128x64xf32, #tpu.memory_space<vmem>>[vector<16xi32>, vector<16xi32>], vector<16xf32>,
        %parallel_loop3A_953 = arith.addf %parallel_loop3A_952, %parallel_loop3A_934 : vector<16xf32>
        %parallel_loop3A_954 = arith.constant 0 : i32
        %parallel_loop3A_955 = arith.constant 0 : i32
        %parallel_loop3A_956 = arith.constant 0 : i32
        %parallel_loop3A_957 = tpu.memref_slice %arg9[%parallel_loop3A_954, %parallel_loop3A_955, %parallel_loop3A_956] : memref<2x64x128xf32, #tpu.memory_space<vmem>> -> memref<1x64x128xf32, #tpu.memory_space<vmem>>
        %parallel_loop3A_958 = tpu.memref_squeeze %parallel_loop3A_957 : memref<1x64x128xf32, #tpu.memory_space<vmem>> -> memref<64x128xf32, #tpu.memory_space<vmem>>
        tpu.vector_store_idx %parallel_loop3A_958[%parallel_loop3A_924, %add3A_42], %parallel_loop3A_953 : memref<64x128xf32, #tpu.memory_space<vmem>>[vector<16xi32>, vector<16xi32>], vector<16xf32>,
        %parallel_loop3A_959 = arith.constant 0 : i32
        %parallel_loop3A_960 = arith.constant 0 : i32
        %parallel_loop3A_961 = arith.constant 0 : i32
        %parallel_loop3A_962 = tpu.memref_slice %arg8[%parallel_loop3A_959, %parallel_loop3A_960, %parallel_loop3A_961] : memref<2x128x64xf32, #tpu.memory_space<vmem>> -> memref<1x128x64xf32, #tpu.memory_space<vmem>>
        %parallel_loop3A_963 = tpu.memref_squeeze %parallel_loop3A_962 : memref<1x128x64xf32, #tpu.memory_space<vmem>> -> memref<128x64xf32, #tpu.memory_space<vmem>>
        %parallel_loop3A_964 = tpu.vector_load_idx %parallel_loop3A_963[%add3A_45, %parallel_loop3A_924] : memref<128x64xf32, #tpu.memory_space<vmem>>[vector<16xi32>, vector<16xi32>], vector<16xf32>,
        %parallel_loop3A_965 = arith.addf %parallel_loop3A_964, %parallel_loop3A_934 : vector<16xf32>
        %parallel_loop3A_966 = arith.constant 0 : i32
        %parallel_loop3A_967 = arith.constant 0 : i32
        %parallel_loop3A_968 = arith.constant 0 : i32
        %parallel_loop3A_969 = tpu.memref_slice %arg9[%parallel_loop3A_966, %parallel_loop3A_967, %parallel_loop3A_968] : memref<2x64x128xf32, #tpu.memory_space<vmem>> -> memref<1x64x128xf32, #tpu.memory_space<vmem>>
        %parallel_loop3A_970 = tpu.memref_squeeze %parallel_loop3A_969 : memref<1x64x128xf32, #tpu.memory_space<vmem>> -> memref<64x128xf32, #tpu.memory_space<vmem>>
        tpu.vector_store_idx %parallel_loop3A_970[%parallel_loop3A_924, %add3A_45], %parallel_loop3A_965 : memref<64x128xf32, #tpu.memory_space<vmem>>[vector<16xi32>, vector<16xi32>], vector<16xf32>,
        %parallel_loop3A_971 = arith.constant 0 : i32
        %parallel_loop3A_972 = arith.constant 0 : i32
        %parallel_loop3A_973 = arith.constant 0 : i32
        %parallel_loop3A_974 = tpu.memref_slice %arg8[%parallel_loop3A_971, %parallel_loop3A_972, %parallel_loop3A_973] : memref<2x128x64xf32, #tpu.memory_space<vmem>> -> memref<1x128x64xf32, #tpu.memory_space<vmem>>
        %parallel_loop3A_975 = tpu.memref_squeeze %parallel_loop3A_974 : memref<1x128x64xf32, #tpu.memory_space<vmem>> -> memref<128x64xf32, #tpu.memory_space<vmem>>
        %parallel_loop3A_976 = tpu.vector_load_idx %parallel_loop3A_975[%add3A_48, %parallel_loop3A_924] : memref<128x64xf32, #tpu.memory_space<vmem>>[vector<16xi32>, vector<16xi32>], vector<16xf32>,
        %parallel_loop3A_977 = arith.addf %parallel_loop3A_976, %parallel_loop3A_934 : vector<16xf32>
        %parallel_loop3A_978 = arith.constant 0 : i32
        %parallel_loop3A_979 = arith.constant 0 : i32
        %parallel_loop3A_980 = arith.constant 0 : i32
        %parallel_loop3A_981 = tpu.memref_slice %arg9[%parallel_loop3A_978, %parallel_loop3A_979, %parallel_loop3A_980] : memref<2x64x128xf32, #tpu.memory_space<vmem>> -> memref<1x64x128xf32, #tpu.memory_space<vmem>>
        %parallel_loop3A_982 = tpu.memref_squeeze %parallel_loop3A_981 : memref<1x64x128xf32, #tpu.memory_space<vmem>> -> memref<64x128xf32, #tpu.memory_space<vmem>>
        tpu.vector_store_idx %parallel_loop3A_982[%parallel_loop3A_924, %add3A_48], %parallel_loop3A_977 : memref<64x128xf32, #tpu.memory_space<vmem>>[vector<16xi32>, vector<16xi32>], vector<16xf32>,
        %parallel_loop3A_983 = arith.constant 0 : i32
        %parallel_loop3A_984 = arith.constant 0 : i32
        %parallel_loop3A_985 = arith.constant 0 : i32
        %parallel_loop3A_986 = tpu.memref_slice %arg8[%parallel_loop3A_983, %parallel_loop3A_984, %parallel_loop3A_985] : memref<2x128x64xf32, #tpu.memory_space<vmem>> -> memref<1x128x64xf32, #tpu.memory_space<vmem>>
        %parallel_loop3A_987 = tpu.memref_squeeze %parallel_loop3A_986 : memref<1x128x64xf32, #tpu.memory_space<vmem>> -> memref<128x64xf32, #tpu.memory_space<vmem>>
        %parallel_loop3A_988 = tpu.vector_load_idx %parallel_loop3A_987[%add3A_51, %parallel_loop3A_924] : memref<128x64xf32, #tpu.memory_space<vmem>>[vector<16xi32>, vector<16xi32>], vector<16xf32>,
        %parallel_loop3A_989 = arith.addf %parallel_loop3A_988, %parallel_loop3A_934 : vector<16xf32>
        %parallel_loop3A_990 = arith.constant 0 : i32
        %parallel_loop3A_991 = arith.constant 0 : i32
        %parallel_loop3A_992 = arith.constant 0 : i32
        %parallel_loop3A_993 = tpu.memref_slice %arg9[%parallel_loop3A_990, %parallel_loop3A_991, %parallel_loop3A_992] : memref<2x64x128xf32, #tpu.memory_space<vmem>> -> memref<1x64x128xf32, #tpu.memory_space<vmem>>
        %parallel_loop3A_994 = tpu.memref_squeeze %parallel_loop3A_993 : memref<1x64x128xf32, #tpu.memory_space<vmem>> -> memref<64x128xf32, #tpu.memory_space<vmem>>
        tpu.vector_store_idx %parallel_loop3A_994[%parallel_loop3A_924, %add3A_51], %parallel_loop3A_989 : memref<64x128xf32, #tpu.memory_space<vmem>>[vector<16xi32>, vector<16xi32>], vector<16xf32>,
        %parallel_loop3A_995 = arith.constant 0 : i32
        %parallel_loop3A_996 = arith.constant 0 : i32
        %parallel_loop3A_997 = arith.constant 0 : i32
        %parallel_loop3A_998 = tpu.memref_slice %arg8[%parallel_loop3A_995, %parallel_loop3A_996, %parallel_loop3A_997] : memref<2x128x64xf32, #tpu.memory_space<vmem>> -> memref<1x128x64xf32, #tpu.memory_space<vmem>>
        %parallel_loop3A_999 = tpu.memref_squeeze %parallel_loop3A_998 : memref<1x128x64xf32, #tpu.memory_space<vmem>> -> memref<128x64xf32, #tpu.memory_space<vmem>>
        %parallel_loop3A_1000 = tpu.vector_load_idx %parallel_loop3A_999[%add3A_54, %parallel_loop3A_924] : memref<128x64xf32, #tpu.memory_space<vmem>>[vector<16xi32>, vector<16xi32>], vector<16xf32>,
        %parallel_loop3A_1001 = arith.addf %parallel_loop3A_1000, %parallel_loop3A_934 : vector<16xf32>
        %parallel_loop3A_1002 = arith.constant 0 : i32
        %parallel_loop3A_1003 = arith.constant 0 : i32
        %parallel_loop3A_1004 = arith.constant 0 : i32
        %parallel_loop3A_1005 = tpu.memref_slice %arg9[%parallel_loop3A_1002, %parallel_loop3A_1003, %parallel_loop3A_1004] : memref<2x64x128xf32, #tpu.memory_space<vmem>> -> memref<1x64x128xf32, #tpu.memory_space<vmem>>
        %parallel_loop3A_1006 = tpu.memref_squeeze %parallel_loop3A_1005 : memref<1x64x128xf32, #tpu.memory_space<vmem>> -> memref<64x128xf32, #tpu.memory_space<vmem>>
        tpu.vector_store_idx %parallel_loop3A_1006[%parallel_loop3A_924, %add3A_54], %parallel_loop3A_1001 : memref<64x128xf32, #tpu.memory_space<vmem>>[vector<16xi32>, vector<16xi32>], vector<16xf32>,
        %parallel_loop3A_1007 = arith.constant 0 : i32
        %parallel_loop3A_1008 = arith.constant 0 : i32
        %parallel_loop3A_1009 = arith.constant 0 : i32
        %parallel_loop3A_1010 = tpu.memref_slice %arg8[%parallel_loop3A_1007, %parallel_loop3A_1008, %parallel_loop3A_1009] : memref<2x128x64xf32, #tpu.memory_space<vmem>> -> memref<1x128x64xf32, #tpu.memory_space<vmem>>
        %parallel_loop3A_1011 = tpu.memref_squeeze %parallel_loop3A_1010 : memref<1x128x64xf32, #tpu.memory_space<vmem>> -> memref<128x64xf32, #tpu.memory_space<vmem>>
        %parallel_loop3A_1012 = tpu.vector_load_idx %parallel_loop3A_1011[%add3A_57, %parallel_loop3A_924] : memref<128x64xf32, #tpu.memory_space<vmem>>[vector<16xi32>, vector<16xi32>], vector<16xf32>,
        %parallel_loop3A_1013 = arith.addf %parallel_loop3A_1012, %parallel_loop3A_934 : vector<16xf32>
        %parallel_loop3A_1014 = arith.constant 0 : i32
        %parallel_loop3A_1015 = arith.constant 0 : i32
        %parallel_loop3A_1016 = arith.constant 0 : i32
        %parallel_loop3A_1017 = tpu.memref_slice %arg9[%parallel_loop3A_1014, %parallel_loop3A_1015, %parallel_loop3A_1016] : memref<2x64x128xf32, #tpu.memory_space<vmem>> -> memref<1x64x128xf32, #tpu.memory_space<vmem>>
        %parallel_loop3A_1018 = tpu.memref_squeeze %parallel_loop3A_1017 : memref<1x64x128xf32, #tpu.memory_space<vmem>> -> memref<64x128xf32, #tpu.memory_space<vmem>>
        tpu.vector_store_idx %parallel_loop3A_1018[%parallel_loop3A_924, %add3A_57], %parallel_loop3A_1013 : memref<64x128xf32, #tpu.memory_space<vmem>>[vector<16xi32>, vector<16xi32>], vector<16xf32>,
        %parallel_loop3A_1019 = arith.constant 0 : i32
        %parallel_loop3A_1020 = arith.constant 0 : i32
        %parallel_loop3A_1021 = arith.constant 0 : i32
        %parallel_loop3A_1022 = tpu.memref_slice %arg8[%parallel_loop3A_1019, %parallel_loop3A_1020, %parallel_loop3A_1021] : memref<2x128x64xf32, #tpu.memory_space<vmem>> -> memref<1x128x64xf32, #tpu.memory_space<vmem>>
        %parallel_loop3A_1023 = tpu.memref_squeeze %parallel_loop3A_1022 : memref<1x128x64xf32, #tpu.memory_space<vmem>> -> memref<128x64xf32, #tpu.memory_space<vmem>>
        %parallel_loop3A_1024 = tpu.vector_load_idx %parallel_loop3A_1023[%add3A_60, %parallel_loop3A_924] : memref<128x64xf32, #tpu.memory_space<vmem>>[vector<16xi32>, vector<16xi32>], vector<16xf32>,
        %parallel_loop3A_1025 = arith.addf %parallel_loop3A_1024, %parallel_loop3A_934 : vector<16xf32>
        %parallel_loop3A_1026 = arith.constant 0 : i32
        %parallel_loop3A_1027 = arith.constant 0 : i32
        %parallel_loop3A_1028 = arith.constant 0 : i32
        %parallel_loop3A_1029 = tpu.memref_slice %arg9[%parallel_loop3A_1026, %parallel_loop3A_1027, %parallel_loop3A_1028] : memref<2x64x128xf32, #tpu.memory_space<vmem>> -> memref<1x64x128xf32, #tpu.memory_space<vmem>>
        %parallel_loop3A_1030 = tpu.memref_squeeze %parallel_loop3A_1029 : memref<1x64x128xf32, #tpu.memory_space<vmem>> -> memref<64x128xf32, #tpu.memory_space<vmem>>
        tpu.vector_store_idx %parallel_loop3A_1030[%parallel_loop3A_924, %add3A_60], %parallel_loop3A_1025 : memref<64x128xf32, #tpu.memory_space<vmem>>[vector<16xi32>, vector<16xi32>], vector<16xf32>,
        %parallel_loop3A_1031 = arith.constant 16 : i32
        %parallel_loop3A_1032 = vector.broadcast %parallel_loop3A_1031 : i32 to vector<16xi32>
        %parallel_loop3A_1033 = arith.addi %parallel_loop3A_921, %parallel_loop3A_1032 : vector<16xi32>
        %parallel_loop3A_1034 = arith.constant 0 : i32
        %parallel_loop3A_1035 = vector.broadcast %parallel_loop3A_1034 : i32 to vector<16xi32>
        %parallel_loop3A_1036 = arith.cmpi slt, %parallel_loop3A_921, %parallel_loop3A_1035 : vector<16xi32>
        %parallel_loop3A_1037 = arith.constant 16 : i32
        %parallel_loop3A_1038 = vector.broadcast %parallel_loop3A_1037 : i32 to vector<16xi32>
        %parallel_loop3A_1039 = arith.addi %parallel_loop3A_921, %parallel_loop3A_1038 : vector<16xi32>
        %parallel_loop3A_1040 = arith.select %parallel_loop3A_1036, %parallel_loop3A_1039, %parallel_loop3A_921 : vector<16xi1>, vector<16xi32>
        %parallel_loop3A_1041 = vector.shape_cast %parallel_loop3A_1040 : vector<16xi32> to vector<16x1xi32>
        %parallel_loop3A_1042 = vector.shape_cast %parallel_loop3A_1041 : vector<16x1xi32> to vector<16xi32>
        %parallel_loop3A_1043 = tpu.dynamic_gather %get3A_490[%parallel_loop3A_1042] in [0] : vector<16xf32>, vector<16xi32> -> vector<16xf32>
        %parallel_loop3A_1044 = arith.constant 0 : i32
        %parallel_loop3A_1045 = arith.constant 0 : i32
        %parallel_loop3A_1046 = arith.constant 0 : i32
        %parallel_loop3A_1047 = tpu.memref_slice %arg8[%parallel_loop3A_1044, %parallel_loop3A_1045, %parallel_loop3A_1046] : memref<2x128x64xf32, #tpu.memory_space<vmem>> -> memref<1x128x64xf32, #tpu.memory_space<vmem>>
        %parallel_loop3A_1048 = tpu.memref_squeeze %parallel_loop3A_1047 : memref<1x128x64xf32, #tpu.memory_space<vmem>> -> memref<128x64xf32, #tpu.memory_space<vmem>>
        %parallel_loop3A_1049 = tpu.vector_load_idx %parallel_loop3A_1048[%add3A_39, %parallel_loop3A_1033] : memref<128x64xf32, #tpu.memory_space<vmem>>[vector<16xi32>, vector<16xi32>], vector<16xf32>,
        %parallel_loop3A_1050 = arith.addf %parallel_loop3A_1049, %parallel_loop3A_1043 : vector<16xf32>
        %parallel_loop3A_1051 = arith.constant 0 : i32
        %parallel_loop3A_1052 = arith.constant 0 : i32
        %parallel_loop3A_1053 = arith.constant 0 : i32
        %parallel_loop3A_1054 = tpu.memref_slice %arg9[%parallel_loop3A_1051, %parallel_loop3A_1052, %parallel_loop3A_1053] : memref<2x64x128xf32, #tpu.memory_space<vmem>> -> memref<1x64x128xf32, #tpu.memory_space<vmem>>
        %parallel_loop3A_1055 = tpu.memref_squeeze %parallel_loop3A_1054 : memref<1x64x128xf32, #tpu.memory_space<vmem>> -> memref<64x128xf32, #tpu.memory_space<vmem>>
        tpu.vector_store_idx %parallel_loop3A_1055[%parallel_loop3A_1033, %add3A_39], %parallel_loop3A_1050 : memref<64x128xf32, #tpu.memory_space<vmem>>[vector<16xi32>, vector<16xi32>], vector<16xf32>,
        %parallel_loop3A_1056 = arith.constant 0 : i32
        %parallel_loop3A_1057 = arith.constant 0 : i32
        %parallel_loop3A_1058 = arith.constant 0 : i32
        %parallel_loop3A_1059 = tpu.memref_slice %arg8[%parallel_loop3A_1056, %parallel_loop3A_1057, %parallel_loop3A_1058] : memref<2x128x64xf32, #tpu.memory_space<vmem>> -> memref<1x128x64xf32, #tpu.memory_space<vmem>>
        %parallel_loop3A_1060 = tpu.memref_squeeze %parallel_loop3A_1059 : memref<1x128x64xf32, #tpu.memory_space<vmem>> -> memref<128x64xf32, #tpu.memory_space<vmem>>
        %parallel_loop3A_1061 = tpu.vector_load_idx %parallel_loop3A_1060[%add3A_42, %parallel_loop3A_1033] : memref<128x64xf32, #tpu.memory_space<vmem>>[vector<16xi32>, vector<16xi32>], vector<16xf32>,
        %parallel_loop3A_1062 = arith.addf %parallel_loop3A_1061, %parallel_loop3A_1043 : vector<16xf32>
        %parallel_loop3A_1063 = arith.constant 0 : i32
        %parallel_loop3A_1064 = arith.constant 0 : i32
        %parallel_loop3A_1065 = arith.constant 0 : i32
        %parallel_loop3A_1066 = tpu.memref_slice %arg9[%parallel_loop3A_1063, %parallel_loop3A_1064, %parallel_loop3A_1065] : memref<2x64x128xf32, #tpu.memory_space<vmem>> -> memref<1x64x128xf32, #tpu.memory_space<vmem>>
        %parallel_loop3A_1067 = tpu.memref_squeeze %parallel_loop3A_1066 : memref<1x64x128xf32, #tpu.memory_space<vmem>> -> memref<64x128xf32, #tpu.memory_space<vmem>>
        tpu.vector_store_idx %parallel_loop3A_1067[%parallel_loop3A_1033, %add3A_42], %parallel_loop3A_1062 : memref<64x128xf32, #tpu.memory_space<vmem>>[vector<16xi32>, vector<16xi32>], vector<16xf32>,
        %parallel_loop3A_1068 = arith.constant 0 : i32
        %parallel_loop3A_1069 = arith.constant 0 : i32
        %parallel_loop3A_1070 = arith.constant 0 : i32
        %parallel_loop3A_1071 = tpu.memref_slice %arg8[%parallel_loop3A_1068, %parallel_loop3A_1069, %parallel_loop3A_1070] : memref<2x128x64xf32, #tpu.memory_space<vmem>> -> memref<1x128x64xf32, #tpu.memory_space<vmem>>
        %parallel_loop3A_1072 = tpu.memref_squeeze %parallel_loop3A_1071 : memref<1x128x64xf32, #tpu.memory_space<vmem>> -> memref<128x64xf32, #tpu.memory_space<vmem>>
        %parallel_loop3A_1073 = tpu.vector_load_idx %parallel_loop3A_1072[%add3A_45, %parallel_loop3A_1033] : memref<128x64xf32, #tpu.memory_space<vmem>>[vector<16xi32>, vector<16xi32>], vector<16xf32>,
        %parallel_loop3A_1074 = arith.addf %parallel_loop3A_1073, %parallel_loop3A_1043 : vector<16xf32>
        %parallel_loop3A_1075 = arith.constant 0 : i32
        %parallel_loop3A_1076 = arith.constant 0 : i32
        %parallel_loop3A_1077 = arith.constant 0 : i32
        %parallel_loop3A_1078 = tpu.memref_slice %arg9[%parallel_loop3A_1075, %parallel_loop3A_1076, %parallel_loop3A_1077] : memref<2x64x128xf32, #tpu.memory_space<vmem>> -> memref<1x64x128xf32, #tpu.memory_space<vmem>>
        %parallel_loop3A_1079 = tpu.memref_squeeze %parallel_loop3A_1078 : memref<1x64x128xf32, #tpu.memory_space<vmem>> -> memref<64x128xf32, #tpu.memory_space<vmem>>
        tpu.vector_store_idx %parallel_loop3A_1079[%parallel_loop3A_1033, %add3A_45], %parallel_loop3A_1074 : memref<64x128xf32, #tpu.memory_space<vmem>>[vector<16xi32>, vector<16xi32>], vector<16xf32>,
        %parallel_loop3A_1080 = arith.constant 0 : i32
        %parallel_loop3A_1081 = arith.constant 0 : i32
        %parallel_loop3A_1082 = arith.constant 0 : i32
        %parallel_loop3A_1083 = tpu.memref_slice %arg8[%parallel_loop3A_1080, %parallel_loop3A_1081, %parallel_loop3A_1082] : memref<2x128x64xf32, #tpu.memory_space<vmem>> -> memref<1x128x64xf32, #tpu.memory_space<vmem>>
        %parallel_loop3A_1084 = tpu.memref_squeeze %parallel_loop3A_1083 : memref<1x128x64xf32, #tpu.memory_space<vmem>> -> memref<128x64xf32, #tpu.memory_space<vmem>>
        %parallel_loop3A_1085 = tpu.vector_load_idx %parallel_loop3A_1084[%add3A_48, %parallel_loop3A_1033] : memref<128x64xf32, #tpu.memory_space<vmem>>[vector<16xi32>, vector<16xi32>], vector<16xf32>,
        %parallel_loop3A_1086 = arith.addf %parallel_loop3A_1085, %parallel_loop3A_1043 : vector<16xf32>
        %parallel_loop3A_1087 = arith.constant 0 : i32
        %parallel_loop3A_1088 = arith.constant 0 : i32
        %parallel_loop3A_1089 = arith.constant 0 : i32
        %parallel_loop3A_1090 = tpu.memref_slice %arg9[%parallel_loop3A_1087, %parallel_loop3A_1088, %parallel_loop3A_1089] : memref<2x64x128xf32, #tpu.memory_space<vmem>> -> memref<1x64x128xf32, #tpu.memory_space<vmem>>
        %parallel_loop3A_1091 = tpu.memref_squeeze %parallel_loop3A_1090 : memref<1x64x128xf32, #tpu.memory_space<vmem>> -> memref<64x128xf32, #tpu.memory_space<vmem>>
        tpu.vector_store_idx %parallel_loop3A_1091[%parallel_loop3A_1033, %add3A_48], %parallel_loop3A_1086 : memref<64x128xf32, #tpu.memory_space<vmem>>[vector<16xi32>, vector<16xi32>], vector<16xf32>,
        %parallel_loop3A_1092 = arith.constant 0 : i32
        %parallel_loop3A_1093 = arith.constant 0 : i32
        %parallel_loop3A_1094 = arith.constant 0 : i32
        %parallel_loop3A_1095 = tpu.memref_slice %arg8[%parallel_loop3A_1092, %parallel_loop3A_1093, %parallel_loop3A_1094] : memref<2x128x64xf32, #tpu.memory_space<vmem>> -> memref<1x128x64xf32, #tpu.memory_space<vmem>>
        %parallel_loop3A_1096 = tpu.memref_squeeze %parallel_loop3A_1095 : memref<1x128x64xf32, #tpu.memory_space<vmem>> -> memref<128x64xf32, #tpu.memory_space<vmem>>
        %parallel_loop3A_1097 = tpu.vector_load_idx %parallel_loop3A_1096[%add3A_51, %parallel_loop3A_1033] : memref<128x64xf32, #tpu.memory_space<vmem>>[vector<16xi32>, vector<16xi32>], vector<16xf32>,
        %parallel_loop3A_1098 = arith.addf %parallel_loop3A_1097, %parallel_loop3A_1043 : vector<16xf32>
        %parallel_loop3A_1099 = arith.constant 0 : i32
        %parallel_loop3A_1100 = arith.constant 0 : i32
        %parallel_loop3A_1101 = arith.constant 0 : i32
        %parallel_loop3A_1102 = tpu.memref_slice %arg9[%parallel_loop3A_1099, %parallel_loop3A_1100, %parallel_loop3A_1101] : memref<2x64x128xf32, #tpu.memory_space<vmem>> -> memref<1x64x128xf32, #tpu.memory_space<vmem>>
        %parallel_loop3A_1103 = tpu.memref_squeeze %parallel_loop3A_1102 : memref<1x64x128xf32, #tpu.memory_space<vmem>> -> memref<64x128xf32, #tpu.memory_space<vmem>>
        tpu.vector_store_idx %parallel_loop3A_1103[%parallel_loop3A_1033, %add3A_51], %parallel_loop3A_1098 : memref<64x128xf32, #tpu.memory_space<vmem>>[vector<16xi32>, vector<16xi32>], vector<16xf32>,
        %parallel_loop3A_1104 = arith.constant 0 : i32
        %parallel_loop3A_1105 = arith.constant 0 : i32
        %parallel_loop3A_1106 = arith.constant 0 : i32
        %parallel_loop3A_1107 = tpu.memref_slice %arg8[%parallel_loop3A_1104, %parallel_loop3A_1105, %parallel_loop3A_1106] : memref<2x128x64xf32, #tpu.memory_space<vmem>> -> memref<1x128x64xf32, #tpu.memory_space<vmem>>
        %parallel_loop3A_1108 = tpu.memref_squeeze %parallel_loop3A_1107 : memref<1x128x64xf32, #tpu.memory_space<vmem>> -> memref<128x64xf32, #tpu.memory_space<vmem>>
        %parallel_loop3A_1109 = tpu.vector_load_idx %parallel_loop3A_1108[%add3A_54, %parallel_loop3A_1033] : memref<128x64xf32, #tpu.memory_space<vmem>>[vector<16xi32>, vector<16xi32>], vector<16xf32>,
        %parallel_loop3A_1110 = arith.addf %parallel_loop3A_1109, %parallel_loop3A_1043 : vector<16xf32>
        %parallel_loop3A_1111 = arith.constant 0 : i32
        %parallel_loop3A_1112 = arith.constant 0 : i32
        %parallel_loop3A_1113 = arith.constant 0 : i32
        %parallel_loop3A_1114 = tpu.memref_slice %arg9[%parallel_loop3A_1111, %parallel_loop3A_1112, %parallel_loop3A_1113] : memref<2x64x128xf32, #tpu.memory_space<vmem>> -> memref<1x64x128xf32, #tpu.memory_space<vmem>>
        %parallel_loop3A_1115 = tpu.memref_squeeze %parallel_loop3A_1114 : memref<1x64x128xf32, #tpu.memory_space<vmem>> -> memref<64x128xf32, #tpu.memory_space<vmem>>
        tpu.vector_store_idx %parallel_loop3A_1115[%parallel_loop3A_1033, %add3A_54], %parallel_loop3A_1110 : memref<64x128xf32, #tpu.memory_space<vmem>>[vector<16xi32>, vector<16xi32>], vector<16xf32>,
        %parallel_loop3A_1116 = arith.constant 0 : i32
        %parallel_loop3A_1117 = arith.constant 0 : i32
        %parallel_loop3A_1118 = arith.constant 0 : i32
        %parallel_loop3A_1119 = tpu.memref_slice %arg8[%parallel_loop3A_1116, %parallel_loop3A_1117, %parallel_loop3A_1118] : memref<2x128x64xf32, #tpu.memory_space<vmem>> -> memref<1x128x64xf32, #tpu.memory_space<vmem>>
        %parallel_loop3A_1120 = tpu.memref_squeeze %parallel_loop3A_1119 : memref<1x128x64xf32, #tpu.memory_space<vmem>> -> memref<128x64xf32, #tpu.memory_space<vmem>>
        %parallel_loop3A_1121 = tpu.vector_load_idx %parallel_loop3A_1120[%add3A_57, %parallel_loop3A_1033] : memref<128x64xf32, #tpu.memory_space<vmem>>[vector<16xi32>, vector<16xi32>], vector<16xf32>,
        %parallel_loop3A_1122 = arith.addf %parallel_loop3A_1121, %parallel_loop3A_1043 : vector<16xf32>
        %parallel_loop3A_1123 = arith.constant 0 : i32
        %parallel_loop3A_1124 = arith.constant 0 : i32
        %parallel_loop3A_1125 = arith.constant 0 : i32
        %parallel_loop3A_1126 = tpu.memref_slice %arg9[%parallel_loop3A_1123, %parallel_loop3A_1124, %parallel_loop3A_1125] : memref<2x64x128xf32, #tpu.memory_space<vmem>> -> memref<1x64x128xf32, #tpu.memory_space<vmem>>
        %parallel_loop3A_1127 = tpu.memref_squeeze %parallel_loop3A_1126 : memref<1x64x128xf32, #tpu.memory_space<vmem>> -> memref<64x128xf32, #tpu.memory_space<vmem>>
        tpu.vector_store_idx %parallel_loop3A_1127[%parallel_loop3A_1033, %add3A_57], %parallel_loop3A_1122 : memref<64x128xf32, #tpu.memory_space<vmem>>[vector<16xi32>, vector<16xi32>], vector<16xf32>,
        %parallel_loop3A_1128 = arith.constant 0 : i32
        %parallel_loop3A_1129 = arith.constant 0 : i32
        %parallel_loop3A_1130 = arith.constant 0 : i32
        %parallel_loop3A_1131 = tpu.memref_slice %arg8[%parallel_loop3A_1128, %parallel_loop3A_1129, %parallel_loop3A_1130] : memref<2x128x64xf32, #tpu.memory_space<vmem>> -> memref<1x128x64xf32, #tpu.memory_space<vmem>>
        %parallel_loop3A_1132 = tpu.memref_squeeze %parallel_loop3A_1131 : memref<1x128x64xf32, #tpu.memory_space<vmem>> -> memref<128x64xf32, #tpu.memory_space<vmem>>
        %parallel_loop3A_1133 = tpu.vector_load_idx %parallel_loop3A_1132[%add3A_60, %parallel_loop3A_1033] : memref<128x64xf32, #tpu.memory_space<vmem>>[vector<16xi32>, vector<16xi32>], vector<16xf32>,
        %parallel_loop3A_1134 = arith.addf %parallel_loop3A_1133, %parallel_loop3A_1043 : vector<16xf32>
        %parallel_loop3A_1135 = arith.constant 0 : i32
        %parallel_loop3A_1136 = arith.constant 0 : i32
        %parallel_loop3A_1137 = arith.constant 0 : i32
        %parallel_loop3A_1138 = tpu.memref_slice %arg9[%parallel_loop3A_1135, %parallel_loop3A_1136, %parallel_loop3A_1137] : memref<2x64x128xf32, #tpu.memory_space<vmem>> -> memref<1x64x128xf32, #tpu.memory_space<vmem>>
        %parallel_loop3A_1139 = tpu.memref_squeeze %parallel_loop3A_1138 : memref<1x64x128xf32, #tpu.memory_space<vmem>> -> memref<64x128xf32, #tpu.memory_space<vmem>>
        tpu.vector_store_idx %parallel_loop3A_1139[%parallel_loop3A_1033, %add3A_60], %parallel_loop3A_1134 : memref<64x128xf32, #tpu.memory_space<vmem>>[vector<16xi32>, vector<16xi32>], vector<16xf32>,
        %parallel_loop3A_1140 = arith.constant 32 : i32
        %parallel_loop3A_1141 = vector.broadcast %parallel_loop3A_1140 : i32 to vector<16xi32>
        %parallel_loop3A_1142 = arith.addi %parallel_loop3A_921, %parallel_loop3A_1141 : vector<16xi32>
        %parallel_loop3A_1143 = arith.constant 0 : i32
        %parallel_loop3A_1144 = vector.broadcast %parallel_loop3A_1143 : i32 to vector<16xi32>
        %parallel_loop3A_1145 = arith.cmpi slt, %parallel_loop3A_921, %parallel_loop3A_1144 : vector<16xi32>
        %parallel_loop3A_1146 = arith.constant 16 : i32
        %parallel_loop3A_1147 = vector.broadcast %parallel_loop3A_1146 : i32 to vector<16xi32>
        %parallel_loop3A_1148 = arith.addi %parallel_loop3A_921, %parallel_loop3A_1147 : vector<16xi32>
        %parallel_loop3A_1149 = arith.select %parallel_loop3A_1145, %parallel_loop3A_1148, %parallel_loop3A_921 : vector<16xi1>, vector<16xi32>
        %parallel_loop3A_1150 = vector.shape_cast %parallel_loop3A_1149 : vector<16xi32> to vector<16x1xi32>
        %parallel_loop3A_1151 = vector.shape_cast %parallel_loop3A_1150 : vector<16x1xi32> to vector<16xi32>
        %parallel_loop3A_1152 = tpu.dynamic_gather %get3A_496[%parallel_loop3A_1151] in [0] : vector<16xf32>, vector<16xi32> -> vector<16xf32>
        %parallel_loop3A_1153 = arith.constant 0 : i32
        %parallel_loop3A_1154 = arith.constant 0 : i32
        %parallel_loop3A_1155 = arith.constant 0 : i32
        %parallel_loop3A_1156 = tpu.memref_slice %arg8[%parallel_loop3A_1153, %parallel_loop3A_1154, %parallel_loop3A_1155] : memref<2x128x64xf32, #tpu.memory_space<vmem>> -> memref<1x128x64xf32, #tpu.memory_space<vmem>>
        %parallel_loop3A_1157 = tpu.memref_squeeze %parallel_loop3A_1156 : memref<1x128x64xf32, #tpu.memory_space<vmem>> -> memref<128x64xf32, #tpu.memory_space<vmem>>
        %parallel_loop3A_1158 = tpu.vector_load_idx %parallel_loop3A_1157[%add3A_39, %parallel_loop3A_1142] : memref<128x64xf32, #tpu.memory_space<vmem>>[vector<16xi32>, vector<16xi32>], vector<16xf32>,
        %parallel_loop3A_1159 = arith.addf %parallel_loop3A_1158, %parallel_loop3A_1152 : vector<16xf32>
        %parallel_loop3A_1160 = arith.constant 0 : i32
        %parallel_loop3A_1161 = arith.constant 0 : i32
        %parallel_loop3A_1162 = arith.constant 0 : i32
        %parallel_loop3A_1163 = tpu.memref_slice %arg9[%parallel_loop3A_1160, %parallel_loop3A_1161, %parallel_loop3A_1162] : memref<2x64x128xf32, #tpu.memory_space<vmem>> -> memref<1x64x128xf32, #tpu.memory_space<vmem>>
        %parallel_loop3A_1164 = tpu.memref_squeeze %parallel_loop3A_1163 : memref<1x64x128xf32, #tpu.memory_space<vmem>> -> memref<64x128xf32, #tpu.memory_space<vmem>>
        tpu.vector_store_idx %parallel_loop3A_1164[%parallel_loop3A_1142, %add3A_39], %parallel_loop3A_1159 : memref<64x128xf32, #tpu.memory_space<vmem>>[vector<16xi32>, vector<16xi32>], vector<16xf32>,
        %parallel_loop3A_1165 = arith.constant 0 : i32
        %parallel_loop3A_1166 = arith.constant 0 : i32
        %parallel_loop3A_1167 = arith.constant 0 : i32
        %parallel_loop3A_1168 = tpu.memref_slice %arg8[%parallel_loop3A_1165, %parallel_loop3A_1166, %parallel_loop3A_1167] : memref<2x128x64xf32, #tpu.memory_space<vmem>> -> memref<1x128x64xf32, #tpu.memory_space<vmem>>
        %parallel_loop3A_1169 = tpu.memref_squeeze %parallel_loop3A_1168 : memref<1x128x64xf32, #tpu.memory_space<vmem>> -> memref<128x64xf32, #tpu.memory_space<vmem>>
        %parallel_loop3A_1170 = tpu.vector_load_idx %parallel_loop3A_1169[%add3A_42, %parallel_loop3A_1142] : memref<128x64xf32, #tpu.memory_space<vmem>>[vector<16xi32>, vector<16xi32>], vector<16xf32>,
        %parallel_loop3A_1171 = arith.addf %parallel_loop3A_1170, %parallel_loop3A_1152 : vector<16xf32>
        %parallel_loop3A_1172 = arith.constant 0 : i32
        %parallel_loop3A_1173 = arith.constant 0 : i32
        %parallel_loop3A_1174 = arith.constant 0 : i32
        %parallel_loop3A_1175 = tpu.memref_slice %arg9[%parallel_loop3A_1172, %parallel_loop3A_1173, %parallel_loop3A_1174] : memref<2x64x128xf32, #tpu.memory_space<vmem>> -> memref<1x64x128xf32, #tpu.memory_space<vmem>>
        %parallel_loop3A_1176 = tpu.memref_squeeze %parallel_loop3A_1175 : memref<1x64x128xf32, #tpu.memory_space<vmem>> -> memref<64x128xf32, #tpu.memory_space<vmem>>
        tpu.vector_store_idx %parallel_loop3A_1176[%parallel_loop3A_1142, %add3A_42], %parallel_loop3A_1171 : memref<64x128xf32, #tpu.memory_space<vmem>>[vector<16xi32>, vector<16xi32>], vector<16xf32>,
        %parallel_loop3A_1177 = arith.constant 0 : i32
        %parallel_loop3A_1178 = arith.constant 0 : i32
        %parallel_loop3A_1179 = arith.constant 0 : i32
        %parallel_loop3A_1180 = tpu.memref_slice %arg8[%parallel_loop3A_1177, %parallel_loop3A_1178, %parallel_loop3A_1179] : memref<2x128x64xf32, #tpu.memory_space<vmem>> -> memref<1x128x64xf32, #tpu.memory_space<vmem>>
        %parallel_loop3A_1181 = tpu.memref_squeeze %parallel_loop3A_1180 : memref<1x128x64xf32, #tpu.memory_space<vmem>> -> memref<128x64xf32, #tpu.memory_space<vmem>>
        %parallel_loop3A_1182 = tpu.vector_load_idx %parallel_loop3A_1181[%add3A_45, %parallel_loop3A_1142] : memref<128x64xf32, #tpu.memory_space<vmem>>[vector<16xi32>, vector<16xi32>], vector<16xf32>,
        %parallel_loop3A_1183 = arith.addf %parallel_loop3A_1182, %parallel_loop3A_1152 : vector<16xf32>
        %parallel_loop3A_1184 = arith.constant 0 : i32
        %parallel_loop3A_1185 = arith.constant 0 : i32
        %parallel_loop3A_1186 = arith.constant 0 : i32
        %parallel_loop3A_1187 = tpu.memref_slice %arg9[%parallel_loop3A_1184, %parallel_loop3A_1185, %parallel_loop3A_1186] : memref<2x64x128xf32, #tpu.memory_space<vmem>> -> memref<1x64x128xf32, #tpu.memory_space<vmem>>
        %parallel_loop3A_1188 = tpu.memref_squeeze %parallel_loop3A_1187 : memref<1x64x128xf32, #tpu.memory_space<vmem>> -> memref<64x128xf32, #tpu.memory_space<vmem>>
        tpu.vector_store_idx %parallel_loop3A_1188[%parallel_loop3A_1142, %add3A_45], %parallel_loop3A_1183 : memref<64x128xf32, #tpu.memory_space<vmem>>[vector<16xi32>, vector<16xi32>], vector<16xf32>,
        %parallel_loop3A_1189 = arith.constant 0 : i32
        %parallel_loop3A_1190 = arith.constant 0 : i32
        %parallel_loop3A_1191 = arith.constant 0 : i32
        %parallel_loop3A_1192 = tpu.memref_slice %arg8[%parallel_loop3A_1189, %parallel_loop3A_1190, %parallel_loop3A_1191] : memref<2x128x64xf32, #tpu.memory_space<vmem>> -> memref<1x128x64xf32, #tpu.memory_space<vmem>>
        %parallel_loop3A_1193 = tpu.memref_squeeze %parallel_loop3A_1192 : memref<1x128x64xf32, #tpu.memory_space<vmem>> -> memref<128x64xf32, #tpu.memory_space<vmem>>
        %parallel_loop3A_1194 = tpu.vector_load_idx %parallel_loop3A_1193[%add3A_48, %parallel_loop3A_1142] : memref<128x64xf32, #tpu.memory_space<vmem>>[vector<16xi32>, vector<16xi32>], vector<16xf32>,
        %parallel_loop3A_1195 = arith.addf %parallel_loop3A_1194, %parallel_loop3A_1152 : vector<16xf32>
        %parallel_loop3A_1196 = arith.constant 0 : i32
        %parallel_loop3A_1197 = arith.constant 0 : i32
        %parallel_loop3A_1198 = arith.constant 0 : i32
        %parallel_loop3A_1199 = tpu.memref_slice %arg9[%parallel_loop3A_1196, %parallel_loop3A_1197, %parallel_loop3A_1198] : memref<2x64x128xf32, #tpu.memory_space<vmem>> -> memref<1x64x128xf32, #tpu.memory_space<vmem>>
        %parallel_loop3A_1200 = tpu.memref_squeeze %parallel_loop3A_1199 : memref<1x64x128xf32, #tpu.memory_space<vmem>> -> memref<64x128xf32, #tpu.memory_space<vmem>>
        tpu.vector_store_idx %parallel_loop3A_1200[%parallel_loop3A_1142, %add3A_48], %parallel_loop3A_1195 : memref<64x128xf32, #tpu.memory_space<vmem>>[vector<16xi32>, vector<16xi32>], vector<16xf32>,
        %parallel_loop3A_1201 = arith.constant 0 : i32
        %parallel_loop3A_1202 = arith.constant 0 : i32
        %parallel_loop3A_1203 = arith.constant 0 : i32
        %parallel_loop3A_1204 = tpu.memref_slice %arg8[%parallel_loop3A_1201, %parallel_loop3A_1202, %parallel_loop3A_1203] : memref<2x128x64xf32, #tpu.memory_space<vmem>> -> memref<1x128x64xf32, #tpu.memory_space<vmem>>
        %parallel_loop3A_1205 = tpu.memref_squeeze %parallel_loop3A_1204 : memref<1x128x64xf32, #tpu.memory_space<vmem>> -> memref<128x64xf32, #tpu.memory_space<vmem>>
        %parallel_loop3A_1206 = tpu.vector_load_idx %parallel_loop3A_1205[%add3A_51, %parallel_loop3A_1142] : memref<128x64xf32, #tpu.memory_space<vmem>>[vector<16xi32>, vector<16xi32>], vector<16xf32>,
        %parallel_loop3A_1207 = arith.addf %parallel_loop3A_1206, %parallel_loop3A_1152 : vector<16xf32>
        %parallel_loop3A_1208 = arith.constant 0 : i32
        %parallel_loop3A_1209 = arith.constant 0 : i32
        %parallel_loop3A_1210 = arith.constant 0 : i32
        %parallel_loop3A_1211 = tpu.memref_slice %arg9[%parallel_loop3A_1208, %parallel_loop3A_1209, %parallel_loop3A_1210] : memref<2x64x128xf32, #tpu.memory_space<vmem>> -> memref<1x64x128xf32, #tpu.memory_space<vmem>>
        %parallel_loop3A_1212 = tpu.memref_squeeze %parallel_loop3A_1211 : memref<1x64x128xf32, #tpu.memory_space<vmem>> -> memref<64x128xf32, #tpu.memory_space<vmem>>
        tpu.vector_store_idx %parallel_loop3A_1212[%parallel_loop3A_1142, %add3A_51], %parallel_loop3A_1207 : memref<64x128xf32, #tpu.memory_space<vmem>>[vector<16xi32>, vector<16xi32>], vector<16xf32>,
        %parallel_loop3A_1213 = arith.constant 0 : i32
        %parallel_loop3A_1214 = arith.constant 0 : i32
        %parallel_loop3A_1215 = arith.constant 0 : i32
        %parallel_loop3A_1216 = tpu.memref_slice %arg8[%parallel_loop3A_1213, %parallel_loop3A_1214, %parallel_loop3A_1215] : memref<2x128x64xf32, #tpu.memory_space<vmem>> -> memref<1x128x64xf32, #tpu.memory_space<vmem>>
        %parallel_loop3A_1217 = tpu.memref_squeeze %parallel_loop3A_1216 : memref<1x128x64xf32, #tpu.memory_space<vmem>> -> memref<128x64xf32, #tpu.memory_space<vmem>>
        %parallel_loop3A_1218 = tpu.vector_load_idx %parallel_loop3A_1217[%add3A_54, %parallel_loop3A_1142] : memref<128x64xf32, #tpu.memory_space<vmem>>[vector<16xi32>, vector<16xi32>], vector<16xf32>,
        %parallel_loop3A_1219 = arith.addf %parallel_loop3A_1218, %parallel_loop3A_1152 : vector<16xf32>
        %parallel_loop3A_1220 = arith.constant 0 : i32
        %parallel_loop3A_1221 = arith.constant 0 : i32
        %parallel_loop3A_1222 = arith.constant 0 : i32
        %parallel_loop3A_1223 = tpu.memref_slice %arg9[%parallel_loop3A_1220, %parallel_loop3A_1221, %parallel_loop3A_1222] : memref<2x64x128xf32, #tpu.memory_space<vmem>> -> memref<1x64x128xf32, #tpu.memory_space<vmem>>
        %parallel_loop3A_1224 = tpu.memref_squeeze %parallel_loop3A_1223 : memref<1x64x128xf32, #tpu.memory_space<vmem>> -> memref<64x128xf32, #tpu.memory_space<vmem>>
        tpu.vector_store_idx %parallel_loop3A_1224[%parallel_loop3A_1142, %add3A_54], %parallel_loop3A_1219 : memref<64x128xf32, #tpu.memory_space<vmem>>[vector<16xi32>, vector<16xi32>], vector<16xf32>,
        %parallel_loop3A_1225 = arith.constant 0 : i32
        %parallel_loop3A_1226 = arith.constant 0 : i32
        %parallel_loop3A_1227 = arith.constant 0 : i32
        %parallel_loop3A_1228 = tpu.memref_slice %arg8[%parallel_loop3A_1225, %parallel_loop3A_1226, %parallel_loop3A_1227] : memref<2x128x64xf32, #tpu.memory_space<vmem>> -> memref<1x128x64xf32, #tpu.memory_space<vmem>>
        %parallel_loop3A_1229 = tpu.memref_squeeze %parallel_loop3A_1228 : memref<1x128x64xf32, #tpu.memory_space<vmem>> -> memref<128x64xf32, #tpu.memory_space<vmem>>
        %parallel_loop3A_1230 = tpu.vector_load_idx %parallel_loop3A_1229[%add3A_57, %parallel_loop3A_1142] : memref<128x64xf32, #tpu.memory_space<vmem>>[vector<16xi32>, vector<16xi32>], vector<16xf32>,
        %parallel_loop3A_1231 = arith.addf %parallel_loop3A_1230, %parallel_loop3A_1152 : vector<16xf32>
        %parallel_loop3A_1232 = arith.constant 0 : i32
        %parallel_loop3A_1233 = arith.constant 0 : i32
        %parallel_loop3A_1234 = arith.constant 0 : i32
        %parallel_loop3A_1235 = tpu.memref_slice %arg9[%parallel_loop3A_1232, %parallel_loop3A_1233, %parallel_loop3A_1234] : memref<2x64x128xf32, #tpu.memory_space<vmem>> -> memref<1x64x128xf32, #tpu.memory_space<vmem>>
        %parallel_loop3A_1236 = tpu.memref_squeeze %parallel_loop3A_1235 : memref<1x64x128xf32, #tpu.memory_space<vmem>> -> memref<64x128xf32, #tpu.memory_space<vmem>>
        tpu.vector_store_idx %parallel_loop3A_1236[%parallel_loop3A_1142, %add3A_57], %parallel_loop3A_1231 : memref<64x128xf32, #tpu.memory_space<vmem>>[vector<16xi32>, vector<16xi32>], vector<16xf32>,
        %parallel_loop3A_1237 = arith.constant 0 : i32
        %parallel_loop3A_1238 = arith.constant 0 : i32
        %parallel_loop3A_1239 = arith.constant 0 : i32
        %parallel_loop3A_1240 = tpu.memref_slice %arg8[%parallel_loop3A_1237, %parallel_loop3A_1238, %parallel_loop3A_1239] : memref<2x128x64xf32, #tpu.memory_space<vmem>> -> memref<1x128x64xf32, #tpu.memory_space<vmem>>
        %parallel_loop3A_1241 = tpu.memref_squeeze %parallel_loop3A_1240 : memref<1x128x64xf32, #tpu.memory_space<vmem>> -> memref<128x64xf32, #tpu.memory_space<vmem>>
        %parallel_loop3A_1242 = tpu.vector_load_idx %parallel_loop3A_1241[%add3A_60, %parallel_loop3A_1142] : memref<128x64xf32, #tpu.memory_space<vmem>>[vector<16xi32>, vector<16xi32>], vector<16xf32>,
        %parallel_loop3A_1243 = arith.addf %parallel_loop3A_1242, %parallel_loop3A_1152 : vector<16xf32>
        %parallel_loop3A_1244 = arith.constant 0 : i32
        %parallel_loop3A_1245 = arith.constant 0 : i32
        %parallel_loop3A_1246 = arith.constant 0 : i32
        %parallel_loop3A_1247 = tpu.memref_slice %arg9[%parallel_loop3A_1244, %parallel_loop3A_1245, %parallel_loop3A_1246] : memref<2x64x128xf32, #tpu.memory_space<vmem>> -> memref<1x64x128xf32, #tpu.memory_space<vmem>>
        %parallel_loop3A_1248 = tpu.memref_squeeze %parallel_loop3A_1247 : memref<1x64x128xf32, #tpu.memory_space<vmem>> -> memref<64x128xf32, #tpu.memory_space<vmem>>
        tpu.vector_store_idx %parallel_loop3A_1248[%parallel_loop3A_1142, %add3A_60], %parallel_loop3A_1243 : memref<64x128xf32, #tpu.memory_space<vmem>>[vector<16xi32>, vector<16xi32>], vector<16xf32>,
        %parallel_loop3A_1249 = arith.constant 48 : i32
        %parallel_loop3A_1250 = vector.broadcast %parallel_loop3A_1249 : i32 to vector<16xi32>
        %parallel_loop3A_1251 = arith.addi %parallel_loop3A_921, %parallel_loop3A_1250 : vector<16xi32>
        %parallel_loop3A_1252 = arith.constant 0 : i32
        %parallel_loop3A_1253 = vector.broadcast %parallel_loop3A_1252 : i32 to vector<16xi32>
        %parallel_loop3A_1254 = arith.cmpi slt, %parallel_loop3A_921, %parallel_loop3A_1253 : vector<16xi32>
        %parallel_loop3A_1255 = arith.constant 16 : i32
        %parallel_loop3A_1256 = vector.broadcast %parallel_loop3A_1255 : i32 to vector<16xi32>
        %parallel_loop3A_1257 = arith.addi %parallel_loop3A_921, %parallel_loop3A_1256 : vector<16xi32>
        %parallel_loop3A_1258 = arith.select %parallel_loop3A_1254, %parallel_loop3A_1257, %parallel_loop3A_921 : vector<16xi1>, vector<16xi32>
        %parallel_loop3A_1259 = vector.shape_cast %parallel_loop3A_1258 : vector<16xi32> to vector<16x1xi32>
        %parallel_loop3A_1260 = vector.shape_cast %parallel_loop3A_1259 : vector<16x1xi32> to vector<16xi32>
        %parallel_loop3A_1261 = tpu.dynamic_gather %get3A_502[%parallel_loop3A_1260] in [0] : vector<16xf32>, vector<16xi32> -> vector<16xf32>
        %parallel_loop3A_1262 = arith.constant 0 : i32
        %parallel_loop3A_1263 = arith.constant 0 : i32
        %parallel_loop3A_1264 = arith.constant 0 : i32
        %parallel_loop3A_1265 = tpu.memref_slice %arg8[%parallel_loop3A_1262, %parallel_loop3A_1263, %parallel_loop3A_1264] : memref<2x128x64xf32, #tpu.memory_space<vmem>> -> memref<1x128x64xf32, #tpu.memory_space<vmem>>
        %parallel_loop3A_1266 = tpu.memref_squeeze %parallel_loop3A_1265 : memref<1x128x64xf32, #tpu.memory_space<vmem>> -> memref<128x64xf32, #tpu.memory_space<vmem>>
        %parallel_loop3A_1267 = tpu.vector_load_idx %parallel_loop3A_1266[%add3A_39, %parallel_loop3A_1251] : memref<128x64xf32, #tpu.memory_space<vmem>>[vector<16xi32>, vector<16xi32>], vector<16xf32>,
        %parallel_loop3A_1268 = arith.addf %parallel_loop3A_1267, %parallel_loop3A_1261 : vector<16xf32>
        %parallel_loop3A_1269 = arith.constant 0 : i32
        %parallel_loop3A_1270 = arith.constant 0 : i32
        %parallel_loop3A_1271 = arith.constant 0 : i32
        %parallel_loop3A_1272 = tpu.memref_slice %arg9[%parallel_loop3A_1269, %parallel_loop3A_1270, %parallel_loop3A_1271] : memref<2x64x128xf32, #tpu.memory_space<vmem>> -> memref<1x64x128xf32, #tpu.memory_space<vmem>>
        %parallel_loop3A_1273 = tpu.memref_squeeze %parallel_loop3A_1272 : memref<1x64x128xf32, #tpu.memory_space<vmem>> -> memref<64x128xf32, #tpu.memory_space<vmem>>
        tpu.vector_store_idx %parallel_loop3A_1273[%parallel_loop3A_1251, %add3A_39], %parallel_loop3A_1268 : memref<64x128xf32, #tpu.memory_space<vmem>>[vector<16xi32>, vector<16xi32>], vector<16xf32>,
        %parallel_loop3A_1274 = arith.constant 0 : i32
        %parallel_loop3A_1275 = arith.constant 0 : i32
        %parallel_loop3A_1276 = arith.constant 0 : i32
        %parallel_loop3A_1277 = tpu.memref_slice %arg8[%parallel_loop3A_1274, %parallel_loop3A_1275, %parallel_loop3A_1276] : memref<2x128x64xf32, #tpu.memory_space<vmem>> -> memref<1x128x64xf32, #tpu.memory_space<vmem>>
        %parallel_loop3A_1278 = tpu.memref_squeeze %parallel_loop3A_1277 : memref<1x128x64xf32, #tpu.memory_space<vmem>> -> memref<128x64xf32, #tpu.memory_space<vmem>>
        %parallel_loop3A_1279 = tpu.vector_load_idx %parallel_loop3A_1278[%add3A_42, %parallel_loop3A_1251] : memref<128x64xf32, #tpu.memory_space<vmem>>[vector<16xi32>, vector<16xi32>], vector<16xf32>,
        %parallel_loop3A_1280 = arith.addf %parallel_loop3A_1279, %parallel_loop3A_1261 : vector<16xf32>
        %parallel_loop3A_1281 = arith.constant 0 : i32
        %parallel_loop3A_1282 = arith.constant 0 : i32
        %parallel_loop3A_1283 = arith.constant 0 : i32
        %parallel_loop3A_1284 = tpu.memref_slice %arg9[%parallel_loop3A_1281, %parallel_loop3A_1282, %parallel_loop3A_1283] : memref<2x64x128xf32, #tpu.memory_space<vmem>> -> memref<1x64x128xf32, #tpu.memory_space<vmem>>
        %parallel_loop3A_1285 = tpu.memref_squeeze %parallel_loop3A_1284 : memref<1x64x128xf32, #tpu.memory_space<vmem>> -> memref<64x128xf32, #tpu.memory_space<vmem>>
        tpu.vector_store_idx %parallel_loop3A_1285[%parallel_loop3A_1251, %add3A_42], %parallel_loop3A_1280 : memref<64x128xf32, #tpu.memory_space<vmem>>[vector<16xi32>, vector<16xi32>], vector<16xf32>,
        %parallel_loop3A_1286 = arith.constant 0 : i32
        %parallel_loop3A_1287 = arith.constant 0 : i32
        %parallel_loop3A_1288 = arith.constant 0 : i32
        %parallel_loop3A_1289 = tpu.memref_slice %arg8[%parallel_loop3A_1286, %parallel_loop3A_1287, %parallel_loop3A_1288] : memref<2x128x64xf32, #tpu.memory_space<vmem>> -> memref<1x128x64xf32, #tpu.memory_space<vmem>>
        %parallel_loop3A_1290 = tpu.memref_squeeze %parallel_loop3A_1289 : memref<1x128x64xf32, #tpu.memory_space<vmem>> -> memref<128x64xf32, #tpu.memory_space<vmem>>
        %parallel_loop3A_1291 = tpu.vector_load_idx %parallel_loop3A_1290[%add3A_45, %parallel_loop3A_1251] : memref<128x64xf32, #tpu.memory_space<vmem>>[vector<16xi32>, vector<16xi32>], vector<16xf32>,
        %parallel_loop3A_1292 = arith.addf %parallel_loop3A_1291, %parallel_loop3A_1261 : vector<16xf32>
        %parallel_loop3A_1293 = arith.constant 0 : i32
        %parallel_loop3A_1294 = arith.constant 0 : i32
        %parallel_loop3A_1295 = arith.constant 0 : i32
        %parallel_loop3A_1296 = tpu.memref_slice %arg9[%parallel_loop3A_1293, %parallel_loop3A_1294, %parallel_loop3A_1295] : memref<2x64x128xf32, #tpu.memory_space<vmem>> -> memref<1x64x128xf32, #tpu.memory_space<vmem>>
        %parallel_loop3A_1297 = tpu.memref_squeeze %parallel_loop3A_1296 : memref<1x64x128xf32, #tpu.memory_space<vmem>> -> memref<64x128xf32, #tpu.memory_space<vmem>>
        tpu.vector_store_idx %parallel_loop3A_1297[%parallel_loop3A_1251, %add3A_45], %parallel_loop3A_1292 : memref<64x128xf32, #tpu.memory_space<vmem>>[vector<16xi32>, vector<16xi32>], vector<16xf32>,
        %parallel_loop3A_1298 = arith.constant 0 : i32
        %parallel_loop3A_1299 = arith.constant 0 : i32
        %parallel_loop3A_1300 = arith.constant 0 : i32
        %parallel_loop3A_1301 = tpu.memref_slice %arg8[%parallel_loop3A_1298, %parallel_loop3A_1299, %parallel_loop3A_1300] : memref<2x128x64xf32, #tpu.memory_space<vmem>> -> memref<1x128x64xf32, #tpu.memory_space<vmem>>
        %parallel_loop3A_1302 = tpu.memref_squeeze %parallel_loop3A_1301 : memref<1x128x64xf32, #tpu.memory_space<vmem>> -> memref<128x64xf32, #tpu.memory_space<vmem>>
        %parallel_loop3A_1303 = tpu.vector_load_idx %parallel_loop3A_1302[%add3A_48, %parallel_loop3A_1251] : memref<128x64xf32, #tpu.memory_space<vmem>>[vector<16xi32>, vector<16xi32>], vector<16xf32>,
        %parallel_loop3A_1304 = arith.addf %parallel_loop3A_1303, %parallel_loop3A_1261 : vector<16xf32>
        %parallel_loop3A_1305 = arith.constant 0 : i32
        %parallel_loop3A_1306 = arith.constant 0 : i32
        %parallel_loop3A_1307 = arith.constant 0 : i32
        %parallel_loop3A_1308 = tpu.memref_slice %arg9[%parallel_loop3A_1305, %parallel_loop3A_1306, %parallel_loop3A_1307] : memref<2x64x128xf32, #tpu.memory_space<vmem>> -> memref<1x64x128xf32, #tpu.memory_space<vmem>>
        %parallel_loop3A_1309 = tpu.memref_squeeze %parallel_loop3A_1308 : memref<1x64x128xf32, #tpu.memory_space<vmem>> -> memref<64x128xf32, #tpu.memory_space<vmem>>
        tpu.vector_store_idx %parallel_loop3A_1309[%parallel_loop3A_1251, %add3A_48], %parallel_loop3A_1304 : memref<64x128xf32, #tpu.memory_space<vmem>>[vector<16xi32>, vector<16xi32>], vector<16xf32>,
        %parallel_loop3A_1310 = arith.constant 0 : i32
        %parallel_loop3A_1311 = arith.constant 0 : i32
        %parallel_loop3A_1312 = arith.constant 0 : i32
        %parallel_loop3A_1313 = tpu.memref_slice %arg8[%parallel_loop3A_1310, %parallel_loop3A_1311, %parallel_loop3A_1312] : memref<2x128x64xf32, #tpu.memory_space<vmem>> -> memref<1x128x64xf32, #tpu.memory_space<vmem>>
        %parallel_loop3A_1314 = tpu.memref_squeeze %parallel_loop3A_1313 : memref<1x128x64xf32, #tpu.memory_space<vmem>> -> memref<128x64xf32, #tpu.memory_space<vmem>>
        %parallel_loop3A_1315 = tpu.vector_load_idx %parallel_loop3A_1314[%add3A_51, %parallel_loop3A_1251] : memref<128x64xf32, #tpu.memory_space<vmem>>[vector<16xi32>, vector<16xi32>], vector<16xf32>,
        %parallel_loop3A_1316 = arith.addf %parallel_loop3A_1315, %parallel_loop3A_1261 : vector<16xf32>
        %parallel_loop3A_1317 = arith.constant 0 : i32
        %parallel_loop3A_1318 = arith.constant 0 : i32
        %parallel_loop3A_1319 = arith.constant 0 : i32
        %parallel_loop3A_1320 = tpu.memref_slice %arg9[%parallel_loop3A_1317, %parallel_loop3A_1318, %parallel_loop3A_1319] : memref<2x64x128xf32, #tpu.memory_space<vmem>> -> memref<1x64x128xf32, #tpu.memory_space<vmem>>
        %parallel_loop3A_1321 = tpu.memref_squeeze %parallel_loop3A_1320 : memref<1x64x128xf32, #tpu.memory_space<vmem>> -> memref<64x128xf32, #tpu.memory_space<vmem>>
        tpu.vector_store_idx %parallel_loop3A_1321[%parallel_loop3A_1251, %add3A_51], %parallel_loop3A_1316 : memref<64x128xf32, #tpu.memory_space<vmem>>[vector<16xi32>, vector<16xi32>], vector<16xf32>,
        %parallel_loop3A_1322 = arith.constant 0 : i32
        %parallel_loop3A_1323 = arith.constant 0 : i32
        %parallel_loop3A_1324 = arith.constant 0 : i32
        %parallel_loop3A_1325 = tpu.memref_slice %arg8[%parallel_loop3A_1322, %parallel_loop3A_1323, %parallel_loop3A_1324] : memref<2x128x64xf32, #tpu.memory_space<vmem>> -> memref<1x128x64xf32, #tpu.memory_space<vmem>>
        %parallel_loop3A_1326 = tpu.memref_squeeze %parallel_loop3A_1325 : memref<1x128x64xf32, #tpu.memory_space<vmem>> -> memref<128x64xf32, #tpu.memory_space<vmem>>
        %parallel_loop3A_1327 = tpu.vector_load_idx %parallel_loop3A_1326[%add3A_54, %parallel_loop3A_1251] : memref<128x64xf32, #tpu.memory_space<vmem>>[vector<16xi32>, vector<16xi32>], vector<16xf32>,
        %parallel_loop3A_1328 = arith.addf %parallel_loop3A_1327, %parallel_loop3A_1261 : vector<16xf32>
        %parallel_loop3A_1329 = arith.constant 0 : i32
        %parallel_loop3A_1330 = arith.constant 0 : i32
        %parallel_loop3A_1331 = arith.constant 0 : i32
        %parallel_loop3A_1332 = tpu.memref_slice %arg9[%parallel_loop3A_1329, %parallel_loop3A_1330, %parallel_loop3A_1331] : memref<2x64x128xf32, #tpu.memory_space<vmem>> -> memref<1x64x128xf32, #tpu.memory_space<vmem>>
        %parallel_loop3A_1333 = tpu.memref_squeeze %parallel_loop3A_1332 : memref<1x64x128xf32, #tpu.memory_space<vmem>> -> memref<64x128xf32, #tpu.memory_space<vmem>>
        tpu.vector_store_idx %parallel_loop3A_1333[%parallel_loop3A_1251, %add3A_54], %parallel_loop3A_1328 : memref<64x128xf32, #tpu.memory_space<vmem>>[vector<16xi32>, vector<16xi32>], vector<16xf32>,
        %parallel_loop3A_1334 = arith.constant 0 : i32
        %parallel_loop3A_1335 = arith.constant 0 : i32
        %parallel_loop3A_1336 = arith.constant 0 : i32
        %parallel_loop3A_1337 = tpu.memref_slice %arg8[%parallel_loop3A_1334, %parallel_loop3A_1335, %parallel_loop3A_1336] : memref<2x128x64xf32, #tpu.memory_space<vmem>> -> memref<1x128x64xf32, #tpu.memory_space<vmem>>
        %parallel_loop3A_1338 = tpu.memref_squeeze %parallel_loop3A_1337 : memref<1x128x64xf32, #tpu.memory_space<vmem>> -> memref<128x64xf32, #tpu.memory_space<vmem>>
        %parallel_loop3A_1339 = tpu.vector_load_idx %parallel_loop3A_1338[%add3A_57, %parallel_loop3A_1251] : memref<128x64xf32, #tpu.memory_space<vmem>>[vector<16xi32>, vector<16xi32>], vector<16xf32>,
        %parallel_loop3A_1340 = arith.addf %parallel_loop3A_1339, %parallel_loop3A_1261 : vector<16xf32>
        %parallel_loop3A_1341 = arith.constant 0 : i32
        %parallel_loop3A_1342 = arith.constant 0 : i32
        %parallel_loop3A_1343 = arith.constant 0 : i32
        %parallel_loop3A_1344 = tpu.memref_slice %arg9[%parallel_loop3A_1341, %parallel_loop3A_1342, %parallel_loop3A_1343] : memref<2x64x128xf32, #tpu.memory_space<vmem>> -> memref<1x64x128xf32, #tpu.memory_space<vmem>>
        %parallel_loop3A_1345 = tpu.memref_squeeze %parallel_loop3A_1344 : memref<1x64x128xf32, #tpu.memory_space<vmem>> -> memref<64x128xf32, #tpu.memory_space<vmem>>
        tpu.vector_store_idx %parallel_loop3A_1345[%parallel_loop3A_1251, %add3A_57], %parallel_loop3A_1340 : memref<64x128xf32, #tpu.memory_space<vmem>>[vector<16xi32>, vector<16xi32>], vector<16xf32>,
        %parallel_loop3A_1346 = arith.constant 0 : i32
        %parallel_loop3A_1347 = arith.constant 0 : i32
        %parallel_loop3A_1348 = arith.constant 0 : i32
        %parallel_loop3A_1349 = tpu.memref_slice %arg8[%parallel_loop3A_1346, %parallel_loop3A_1347, %parallel_loop3A_1348] : memref<2x128x64xf32, #tpu.memory_space<vmem>> -> memref<1x128x64xf32, #tpu.memory_space<vmem>>
        %parallel_loop3A_1350 = tpu.memref_squeeze %parallel_loop3A_1349 : memref<1x128x64xf32, #tpu.memory_space<vmem>> -> memref<128x64xf32, #tpu.memory_space<vmem>>
        %parallel_loop3A_1351 = tpu.vector_load_idx %parallel_loop3A_1350[%add3A_60, %parallel_loop3A_1251] : memref<128x64xf32, #tpu.memory_space<vmem>>[vector<16xi32>, vector<16xi32>], vector<16xf32>,
        %parallel_loop3A_1352 = arith.addf %parallel_loop3A_1351, %parallel_loop3A_1261 : vector<16xf32>
        %parallel_loop3A_1353 = arith.constant 0 : i32
        %parallel_loop3A_1354 = arith.constant 0 : i32
        %parallel_loop3A_1355 = arith.constant 0 : i32
        %parallel_loop3A_1356 = tpu.memref_slice %arg9[%parallel_loop3A_1353, %parallel_loop3A_1354, %parallel_loop3A_1355] : memref<2x64x128xf32, #tpu.memory_space<vmem>> -> memref<1x64x128xf32, #tpu.memory_space<vmem>>
        %parallel_loop3A_1357 = tpu.memref_squeeze %parallel_loop3A_1356 : memref<1x64x128xf32, #tpu.memory_space<vmem>> -> memref<64x128xf32, #tpu.memory_space<vmem>>
        tpu.vector_store_idx %parallel_loop3A_1357[%parallel_loop3A_1251, %add3A_60], %parallel_loop3A_1352 : memref<64x128xf32, #tpu.memory_space<vmem>>[vector<16xi32>, vector<16xi32>], vector<16xf32>,
      } {sc.loop_unroll_factor = 8 : i64, sc.parallel_access}
      %add3A_505 = arith.addi %mul3A_18, %add3A_452 : i32
      %dma_start3A_506 = arith.constant 0 : i32
      %dma_start3A_507 = arith.constant 0 : i32
      %dma_start3A_508 = arith.constant 0 : i32
      %dma_start3A_509 = arith.constant 0 : i32
      %dma_start3A_510 = arith.constant 0 : i32
      %dma_start3A_511 = tpu.memref_slice %arg9[%dma_start3A_506, %dma_start3A_509, %dma_start3A_510] : memref<2x64x128xf32, #tpu.memory_space<vmem>> -> memref<1x8x128xf32, #tpu.memory_space<vmem>>
      %dma_start3A_512 = tpu.memref_squeeze %dma_start3A_511 : memref<1x8x128xf32, #tpu.memory_space<vmem>> -> memref<8x128xf32, #tpu.memory_space<vmem>>
      %dma_start3A_513 = arith.constant 0 : i32
      %dma_start3A_514 = arith.constant 0 : i32
      %dma_start3A_515 = tpu.memref_slice %arg5[%add3A_505, %dma_start3A_507, %select_n3A_32, %dma_start3A_513, %dma_start3A_514] : memref<200x8x8x8x128xf32, #tpu.memory_space<hbm>> -> memref<1x1x1x8x128xf32, #tpu.memory_space<hbm>>
      %dma_start3A_516 = tpu.memref_squeeze %dma_start3A_515 : memref<1x1x1x8x128xf32, #tpu.memory_space<hbm>> -> memref<8x128xf32, #tpu.memory_space<hbm>>
      %dma_start3A_517 = tpu.memref_slice %arg11[%dma_start3A_508] : memref<2x!tpu.dma_semaphore, #tpu.memory_space<semaphore_mem>> -> memref<1x!tpu.dma_semaphore, #tpu.memory_space<semaphore_mem>>
      %dma_start3A_518 = tpu.memref_squeeze %dma_start3A_517 : memref<1x!tpu.dma_semaphore, #tpu.memory_space<semaphore_mem>> -> memref<!tpu.dma_semaphore, #tpu.memory_space<semaphore_mem>>
      %dma_start3A_519 = arith.constant 0 : i32
      %dma_start3A_520 = arith.constant 0 : i32
      %dma_start3A_521 = tpu.memref_slice %arg5[%add3A_505, %dma_start3A_507, %select_n3A_32, %dma_start3A_519, %dma_start3A_520] : memref<200x8x8x8x128xf32, #tpu.memory_space<hbm>> -> memref<1x1x1x8x128xf32, #tpu.memory_space<hbm>>
      %dma_start3A_522 = tpu.memref_squeeze %dma_start3A_521 : memref<1x1x1x8x128xf32, #tpu.memory_space<hbm>> -> memref<8x128xf32, #tpu.memory_space<hbm>>
      %dma_start3A_523 = arith.constant 0 : i32
      %dma_start3A_524 = arith.constant 0 : i32
      %dma_start3A_525 = tpu.memref_slice %arg9[%dma_start3A_506, %dma_start3A_523, %dma_start3A_524] : memref<2x64x128xf32, #tpu.memory_space<vmem>> -> memref<1x8x128xf32, #tpu.memory_space<vmem>>
      %dma_start3A_526 = tpu.memref_squeeze %dma_start3A_525 : memref<1x8x128xf32, #tpu.memory_space<vmem>> -> memref<8x128xf32, #tpu.memory_space<vmem>>
      tpu.enqueue_dma source(%dma_start3A_526 : memref<8x128xf32, #tpu.memory_space<vmem>>) target(%dma_start3A_522 : memref<8x128xf32, #tpu.memory_space<hbm>>) target_semaphore(%dma_start3A_518 : memref<!tpu.dma_semaphore, #tpu.memory_space<semaphore_mem>>)
      %add3A_527 = arith.addi %mul3A_18, %add3A_452 : i32
      %dma_start3A_528 = arith.constant 0 : i32
      %dma_start3A_529 = arith.constant 1 : i32
      %dma_start3A_530 = arith.constant 0 : i32
      %dma_start3A_531 = arith.constant 8 : i32
      %dma_start3A_532 = arith.constant 0 : i32
      %dma_start3A_533 = tpu.memref_slice %arg9[%dma_start3A_528, %dma_start3A_531, %dma_start3A_532] : memref<2x64x128xf32, #tpu.memory_space<vmem>> -> memref<1x8x128xf32, #tpu.memory_space<vmem>>
      %dma_start3A_534 = tpu.memref_squeeze %dma_start3A_533 : memref<1x8x128xf32, #tpu.memory_space<vmem>> -> memref<8x128xf32, #tpu.memory_space<vmem>>
      %dma_start3A_535 = arith.constant 0 : i32
      %dma_start3A_536 = arith.constant 0 : i32
      %dma_start3A_537 = tpu.memref_slice %arg5[%add3A_527, %dma_start3A_529, %select_n3A_32, %dma_start3A_535, %dma_start3A_536] : memref<200x8x8x8x128xf32, #tpu.memory_space<hbm>> -> memref<1x1x1x8x128xf32, #tpu.memory_space<hbm>>
      %dma_start3A_538 = tpu.memref_squeeze %dma_start3A_537 : memref<1x1x1x8x128xf32, #tpu.memory_space<hbm>> -> memref<8x128xf32, #tpu.memory_space<hbm>>
      %dma_start3A_539 = tpu.memref_slice %arg11[%dma_start3A_530] : memref<2x!tpu.dma_semaphore, #tpu.memory_space<semaphore_mem>> -> memref<1x!tpu.dma_semaphore, #tpu.memory_space<semaphore_mem>>
      %dma_start3A_540 = tpu.memref_squeeze %dma_start3A_539 : memref<1x!tpu.dma_semaphore, #tpu.memory_space<semaphore_mem>> -> memref<!tpu.dma_semaphore, #tpu.memory_space<semaphore_mem>>
      %dma_start3A_541 = arith.constant 0 : i32
      %dma_start3A_542 = arith.constant 0 : i32
      %dma_start3A_543 = tpu.memref_slice %arg5[%add3A_527, %dma_start3A_529, %select_n3A_32, %dma_start3A_541, %dma_start3A_542] : memref<200x8x8x8x128xf32, #tpu.memory_space<hbm>> -> memref<1x1x1x8x128xf32, #tpu.memory_space<hbm>>
      %dma_start3A_544 = tpu.memref_squeeze %dma_start3A_543 : memref<1x1x1x8x128xf32, #tpu.memory_space<hbm>> -> memref<8x128xf32, #tpu.memory_space<hbm>>
      %dma_start3A_545 = arith.constant 8 : i32
      %dma_start3A_546 = arith.constant 0 : i32
      %dma_start3A_547 = tpu.memref_slice %arg9[%dma_start3A_528, %dma_start3A_545, %dma_start3A_546] : memref<2x64x128xf32, #tpu.memory_space<vmem>> -> memref<1x8x128xf32, #tpu.memory_space<vmem>>
      %dma_start3A_548 = tpu.memref_squeeze %dma_start3A_547 : memref<1x8x128xf32, #tpu.memory_space<vmem>> -> memref<8x128xf32, #tpu.memory_space<vmem>>
      tpu.enqueue_dma source(%dma_start3A_548 : memref<8x128xf32, #tpu.memory_space<vmem>>) target(%dma_start3A_544 : memref<8x128xf32, #tpu.memory_space<hbm>>) target_semaphore(%dma_start3A_540 : memref<!tpu.dma_semaphore, #tpu.memory_space<semaphore_mem>>)
      %add3A_549 = arith.addi %mul3A_18, %add3A_452 : i32
      %dma_start3A_550 = arith.constant 0 : i32
      %dma_start3A_551 = arith.constant 2 : i32
      %dma_start3A_552 = arith.constant 0 : i32
      %dma_start3A_553 = arith.constant 16 : i32
      %dma_start3A_554 = arith.constant 0 : i32
      %dma_start3A_555 = tpu.memref_slice %arg9[%dma_start3A_550, %dma_start3A_553, %dma_start3A_554] : memref<2x64x128xf32, #tpu.memory_space<vmem>> -> memref<1x8x128xf32, #tpu.memory_space<vmem>>
      %dma_start3A_556 = tpu.memref_squeeze %dma_start3A_555 : memref<1x8x128xf32, #tpu.memory_space<vmem>> -> memref<8x128xf32, #tpu.memory_space<vmem>>
      %dma_start3A_557 = arith.constant 0 : i32
      %dma_start3A_558 = arith.constant 0 : i32
      %dma_start3A_559 = tpu.memref_slice %arg5[%add3A_549, %dma_start3A_551, %select_n3A_32, %dma_start3A_557, %dma_start3A_558] : memref<200x8x8x8x128xf32, #tpu.memory_space<hbm>> -> memref<1x1x1x8x128xf32, #tpu.memory_space<hbm>>
      %dma_start3A_560 = tpu.memref_squeeze %dma_start3A_559 : memref<1x1x1x8x128xf32, #tpu.memory_space<hbm>> -> memref<8x128xf32, #tpu.memory_space<hbm>>
      %dma_start3A_561 = tpu.memref_slice %arg11[%dma_start3A_552] : memref<2x!tpu.dma_semaphore, #tpu.memory_space<semaphore_mem>> -> memref<1x!tpu.dma_semaphore, #tpu.memory_space<semaphore_mem>>
      %dma_start3A_562 = tpu.memref_squeeze %dma_start3A_561 : memref<1x!tpu.dma_semaphore, #tpu.memory_space<semaphore_mem>> -> memref<!tpu.dma_semaphore, #tpu.memory_space<semaphore_mem>>
      %dma_start3A_563 = arith.constant 0 : i32
      %dma_start3A_564 = arith.constant 0 : i32
      %dma_start3A_565 = tpu.memref_slice %arg5[%add3A_549, %dma_start3A_551, %select_n3A_32, %dma_start3A_563, %dma_start3A_564] : memref<200x8x8x8x128xf32, #tpu.memory_space<hbm>> -> memref<1x1x1x8x128xf32, #tpu.memory_space<hbm>>
      %dma_start3A_566 = tpu.memref_squeeze %dma_start3A_565 : memref<1x1x1x8x128xf32, #tpu.memory_space<hbm>> -> memref<8x128xf32, #tpu.memory_space<hbm>>
      %dma_start3A_567 = arith.constant 16 : i32
      %dma_start3A_568 = arith.constant 0 : i32
      %dma_start3A_569 = tpu.memref_slice %arg9[%dma_start3A_550, %dma_start3A_567, %dma_start3A_568] : memref<2x64x128xf32, #tpu.memory_space<vmem>> -> memref<1x8x128xf32, #tpu.memory_space<vmem>>
      %dma_start3A_570 = tpu.memref_squeeze %dma_start3A_569 : memref<1x8x128xf32, #tpu.memory_space<vmem>> -> memref<8x128xf32, #tpu.memory_space<vmem>>
      tpu.enqueue_dma source(%dma_start3A_570 : memref<8x128xf32, #tpu.memory_space<vmem>>) target(%dma_start3A_566 : memref<8x128xf32, #tpu.memory_space<hbm>>) target_semaphore(%dma_start3A_562 : memref<!tpu.dma_semaphore, #tpu.memory_space<semaphore_mem>>)
      %add3A_571 = arith.addi %mul3A_18, %add3A_452 : i32
      %dma_start3A_572 = arith.constant 0 : i32
      %dma_start3A_573 = arith.constant 3 : i32
      %dma_start3A_574 = arith.constant 0 : i32
      %dma_start3A_575 = arith.constant 24 : i32
      %dma_start3A_576 = arith.constant 0 : i32
      %dma_start3A_577 = tpu.memref_slice %arg9[%dma_start3A_572, %dma_start3A_575, %dma_start3A_576] : memref<2x64x128xf32, #tpu.memory_space<vmem>> -> memref<1x8x128xf32, #tpu.memory_space<vmem>>
      %dma_start3A_578 = tpu.memref_squeeze %dma_start3A_577 : memref<1x8x128xf32, #tpu.memory_space<vmem>> -> memref<8x128xf32, #tpu.memory_space<vmem>>
      %dma_start3A_579 = arith.constant 0 : i32
      %dma_start3A_580 = arith.constant 0 : i32
      %dma_start3A_581 = tpu.memref_slice %arg5[%add3A_571, %dma_start3A_573, %select_n3A_32, %dma_start3A_579, %dma_start3A_580] : memref<200x8x8x8x128xf32, #tpu.memory_space<hbm>> -> memref<1x1x1x8x128xf32, #tpu.memory_space<hbm>>
      %dma_start3A_582 = tpu.memref_squeeze %dma_start3A_581 : memref<1x1x1x8x128xf32, #tpu.memory_space<hbm>> -> memref<8x128xf32, #tpu.memory_space<hbm>>
      %dma_start3A_583 = tpu.memref_slice %arg11[%dma_start3A_574] : memref<2x!tpu.dma_semaphore, #tpu.memory_space<semaphore_mem>> -> memref<1x!tpu.dma_semaphore, #tpu.memory_space<semaphore_mem>>
      %dma_start3A_584 = tpu.memref_squeeze %dma_start3A_583 : memref<1x!tpu.dma_semaphore, #tpu.memory_space<semaphore_mem>> -> memref<!tpu.dma_semaphore, #tpu.memory_space<semaphore_mem>>
      %dma_start3A_585 = arith.constant 0 : i32
      %dma_start3A_586 = arith.constant 0 : i32
      %dma_start3A_587 = tpu.memref_slice %arg5[%add3A_571, %dma_start3A_573, %select_n3A_32, %dma_start3A_585, %dma_start3A_586] : memref<200x8x8x8x128xf32, #tpu.memory_space<hbm>> -> memref<1x1x1x8x128xf32, #tpu.memory_space<hbm>>
      %dma_start3A_588 = tpu.memref_squeeze %dma_start3A_587 : memref<1x1x1x8x128xf32, #tpu.memory_space<hbm>> -> memref<8x128xf32, #tpu.memory_space<hbm>>
      %dma_start3A_589 = arith.constant 24 : i32
      %dma_start3A_590 = arith.constant 0 : i32
      %dma_start3A_591 = tpu.memref_slice %arg9[%dma_start3A_572, %dma_start3A_589, %dma_start3A_590] : memref<2x64x128xf32, #tpu.memory_space<vmem>> -> memref<1x8x128xf32, #tpu.memory_space<vmem>>
      %dma_start3A_592 = tpu.memref_squeeze %dma_start3A_591 : memref<1x8x128xf32, #tpu.memory_space<vmem>> -> memref<8x128xf32, #tpu.memory_space<vmem>>
      tpu.enqueue_dma source(%dma_start3A_592 : memref<8x128xf32, #tpu.memory_space<vmem>>) target(%dma_start3A_588 : memref<8x128xf32, #tpu.memory_space<hbm>>) target_semaphore(%dma_start3A_584 : memref<!tpu.dma_semaphore, #tpu.memory_space<semaphore_mem>>)
      %add3A_593 = arith.addi %mul3A_18, %add3A_452 : i32
      %dma_start3A_594 = arith.constant 0 : i32
      %dma_start3A_595 = arith.constant 4 : i32
      %dma_start3A_596 = arith.constant 0 : i32
      %dma_start3A_597 = arith.constant 32 : i32
      %dma_start3A_598 = arith.constant 0 : i32
      %dma_start3A_599 = tpu.memref_slice %arg9[%dma_start3A_594, %dma_start3A_597, %dma_start3A_598] : memref<2x64x128xf32, #tpu.memory_space<vmem>> -> memref<1x8x128xf32, #tpu.memory_space<vmem>>
      %dma_start3A_600 = tpu.memref_squeeze %dma_start3A_599 : memref<1x8x128xf32, #tpu.memory_space<vmem>> -> memref<8x128xf32, #tpu.memory_space<vmem>>
      %dma_start3A_601 = arith.constant 0 : i32
      %dma_start3A_602 = arith.constant 0 : i32
      %dma_start3A_603 = tpu.memref_slice %arg5[%add3A_593, %dma_start3A_595, %select_n3A_32, %dma_start3A_601, %dma_start3A_602] : memref<200x8x8x8x128xf32, #tpu.memory_space<hbm>> -> memref<1x1x1x8x128xf32, #tpu.memory_space<hbm>>
      %dma_start3A_604 = tpu.memref_squeeze %dma_start3A_603 : memref<1x1x1x8x128xf32, #tpu.memory_space<hbm>> -> memref<8x128xf32, #tpu.memory_space<hbm>>
      %dma_start3A_605 = tpu.memref_slice %arg11[%dma_start3A_596] : memref<2x!tpu.dma_semaphore, #tpu.memory_space<semaphore_mem>> -> memref<1x!tpu.dma_semaphore, #tpu.memory_space<semaphore_mem>>
      %dma_start3A_606 = tpu.memref_squeeze %dma_start3A_605 : memref<1x!tpu.dma_semaphore, #tpu.memory_space<semaphore_mem>> -> memref<!tpu.dma_semaphore, #tpu.memory_space<semaphore_mem>>
      %dma_start3A_607 = arith.constant 0 : i32
      %dma_start3A_608 = arith.constant 0 : i32
      %dma_start3A_609 = tpu.memref_slice %arg5[%add3A_593, %dma_start3A_595, %select_n3A_32, %dma_start3A_607, %dma_start3A_608] : memref<200x8x8x8x128xf32, #tpu.memory_space<hbm>> -> memref<1x1x1x8x128xf32, #tpu.memory_space<hbm>>
      %dma_start3A_610 = tpu.memref_squeeze %dma_start3A_609 : memref<1x1x1x8x128xf32, #tpu.memory_space<hbm>> -> memref<8x128xf32, #tpu.memory_space<hbm>>
      %dma_start3A_611 = arith.constant 32 : i32
      %dma_start3A_612 = arith.constant 0 : i32
      %dma_start3A_613 = tpu.memref_slice %arg9[%dma_start3A_594, %dma_start3A_611, %dma_start3A_612] : memref<2x64x128xf32, #tpu.memory_space<vmem>> -> memref<1x8x128xf32, #tpu.memory_space<vmem>>
      %dma_start3A_614 = tpu.memref_squeeze %dma_start3A_613 : memref<1x8x128xf32, #tpu.memory_space<vmem>> -> memref<8x128xf32, #tpu.memory_space<vmem>>
      tpu.enqueue_dma source(%dma_start3A_614 : memref<8x128xf32, #tpu.memory_space<vmem>>) target(%dma_start3A_610 : memref<8x128xf32, #tpu.memory_space<hbm>>) target_semaphore(%dma_start3A_606 : memref<!tpu.dma_semaphore, #tpu.memory_space<semaphore_mem>>)
      %add3A_615 = arith.addi %mul3A_18, %add3A_452 : i32
      %dma_start3A_616 = arith.constant 0 : i32
      %dma_start3A_617 = arith.constant 5 : i32
      %dma_start3A_618 = arith.constant 0 : i32
      %dma_start3A_619 = arith.constant 40 : i32
      %dma_start3A_620 = arith.constant 0 : i32
      %dma_start3A_621 = tpu.memref_slice %arg9[%dma_start3A_616, %dma_start3A_619, %dma_start3A_620] : memref<2x64x128xf32, #tpu.memory_space<vmem>> -> memref<1x8x128xf32, #tpu.memory_space<vmem>>
      %dma_start3A_622 = tpu.memref_squeeze %dma_start3A_621 : memref<1x8x128xf32, #tpu.memory_space<vmem>> -> memref<8x128xf32, #tpu.memory_space<vmem>>
      %dma_start3A_623 = arith.constant 0 : i32
      %dma_start3A_624 = arith.constant 0 : i32
      %dma_start3A_625 = tpu.memref_slice %arg5[%add3A_615, %dma_start3A_617, %select_n3A_32, %dma_start3A_623, %dma_start3A_624] : memref<200x8x8x8x128xf32, #tpu.memory_space<hbm>> -> memref<1x1x1x8x128xf32, #tpu.memory_space<hbm>>
      %dma_start3A_626 = tpu.memref_squeeze %dma_start3A_625 : memref<1x1x1x8x128xf32, #tpu.memory_space<hbm>> -> memref<8x128xf32, #tpu.memory_space<hbm>>
      %dma_start3A_627 = tpu.memref_slice %arg11[%dma_start3A_618] : memref<2x!tpu.dma_semaphore, #tpu.memory_space<semaphore_mem>> -> memref<1x!tpu.dma_semaphore, #tpu.memory_space<semaphore_mem>>
      %dma_start3A_628 = tpu.memref_squeeze %dma_start3A_627 : memref<1x!tpu.dma_semaphore, #tpu.memory_space<semaphore_mem>> -> memref<!tpu.dma_semaphore, #tpu.memory_space<semaphore_mem>>
      %dma_start3A_629 = arith.constant 0 : i32
      %dma_start3A_630 = arith.constant 0 : i32
      %dma_start3A_631 = tpu.memref_slice %arg5[%add3A_615, %dma_start3A_617, %select_n3A_32, %dma_start3A_629, %dma_start3A_630] : memref<200x8x8x8x128xf32, #tpu.memory_space<hbm>> -> memref<1x1x1x8x128xf32, #tpu.memory_space<hbm>>
      %dma_start3A_632 = tpu.memref_squeeze %dma_start3A_631 : memref<1x1x1x8x128xf32, #tpu.memory_space<hbm>> -> memref<8x128xf32, #tpu.memory_space<hbm>>
      %dma_start3A_633 = arith.constant 40 : i32
      %dma_start3A_634 = arith.constant 0 : i32
      %dma_start3A_635 = tpu.memref_slice %arg9[%dma_start3A_616, %dma_start3A_633, %dma_start3A_634] : memref<2x64x128xf32, #tpu.memory_space<vmem>> -> memref<1x8x128xf32, #tpu.memory_space<vmem>>
      %dma_start3A_636 = tpu.memref_squeeze %dma_start3A_635 : memref<1x8x128xf32, #tpu.memory_space<vmem>> -> memref<8x128xf32, #tpu.memory_space<vmem>>
      tpu.enqueue_dma source(%dma_start3A_636 : memref<8x128xf32, #tpu.memory_space<vmem>>) target(%dma_start3A_632 : memref<8x128xf32, #tpu.memory_space<hbm>>) target_semaphore(%dma_start3A_628 : memref<!tpu.dma_semaphore, #tpu.memory_space<semaphore_mem>>)
      %add3A_637 = arith.addi %mul3A_18, %add3A_452 : i32
      %dma_start3A_638 = arith.constant 0 : i32
      %dma_start3A_639 = arith.constant 6 : i32
      %dma_start3A_640 = arith.constant 0 : i32
      %dma_start3A_641 = arith.constant 48 : i32
      %dma_start3A_642 = arith.constant 0 : i32
      %dma_start3A_643 = tpu.memref_slice %arg9[%dma_start3A_638, %dma_start3A_641, %dma_start3A_642] : memref<2x64x128xf32, #tpu.memory_space<vmem>> -> memref<1x8x128xf32, #tpu.memory_space<vmem>>
      %dma_start3A_644 = tpu.memref_squeeze %dma_start3A_643 : memref<1x8x128xf32, #tpu.memory_space<vmem>> -> memref<8x128xf32, #tpu.memory_space<vmem>>
      %dma_start3A_645 = arith.constant 0 : i32
      %dma_start3A_646 = arith.constant 0 : i32
      %dma_start3A_647 = tpu.memref_slice %arg5[%add3A_637, %dma_start3A_639, %select_n3A_32, %dma_start3A_645, %dma_start3A_646] : memref<200x8x8x8x128xf32, #tpu.memory_space<hbm>> -> memref<1x1x1x8x128xf32, #tpu.memory_space<hbm>>
      %dma_start3A_648 = tpu.memref_squeeze %dma_start3A_647 : memref<1x1x1x8x128xf32, #tpu.memory_space<hbm>> -> memref<8x128xf32, #tpu.memory_space<hbm>>
      %dma_start3A_649 = tpu.memref_slice %arg11[%dma_start3A_640] : memref<2x!tpu.dma_semaphore, #tpu.memory_space<semaphore_mem>> -> memref<1x!tpu.dma_semaphore, #tpu.memory_space<semaphore_mem>>
      %dma_start3A_650 = tpu.memref_squeeze %dma_start3A_649 : memref<1x!tpu.dma_semaphore, #tpu.memory_space<semaphore_mem>> -> memref<!tpu.dma_semaphore, #tpu.memory_space<semaphore_mem>>
      %dma_start3A_651 = arith.constant 0 : i32
      %dma_start3A_652 = arith.constant 0 : i32
      %dma_start3A_653 = tpu.memref_slice %arg5[%add3A_637, %dma_start3A_639, %select_n3A_32, %dma_start3A_651, %dma_start3A_652] : memref<200x8x8x8x128xf32, #tpu.memory_space<hbm>> -> memref<1x1x1x8x128xf32, #tpu.memory_space<hbm>>
      %dma_start3A_654 = tpu.memref_squeeze %dma_start3A_653 : memref<1x1x1x8x128xf32, #tpu.memory_space<hbm>> -> memref<8x128xf32, #tpu.memory_space<hbm>>
      %dma_start3A_655 = arith.constant 48 : i32
      %dma_start3A_656 = arith.constant 0 : i32
      %dma_start3A_657 = tpu.memref_slice %arg9[%dma_start3A_638, %dma_start3A_655, %dma_start3A_656] : memref<2x64x128xf32, #tpu.memory_space<vmem>> -> memref<1x8x128xf32, #tpu.memory_space<vmem>>
      %dma_start3A_658 = tpu.memref_squeeze %dma_start3A_657 : memref<1x8x128xf32, #tpu.memory_space<vmem>> -> memref<8x128xf32, #tpu.memory_space<vmem>>
      tpu.enqueue_dma source(%dma_start3A_658 : memref<8x128xf32, #tpu.memory_space<vmem>>) target(%dma_start3A_654 : memref<8x128xf32, #tpu.memory_space<hbm>>) target_semaphore(%dma_start3A_650 : memref<!tpu.dma_semaphore, #tpu.memory_space<semaphore_mem>>)
      %add3A_659 = arith.addi %mul3A_18, %add3A_452 : i32
      %dma_start3A_660 = arith.constant 0 : i32
      %dma_start3A_661 = arith.constant 7 : i32
      %dma_start3A_662 = arith.constant 0 : i32
      %dma_start3A_663 = arith.constant 56 : i32
      %dma_start3A_664 = arith.constant 0 : i32
      %dma_start3A_665 = tpu.memref_slice %arg9[%dma_start3A_660, %dma_start3A_663, %dma_start3A_664] : memref<2x64x128xf32, #tpu.memory_space<vmem>> -> memref<1x8x128xf32, #tpu.memory_space<vmem>>
      %dma_start3A_666 = tpu.memref_squeeze %dma_start3A_665 : memref<1x8x128xf32, #tpu.memory_space<vmem>> -> memref<8x128xf32, #tpu.memory_space<vmem>>
      %dma_start3A_667 = arith.constant 0 : i32
      %dma_start3A_668 = arith.constant 0 : i32
      %dma_start3A_669 = tpu.memref_slice %arg5[%add3A_659, %dma_start3A_661, %select_n3A_32, %dma_start3A_667, %dma_start3A_668] : memref<200x8x8x8x128xf32, #tpu.memory_space<hbm>> -> memref<1x1x1x8x128xf32, #tpu.memory_space<hbm>>
      %dma_start3A_670 = tpu.memref_squeeze %dma_start3A_669 : memref<1x1x1x8x128xf32, #tpu.memory_space<hbm>> -> memref<8x128xf32, #tpu.memory_space<hbm>>
      %dma_start3A_671 = tpu.memref_slice %arg11[%dma_start3A_662] : memref<2x!tpu.dma_semaphore, #tpu.memory_space<semaphore_mem>> -> memref<1x!tpu.dma_semaphore, #tpu.memory_space<semaphore_mem>>
      %dma_start3A_672 = tpu.memref_squeeze %dma_start3A_671 : memref<1x!tpu.dma_semaphore, #tpu.memory_space<semaphore_mem>> -> memref<!tpu.dma_semaphore, #tpu.memory_space<semaphore_mem>>
      %dma_start3A_673 = arith.constant 0 : i32
      %dma_start3A_674 = arith.constant 0 : i32
      %dma_start3A_675 = tpu.memref_slice %arg5[%add3A_659, %dma_start3A_661, %select_n3A_32, %dma_start3A_673, %dma_start3A_674] : memref<200x8x8x8x128xf32, #tpu.memory_space<hbm>> -> memref<1x1x1x8x128xf32, #tpu.memory_space<hbm>>
      %dma_start3A_676 = tpu.memref_squeeze %dma_start3A_675 : memref<1x1x1x8x128xf32, #tpu.memory_space<hbm>> -> memref<8x128xf32, #tpu.memory_space<hbm>>
      %dma_start3A_677 = arith.constant 56 : i32
      %dma_start3A_678 = arith.constant 0 : i32
      %dma_start3A_679 = tpu.memref_slice %arg9[%dma_start3A_660, %dma_start3A_677, %dma_start3A_678] : memref<2x64x128xf32, #tpu.memory_space<vmem>> -> memref<1x8x128xf32, #tpu.memory_space<vmem>>
      %dma_start3A_680 = tpu.memref_squeeze %dma_start3A_679 : memref<1x8x128xf32, #tpu.memory_space<vmem>> -> memref<8x128xf32, #tpu.memory_space<vmem>>
      tpu.enqueue_dma source(%dma_start3A_680 : memref<8x128xf32, #tpu.memory_space<vmem>>) target(%dma_start3A_676 : memref<8x128xf32, #tpu.memory_space<hbm>>) target_semaphore(%dma_start3A_672 : memref<!tpu.dma_semaphore, #tpu.memory_space<semaphore_mem>>)
      %add3A_681 = arith.constant 1 : i32
      %add3A_682 = arith.addi %add3A_450, %add3A_681 : i32
      %dma_wait3A_683 = arith.constant 1 : i32
      %dma_wait3A_684 = arith.constant 1 : i32
      %dma_wait3A_685 = arith.constant 0 : i32
      %dma_wait3A_686 = arith.constant 0 : i32
      %dma_wait3A_687 = tpu.memref_slice %arg8[%dma_wait3A_683, %dma_wait3A_685, %dma_wait3A_686] : memref<2x128x64xf32, #tpu.memory_space<vmem>> -> memref<1x128x64xf32, #tpu.memory_space<vmem>>
      %dma_wait3A_688 = tpu.memref_squeeze %dma_wait3A_687 : memref<1x128x64xf32, #tpu.memory_space<vmem>> -> memref<128x64xf32, #tpu.memory_space<vmem>>
      %dma_wait3A_689 = arith.constant 0 : i32
      %dma_wait3A_690 = arith.constant 0 : i32
      %dma_wait3A_691 = tpu.memref_slice %arg3[%dma_wait3A_689, %dma_wait3A_690] : memref<100000x64xf32, #tpu.memory_space<hbm>> -> memref<128x64xf32, #tpu.memory_space<hbm>>
      %dma_wait3A_692 = tpu.memref_slice %arg10[%dma_wait3A_684] : memref<2x!tpu.dma_semaphore, #tpu.memory_space<semaphore_mem>> -> memref<1x!tpu.dma_semaphore, #tpu.memory_space<semaphore_mem>>
      %dma_wait3A_693 = tpu.memref_squeeze %dma_wait3A_692 : memref<1x!tpu.dma_semaphore, #tpu.memory_space<semaphore_mem>> -> memref<!tpu.dma_semaphore, #tpu.memory_space<semaphore_mem>>
      %dma_wait3A_694 = arith.constant 0 : i32
      %dma_wait3A_695 = arith.constant 0 : i32
      %dma_wait3A_696 = tpu.memref_slice %arg8[%dma_wait3A_683, %dma_wait3A_694, %dma_wait3A_695] : memref<2x128x64xf32, #tpu.memory_space<vmem>> -> memref<1x128x64xf32, #tpu.memory_space<vmem>>
      %dma_wait3A_697 = tpu.memref_squeeze %dma_wait3A_696 : memref<1x128x64xf32, #tpu.memory_space<vmem>> -> memref<128x64xf32, #tpu.memory_space<vmem>>
      %dma_wait3A_698 = arith.constant 0 : i32
      %dma_wait3A_699 = arith.constant 0 : i32
      %dma_wait3A_700 = tpu.memref_slice %arg3[%dma_wait3A_698, %dma_wait3A_699] : memref<100000x64xf32, #tpu.memory_space<hbm>> -> memref<128x64xf32, #tpu.memory_space<hbm>>
      tpu.wait_dma2 semaphore(%dma_wait3A_693 : memref<!tpu.dma_semaphore, #tpu.memory_space<semaphore_mem>>) src(%dma_wait3A_700 : memref<128x64xf32, #tpu.memory_space<hbm>>) dst(%dma_wait3A_697 : memref<128x64xf32, #tpu.memory_space<vmem>>)
      %add3A_701 = arith.constant 1 : i32
      %add3A_702 = arith.addi %add3A_682, %add3A_701 : i32
      %lt3A_703 = arith.constant 50 : i32
      %lt3A_704 = arith.cmpi slt, %add3A_702, %lt3A_703 : i32
      %convert_element_type3A_705 = arith.extui %lt3A_704 : i1 to i32
      %cond3A_706 = arith.constant 0 : i32
      %cond3A_707 = arith.cmpi ne, %convert_element_type3A_705, %cond3A_706 : i32
      scf.if %cond3A_707 {
        %add3A_916 = arith.constant 1 : i32
        %add3A_917 = arith.addi %add3A_682, %add3A_916 : i32
        %dma_start3A_918 = arith.constant 0 : i32
        %dma_start3A_919 = arith.constant 0 : i32
        %dma_start3A_920 = arith.constant 0 : i32
        %dma_start3A_921 = arith.constant 0 : i32
        %dma_start3A_922 = tpu.memref_slice %arg8[%dma_start3A_918, %dma_start3A_920, %dma_start3A_921] : memref<2x128x64xf32, #tpu.memory_space<vmem>> -> memref<1x128x64xf32, #tpu.memory_space<vmem>>
        %dma_start3A_923 = tpu.memref_squeeze %dma_start3A_922 : memref<1x128x64xf32, #tpu.memory_space<vmem>> -> memref<128x64xf32, #tpu.memory_space<vmem>>
        %dma_start3A_924 = arith.constant 0 : i32
        %dma_start3A_925 = tpu.memref_slice %arg6[%add3A_917, %dma_start3A_924] : memref<50x128xi32, #tpu.memory_space<vmem>> -> memref<1x128xi32, #tpu.memory_space<vmem>>
        %dma_start3A_926 = tpu.memref_squeeze %dma_start3A_925 : memref<1x128xi32, #tpu.memory_space<vmem>> -> memref<128xi32, #tpu.memory_space<vmem>>
        %dma_start3A_927 = arith.constant 0 : i32
        %dma_start3A_928 = arith.constant 0 : i32
        %dma_start3A_929 = tpu.memref_slice %arg3[%dma_start3A_927, %dma_start3A_928] : memref<100000x64xf32, #tpu.memory_space<hbm>> -> memref<100000x64xf32, #tpu.memory_space<hbm>>
        %dma_start3A_930 = tpu.memref_slice %arg10[%dma_start3A_919] : memref<2x!tpu.dma_semaphore, #tpu.memory_space<semaphore_mem>> -> memref<1x!tpu.dma_semaphore, #tpu.memory_space<semaphore_mem>>
        %dma_start3A_931 = tpu.memref_squeeze %dma_start3A_930 : memref<1x!tpu.dma_semaphore, #tpu.memory_space<semaphore_mem>> -> memref<!tpu.dma_semaphore, #tpu.memory_space<semaphore_mem>>
        tpu.enqueue_indirect_dma source(%dma_start3A_929 : memref<100000x64xf32, #tpu.memory_space<hbm>>) target(%dma_start3A_923 : memref<128x64xf32, #tpu.memory_space<vmem>>) offsets(%dma_start3A_926 : memref<128xi32, #tpu.memory_space<vmem>>) semaphore(%dma_start3A_931 : memref<!tpu.dma_semaphore, #tpu.memory_space<semaphore_mem>>)
      } else {
      }
      %ge3A_708 = arith.constant 2 : i32
      %ge3A_709 = arith.cmpi sge, %add3A_682, %ge3A_708 : i32
      %convert_element_type3A_710 = arith.extui %ge3A_709 : i1 to i32
      %cond3A_711 = arith.constant 0 : i32
      %cond3A_712 = arith.cmpi ne, %convert_element_type3A_710, %cond3A_711 : i32
      scf.if %cond3A_712 {
        %dma_wait3A_916 = arith.constant 1 : i32
        %dma_wait3A_917 = arith.constant 0 : i32
        %dma_wait3A_918 = arith.constant 0 : i32
        %dma_wait3A_919 = arith.constant 0 : i32
        %dma_wait3A_920 = arith.constant 1 : i32
        %dma_wait3A_921 = arith.constant 0 : i32
        %dma_wait3A_922 = arith.constant 0 : i32
        %dma_wait3A_923 = tpu.memref_slice %arg9[%dma_wait3A_916, %dma_wait3A_921, %dma_wait3A_922] : memref<2x64x128xf32, #tpu.memory_space<vmem>> -> memref<1x8x128xf32, #tpu.memory_space<vmem>>
        %dma_wait3A_924 = tpu.memref_squeeze %dma_wait3A_923 : memref<1x8x128xf32, #tpu.memory_space<vmem>> -> memref<8x128xf32, #tpu.memory_space<vmem>>
        %dma_wait3A_925 = arith.constant 0 : i32
        %dma_wait3A_926 = arith.constant 0 : i32
        %dma_wait3A_927 = tpu.memref_slice %arg5[%dma_wait3A_917, %dma_wait3A_918, %dma_wait3A_919, %dma_wait3A_925, %dma_wait3A_926] : memref<200x8x8x8x128xf32, #tpu.memory_space<hbm>> -> memref<1x1x1x8x128xf32, #tpu.memory_space<hbm>>
        %dma_wait3A_928 = tpu.memref_squeeze %dma_wait3A_927 : memref<1x1x1x8x128xf32, #tpu.memory_space<hbm>> -> memref<8x128xf32, #tpu.memory_space<hbm>>
        %dma_wait3A_929 = tpu.memref_slice %arg11[%dma_wait3A_920] : memref<2x!tpu.dma_semaphore, #tpu.memory_space<semaphore_mem>> -> memref<1x!tpu.dma_semaphore, #tpu.memory_space<semaphore_mem>>
        %dma_wait3A_930 = tpu.memref_squeeze %dma_wait3A_929 : memref<1x!tpu.dma_semaphore, #tpu.memory_space<semaphore_mem>> -> memref<!tpu.dma_semaphore, #tpu.memory_space<semaphore_mem>>
        %dma_wait3A_931 = arith.constant 0 : i32
        %dma_wait3A_932 = arith.constant 0 : i32
        %dma_wait3A_933 = tpu.memref_slice %arg5[%dma_wait3A_917, %dma_wait3A_918, %dma_wait3A_919, %dma_wait3A_931, %dma_wait3A_932] : memref<200x8x8x8x128xf32, #tpu.memory_space<hbm>> -> memref<1x1x1x8x128xf32, #tpu.memory_space<hbm>>
        %dma_wait3A_934 = tpu.memref_squeeze %dma_wait3A_933 : memref<1x1x1x8x128xf32, #tpu.memory_space<hbm>> -> memref<8x128xf32, #tpu.memory_space<hbm>>
        %dma_wait3A_935 = arith.constant 0 : i32
        %dma_wait3A_936 = arith.constant 0 : i32
        %dma_wait3A_937 = tpu.memref_slice %arg9[%dma_wait3A_916, %dma_wait3A_935, %dma_wait3A_936] : memref<2x64x128xf32, #tpu.memory_space<vmem>> -> memref<1x8x128xf32, #tpu.memory_space<vmem>>
        %dma_wait3A_938 = tpu.memref_squeeze %dma_wait3A_937 : memref<1x8x128xf32, #tpu.memory_space<vmem>> -> memref<8x128xf32, #tpu.memory_space<vmem>>
        tpu.wait_dma2 semaphore(%dma_wait3A_930 : memref<!tpu.dma_semaphore, #tpu.memory_space<semaphore_mem>>) src(%dma_wait3A_938 : memref<8x128xf32, #tpu.memory_space<vmem>>) dst(%dma_wait3A_934 : memref<8x128xf32, #tpu.memory_space<hbm>>)
        %dma_wait3A_939 = arith.constant 1 : i32
        %dma_wait3A_940 = arith.constant 0 : i32
        %dma_wait3A_941 = arith.constant 0 : i32
        %dma_wait3A_942 = arith.constant 0 : i32
        %dma_wait3A_943 = arith.constant 1 : i32
        %dma_wait3A_944 = arith.constant 8 : i32
        %dma_wait3A_945 = arith.constant 0 : i32
        %dma_wait3A_946 = tpu.memref_slice %arg9[%dma_wait3A_939, %dma_wait3A_944, %dma_wait3A_945] : memref<2x64x128xf32, #tpu.memory_space<vmem>> -> memref<1x8x128xf32, #tpu.memory_space<vmem>>
        %dma_wait3A_947 = tpu.memref_squeeze %dma_wait3A_946 : memref<1x8x128xf32, #tpu.memory_space<vmem>> -> memref<8x128xf32, #tpu.memory_space<vmem>>
        %dma_wait3A_948 = arith.constant 0 : i32
        %dma_wait3A_949 = arith.constant 0 : i32
        %dma_wait3A_950 = tpu.memref_slice %arg5[%dma_wait3A_940, %dma_wait3A_941, %dma_wait3A_942, %dma_wait3A_948, %dma_wait3A_949] : memref<200x8x8x8x128xf32, #tpu.memory_space<hbm>> -> memref<1x1x1x8x128xf32, #tpu.memory_space<hbm>>
        %dma_wait3A_951 = tpu.memref_squeeze %dma_wait3A_950 : memref<1x1x1x8x128xf32, #tpu.memory_space<hbm>> -> memref<8x128xf32, #tpu.memory_space<hbm>>
        %dma_wait3A_952 = tpu.memref_slice %arg11[%dma_wait3A_943] : memref<2x!tpu.dma_semaphore, #tpu.memory_space<semaphore_mem>> -> memref<1x!tpu.dma_semaphore, #tpu.memory_space<semaphore_mem>>
        %dma_wait3A_953 = tpu.memref_squeeze %dma_wait3A_952 : memref<1x!tpu.dma_semaphore, #tpu.memory_space<semaphore_mem>> -> memref<!tpu.dma_semaphore, #tpu.memory_space<semaphore_mem>>
        %dma_wait3A_954 = arith.constant 0 : i32
        %dma_wait3A_955 = arith.constant 0 : i32
        %dma_wait3A_956 = tpu.memref_slice %arg5[%dma_wait3A_940, %dma_wait3A_941, %dma_wait3A_942, %dma_wait3A_954, %dma_wait3A_955] : memref<200x8x8x8x128xf32, #tpu.memory_space<hbm>> -> memref<1x1x1x8x128xf32, #tpu.memory_space<hbm>>
        %dma_wait3A_957 = tpu.memref_squeeze %dma_wait3A_956 : memref<1x1x1x8x128xf32, #tpu.memory_space<hbm>> -> memref<8x128xf32, #tpu.memory_space<hbm>>
        %dma_wait3A_958 = arith.constant 8 : i32
        %dma_wait3A_959 = arith.constant 0 : i32
        %dma_wait3A_960 = tpu.memref_slice %arg9[%dma_wait3A_939, %dma_wait3A_958, %dma_wait3A_959] : memref<2x64x128xf32, #tpu.memory_space<vmem>> -> memref<1x8x128xf32, #tpu.memory_space<vmem>>
        %dma_wait3A_961 = tpu.memref_squeeze %dma_wait3A_960 : memref<1x8x128xf32, #tpu.memory_space<vmem>> -> memref<8x128xf32, #tpu.memory_space<vmem>>
        tpu.wait_dma2 semaphore(%dma_wait3A_953 : memref<!tpu.dma_semaphore, #tpu.memory_space<semaphore_mem>>) src(%dma_wait3A_961 : memref<8x128xf32, #tpu.memory_space<vmem>>) dst(%dma_wait3A_957 : memref<8x128xf32, #tpu.memory_space<hbm>>)
        %dma_wait3A_962 = arith.constant 1 : i32
        %dma_wait3A_963 = arith.constant 0 : i32
        %dma_wait3A_964 = arith.constant 0 : i32
        %dma_wait3A_965 = arith.constant 0 : i32
        %dma_wait3A_966 = arith.constant 1 : i32
        %dma_wait3A_967 = arith.constant 16 : i32
        %dma_wait3A_968 = arith.constant 0 : i32
        %dma_wait3A_969 = tpu.memref_slice %arg9[%dma_wait3A_962, %dma_wait3A_967, %dma_wait3A_968] : memref<2x64x128xf32, #tpu.memory_space<vmem>> -> memref<1x8x128xf32, #tpu.memory_space<vmem>>
        %dma_wait3A_970 = tpu.memref_squeeze %dma_wait3A_969 : memref<1x8x128xf32, #tpu.memory_space<vmem>> -> memref<8x128xf32, #tpu.memory_space<vmem>>
        %dma_wait3A_971 = arith.constant 0 : i32
        %dma_wait3A_972 = arith.constant 0 : i32
        %dma_wait3A_973 = tpu.memref_slice %arg5[%dma_wait3A_963, %dma_wait3A_964, %dma_wait3A_965, %dma_wait3A_971, %dma_wait3A_972] : memref<200x8x8x8x128xf32, #tpu.memory_space<hbm>> -> memref<1x1x1x8x128xf32, #tpu.memory_space<hbm>>
        %dma_wait3A_974 = tpu.memref_squeeze %dma_wait3A_973 : memref<1x1x1x8x128xf32, #tpu.memory_space<hbm>> -> memref<8x128xf32, #tpu.memory_space<hbm>>
        %dma_wait3A_975 = tpu.memref_slice %arg11[%dma_wait3A_966] : memref<2x!tpu.dma_semaphore, #tpu.memory_space<semaphore_mem>> -> memref<1x!tpu.dma_semaphore, #tpu.memory_space<semaphore_mem>>
        %dma_wait3A_976 = tpu.memref_squeeze %dma_wait3A_975 : memref<1x!tpu.dma_semaphore, #tpu.memory_space<semaphore_mem>> -> memref<!tpu.dma_semaphore, #tpu.memory_space<semaphore_mem>>
        %dma_wait3A_977 = arith.constant 0 : i32
        %dma_wait3A_978 = arith.constant 0 : i32
        %dma_wait3A_979 = tpu.memref_slice %arg5[%dma_wait3A_963, %dma_wait3A_964, %dma_wait3A_965, %dma_wait3A_977, %dma_wait3A_978] : memref<200x8x8x8x128xf32, #tpu.memory_space<hbm>> -> memref<1x1x1x8x128xf32, #tpu.memory_space<hbm>>
        %dma_wait3A_980 = tpu.memref_squeeze %dma_wait3A_979 : memref<1x1x1x8x128xf32, #tpu.memory_space<hbm>> -> memref<8x128xf32, #tpu.memory_space<hbm>>
        %dma_wait3A_981 = arith.constant 16 : i32
        %dma_wait3A_982 = arith.constant 0 : i32
        %dma_wait3A_983 = tpu.memref_slice %arg9[%dma_wait3A_962, %dma_wait3A_981, %dma_wait3A_982] : memref<2x64x128xf32, #tpu.memory_space<vmem>> -> memref<1x8x128xf32, #tpu.memory_space<vmem>>
        %dma_wait3A_984 = tpu.memref_squeeze %dma_wait3A_983 : memref<1x8x128xf32, #tpu.memory_space<vmem>> -> memref<8x128xf32, #tpu.memory_space<vmem>>
        tpu.wait_dma2 semaphore(%dma_wait3A_976 : memref<!tpu.dma_semaphore, #tpu.memory_space<semaphore_mem>>) src(%dma_wait3A_984 : memref<8x128xf32, #tpu.memory_space<vmem>>) dst(%dma_wait3A_980 : memref<8x128xf32, #tpu.memory_space<hbm>>)
        %dma_wait3A_985 = arith.constant 1 : i32
        %dma_wait3A_986 = arith.constant 0 : i32
        %dma_wait3A_987 = arith.constant 0 : i32
        %dma_wait3A_988 = arith.constant 0 : i32
        %dma_wait3A_989 = arith.constant 1 : i32
        %dma_wait3A_990 = arith.constant 24 : i32
        %dma_wait3A_991 = arith.constant 0 : i32
        %dma_wait3A_992 = tpu.memref_slice %arg9[%dma_wait3A_985, %dma_wait3A_990, %dma_wait3A_991] : memref<2x64x128xf32, #tpu.memory_space<vmem>> -> memref<1x8x128xf32, #tpu.memory_space<vmem>>
        %dma_wait3A_993 = tpu.memref_squeeze %dma_wait3A_992 : memref<1x8x128xf32, #tpu.memory_space<vmem>> -> memref<8x128xf32, #tpu.memory_space<vmem>>
        %dma_wait3A_994 = arith.constant 0 : i32
        %dma_wait3A_995 = arith.constant 0 : i32
        %dma_wait3A_996 = tpu.memref_slice %arg5[%dma_wait3A_986, %dma_wait3A_987, %dma_wait3A_988, %dma_wait3A_994, %dma_wait3A_995] : memref<200x8x8x8x128xf32, #tpu.memory_space<hbm>> -> memref<1x1x1x8x128xf32, #tpu.memory_space<hbm>>
        %dma_wait3A_997 = tpu.memref_squeeze %dma_wait3A_996 : memref<1x1x1x8x128xf32, #tpu.memory_space<hbm>> -> memref<8x128xf32, #tpu.memory_space<hbm>>
        %dma_wait3A_998 = tpu.memref_slice %arg11[%dma_wait3A_989] : memref<2x!tpu.dma_semaphore, #tpu.memory_space<semaphore_mem>> -> memref<1x!tpu.dma_semaphore, #tpu.memory_space<semaphore_mem>>
        %dma_wait3A_999 = tpu.memref_squeeze %dma_wait3A_998 : memref<1x!tpu.dma_semaphore, #tpu.memory_space<semaphore_mem>> -> memref<!tpu.dma_semaphore, #tpu.memory_space<semaphore_mem>>
        %dma_wait3A_1000 = arith.constant 0 : i32
        %dma_wait3A_1001 = arith.constant 0 : i32
        %dma_wait3A_1002 = tpu.memref_slice %arg5[%dma_wait3A_986, %dma_wait3A_987, %dma_wait3A_988, %dma_wait3A_1000, %dma_wait3A_1001] : memref<200x8x8x8x128xf32, #tpu.memory_space<hbm>> -> memref<1x1x1x8x128xf32, #tpu.memory_space<hbm>>
        %dma_wait3A_1003 = tpu.memref_squeeze %dma_wait3A_1002 : memref<1x1x1x8x128xf32, #tpu.memory_space<hbm>> -> memref<8x128xf32, #tpu.memory_space<hbm>>
        %dma_wait3A_1004 = arith.constant 24 : i32
        %dma_wait3A_1005 = arith.constant 0 : i32
        %dma_wait3A_1006 = tpu.memref_slice %arg9[%dma_wait3A_985, %dma_wait3A_1004, %dma_wait3A_1005] : memref<2x64x128xf32, #tpu.memory_space<vmem>> -> memref<1x8x128xf32, #tpu.memory_space<vmem>>
        %dma_wait3A_1007 = tpu.memref_squeeze %dma_wait3A_1006 : memref<1x8x128xf32, #tpu.memory_space<vmem>> -> memref<8x128xf32, #tpu.memory_space<vmem>>
        tpu.wait_dma2 semaphore(%dma_wait3A_999 : memref<!tpu.dma_semaphore, #tpu.memory_space<semaphore_mem>>) src(%dma_wait3A_1007 : memref<8x128xf32, #tpu.memory_space<vmem>>) dst(%dma_wait3A_1003 : memref<8x128xf32, #tpu.memory_space<hbm>>)
        %dma_wait3A_1008 = arith.constant 1 : i32
        %dma_wait3A_1009 = arith.constant 0 : i32
        %dma_wait3A_1010 = arith.constant 0 : i32
        %dma_wait3A_1011 = arith.constant 0 : i32
        %dma_wait3A_1012 = arith.constant 1 : i32
        %dma_wait3A_1013 = arith.constant 32 : i32
        %dma_wait3A_1014 = arith.constant 0 : i32
        %dma_wait3A_1015 = tpu.memref_slice %arg9[%dma_wait3A_1008, %dma_wait3A_1013, %dma_wait3A_1014] : memref<2x64x128xf32, #tpu.memory_space<vmem>> -> memref<1x8x128xf32, #tpu.memory_space<vmem>>
        %dma_wait3A_1016 = tpu.memref_squeeze %dma_wait3A_1015 : memref<1x8x128xf32, #tpu.memory_space<vmem>> -> memref<8x128xf32, #tpu.memory_space<vmem>>
        %dma_wait3A_1017 = arith.constant 0 : i32
        %dma_wait3A_1018 = arith.constant 0 : i32
        %dma_wait3A_1019 = tpu.memref_slice %arg5[%dma_wait3A_1009, %dma_wait3A_1010, %dma_wait3A_1011, %dma_wait3A_1017, %dma_wait3A_1018] : memref<200x8x8x8x128xf32, #tpu.memory_space<hbm>> -> memref<1x1x1x8x128xf32, #tpu.memory_space<hbm>>
        %dma_wait3A_1020 = tpu.memref_squeeze %dma_wait3A_1019 : memref<1x1x1x8x128xf32, #tpu.memory_space<hbm>> -> memref<8x128xf32, #tpu.memory_space<hbm>>
        %dma_wait3A_1021 = tpu.memref_slice %arg11[%dma_wait3A_1012] : memref<2x!tpu.dma_semaphore, #tpu.memory_space<semaphore_mem>> -> memref<1x!tpu.dma_semaphore, #tpu.memory_space<semaphore_mem>>
        %dma_wait3A_1022 = tpu.memref_squeeze %dma_wait3A_1021 : memref<1x!tpu.dma_semaphore, #tpu.memory_space<semaphore_mem>> -> memref<!tpu.dma_semaphore, #tpu.memory_space<semaphore_mem>>
        %dma_wait3A_1023 = arith.constant 0 : i32
        %dma_wait3A_1024 = arith.constant 0 : i32
        %dma_wait3A_1025 = tpu.memref_slice %arg5[%dma_wait3A_1009, %dma_wait3A_1010, %dma_wait3A_1011, %dma_wait3A_1023, %dma_wait3A_1024] : memref<200x8x8x8x128xf32, #tpu.memory_space<hbm>> -> memref<1x1x1x8x128xf32, #tpu.memory_space<hbm>>
        %dma_wait3A_1026 = tpu.memref_squeeze %dma_wait3A_1025 : memref<1x1x1x8x128xf32, #tpu.memory_space<hbm>> -> memref<8x128xf32, #tpu.memory_space<hbm>>
        %dma_wait3A_1027 = arith.constant 32 : i32
        %dma_wait3A_1028 = arith.constant 0 : i32
        %dma_wait3A_1029 = tpu.memref_slice %arg9[%dma_wait3A_1008, %dma_wait3A_1027, %dma_wait3A_1028] : memref<2x64x128xf32, #tpu.memory_space<vmem>> -> memref<1x8x128xf32, #tpu.memory_space<vmem>>
        %dma_wait3A_1030 = tpu.memref_squeeze %dma_wait3A_1029 : memref<1x8x128xf32, #tpu.memory_space<vmem>> -> memref<8x128xf32, #tpu.memory_space<vmem>>
        tpu.wait_dma2 semaphore(%dma_wait3A_1022 : memref<!tpu.dma_semaphore, #tpu.memory_space<semaphore_mem>>) src(%dma_wait3A_1030 : memref<8x128xf32, #tpu.memory_space<vmem>>) dst(%dma_wait3A_1026 : memref<8x128xf32, #tpu.memory_space<hbm>>)
        %dma_wait3A_1031 = arith.constant 1 : i32
        %dma_wait3A_1032 = arith.constant 0 : i32
        %dma_wait3A_1033 = arith.constant 0 : i32
        %dma_wait3A_1034 = arith.constant 0 : i32
        %dma_wait3A_1035 = arith.constant 1 : i32
        %dma_wait3A_1036 = arith.constant 40 : i32
        %dma_wait3A_1037 = arith.constant 0 : i32
        %dma_wait3A_1038 = tpu.memref_slice %arg9[%dma_wait3A_1031, %dma_wait3A_1036, %dma_wait3A_1037] : memref<2x64x128xf32, #tpu.memory_space<vmem>> -> memref<1x8x128xf32, #tpu.memory_space<vmem>>
        %dma_wait3A_1039 = tpu.memref_squeeze %dma_wait3A_1038 : memref<1x8x128xf32, #tpu.memory_space<vmem>> -> memref<8x128xf32, #tpu.memory_space<vmem>>
        %dma_wait3A_1040 = arith.constant 0 : i32
        %dma_wait3A_1041 = arith.constant 0 : i32
        %dma_wait3A_1042 = tpu.memref_slice %arg5[%dma_wait3A_1032, %dma_wait3A_1033, %dma_wait3A_1034, %dma_wait3A_1040, %dma_wait3A_1041] : memref<200x8x8x8x128xf32, #tpu.memory_space<hbm>> -> memref<1x1x1x8x128xf32, #tpu.memory_space<hbm>>
        %dma_wait3A_1043 = tpu.memref_squeeze %dma_wait3A_1042 : memref<1x1x1x8x128xf32, #tpu.memory_space<hbm>> -> memref<8x128xf32, #tpu.memory_space<hbm>>
        %dma_wait3A_1044 = tpu.memref_slice %arg11[%dma_wait3A_1035] : memref<2x!tpu.dma_semaphore, #tpu.memory_space<semaphore_mem>> -> memref<1x!tpu.dma_semaphore, #tpu.memory_space<semaphore_mem>>
        %dma_wait3A_1045 = tpu.memref_squeeze %dma_wait3A_1044 : memref<1x!tpu.dma_semaphore, #tpu.memory_space<semaphore_mem>> -> memref<!tpu.dma_semaphore, #tpu.memory_space<semaphore_mem>>
        %dma_wait3A_1046 = arith.constant 0 : i32
        %dma_wait3A_1047 = arith.constant 0 : i32
        %dma_wait3A_1048 = tpu.memref_slice %arg5[%dma_wait3A_1032, %dma_wait3A_1033, %dma_wait3A_1034, %dma_wait3A_1046, %dma_wait3A_1047] : memref<200x8x8x8x128xf32, #tpu.memory_space<hbm>> -> memref<1x1x1x8x128xf32, #tpu.memory_space<hbm>>
        %dma_wait3A_1049 = tpu.memref_squeeze %dma_wait3A_1048 : memref<1x1x1x8x128xf32, #tpu.memory_space<hbm>> -> memref<8x128xf32, #tpu.memory_space<hbm>>
        %dma_wait3A_1050 = arith.constant 40 : i32
        %dma_wait3A_1051 = arith.constant 0 : i32
        %dma_wait3A_1052 = tpu.memref_slice %arg9[%dma_wait3A_1031, %dma_wait3A_1050, %dma_wait3A_1051] : memref<2x64x128xf32, #tpu.memory_space<vmem>> -> memref<1x8x128xf32, #tpu.memory_space<vmem>>
        %dma_wait3A_1053 = tpu.memref_squeeze %dma_wait3A_1052 : memref<1x8x128xf32, #tpu.memory_space<vmem>> -> memref<8x128xf32, #tpu.memory_space<vmem>>
        tpu.wait_dma2 semaphore(%dma_wait3A_1045 : memref<!tpu.dma_semaphore, #tpu.memory_space<semaphore_mem>>) src(%dma_wait3A_1053 : memref<8x128xf32, #tpu.memory_space<vmem>>) dst(%dma_wait3A_1049 : memref<8x128xf32, #tpu.memory_space<hbm>>)
        %dma_wait3A_1054 = arith.constant 1 : i32
        %dma_wait3A_1055 = arith.constant 0 : i32
        %dma_wait3A_1056 = arith.constant 0 : i32
        %dma_wait3A_1057 = arith.constant 0 : i32
        %dma_wait3A_1058 = arith.constant 1 : i32
        %dma_wait3A_1059 = arith.constant 48 : i32
        %dma_wait3A_1060 = arith.constant 0 : i32
        %dma_wait3A_1061 = tpu.memref_slice %arg9[%dma_wait3A_1054, %dma_wait3A_1059, %dma_wait3A_1060] : memref<2x64x128xf32, #tpu.memory_space<vmem>> -> memref<1x8x128xf32, #tpu.memory_space<vmem>>
        %dma_wait3A_1062 = tpu.memref_squeeze %dma_wait3A_1061 : memref<1x8x128xf32, #tpu.memory_space<vmem>> -> memref<8x128xf32, #tpu.memory_space<vmem>>
        %dma_wait3A_1063 = arith.constant 0 : i32
        %dma_wait3A_1064 = arith.constant 0 : i32
        %dma_wait3A_1065 = tpu.memref_slice %arg5[%dma_wait3A_1055, %dma_wait3A_1056, %dma_wait3A_1057, %dma_wait3A_1063, %dma_wait3A_1064] : memref<200x8x8x8x128xf32, #tpu.memory_space<hbm>> -> memref<1x1x1x8x128xf32, #tpu.memory_space<hbm>>
        %dma_wait3A_1066 = tpu.memref_squeeze %dma_wait3A_1065 : memref<1x1x1x8x128xf32, #tpu.memory_space<hbm>> -> memref<8x128xf32, #tpu.memory_space<hbm>>
        %dma_wait3A_1067 = tpu.memref_slice %arg11[%dma_wait3A_1058] : memref<2x!tpu.dma_semaphore, #tpu.memory_space<semaphore_mem>> -> memref<1x!tpu.dma_semaphore, #tpu.memory_space<semaphore_mem>>
        %dma_wait3A_1068 = tpu.memref_squeeze %dma_wait3A_1067 : memref<1x!tpu.dma_semaphore, #tpu.memory_space<semaphore_mem>> -> memref<!tpu.dma_semaphore, #tpu.memory_space<semaphore_mem>>
        %dma_wait3A_1069 = arith.constant 0 : i32
        %dma_wait3A_1070 = arith.constant 0 : i32
        %dma_wait3A_1071 = tpu.memref_slice %arg5[%dma_wait3A_1055, %dma_wait3A_1056, %dma_wait3A_1057, %dma_wait3A_1069, %dma_wait3A_1070] : memref<200x8x8x8x128xf32, #tpu.memory_space<hbm>> -> memref<1x1x1x8x128xf32, #tpu.memory_space<hbm>>
        %dma_wait3A_1072 = tpu.memref_squeeze %dma_wait3A_1071 : memref<1x1x1x8x128xf32, #tpu.memory_space<hbm>> -> memref<8x128xf32, #tpu.memory_space<hbm>>
        %dma_wait3A_1073 = arith.constant 48 : i32
        %dma_wait3A_1074 = arith.constant 0 : i32
        %dma_wait3A_1075 = tpu.memref_slice %arg9[%dma_wait3A_1054, %dma_wait3A_1073, %dma_wait3A_1074] : memref<2x64x128xf32, #tpu.memory_space<vmem>> -> memref<1x8x128xf32, #tpu.memory_space<vmem>>
        %dma_wait3A_1076 = tpu.memref_squeeze %dma_wait3A_1075 : memref<1x8x128xf32, #tpu.memory_space<vmem>> -> memref<8x128xf32, #tpu.memory_space<vmem>>
        tpu.wait_dma2 semaphore(%dma_wait3A_1068 : memref<!tpu.dma_semaphore, #tpu.memory_space<semaphore_mem>>) src(%dma_wait3A_1076 : memref<8x128xf32, #tpu.memory_space<vmem>>) dst(%dma_wait3A_1072 : memref<8x128xf32, #tpu.memory_space<hbm>>)
        %dma_wait3A_1077 = arith.constant 1 : i32
        %dma_wait3A_1078 = arith.constant 0 : i32
        %dma_wait3A_1079 = arith.constant 0 : i32
        %dma_wait3A_1080 = arith.constant 0 : i32
        %dma_wait3A_1081 = arith.constant 1 : i32
        %dma_wait3A_1082 = arith.constant 56 : i32
        %dma_wait3A_1083 = arith.constant 0 : i32
        %dma_wait3A_1084 = tpu.memref_slice %arg9[%dma_wait3A_1077, %dma_wait3A_1082, %dma_wait3A_1083] : memref<2x64x128xf32, #tpu.memory_space<vmem>> -> memref<1x8x128xf32, #tpu.memory_space<vmem>>
        %dma_wait3A_1085 = tpu.memref_squeeze %dma_wait3A_1084 : memref<1x8x128xf32, #tpu.memory_space<vmem>> -> memref<8x128xf32, #tpu.memory_space<vmem>>
        %dma_wait3A_1086 = arith.constant 0 : i32
        %dma_wait3A_1087 = arith.constant 0 : i32
        %dma_wait3A_1088 = tpu.memref_slice %arg5[%dma_wait3A_1078, %dma_wait3A_1079, %dma_wait3A_1080, %dma_wait3A_1086, %dma_wait3A_1087] : memref<200x8x8x8x128xf32, #tpu.memory_space<hbm>> -> memref<1x1x1x8x128xf32, #tpu.memory_space<hbm>>
        %dma_wait3A_1089 = tpu.memref_squeeze %dma_wait3A_1088 : memref<1x1x1x8x128xf32, #tpu.memory_space<hbm>> -> memref<8x128xf32, #tpu.memory_space<hbm>>
        %dma_wait3A_1090 = tpu.memref_slice %arg11[%dma_wait3A_1081] : memref<2x!tpu.dma_semaphore, #tpu.memory_space<semaphore_mem>> -> memref<1x!tpu.dma_semaphore, #tpu.memory_space<semaphore_mem>>
        %dma_wait3A_1091 = tpu.memref_squeeze %dma_wait3A_1090 : memref<1x!tpu.dma_semaphore, #tpu.memory_space<semaphore_mem>> -> memref<!tpu.dma_semaphore, #tpu.memory_space<semaphore_mem>>
        %dma_wait3A_1092 = arith.constant 0 : i32
        %dma_wait3A_1093 = arith.constant 0 : i32
        %dma_wait3A_1094 = tpu.memref_slice %arg5[%dma_wait3A_1078, %dma_wait3A_1079, %dma_wait3A_1080, %dma_wait3A_1092, %dma_wait3A_1093] : memref<200x8x8x8x128xf32, #tpu.memory_space<hbm>> -> memref<1x1x1x8x128xf32, #tpu.memory_space<hbm>>
        %dma_wait3A_1095 = tpu.memref_squeeze %dma_wait3A_1094 : memref<1x1x1x8x128xf32, #tpu.memory_space<hbm>> -> memref<8x128xf32, #tpu.memory_space<hbm>>
        %dma_wait3A_1096 = arith.constant 56 : i32
        %dma_wait3A_1097 = arith.constant 0 : i32
        %dma_wait3A_1098 = tpu.memref_slice %arg9[%dma_wait3A_1077, %dma_wait3A_1096, %dma_wait3A_1097] : memref<2x64x128xf32, #tpu.memory_space<vmem>> -> memref<1x8x128xf32, #tpu.memory_space<vmem>>
        %dma_wait3A_1099 = tpu.memref_squeeze %dma_wait3A_1098 : memref<1x8x128xf32, #tpu.memory_space<vmem>> -> memref<8x128xf32, #tpu.memory_space<vmem>>
        tpu.wait_dma2 semaphore(%dma_wait3A_1091 : memref<!tpu.dma_semaphore, #tpu.memory_space<semaphore_mem>>) src(%dma_wait3A_1099 : memref<8x128xf32, #tpu.memory_space<vmem>>) dst(%dma_wait3A_1095 : memref<8x128xf32, #tpu.memory_space<hbm>>)
      } else {
      }
      %mul3A_713 = arith.constant 64 : i32
      %mul3A_714 = arith.muli %add3A_682, %mul3A_713 : i32
      %add3A_715 = arith.constant 0 : i32
      %add3A_716 = arith.addi %mul3A_714, %add3A_715 : i32
      %get3A_717 = arith.index_cast %add3A_716 : i32 to index
      %get3A_718 = tpu.vector_load %arg7[%get3A_717] {strides = array<i32>} : memref<3200xf32, #tpu.memory_space<vmem>>, vector<16xf32>,
      %mul3A_719 = arith.constant 64 : i32
      %mul3A_720 = arith.muli %add3A_682, %mul3A_719 : i32
      %add3A_721 = arith.constant 16 : i32
      %add3A_722 = arith.addi %mul3A_720, %add3A_721 : i32
      %get3A_723 = arith.index_cast %add3A_722 : i32 to index
      %get3A_724 = tpu.vector_load %arg7[%get3A_723] {strides = array<i32>} : memref<3200xf32, #tpu.memory_space<vmem>>, vector<16xf32>,
      %mul3A_725 = arith.constant 64 : i32
      %mul3A_726 = arith.muli %add3A_682, %mul3A_725 : i32
      %add3A_727 = arith.constant 32 : i32
      %add3A_728 = arith.addi %mul3A_726, %add3A_727 : i32
      %get3A_729 = arith.index_cast %add3A_728 : i32 to index
      %get3A_730 = tpu.vector_load %arg7[%get3A_729] {strides = array<i32>} : memref<3200xf32, #tpu.memory_space<vmem>>, vector<16xf32>,
      %mul3A_731 = arith.constant 64 : i32
      %mul3A_732 = arith.muli %add3A_682, %mul3A_731 : i32
      %add3A_733 = arith.constant 48 : i32
      %add3A_734 = arith.addi %mul3A_732, %add3A_733 : i32
      %get3A_735 = arith.index_cast %add3A_734 : i32 to index
      %get3A_736 = tpu.vector_load %arg7[%get3A_735] {strides = array<i32>} : memref<3200xf32, #tpu.memory_space<vmem>>, vector<16xf32>,
      %parallel_loop3A_737 = arith.constant 0 : i32
      %parallel_loop3A_738 = arith.constant 16 : i32
      %parallel_loop3A_739 = arith.constant 1 : i32
      scf.for %parallel_loop3A_916 = %parallel_loop3A_737 to %parallel_loop3A_738 step %parallel_loop3A_739  : i32 {
        %parallel_loop3A_917 = vector.broadcast %parallel_loop3A_916 : i32 to vector<16xi32>
        %parallel_loop3A_918 = arith.addi %iota3A, %parallel_loop3A_917 : vector<16xi32>
        %parallel_loop3A_919 = arith.constant 15 : i32
        %parallel_loop3A_920 = vector.broadcast %parallel_loop3A_919 : i32 to vector<16xi32>
        %parallel_loop3A_921 = arith.andi %parallel_loop3A_918, %parallel_loop3A_920 : vector<16xi32>
        %parallel_loop3A_922 = arith.constant 0 : i32
        %parallel_loop3A_923 = vector.broadcast %parallel_loop3A_922 : i32 to vector<16xi32>
        %parallel_loop3A_924 = arith.addi %parallel_loop3A_921, %parallel_loop3A_923 : vector<16xi32>
        %parallel_loop3A_925 = arith.constant 0 : i32
        %parallel_loop3A_926 = vector.broadcast %parallel_loop3A_925 : i32 to vector<16xi32>
        %parallel_loop3A_927 = arith.cmpi slt, %parallel_loop3A_921, %parallel_loop3A_926 : vector<16xi32>
        %parallel_loop3A_928 = arith.constant 16 : i32
        %parallel_loop3A_929 = vector.broadcast %parallel_loop3A_928 : i32 to vector<16xi32>
        %parallel_loop3A_930 = arith.addi %parallel_loop3A_921, %parallel_loop3A_929 : vector<16xi32>
        %parallel_loop3A_931 = arith.select %parallel_loop3A_927, %parallel_loop3A_930, %parallel_loop3A_921 : vector<16xi1>, vector<16xi32>
        %parallel_loop3A_932 = vector.shape_cast %parallel_loop3A_931 : vector<16xi32> to vector<16x1xi32>
        %parallel_loop3A_933 = vector.shape_cast %parallel_loop3A_932 : vector<16x1xi32> to vector<16xi32>
        %parallel_loop3A_934 = tpu.dynamic_gather %get3A_718[%parallel_loop3A_933] in [0] : vector<16xf32>, vector<16xi32> -> vector<16xf32>
        %parallel_loop3A_935 = arith.constant 1 : i32
        %parallel_loop3A_936 = arith.constant 0 : i32
        %parallel_loop3A_937 = arith.constant 0 : i32
        %parallel_loop3A_938 = tpu.memref_slice %arg8[%parallel_loop3A_935, %parallel_loop3A_936, %parallel_loop3A_937] : memref<2x128x64xf32, #tpu.memory_space<vmem>> -> memref<1x128x64xf32, #tpu.memory_space<vmem>>
        %parallel_loop3A_939 = tpu.memref_squeeze %parallel_loop3A_938 : memref<1x128x64xf32, #tpu.memory_space<vmem>> -> memref<128x64xf32, #tpu.memory_space<vmem>>
        %parallel_loop3A_940 = tpu.vector_load_idx %parallel_loop3A_939[%add3A_39, %parallel_loop3A_924] : memref<128x64xf32, #tpu.memory_space<vmem>>[vector<16xi32>, vector<16xi32>], vector<16xf32>,
        %parallel_loop3A_941 = arith.addf %parallel_loop3A_940, %parallel_loop3A_934 : vector<16xf32>
        %parallel_loop3A_942 = arith.constant 1 : i32
        %parallel_loop3A_943 = arith.constant 0 : i32
        %parallel_loop3A_944 = arith.constant 0 : i32
        %parallel_loop3A_945 = tpu.memref_slice %arg9[%parallel_loop3A_942, %parallel_loop3A_943, %parallel_loop3A_944] : memref<2x64x128xf32, #tpu.memory_space<vmem>> -> memref<1x64x128xf32, #tpu.memory_space<vmem>>
        %parallel_loop3A_946 = tpu.memref_squeeze %parallel_loop3A_945 : memref<1x64x128xf32, #tpu.memory_space<vmem>> -> memref<64x128xf32, #tpu.memory_space<vmem>>
        tpu.vector_store_idx %parallel_loop3A_946[%parallel_loop3A_924, %add3A_39], %parallel_loop3A_941 : memref<64x128xf32, #tpu.memory_space<vmem>>[vector<16xi32>, vector<16xi32>], vector<16xf32>,
        %parallel_loop3A_947 = arith.constant 1 : i32
        %parallel_loop3A_948 = arith.constant 0 : i32
        %parallel_loop3A_949 = arith.constant 0 : i32
        %parallel_loop3A_950 = tpu.memref_slice %arg8[%parallel_loop3A_947, %parallel_loop3A_948, %parallel_loop3A_949] : memref<2x128x64xf32, #tpu.memory_space<vmem>> -> memref<1x128x64xf32, #tpu.memory_space<vmem>>
        %parallel_loop3A_951 = tpu.memref_squeeze %parallel_loop3A_950 : memref<1x128x64xf32, #tpu.memory_space<vmem>> -> memref<128x64xf32, #tpu.memory_space<vmem>>
        %parallel_loop3A_952 = tpu.vector_load_idx %parallel_loop3A_951[%add3A_42, %parallel_loop3A_924] : memref<128x64xf32, #tpu.memory_space<vmem>>[vector<16xi32>, vector<16xi32>], vector<16xf32>,
        %parallel_loop3A_953 = arith.addf %parallel_loop3A_952, %parallel_loop3A_934 : vector<16xf32>
        %parallel_loop3A_954 = arith.constant 1 : i32
        %parallel_loop3A_955 = arith.constant 0 : i32
        %parallel_loop3A_956 = arith.constant 0 : i32
        %parallel_loop3A_957 = tpu.memref_slice %arg9[%parallel_loop3A_954, %parallel_loop3A_955, %parallel_loop3A_956] : memref<2x64x128xf32, #tpu.memory_space<vmem>> -> memref<1x64x128xf32, #tpu.memory_space<vmem>>
        %parallel_loop3A_958 = tpu.memref_squeeze %parallel_loop3A_957 : memref<1x64x128xf32, #tpu.memory_space<vmem>> -> memref<64x128xf32, #tpu.memory_space<vmem>>
        tpu.vector_store_idx %parallel_loop3A_958[%parallel_loop3A_924, %add3A_42], %parallel_loop3A_953 : memref<64x128xf32, #tpu.memory_space<vmem>>[vector<16xi32>, vector<16xi32>], vector<16xf32>,
        %parallel_loop3A_959 = arith.constant 1 : i32
        %parallel_loop3A_960 = arith.constant 0 : i32
        %parallel_loop3A_961 = arith.constant 0 : i32
        %parallel_loop3A_962 = tpu.memref_slice %arg8[%parallel_loop3A_959, %parallel_loop3A_960, %parallel_loop3A_961] : memref<2x128x64xf32, #tpu.memory_space<vmem>> -> memref<1x128x64xf32, #tpu.memory_space<vmem>>
        %parallel_loop3A_963 = tpu.memref_squeeze %parallel_loop3A_962 : memref<1x128x64xf32, #tpu.memory_space<vmem>> -> memref<128x64xf32, #tpu.memory_space<vmem>>
        %parallel_loop3A_964 = tpu.vector_load_idx %parallel_loop3A_963[%add3A_45, %parallel_loop3A_924] : memref<128x64xf32, #tpu.memory_space<vmem>>[vector<16xi32>, vector<16xi32>], vector<16xf32>,
        %parallel_loop3A_965 = arith.addf %parallel_loop3A_964, %parallel_loop3A_934 : vector<16xf32>
        %parallel_loop3A_966 = arith.constant 1 : i32
        %parallel_loop3A_967 = arith.constant 0 : i32
        %parallel_loop3A_968 = arith.constant 0 : i32
        %parallel_loop3A_969 = tpu.memref_slice %arg9[%parallel_loop3A_966, %parallel_loop3A_967, %parallel_loop3A_968] : memref<2x64x128xf32, #tpu.memory_space<vmem>> -> memref<1x64x128xf32, #tpu.memory_space<vmem>>
        %parallel_loop3A_970 = tpu.memref_squeeze %parallel_loop3A_969 : memref<1x64x128xf32, #tpu.memory_space<vmem>> -> memref<64x128xf32, #tpu.memory_space<vmem>>
        tpu.vector_store_idx %parallel_loop3A_970[%parallel_loop3A_924, %add3A_45], %parallel_loop3A_965 : memref<64x128xf32, #tpu.memory_space<vmem>>[vector<16xi32>, vector<16xi32>], vector<16xf32>,
        %parallel_loop3A_971 = arith.constant 1 : i32
        %parallel_loop3A_972 = arith.constant 0 : i32
        %parallel_loop3A_973 = arith.constant 0 : i32
        %parallel_loop3A_974 = tpu.memref_slice %arg8[%parallel_loop3A_971, %parallel_loop3A_972, %parallel_loop3A_973] : memref<2x128x64xf32, #tpu.memory_space<vmem>> -> memref<1x128x64xf32, #tpu.memory_space<vmem>>
        %parallel_loop3A_975 = tpu.memref_squeeze %parallel_loop3A_974 : memref<1x128x64xf32, #tpu.memory_space<vmem>> -> memref<128x64xf32, #tpu.memory_space<vmem>>
        %parallel_loop3A_976 = tpu.vector_load_idx %parallel_loop3A_975[%add3A_48, %parallel_loop3A_924] : memref<128x64xf32, #tpu.memory_space<vmem>>[vector<16xi32>, vector<16xi32>], vector<16xf32>,
        %parallel_loop3A_977 = arith.addf %parallel_loop3A_976, %parallel_loop3A_934 : vector<16xf32>
        %parallel_loop3A_978 = arith.constant 1 : i32
        %parallel_loop3A_979 = arith.constant 0 : i32
        %parallel_loop3A_980 = arith.constant 0 : i32
        %parallel_loop3A_981 = tpu.memref_slice %arg9[%parallel_loop3A_978, %parallel_loop3A_979, %parallel_loop3A_980] : memref<2x64x128xf32, #tpu.memory_space<vmem>> -> memref<1x64x128xf32, #tpu.memory_space<vmem>>
        %parallel_loop3A_982 = tpu.memref_squeeze %parallel_loop3A_981 : memref<1x64x128xf32, #tpu.memory_space<vmem>> -> memref<64x128xf32, #tpu.memory_space<vmem>>
        tpu.vector_store_idx %parallel_loop3A_982[%parallel_loop3A_924, %add3A_48], %parallel_loop3A_977 : memref<64x128xf32, #tpu.memory_space<vmem>>[vector<16xi32>, vector<16xi32>], vector<16xf32>,
        %parallel_loop3A_983 = arith.constant 1 : i32
        %parallel_loop3A_984 = arith.constant 0 : i32
        %parallel_loop3A_985 = arith.constant 0 : i32
        %parallel_loop3A_986 = tpu.memref_slice %arg8[%parallel_loop3A_983, %parallel_loop3A_984, %parallel_loop3A_985] : memref<2x128x64xf32, #tpu.memory_space<vmem>> -> memref<1x128x64xf32, #tpu.memory_space<vmem>>
        %parallel_loop3A_987 = tpu.memref_squeeze %parallel_loop3A_986 : memref<1x128x64xf32, #tpu.memory_space<vmem>> -> memref<128x64xf32, #tpu.memory_space<vmem>>
        %parallel_loop3A_988 = tpu.vector_load_idx %parallel_loop3A_987[%add3A_51, %parallel_loop3A_924] : memref<128x64xf32, #tpu.memory_space<vmem>>[vector<16xi32>, vector<16xi32>], vector<16xf32>,
        %parallel_loop3A_989 = arith.addf %parallel_loop3A_988, %parallel_loop3A_934 : vector<16xf32>
        %parallel_loop3A_990 = arith.constant 1 : i32
        %parallel_loop3A_991 = arith.constant 0 : i32
        %parallel_loop3A_992 = arith.constant 0 : i32
        %parallel_loop3A_993 = tpu.memref_slice %arg9[%parallel_loop3A_990, %parallel_loop3A_991, %parallel_loop3A_992] : memref<2x64x128xf32, #tpu.memory_space<vmem>> -> memref<1x64x128xf32, #tpu.memory_space<vmem>>
        %parallel_loop3A_994 = tpu.memref_squeeze %parallel_loop3A_993 : memref<1x64x128xf32, #tpu.memory_space<vmem>> -> memref<64x128xf32, #tpu.memory_space<vmem>>
        tpu.vector_store_idx %parallel_loop3A_994[%parallel_loop3A_924, %add3A_51], %parallel_loop3A_989 : memref<64x128xf32, #tpu.memory_space<vmem>>[vector<16xi32>, vector<16xi32>], vector<16xf32>,
        %parallel_loop3A_995 = arith.constant 1 : i32
        %parallel_loop3A_996 = arith.constant 0 : i32
        %parallel_loop3A_997 = arith.constant 0 : i32
        %parallel_loop3A_998 = tpu.memref_slice %arg8[%parallel_loop3A_995, %parallel_loop3A_996, %parallel_loop3A_997] : memref<2x128x64xf32, #tpu.memory_space<vmem>> -> memref<1x128x64xf32, #tpu.memory_space<vmem>>
        %parallel_loop3A_999 = tpu.memref_squeeze %parallel_loop3A_998 : memref<1x128x64xf32, #tpu.memory_space<vmem>> -> memref<128x64xf32, #tpu.memory_space<vmem>>
        %parallel_loop3A_1000 = tpu.vector_load_idx %parallel_loop3A_999[%add3A_54, %parallel_loop3A_924] : memref<128x64xf32, #tpu.memory_space<vmem>>[vector<16xi32>, vector<16xi32>], vector<16xf32>,
        %parallel_loop3A_1001 = arith.addf %parallel_loop3A_1000, %parallel_loop3A_934 : vector<16xf32>
        %parallel_loop3A_1002 = arith.constant 1 : i32
        %parallel_loop3A_1003 = arith.constant 0 : i32
        %parallel_loop3A_1004 = arith.constant 0 : i32
        %parallel_loop3A_1005 = tpu.memref_slice %arg9[%parallel_loop3A_1002, %parallel_loop3A_1003, %parallel_loop3A_1004] : memref<2x64x128xf32, #tpu.memory_space<vmem>> -> memref<1x64x128xf32, #tpu.memory_space<vmem>>
        %parallel_loop3A_1006 = tpu.memref_squeeze %parallel_loop3A_1005 : memref<1x64x128xf32, #tpu.memory_space<vmem>> -> memref<64x128xf32, #tpu.memory_space<vmem>>
        tpu.vector_store_idx %parallel_loop3A_1006[%parallel_loop3A_924, %add3A_54], %parallel_loop3A_1001 : memref<64x128xf32, #tpu.memory_space<vmem>>[vector<16xi32>, vector<16xi32>], vector<16xf32>,
        %parallel_loop3A_1007 = arith.constant 1 : i32
        %parallel_loop3A_1008 = arith.constant 0 : i32
        %parallel_loop3A_1009 = arith.constant 0 : i32
        %parallel_loop3A_1010 = tpu.memref_slice %arg8[%parallel_loop3A_1007, %parallel_loop3A_1008, %parallel_loop3A_1009] : memref<2x128x64xf32, #tpu.memory_space<vmem>> -> memref<1x128x64xf32, #tpu.memory_space<vmem>>
        %parallel_loop3A_1011 = tpu.memref_squeeze %parallel_loop3A_1010 : memref<1x128x64xf32, #tpu.memory_space<vmem>> -> memref<128x64xf32, #tpu.memory_space<vmem>>
        %parallel_loop3A_1012 = tpu.vector_load_idx %parallel_loop3A_1011[%add3A_57, %parallel_loop3A_924] : memref<128x64xf32, #tpu.memory_space<vmem>>[vector<16xi32>, vector<16xi32>], vector<16xf32>,
        %parallel_loop3A_1013 = arith.addf %parallel_loop3A_1012, %parallel_loop3A_934 : vector<16xf32>
        %parallel_loop3A_1014 = arith.constant 1 : i32
        %parallel_loop3A_1015 = arith.constant 0 : i32
        %parallel_loop3A_1016 = arith.constant 0 : i32
        %parallel_loop3A_1017 = tpu.memref_slice %arg9[%parallel_loop3A_1014, %parallel_loop3A_1015, %parallel_loop3A_1016] : memref<2x64x128xf32, #tpu.memory_space<vmem>> -> memref<1x64x128xf32, #tpu.memory_space<vmem>>
        %parallel_loop3A_1018 = tpu.memref_squeeze %parallel_loop3A_1017 : memref<1x64x128xf32, #tpu.memory_space<vmem>> -> memref<64x128xf32, #tpu.memory_space<vmem>>
        tpu.vector_store_idx %parallel_loop3A_1018[%parallel_loop3A_924, %add3A_57], %parallel_loop3A_1013 : memref<64x128xf32, #tpu.memory_space<vmem>>[vector<16xi32>, vector<16xi32>], vector<16xf32>,
        %parallel_loop3A_1019 = arith.constant 1 : i32
        %parallel_loop3A_1020 = arith.constant 0 : i32
        %parallel_loop3A_1021 = arith.constant 0 : i32
        %parallel_loop3A_1022 = tpu.memref_slice %arg8[%parallel_loop3A_1019, %parallel_loop3A_1020, %parallel_loop3A_1021] : memref<2x128x64xf32, #tpu.memory_space<vmem>> -> memref<1x128x64xf32, #tpu.memory_space<vmem>>
        %parallel_loop3A_1023 = tpu.memref_squeeze %parallel_loop3A_1022 : memref<1x128x64xf32, #tpu.memory_space<vmem>> -> memref<128x64xf32, #tpu.memory_space<vmem>>
        %parallel_loop3A_1024 = tpu.vector_load_idx %parallel_loop3A_1023[%add3A_60, %parallel_loop3A_924] : memref<128x64xf32, #tpu.memory_space<vmem>>[vector<16xi32>, vector<16xi32>], vector<16xf32>,
        %parallel_loop3A_1025 = arith.addf %parallel_loop3A_1024, %parallel_loop3A_934 : vector<16xf32>
        %parallel_loop3A_1026 = arith.constant 1 : i32
        %parallel_loop3A_1027 = arith.constant 0 : i32
        %parallel_loop3A_1028 = arith.constant 0 : i32
        %parallel_loop3A_1029 = tpu.memref_slice %arg9[%parallel_loop3A_1026, %parallel_loop3A_1027, %parallel_loop3A_1028] : memref<2x64x128xf32, #tpu.memory_space<vmem>> -> memref<1x64x128xf32, #tpu.memory_space<vmem>>
        %parallel_loop3A_1030 = tpu.memref_squeeze %parallel_loop3A_1029 : memref<1x64x128xf32, #tpu.memory_space<vmem>> -> memref<64x128xf32, #tpu.memory_space<vmem>>
        tpu.vector_store_idx %parallel_loop3A_1030[%parallel_loop3A_924, %add3A_60], %parallel_loop3A_1025 : memref<64x128xf32, #tpu.memory_space<vmem>>[vector<16xi32>, vector<16xi32>], vector<16xf32>,
        %parallel_loop3A_1031 = arith.constant 16 : i32
        %parallel_loop3A_1032 = vector.broadcast %parallel_loop3A_1031 : i32 to vector<16xi32>
        %parallel_loop3A_1033 = arith.addi %parallel_loop3A_921, %parallel_loop3A_1032 : vector<16xi32>
        %parallel_loop3A_1034 = arith.constant 0 : i32
        %parallel_loop3A_1035 = vector.broadcast %parallel_loop3A_1034 : i32 to vector<16xi32>
        %parallel_loop3A_1036 = arith.cmpi slt, %parallel_loop3A_921, %parallel_loop3A_1035 : vector<16xi32>
        %parallel_loop3A_1037 = arith.constant 16 : i32
        %parallel_loop3A_1038 = vector.broadcast %parallel_loop3A_1037 : i32 to vector<16xi32>
        %parallel_loop3A_1039 = arith.addi %parallel_loop3A_921, %parallel_loop3A_1038 : vector<16xi32>
        %parallel_loop3A_1040 = arith.select %parallel_loop3A_1036, %parallel_loop3A_1039, %parallel_loop3A_921 : vector<16xi1>, vector<16xi32>
        %parallel_loop3A_1041 = vector.shape_cast %parallel_loop3A_1040 : vector<16xi32> to vector<16x1xi32>
        %parallel_loop3A_1042 = vector.shape_cast %parallel_loop3A_1041 : vector<16x1xi32> to vector<16xi32>
        %parallel_loop3A_1043 = tpu.dynamic_gather %get3A_724[%parallel_loop3A_1042] in [0] : vector<16xf32>, vector<16xi32> -> vector<16xf32>
        %parallel_loop3A_1044 = arith.constant 1 : i32
        %parallel_loop3A_1045 = arith.constant 0 : i32
        %parallel_loop3A_1046 = arith.constant 0 : i32
        %parallel_loop3A_1047 = tpu.memref_slice %arg8[%parallel_loop3A_1044, %parallel_loop3A_1045, %parallel_loop3A_1046] : memref<2x128x64xf32, #tpu.memory_space<vmem>> -> memref<1x128x64xf32, #tpu.memory_space<vmem>>
        %parallel_loop3A_1048 = tpu.memref_squeeze %parallel_loop3A_1047 : memref<1x128x64xf32, #tpu.memory_space<vmem>> -> memref<128x64xf32, #tpu.memory_space<vmem>>
        %parallel_loop3A_1049 = tpu.vector_load_idx %parallel_loop3A_1048[%add3A_39, %parallel_loop3A_1033] : memref<128x64xf32, #tpu.memory_space<vmem>>[vector<16xi32>, vector<16xi32>], vector<16xf32>,
        %parallel_loop3A_1050 = arith.addf %parallel_loop3A_1049, %parallel_loop3A_1043 : vector<16xf32>
        %parallel_loop3A_1051 = arith.constant 1 : i32
        %parallel_loop3A_1052 = arith.constant 0 : i32
        %parallel_loop3A_1053 = arith.constant 0 : i32
        %parallel_loop3A_1054 = tpu.memref_slice %arg9[%parallel_loop3A_1051, %parallel_loop3A_1052, %parallel_loop3A_1053] : memref<2x64x128xf32, #tpu.memory_space<vmem>> -> memref<1x64x128xf32, #tpu.memory_space<vmem>>
        %parallel_loop3A_1055 = tpu.memref_squeeze %parallel_loop3A_1054 : memref<1x64x128xf32, #tpu.memory_space<vmem>> -> memref<64x128xf32, #tpu.memory_space<vmem>>
        tpu.vector_store_idx %parallel_loop3A_1055[%parallel_loop3A_1033, %add3A_39], %parallel_loop3A_1050 : memref<64x128xf32, #tpu.memory_space<vmem>>[vector<16xi32>, vector<16xi32>], vector<16xf32>,
        %parallel_loop3A_1056 = arith.constant 1 : i32
        %parallel_loop3A_1057 = arith.constant 0 : i32
        %parallel_loop3A_1058 = arith.constant 0 : i32
        %parallel_loop3A_1059 = tpu.memref_slice %arg8[%parallel_loop3A_1056, %parallel_loop3A_1057, %parallel_loop3A_1058] : memref<2x128x64xf32, #tpu.memory_space<vmem>> -> memref<1x128x64xf32, #tpu.memory_space<vmem>>
        %parallel_loop3A_1060 = tpu.memref_squeeze %parallel_loop3A_1059 : memref<1x128x64xf32, #tpu.memory_space<vmem>> -> memref<128x64xf32, #tpu.memory_space<vmem>>
        %parallel_loop3A_1061 = tpu.vector_load_idx %parallel_loop3A_1060[%add3A_42, %parallel_loop3A_1033] : memref<128x64xf32, #tpu.memory_space<vmem>>[vector<16xi32>, vector<16xi32>], vector<16xf32>,
        %parallel_loop3A_1062 = arith.addf %parallel_loop3A_1061, %parallel_loop3A_1043 : vector<16xf32>
        %parallel_loop3A_1063 = arith.constant 1 : i32
        %parallel_loop3A_1064 = arith.constant 0 : i32
        %parallel_loop3A_1065 = arith.constant 0 : i32
        %parallel_loop3A_1066 = tpu.memref_slice %arg9[%parallel_loop3A_1063, %parallel_loop3A_1064, %parallel_loop3A_1065] : memref<2x64x128xf32, #tpu.memory_space<vmem>> -> memref<1x64x128xf32, #tpu.memory_space<vmem>>
        %parallel_loop3A_1067 = tpu.memref_squeeze %parallel_loop3A_1066 : memref<1x64x128xf32, #tpu.memory_space<vmem>> -> memref<64x128xf32, #tpu.memory_space<vmem>>
        tpu.vector_store_idx %parallel_loop3A_1067[%parallel_loop3A_1033, %add3A_42], %parallel_loop3A_1062 : memref<64x128xf32, #tpu.memory_space<vmem>>[vector<16xi32>, vector<16xi32>], vector<16xf32>,
        %parallel_loop3A_1068 = arith.constant 1 : i32
        %parallel_loop3A_1069 = arith.constant 0 : i32
        %parallel_loop3A_1070 = arith.constant 0 : i32
        %parallel_loop3A_1071 = tpu.memref_slice %arg8[%parallel_loop3A_1068, %parallel_loop3A_1069, %parallel_loop3A_1070] : memref<2x128x64xf32, #tpu.memory_space<vmem>> -> memref<1x128x64xf32, #tpu.memory_space<vmem>>
        %parallel_loop3A_1072 = tpu.memref_squeeze %parallel_loop3A_1071 : memref<1x128x64xf32, #tpu.memory_space<vmem>> -> memref<128x64xf32, #tpu.memory_space<vmem>>
        %parallel_loop3A_1073 = tpu.vector_load_idx %parallel_loop3A_1072[%add3A_45, %parallel_loop3A_1033] : memref<128x64xf32, #tpu.memory_space<vmem>>[vector<16xi32>, vector<16xi32>], vector<16xf32>,
        %parallel_loop3A_1074 = arith.addf %parallel_loop3A_1073, %parallel_loop3A_1043 : vector<16xf32>
        %parallel_loop3A_1075 = arith.constant 1 : i32
        %parallel_loop3A_1076 = arith.constant 0 : i32
        %parallel_loop3A_1077 = arith.constant 0 : i32
        %parallel_loop3A_1078 = tpu.memref_slice %arg9[%parallel_loop3A_1075, %parallel_loop3A_1076, %parallel_loop3A_1077] : memref<2x64x128xf32, #tpu.memory_space<vmem>> -> memref<1x64x128xf32, #tpu.memory_space<vmem>>
        %parallel_loop3A_1079 = tpu.memref_squeeze %parallel_loop3A_1078 : memref<1x64x128xf32, #tpu.memory_space<vmem>> -> memref<64x128xf32, #tpu.memory_space<vmem>>
        tpu.vector_store_idx %parallel_loop3A_1079[%parallel_loop3A_1033, %add3A_45], %parallel_loop3A_1074 : memref<64x128xf32, #tpu.memory_space<vmem>>[vector<16xi32>, vector<16xi32>], vector<16xf32>,
        %parallel_loop3A_1080 = arith.constant 1 : i32
        %parallel_loop3A_1081 = arith.constant 0 : i32
        %parallel_loop3A_1082 = arith.constant 0 : i32
        %parallel_loop3A_1083 = tpu.memref_slice %arg8[%parallel_loop3A_1080, %parallel_loop3A_1081, %parallel_loop3A_1082] : memref<2x128x64xf32, #tpu.memory_space<vmem>> -> memref<1x128x64xf32, #tpu.memory_space<vmem>>
        %parallel_loop3A_1084 = tpu.memref_squeeze %parallel_loop3A_1083 : memref<1x128x64xf32, #tpu.memory_space<vmem>> -> memref<128x64xf32, #tpu.memory_space<vmem>>
        %parallel_loop3A_1085 = tpu.vector_load_idx %parallel_loop3A_1084[%add3A_48, %parallel_loop3A_1033] : memref<128x64xf32, #tpu.memory_space<vmem>>[vector<16xi32>, vector<16xi32>], vector<16xf32>,
        %parallel_loop3A_1086 = arith.addf %parallel_loop3A_1085, %parallel_loop3A_1043 : vector<16xf32>
        %parallel_loop3A_1087 = arith.constant 1 : i32
        %parallel_loop3A_1088 = arith.constant 0 : i32
        %parallel_loop3A_1089 = arith.constant 0 : i32
        %parallel_loop3A_1090 = tpu.memref_slice %arg9[%parallel_loop3A_1087, %parallel_loop3A_1088, %parallel_loop3A_1089] : memref<2x64x128xf32, #tpu.memory_space<vmem>> -> memref<1x64x128xf32, #tpu.memory_space<vmem>>
        %parallel_loop3A_1091 = tpu.memref_squeeze %parallel_loop3A_1090 : memref<1x64x128xf32, #tpu.memory_space<vmem>> -> memref<64x128xf32, #tpu.memory_space<vmem>>
        tpu.vector_store_idx %parallel_loop3A_1091[%parallel_loop3A_1033, %add3A_48], %parallel_loop3A_1086 : memref<64x128xf32, #tpu.memory_space<vmem>>[vector<16xi32>, vector<16xi32>], vector<16xf32>,
        %parallel_loop3A_1092 = arith.constant 1 : i32
        %parallel_loop3A_1093 = arith.constant 0 : i32
        %parallel_loop3A_1094 = arith.constant 0 : i32
        %parallel_loop3A_1095 = tpu.memref_slice %arg8[%parallel_loop3A_1092, %parallel_loop3A_1093, %parallel_loop3A_1094] : memref<2x128x64xf32, #tpu.memory_space<vmem>> -> memref<1x128x64xf32, #tpu.memory_space<vmem>>
        %parallel_loop3A_1096 = tpu.memref_squeeze %parallel_loop3A_1095 : memref<1x128x64xf32, #tpu.memory_space<vmem>> -> memref<128x64xf32, #tpu.memory_space<vmem>>
        %parallel_loop3A_1097 = tpu.vector_load_idx %parallel_loop3A_1096[%add3A_51, %parallel_loop3A_1033] : memref<128x64xf32, #tpu.memory_space<vmem>>[vector<16xi32>, vector<16xi32>], vector<16xf32>,
        %parallel_loop3A_1098 = arith.addf %parallel_loop3A_1097, %parallel_loop3A_1043 : vector<16xf32>
        %parallel_loop3A_1099 = arith.constant 1 : i32
        %parallel_loop3A_1100 = arith.constant 0 : i32
        %parallel_loop3A_1101 = arith.constant 0 : i32
        %parallel_loop3A_1102 = tpu.memref_slice %arg9[%parallel_loop3A_1099, %parallel_loop3A_1100, %parallel_loop3A_1101] : memref<2x64x128xf32, #tpu.memory_space<vmem>> -> memref<1x64x128xf32, #tpu.memory_space<vmem>>
        %parallel_loop3A_1103 = tpu.memref_squeeze %parallel_loop3A_1102 : memref<1x64x128xf32, #tpu.memory_space<vmem>> -> memref<64x128xf32, #tpu.memory_space<vmem>>
        tpu.vector_store_idx %parallel_loop3A_1103[%parallel_loop3A_1033, %add3A_51], %parallel_loop3A_1098 : memref<64x128xf32, #tpu.memory_space<vmem>>[vector<16xi32>, vector<16xi32>], vector<16xf32>,
        %parallel_loop3A_1104 = arith.constant 1 : i32
        %parallel_loop3A_1105 = arith.constant 0 : i32
        %parallel_loop3A_1106 = arith.constant 0 : i32
        %parallel_loop3A_1107 = tpu.memref_slice %arg8[%parallel_loop3A_1104, %parallel_loop3A_1105, %parallel_loop3A_1106] : memref<2x128x64xf32, #tpu.memory_space<vmem>> -> memref<1x128x64xf32, #tpu.memory_space<vmem>>
        %parallel_loop3A_1108 = tpu.memref_squeeze %parallel_loop3A_1107 : memref<1x128x64xf32, #tpu.memory_space<vmem>> -> memref<128x64xf32, #tpu.memory_space<vmem>>
        %parallel_loop3A_1109 = tpu.vector_load_idx %parallel_loop3A_1108[%add3A_54, %parallel_loop3A_1033] : memref<128x64xf32, #tpu.memory_space<vmem>>[vector<16xi32>, vector<16xi32>], vector<16xf32>,
        %parallel_loop3A_1110 = arith.addf %parallel_loop3A_1109, %parallel_loop3A_1043 : vector<16xf32>
        %parallel_loop3A_1111 = arith.constant 1 : i32
        %parallel_loop3A_1112 = arith.constant 0 : i32
        %parallel_loop3A_1113 = arith.constant 0 : i32
        %parallel_loop3A_1114 = tpu.memref_slice %arg9[%parallel_loop3A_1111, %parallel_loop3A_1112, %parallel_loop3A_1113] : memref<2x64x128xf32, #tpu.memory_space<vmem>> -> memref<1x64x128xf32, #tpu.memory_space<vmem>>
        %parallel_loop3A_1115 = tpu.memref_squeeze %parallel_loop3A_1114 : memref<1x64x128xf32, #tpu.memory_space<vmem>> -> memref<64x128xf32, #tpu.memory_space<vmem>>
        tpu.vector_store_idx %parallel_loop3A_1115[%parallel_loop3A_1033, %add3A_54], %parallel_loop3A_1110 : memref<64x128xf32, #tpu.memory_space<vmem>>[vector<16xi32>, vector<16xi32>], vector<16xf32>,
        %parallel_loop3A_1116 = arith.constant 1 : i32
        %parallel_loop3A_1117 = arith.constant 0 : i32
        %parallel_loop3A_1118 = arith.constant 0 : i32
        %parallel_loop3A_1119 = tpu.memref_slice %arg8[%parallel_loop3A_1116, %parallel_loop3A_1117, %parallel_loop3A_1118] : memref<2x128x64xf32, #tpu.memory_space<vmem>> -> memref<1x128x64xf32, #tpu.memory_space<vmem>>
        %parallel_loop3A_1120 = tpu.memref_squeeze %parallel_loop3A_1119 : memref<1x128x64xf32, #tpu.memory_space<vmem>> -> memref<128x64xf32, #tpu.memory_space<vmem>>
        %parallel_loop3A_1121 = tpu.vector_load_idx %parallel_loop3A_1120[%add3A_57, %parallel_loop3A_1033] : memref<128x64xf32, #tpu.memory_space<vmem>>[vector<16xi32>, vector<16xi32>], vector<16xf32>,
        %parallel_loop3A_1122 = arith.addf %parallel_loop3A_1121, %parallel_loop3A_1043 : vector<16xf32>
        %parallel_loop3A_1123 = arith.constant 1 : i32
        %parallel_loop3A_1124 = arith.constant 0 : i32
        %parallel_loop3A_1125 = arith.constant 0 : i32
        %parallel_loop3A_1126 = tpu.memref_slice %arg9[%parallel_loop3A_1123, %parallel_loop3A_1124, %parallel_loop3A_1125] : memref<2x64x128xf32, #tpu.memory_space<vmem>> -> memref<1x64x128xf32, #tpu.memory_space<vmem>>
        %parallel_loop3A_1127 = tpu.memref_squeeze %parallel_loop3A_1126 : memref<1x64x128xf32, #tpu.memory_space<vmem>> -> memref<64x128xf32, #tpu.memory_space<vmem>>
        tpu.vector_store_idx %parallel_loop3A_1127[%parallel_loop3A_1033, %add3A_57], %parallel_loop3A_1122 : memref<64x128xf32, #tpu.memory_space<vmem>>[vector<16xi32>, vector<16xi32>], vector<16xf32>,
        %parallel_loop3A_1128 = arith.constant 1 : i32
        %parallel_loop3A_1129 = arith.constant 0 : i32
        %parallel_loop3A_1130 = arith.constant 0 : i32
        %parallel_loop3A_1131 = tpu.memref_slice %arg8[%parallel_loop3A_1128, %parallel_loop3A_1129, %parallel_loop3A_1130] : memref<2x128x64xf32, #tpu.memory_space<vmem>> -> memref<1x128x64xf32, #tpu.memory_space<vmem>>
        %parallel_loop3A_1132 = tpu.memref_squeeze %parallel_loop3A_1131 : memref<1x128x64xf32, #tpu.memory_space<vmem>> -> memref<128x64xf32, #tpu.memory_space<vmem>>
        %parallel_loop3A_1133 = tpu.vector_load_idx %parallel_loop3A_1132[%add3A_60, %parallel_loop3A_1033] : memref<128x64xf32, #tpu.memory_space<vmem>>[vector<16xi32>, vector<16xi32>], vector<16xf32>,
        %parallel_loop3A_1134 = arith.addf %parallel_loop3A_1133, %parallel_loop3A_1043 : vector<16xf32>
        %parallel_loop3A_1135 = arith.constant 1 : i32
        %parallel_loop3A_1136 = arith.constant 0 : i32
        %parallel_loop3A_1137 = arith.constant 0 : i32
        %parallel_loop3A_1138 = tpu.memref_slice %arg9[%parallel_loop3A_1135, %parallel_loop3A_1136, %parallel_loop3A_1137] : memref<2x64x128xf32, #tpu.memory_space<vmem>> -> memref<1x64x128xf32, #tpu.memory_space<vmem>>
        %parallel_loop3A_1139 = tpu.memref_squeeze %parallel_loop3A_1138 : memref<1x64x128xf32, #tpu.memory_space<vmem>> -> memref<64x128xf32, #tpu.memory_space<vmem>>
        tpu.vector_store_idx %parallel_loop3A_1139[%parallel_loop3A_1033, %add3A_60], %parallel_loop3A_1134 : memref<64x128xf32, #tpu.memory_space<vmem>>[vector<16xi32>, vector<16xi32>], vector<16xf32>,
        %parallel_loop3A_1140 = arith.constant 32 : i32
        %parallel_loop3A_1141 = vector.broadcast %parallel_loop3A_1140 : i32 to vector<16xi32>
        %parallel_loop3A_1142 = arith.addi %parallel_loop3A_921, %parallel_loop3A_1141 : vector<16xi32>
        %parallel_loop3A_1143 = arith.constant 0 : i32
        %parallel_loop3A_1144 = vector.broadcast %parallel_loop3A_1143 : i32 to vector<16xi32>
        %parallel_loop3A_1145 = arith.cmpi slt, %parallel_loop3A_921, %parallel_loop3A_1144 : vector<16xi32>
        %parallel_loop3A_1146 = arith.constant 16 : i32
        %parallel_loop3A_1147 = vector.broadcast %parallel_loop3A_1146 : i32 to vector<16xi32>
        %parallel_loop3A_1148 = arith.addi %parallel_loop3A_921, %parallel_loop3A_1147 : vector<16xi32>
        %parallel_loop3A_1149 = arith.select %parallel_loop3A_1145, %parallel_loop3A_1148, %parallel_loop3A_921 : vector<16xi1>, vector<16xi32>
        %parallel_loop3A_1150 = vector.shape_cast %parallel_loop3A_1149 : vector<16xi32> to vector<16x1xi32>
        %parallel_loop3A_1151 = vector.shape_cast %parallel_loop3A_1150 : vector<16x1xi32> to vector<16xi32>
        %parallel_loop3A_1152 = tpu.dynamic_gather %get3A_730[%parallel_loop3A_1151] in [0] : vector<16xf32>, vector<16xi32> -> vector<16xf32>
        %parallel_loop3A_1153 = arith.constant 1 : i32
        %parallel_loop3A_1154 = arith.constant 0 : i32
        %parallel_loop3A_1155 = arith.constant 0 : i32
        %parallel_loop3A_1156 = tpu.memref_slice %arg8[%parallel_loop3A_1153, %parallel_loop3A_1154, %parallel_loop3A_1155] : memref<2x128x64xf32, #tpu.memory_space<vmem>> -> memref<1x128x64xf32, #tpu.memory_space<vmem>>
        %parallel_loop3A_1157 = tpu.memref_squeeze %parallel_loop3A_1156 : memref<1x128x64xf32, #tpu.memory_space<vmem>> -> memref<128x64xf32, #tpu.memory_space<vmem>>
        %parallel_loop3A_1158 = tpu.vector_load_idx %parallel_loop3A_1157[%add3A_39, %parallel_loop3A_1142] : memref<128x64xf32, #tpu.memory_space<vmem>>[vector<16xi32>, vector<16xi32>], vector<16xf32>,
        %parallel_loop3A_1159 = arith.addf %parallel_loop3A_1158, %parallel_loop3A_1152 : vector<16xf32>
        %parallel_loop3A_1160 = arith.constant 1 : i32
        %parallel_loop3A_1161 = arith.constant 0 : i32
        %parallel_loop3A_1162 = arith.constant 0 : i32
        %parallel_loop3A_1163 = tpu.memref_slice %arg9[%parallel_loop3A_1160, %parallel_loop3A_1161, %parallel_loop3A_1162] : memref<2x64x128xf32, #tpu.memory_space<vmem>> -> memref<1x64x128xf32, #tpu.memory_space<vmem>>
        %parallel_loop3A_1164 = tpu.memref_squeeze %parallel_loop3A_1163 : memref<1x64x128xf32, #tpu.memory_space<vmem>> -> memref<64x128xf32, #tpu.memory_space<vmem>>
        tpu.vector_store_idx %parallel_loop3A_1164[%parallel_loop3A_1142, %add3A_39], %parallel_loop3A_1159 : memref<64x128xf32, #tpu.memory_space<vmem>>[vector<16xi32>, vector<16xi32>], vector<16xf32>,
        %parallel_loop3A_1165 = arith.constant 1 : i32
        %parallel_loop3A_1166 = arith.constant 0 : i32
        %parallel_loop3A_1167 = arith.constant 0 : i32
        %parallel_loop3A_1168 = tpu.memref_slice %arg8[%parallel_loop3A_1165, %parallel_loop3A_1166, %parallel_loop3A_1167] : memref<2x128x64xf32, #tpu.memory_space<vmem>> -> memref<1x128x64xf32, #tpu.memory_space<vmem>>
        %parallel_loop3A_1169 = tpu.memref_squeeze %parallel_loop3A_1168 : memref<1x128x64xf32, #tpu.memory_space<vmem>> -> memref<128x64xf32, #tpu.memory_space<vmem>>
        %parallel_loop3A_1170 = tpu.vector_load_idx %parallel_loop3A_1169[%add3A_42, %parallel_loop3A_1142] : memref<128x64xf32, #tpu.memory_space<vmem>>[vector<16xi32>, vector<16xi32>], vector<16xf32>,
        %parallel_loop3A_1171 = arith.addf %parallel_loop3A_1170, %parallel_loop3A_1152 : vector<16xf32>
        %parallel_loop3A_1172 = arith.constant 1 : i32
        %parallel_loop3A_1173 = arith.constant 0 : i32
        %parallel_loop3A_1174 = arith.constant 0 : i32
        %parallel_loop3A_1175 = tpu.memref_slice %arg9[%parallel_loop3A_1172, %parallel_loop3A_1173, %parallel_loop3A_1174] : memref<2x64x128xf32, #tpu.memory_space<vmem>> -> memref<1x64x128xf32, #tpu.memory_space<vmem>>
        %parallel_loop3A_1176 = tpu.memref_squeeze %parallel_loop3A_1175 : memref<1x64x128xf32, #tpu.memory_space<vmem>> -> memref<64x128xf32, #tpu.memory_space<vmem>>
        tpu.vector_store_idx %parallel_loop3A_1176[%parallel_loop3A_1142, %add3A_42], %parallel_loop3A_1171 : memref<64x128xf32, #tpu.memory_space<vmem>>[vector<16xi32>, vector<16xi32>], vector<16xf32>,
        %parallel_loop3A_1177 = arith.constant 1 : i32
        %parallel_loop3A_1178 = arith.constant 0 : i32
        %parallel_loop3A_1179 = arith.constant 0 : i32
        %parallel_loop3A_1180 = tpu.memref_slice %arg8[%parallel_loop3A_1177, %parallel_loop3A_1178, %parallel_loop3A_1179] : memref<2x128x64xf32, #tpu.memory_space<vmem>> -> memref<1x128x64xf32, #tpu.memory_space<vmem>>
        %parallel_loop3A_1181 = tpu.memref_squeeze %parallel_loop3A_1180 : memref<1x128x64xf32, #tpu.memory_space<vmem>> -> memref<128x64xf32, #tpu.memory_space<vmem>>
        %parallel_loop3A_1182 = tpu.vector_load_idx %parallel_loop3A_1181[%add3A_45, %parallel_loop3A_1142] : memref<128x64xf32, #tpu.memory_space<vmem>>[vector<16xi32>, vector<16xi32>], vector<16xf32>,
        %parallel_loop3A_1183 = arith.addf %parallel_loop3A_1182, %parallel_loop3A_1152 : vector<16xf32>
        %parallel_loop3A_1184 = arith.constant 1 : i32
        %parallel_loop3A_1185 = arith.constant 0 : i32
        %parallel_loop3A_1186 = arith.constant 0 : i32
        %parallel_loop3A_1187 = tpu.memref_slice %arg9[%parallel_loop3A_1184, %parallel_loop3A_1185, %parallel_loop3A_1186] : memref<2x64x128xf32, #tpu.memory_space<vmem>> -> memref<1x64x128xf32, #tpu.memory_space<vmem>>
        %parallel_loop3A_1188 = tpu.memref_squeeze %parallel_loop3A_1187 : memref<1x64x128xf32, #tpu.memory_space<vmem>> -> memref<64x128xf32, #tpu.memory_space<vmem>>
        tpu.vector_store_idx %parallel_loop3A_1188[%parallel_loop3A_1142, %add3A_45], %parallel_loop3A_1183 : memref<64x128xf32, #tpu.memory_space<vmem>>[vector<16xi32>, vector<16xi32>], vector<16xf32>,
        %parallel_loop3A_1189 = arith.constant 1 : i32
        %parallel_loop3A_1190 = arith.constant 0 : i32
        %parallel_loop3A_1191 = arith.constant 0 : i32
        %parallel_loop3A_1192 = tpu.memref_slice %arg8[%parallel_loop3A_1189, %parallel_loop3A_1190, %parallel_loop3A_1191] : memref<2x128x64xf32, #tpu.memory_space<vmem>> -> memref<1x128x64xf32, #tpu.memory_space<vmem>>
        %parallel_loop3A_1193 = tpu.memref_squeeze %parallel_loop3A_1192 : memref<1x128x64xf32, #tpu.memory_space<vmem>> -> memref<128x64xf32, #tpu.memory_space<vmem>>
        %parallel_loop3A_1194 = tpu.vector_load_idx %parallel_loop3A_1193[%add3A_48, %parallel_loop3A_1142] : memref<128x64xf32, #tpu.memory_space<vmem>>[vector<16xi32>, vector<16xi32>], vector<16xf32>,
        %parallel_loop3A_1195 = arith.addf %parallel_loop3A_1194, %parallel_loop3A_1152 : vector<16xf32>
        %parallel_loop3A_1196 = arith.constant 1 : i32
        %parallel_loop3A_1197 = arith.constant 0 : i32
        %parallel_loop3A_1198 = arith.constant 0 : i32
        %parallel_loop3A_1199 = tpu.memref_slice %arg9[%parallel_loop3A_1196, %parallel_loop3A_1197, %parallel_loop3A_1198] : memref<2x64x128xf32, #tpu.memory_space<vmem>> -> memref<1x64x128xf32, #tpu.memory_space<vmem>>
        %parallel_loop3A_1200 = tpu.memref_squeeze %parallel_loop3A_1199 : memref<1x64x128xf32, #tpu.memory_space<vmem>> -> memref<64x128xf32, #tpu.memory_space<vmem>>
        tpu.vector_store_idx %parallel_loop3A_1200[%parallel_loop3A_1142, %add3A_48], %parallel_loop3A_1195 : memref<64x128xf32, #tpu.memory_space<vmem>>[vector<16xi32>, vector<16xi32>], vector<16xf32>,
        %parallel_loop3A_1201 = arith.constant 1 : i32
        %parallel_loop3A_1202 = arith.constant 0 : i32
        %parallel_loop3A_1203 = arith.constant 0 : i32
        %parallel_loop3A_1204 = tpu.memref_slice %arg8[%parallel_loop3A_1201, %parallel_loop3A_1202, %parallel_loop3A_1203] : memref<2x128x64xf32, #tpu.memory_space<vmem>> -> memref<1x128x64xf32, #tpu.memory_space<vmem>>
        %parallel_loop3A_1205 = tpu.memref_squeeze %parallel_loop3A_1204 : memref<1x128x64xf32, #tpu.memory_space<vmem>> -> memref<128x64xf32, #tpu.memory_space<vmem>>
        %parallel_loop3A_1206 = tpu.vector_load_idx %parallel_loop3A_1205[%add3A_51, %parallel_loop3A_1142] : memref<128x64xf32, #tpu.memory_space<vmem>>[vector<16xi32>, vector<16xi32>], vector<16xf32>,
        %parallel_loop3A_1207 = arith.addf %parallel_loop3A_1206, %parallel_loop3A_1152 : vector<16xf32>
        %parallel_loop3A_1208 = arith.constant 1 : i32
        %parallel_loop3A_1209 = arith.constant 0 : i32
        %parallel_loop3A_1210 = arith.constant 0 : i32
        %parallel_loop3A_1211 = tpu.memref_slice %arg9[%parallel_loop3A_1208, %parallel_loop3A_1209, %parallel_loop3A_1210] : memref<2x64x128xf32, #tpu.memory_space<vmem>> -> memref<1x64x128xf32, #tpu.memory_space<vmem>>
        %parallel_loop3A_1212 = tpu.memref_squeeze %parallel_loop3A_1211 : memref<1x64x128xf32, #tpu.memory_space<vmem>> -> memref<64x128xf32, #tpu.memory_space<vmem>>
        tpu.vector_store_idx %parallel_loop3A_1212[%parallel_loop3A_1142, %add3A_51], %parallel_loop3A_1207 : memref<64x128xf32, #tpu.memory_space<vmem>>[vector<16xi32>, vector<16xi32>], vector<16xf32>,
        %parallel_loop3A_1213 = arith.constant 1 : i32
        %parallel_loop3A_1214 = arith.constant 0 : i32
        %parallel_loop3A_1215 = arith.constant 0 : i32
        %parallel_loop3A_1216 = tpu.memref_slice %arg8[%parallel_loop3A_1213, %parallel_loop3A_1214, %parallel_loop3A_1215] : memref<2x128x64xf32, #tpu.memory_space<vmem>> -> memref<1x128x64xf32, #tpu.memory_space<vmem>>
        %parallel_loop3A_1217 = tpu.memref_squeeze %parallel_loop3A_1216 : memref<1x128x64xf32, #tpu.memory_space<vmem>> -> memref<128x64xf32, #tpu.memory_space<vmem>>
        %parallel_loop3A_1218 = tpu.vector_load_idx %parallel_loop3A_1217[%add3A_54, %parallel_loop3A_1142] : memref<128x64xf32, #tpu.memory_space<vmem>>[vector<16xi32>, vector<16xi32>], vector<16xf32>,
        %parallel_loop3A_1219 = arith.addf %parallel_loop3A_1218, %parallel_loop3A_1152 : vector<16xf32>
        %parallel_loop3A_1220 = arith.constant 1 : i32
        %parallel_loop3A_1221 = arith.constant 0 : i32
        %parallel_loop3A_1222 = arith.constant 0 : i32
        %parallel_loop3A_1223 = tpu.memref_slice %arg9[%parallel_loop3A_1220, %parallel_loop3A_1221, %parallel_loop3A_1222] : memref<2x64x128xf32, #tpu.memory_space<vmem>> -> memref<1x64x128xf32, #tpu.memory_space<vmem>>
        %parallel_loop3A_1224 = tpu.memref_squeeze %parallel_loop3A_1223 : memref<1x64x128xf32, #tpu.memory_space<vmem>> -> memref<64x128xf32, #tpu.memory_space<vmem>>
        tpu.vector_store_idx %parallel_loop3A_1224[%parallel_loop3A_1142, %add3A_54], %parallel_loop3A_1219 : memref<64x128xf32, #tpu.memory_space<vmem>>[vector<16xi32>, vector<16xi32>], vector<16xf32>,
        %parallel_loop3A_1225 = arith.constant 1 : i32
        %parallel_loop3A_1226 = arith.constant 0 : i32
        %parallel_loop3A_1227 = arith.constant 0 : i32
        %parallel_loop3A_1228 = tpu.memref_slice %arg8[%parallel_loop3A_1225, %parallel_loop3A_1226, %parallel_loop3A_1227] : memref<2x128x64xf32, #tpu.memory_space<vmem>> -> memref<1x128x64xf32, #tpu.memory_space<vmem>>
        %parallel_loop3A_1229 = tpu.memref_squeeze %parallel_loop3A_1228 : memref<1x128x64xf32, #tpu.memory_space<vmem>> -> memref<128x64xf32, #tpu.memory_space<vmem>>
        %parallel_loop3A_1230 = tpu.vector_load_idx %parallel_loop3A_1229[%add3A_57, %parallel_loop3A_1142] : memref<128x64xf32, #tpu.memory_space<vmem>>[vector<16xi32>, vector<16xi32>], vector<16xf32>,
        %parallel_loop3A_1231 = arith.addf %parallel_loop3A_1230, %parallel_loop3A_1152 : vector<16xf32>
        %parallel_loop3A_1232 = arith.constant 1 : i32
        %parallel_loop3A_1233 = arith.constant 0 : i32
        %parallel_loop3A_1234 = arith.constant 0 : i32
        %parallel_loop3A_1235 = tpu.memref_slice %arg9[%parallel_loop3A_1232, %parallel_loop3A_1233, %parallel_loop3A_1234] : memref<2x64x128xf32, #tpu.memory_space<vmem>> -> memref<1x64x128xf32, #tpu.memory_space<vmem>>
        %parallel_loop3A_1236 = tpu.memref_squeeze %parallel_loop3A_1235 : memref<1x64x128xf32, #tpu.memory_space<vmem>> -> memref<64x128xf32, #tpu.memory_space<vmem>>
        tpu.vector_store_idx %parallel_loop3A_1236[%parallel_loop3A_1142, %add3A_57], %parallel_loop3A_1231 : memref<64x128xf32, #tpu.memory_space<vmem>>[vector<16xi32>, vector<16xi32>], vector<16xf32>,
        %parallel_loop3A_1237 = arith.constant 1 : i32
        %parallel_loop3A_1238 = arith.constant 0 : i32
        %parallel_loop3A_1239 = arith.constant 0 : i32
        %parallel_loop3A_1240 = tpu.memref_slice %arg8[%parallel_loop3A_1237, %parallel_loop3A_1238, %parallel_loop3A_1239] : memref<2x128x64xf32, #tpu.memory_space<vmem>> -> memref<1x128x64xf32, #tpu.memory_space<vmem>>
        %parallel_loop3A_1241 = tpu.memref_squeeze %parallel_loop3A_1240 : memref<1x128x64xf32, #tpu.memory_space<vmem>> -> memref<128x64xf32, #tpu.memory_space<vmem>>
        %parallel_loop3A_1242 = tpu.vector_load_idx %parallel_loop3A_1241[%add3A_60, %parallel_loop3A_1142] : memref<128x64xf32, #tpu.memory_space<vmem>>[vector<16xi32>, vector<16xi32>], vector<16xf32>,
        %parallel_loop3A_1243 = arith.addf %parallel_loop3A_1242, %parallel_loop3A_1152 : vector<16xf32>
        %parallel_loop3A_1244 = arith.constant 1 : i32
        %parallel_loop3A_1245 = arith.constant 0 : i32
        %parallel_loop3A_1246 = arith.constant 0 : i32
        %parallel_loop3A_1247 = tpu.memref_slice %arg9[%parallel_loop3A_1244, %parallel_loop3A_1245, %parallel_loop3A_1246] : memref<2x64x128xf32, #tpu.memory_space<vmem>> -> memref<1x64x128xf32, #tpu.memory_space<vmem>>
        %parallel_loop3A_1248 = tpu.memref_squeeze %parallel_loop3A_1247 : memref<1x64x128xf32, #tpu.memory_space<vmem>> -> memref<64x128xf32, #tpu.memory_space<vmem>>
        tpu.vector_store_idx %parallel_loop3A_1248[%parallel_loop3A_1142, %add3A_60], %parallel_loop3A_1243 : memref<64x128xf32, #tpu.memory_space<vmem>>[vector<16xi32>, vector<16xi32>], vector<16xf32>,
        %parallel_loop3A_1249 = arith.constant 48 : i32
        %parallel_loop3A_1250 = vector.broadcast %parallel_loop3A_1249 : i32 to vector<16xi32>
        %parallel_loop3A_1251 = arith.addi %parallel_loop3A_921, %parallel_loop3A_1250 : vector<16xi32>
        %parallel_loop3A_1252 = arith.constant 0 : i32
        %parallel_loop3A_1253 = vector.broadcast %parallel_loop3A_1252 : i32 to vector<16xi32>
        %parallel_loop3A_1254 = arith.cmpi slt, %parallel_loop3A_921, %parallel_loop3A_1253 : vector<16xi32>
        %parallel_loop3A_1255 = arith.constant 16 : i32
        %parallel_loop3A_1256 = vector.broadcast %parallel_loop3A_1255 : i32 to vector<16xi32>
        %parallel_loop3A_1257 = arith.addi %parallel_loop3A_921, %parallel_loop3A_1256 : vector<16xi32>
        %parallel_loop3A_1258 = arith.select %parallel_loop3A_1254, %parallel_loop3A_1257, %parallel_loop3A_921 : vector<16xi1>, vector<16xi32>
        %parallel_loop3A_1259 = vector.shape_cast %parallel_loop3A_1258 : vector<16xi32> to vector<16x1xi32>
        %parallel_loop3A_1260 = vector.shape_cast %parallel_loop3A_1259 : vector<16x1xi32> to vector<16xi32>
        %parallel_loop3A_1261 = tpu.dynamic_gather %get3A_736[%parallel_loop3A_1260] in [0] : vector<16xf32>, vector<16xi32> -> vector<16xf32>
        %parallel_loop3A_1262 = arith.constant 1 : i32
        %parallel_loop3A_1263 = arith.constant 0 : i32
        %parallel_loop3A_1264 = arith.constant 0 : i32
        %parallel_loop3A_1265 = tpu.memref_slice %arg8[%parallel_loop3A_1262, %parallel_loop3A_1263, %parallel_loop3A_1264] : memref<2x128x64xf32, #tpu.memory_space<vmem>> -> memref<1x128x64xf32, #tpu.memory_space<vmem>>
        %parallel_loop3A_1266 = tpu.memref_squeeze %parallel_loop3A_1265 : memref<1x128x64xf32, #tpu.memory_space<vmem>> -> memref<128x64xf32, #tpu.memory_space<vmem>>
        %parallel_loop3A_1267 = tpu.vector_load_idx %parallel_loop3A_1266[%add3A_39, %parallel_loop3A_1251] : memref<128x64xf32, #tpu.memory_space<vmem>>[vector<16xi32>, vector<16xi32>], vector<16xf32>,
        %parallel_loop3A_1268 = arith.addf %parallel_loop3A_1267, %parallel_loop3A_1261 : vector<16xf32>
        %parallel_loop3A_1269 = arith.constant 1 : i32
        %parallel_loop3A_1270 = arith.constant 0 : i32
        %parallel_loop3A_1271 = arith.constant 0 : i32
        %parallel_loop3A_1272 = tpu.memref_slice %arg9[%parallel_loop3A_1269, %parallel_loop3A_1270, %parallel_loop3A_1271] : memref<2x64x128xf32, #tpu.memory_space<vmem>> -> memref<1x64x128xf32, #tpu.memory_space<vmem>>
        %parallel_loop3A_1273 = tpu.memref_squeeze %parallel_loop3A_1272 : memref<1x64x128xf32, #tpu.memory_space<vmem>> -> memref<64x128xf32, #tpu.memory_space<vmem>>
        tpu.vector_store_idx %parallel_loop3A_1273[%parallel_loop3A_1251, %add3A_39], %parallel_loop3A_1268 : memref<64x128xf32, #tpu.memory_space<vmem>>[vector<16xi32>, vector<16xi32>], vector<16xf32>,
        %parallel_loop3A_1274 = arith.constant 1 : i32
        %parallel_loop3A_1275 = arith.constant 0 : i32
        %parallel_loop3A_1276 = arith.constant 0 : i32
        %parallel_loop3A_1277 = tpu.memref_slice %arg8[%parallel_loop3A_1274, %parallel_loop3A_1275, %parallel_loop3A_1276] : memref<2x128x64xf32, #tpu.memory_space<vmem>> -> memref<1x128x64xf32, #tpu.memory_space<vmem>>
        %parallel_loop3A_1278 = tpu.memref_squeeze %parallel_loop3A_1277 : memref<1x128x64xf32, #tpu.memory_space<vmem>> -> memref<128x64xf32, #tpu.memory_space<vmem>>
        %parallel_loop3A_1279 = tpu.vector_load_idx %parallel_loop3A_1278[%add3A_42, %parallel_loop3A_1251] : memref<128x64xf32, #tpu.memory_space<vmem>>[vector<16xi32>, vector<16xi32>], vector<16xf32>,
        %parallel_loop3A_1280 = arith.addf %parallel_loop3A_1279, %parallel_loop3A_1261 : vector<16xf32>
        %parallel_loop3A_1281 = arith.constant 1 : i32
        %parallel_loop3A_1282 = arith.constant 0 : i32
        %parallel_loop3A_1283 = arith.constant 0 : i32
        %parallel_loop3A_1284 = tpu.memref_slice %arg9[%parallel_loop3A_1281, %parallel_loop3A_1282, %parallel_loop3A_1283] : memref<2x64x128xf32, #tpu.memory_space<vmem>> -> memref<1x64x128xf32, #tpu.memory_space<vmem>>
        %parallel_loop3A_1285 = tpu.memref_squeeze %parallel_loop3A_1284 : memref<1x64x128xf32, #tpu.memory_space<vmem>> -> memref<64x128xf32, #tpu.memory_space<vmem>>
        tpu.vector_store_idx %parallel_loop3A_1285[%parallel_loop3A_1251, %add3A_42], %parallel_loop3A_1280 : memref<64x128xf32, #tpu.memory_space<vmem>>[vector<16xi32>, vector<16xi32>], vector<16xf32>,
        %parallel_loop3A_1286 = arith.constant 1 : i32
        %parallel_loop3A_1287 = arith.constant 0 : i32
        %parallel_loop3A_1288 = arith.constant 0 : i32
        %parallel_loop3A_1289 = tpu.memref_slice %arg8[%parallel_loop3A_1286, %parallel_loop3A_1287, %parallel_loop3A_1288] : memref<2x128x64xf32, #tpu.memory_space<vmem>> -> memref<1x128x64xf32, #tpu.memory_space<vmem>>
        %parallel_loop3A_1290 = tpu.memref_squeeze %parallel_loop3A_1289 : memref<1x128x64xf32, #tpu.memory_space<vmem>> -> memref<128x64xf32, #tpu.memory_space<vmem>>
        %parallel_loop3A_1291 = tpu.vector_load_idx %parallel_loop3A_1290[%add3A_45, %parallel_loop3A_1251] : memref<128x64xf32, #tpu.memory_space<vmem>>[vector<16xi32>, vector<16xi32>], vector<16xf32>,
        %parallel_loop3A_1292 = arith.addf %parallel_loop3A_1291, %parallel_loop3A_1261 : vector<16xf32>
        %parallel_loop3A_1293 = arith.constant 1 : i32
        %parallel_loop3A_1294 = arith.constant 0 : i32
        %parallel_loop3A_1295 = arith.constant 0 : i32
        %parallel_loop3A_1296 = tpu.memref_slice %arg9[%parallel_loop3A_1293, %parallel_loop3A_1294, %parallel_loop3A_1295] : memref<2x64x128xf32, #tpu.memory_space<vmem>> -> memref<1x64x128xf32, #tpu.memory_space<vmem>>
        %parallel_loop3A_1297 = tpu.memref_squeeze %parallel_loop3A_1296 : memref<1x64x128xf32, #tpu.memory_space<vmem>> -> memref<64x128xf32, #tpu.memory_space<vmem>>
        tpu.vector_store_idx %parallel_loop3A_1297[%parallel_loop3A_1251, %add3A_45], %parallel_loop3A_1292 : memref<64x128xf32, #tpu.memory_space<vmem>>[vector<16xi32>, vector<16xi32>], vector<16xf32>,
        %parallel_loop3A_1298 = arith.constant 1 : i32
        %parallel_loop3A_1299 = arith.constant 0 : i32
        %parallel_loop3A_1300 = arith.constant 0 : i32
        %parallel_loop3A_1301 = tpu.memref_slice %arg8[%parallel_loop3A_1298, %parallel_loop3A_1299, %parallel_loop3A_1300] : memref<2x128x64xf32, #tpu.memory_space<vmem>> -> memref<1x128x64xf32, #tpu.memory_space<vmem>>
        %parallel_loop3A_1302 = tpu.memref_squeeze %parallel_loop3A_1301 : memref<1x128x64xf32, #tpu.memory_space<vmem>> -> memref<128x64xf32, #tpu.memory_space<vmem>>
        %parallel_loop3A_1303 = tpu.vector_load_idx %parallel_loop3A_1302[%add3A_48, %parallel_loop3A_1251] : memref<128x64xf32, #tpu.memory_space<vmem>>[vector<16xi32>, vector<16xi32>], vector<16xf32>,
        %parallel_loop3A_1304 = arith.addf %parallel_loop3A_1303, %parallel_loop3A_1261 : vector<16xf32>
        %parallel_loop3A_1305 = arith.constant 1 : i32
        %parallel_loop3A_1306 = arith.constant 0 : i32
        %parallel_loop3A_1307 = arith.constant 0 : i32
        %parallel_loop3A_1308 = tpu.memref_slice %arg9[%parallel_loop3A_1305, %parallel_loop3A_1306, %parallel_loop3A_1307] : memref<2x64x128xf32, #tpu.memory_space<vmem>> -> memref<1x64x128xf32, #tpu.memory_space<vmem>>
        %parallel_loop3A_1309 = tpu.memref_squeeze %parallel_loop3A_1308 : memref<1x64x128xf32, #tpu.memory_space<vmem>> -> memref<64x128xf32, #tpu.memory_space<vmem>>
        tpu.vector_store_idx %parallel_loop3A_1309[%parallel_loop3A_1251, %add3A_48], %parallel_loop3A_1304 : memref<64x128xf32, #tpu.memory_space<vmem>>[vector<16xi32>, vector<16xi32>], vector<16xf32>,
        %parallel_loop3A_1310 = arith.constant 1 : i32
        %parallel_loop3A_1311 = arith.constant 0 : i32
        %parallel_loop3A_1312 = arith.constant 0 : i32
        %parallel_loop3A_1313 = tpu.memref_slice %arg8[%parallel_loop3A_1310, %parallel_loop3A_1311, %parallel_loop3A_1312] : memref<2x128x64xf32, #tpu.memory_space<vmem>> -> memref<1x128x64xf32, #tpu.memory_space<vmem>>
        %parallel_loop3A_1314 = tpu.memref_squeeze %parallel_loop3A_1313 : memref<1x128x64xf32, #tpu.memory_space<vmem>> -> memref<128x64xf32, #tpu.memory_space<vmem>>
        %parallel_loop3A_1315 = tpu.vector_load_idx %parallel_loop3A_1314[%add3A_51, %parallel_loop3A_1251] : memref<128x64xf32, #tpu.memory_space<vmem>>[vector<16xi32>, vector<16xi32>], vector<16xf32>,
        %parallel_loop3A_1316 = arith.addf %parallel_loop3A_1315, %parallel_loop3A_1261 : vector<16xf32>
        %parallel_loop3A_1317 = arith.constant 1 : i32
        %parallel_loop3A_1318 = arith.constant 0 : i32
        %parallel_loop3A_1319 = arith.constant 0 : i32
        %parallel_loop3A_1320 = tpu.memref_slice %arg9[%parallel_loop3A_1317, %parallel_loop3A_1318, %parallel_loop3A_1319] : memref<2x64x128xf32, #tpu.memory_space<vmem>> -> memref<1x64x128xf32, #tpu.memory_space<vmem>>
        %parallel_loop3A_1321 = tpu.memref_squeeze %parallel_loop3A_1320 : memref<1x64x128xf32, #tpu.memory_space<vmem>> -> memref<64x128xf32, #tpu.memory_space<vmem>>
        tpu.vector_store_idx %parallel_loop3A_1321[%parallel_loop3A_1251, %add3A_51], %parallel_loop3A_1316 : memref<64x128xf32, #tpu.memory_space<vmem>>[vector<16xi32>, vector<16xi32>], vector<16xf32>,
        %parallel_loop3A_1322 = arith.constant 1 : i32
        %parallel_loop3A_1323 = arith.constant 0 : i32
        %parallel_loop3A_1324 = arith.constant 0 : i32
        %parallel_loop3A_1325 = tpu.memref_slice %arg8[%parallel_loop3A_1322, %parallel_loop3A_1323, %parallel_loop3A_1324] : memref<2x128x64xf32, #tpu.memory_space<vmem>> -> memref<1x128x64xf32, #tpu.memory_space<vmem>>
        %parallel_loop3A_1326 = tpu.memref_squeeze %parallel_loop3A_1325 : memref<1x128x64xf32, #tpu.memory_space<vmem>> -> memref<128x64xf32, #tpu.memory_space<vmem>>
        %parallel_loop3A_1327 = tpu.vector_load_idx %parallel_loop3A_1326[%add3A_54, %parallel_loop3A_1251] : memref<128x64xf32, #tpu.memory_space<vmem>>[vector<16xi32>, vector<16xi32>], vector<16xf32>,
        %parallel_loop3A_1328 = arith.addf %parallel_loop3A_1327, %parallel_loop3A_1261 : vector<16xf32>
        %parallel_loop3A_1329 = arith.constant 1 : i32
        %parallel_loop3A_1330 = arith.constant 0 : i32
        %parallel_loop3A_1331 = arith.constant 0 : i32
        %parallel_loop3A_1332 = tpu.memref_slice %arg9[%parallel_loop3A_1329, %parallel_loop3A_1330, %parallel_loop3A_1331] : memref<2x64x128xf32, #tpu.memory_space<vmem>> -> memref<1x64x128xf32, #tpu.memory_space<vmem>>
        %parallel_loop3A_1333 = tpu.memref_squeeze %parallel_loop3A_1332 : memref<1x64x128xf32, #tpu.memory_space<vmem>> -> memref<64x128xf32, #tpu.memory_space<vmem>>
        tpu.vector_store_idx %parallel_loop3A_1333[%parallel_loop3A_1251, %add3A_54], %parallel_loop3A_1328 : memref<64x128xf32, #tpu.memory_space<vmem>>[vector<16xi32>, vector<16xi32>], vector<16xf32>,
        %parallel_loop3A_1334 = arith.constant 1 : i32
        %parallel_loop3A_1335 = arith.constant 0 : i32
        %parallel_loop3A_1336 = arith.constant 0 : i32
        %parallel_loop3A_1337 = tpu.memref_slice %arg8[%parallel_loop3A_1334, %parallel_loop3A_1335, %parallel_loop3A_1336] : memref<2x128x64xf32, #tpu.memory_space<vmem>> -> memref<1x128x64xf32, #tpu.memory_space<vmem>>
        %parallel_loop3A_1338 = tpu.memref_squeeze %parallel_loop3A_1337 : memref<1x128x64xf32, #tpu.memory_space<vmem>> -> memref<128x64xf32, #tpu.memory_space<vmem>>
        %parallel_loop3A_1339 = tpu.vector_load_idx %parallel_loop3A_1338[%add3A_57, %parallel_loop3A_1251] : memref<128x64xf32, #tpu.memory_space<vmem>>[vector<16xi32>, vector<16xi32>], vector<16xf32>,
        %parallel_loop3A_1340 = arith.addf %parallel_loop3A_1339, %parallel_loop3A_1261 : vector<16xf32>
        %parallel_loop3A_1341 = arith.constant 1 : i32
        %parallel_loop3A_1342 = arith.constant 0 : i32
        %parallel_loop3A_1343 = arith.constant 0 : i32
        %parallel_loop3A_1344 = tpu.memref_slice %arg9[%parallel_loop3A_1341, %parallel_loop3A_1342, %parallel_loop3A_1343] : memref<2x64x128xf32, #tpu.memory_space<vmem>> -> memref<1x64x128xf32, #tpu.memory_space<vmem>>
        %parallel_loop3A_1345 = tpu.memref_squeeze %parallel_loop3A_1344 : memref<1x64x128xf32, #tpu.memory_space<vmem>> -> memref<64x128xf32, #tpu.memory_space<vmem>>
        tpu.vector_store_idx %parallel_loop3A_1345[%parallel_loop3A_1251, %add3A_57], %parallel_loop3A_1340 : memref<64x128xf32, #tpu.memory_space<vmem>>[vector<16xi32>, vector<16xi32>], vector<16xf32>,
        %parallel_loop3A_1346 = arith.constant 1 : i32
        %parallel_loop3A_1347 = arith.constant 0 : i32
        %parallel_loop3A_1348 = arith.constant 0 : i32
        %parallel_loop3A_1349 = tpu.memref_slice %arg8[%parallel_loop3A_1346, %parallel_loop3A_1347, %parallel_loop3A_1348] : memref<2x128x64xf32, #tpu.memory_space<vmem>> -> memref<1x128x64xf32, #tpu.memory_space<vmem>>
        %parallel_loop3A_1350 = tpu.memref_squeeze %parallel_loop3A_1349 : memref<1x128x64xf32, #tpu.memory_space<vmem>> -> memref<128x64xf32, #tpu.memory_space<vmem>>
        %parallel_loop3A_1351 = tpu.vector_load_idx %parallel_loop3A_1350[%add3A_60, %parallel_loop3A_1251] : memref<128x64xf32, #tpu.memory_space<vmem>>[vector<16xi32>, vector<16xi32>], vector<16xf32>,
        %parallel_loop3A_1352 = arith.addf %parallel_loop3A_1351, %parallel_loop3A_1261 : vector<16xf32>
        %parallel_loop3A_1353 = arith.constant 1 : i32
        %parallel_loop3A_1354 = arith.constant 0 : i32
        %parallel_loop3A_1355 = arith.constant 0 : i32
        %parallel_loop3A_1356 = tpu.memref_slice %arg9[%parallel_loop3A_1353, %parallel_loop3A_1354, %parallel_loop3A_1355] : memref<2x64x128xf32, #tpu.memory_space<vmem>> -> memref<1x64x128xf32, #tpu.memory_space<vmem>>
        %parallel_loop3A_1357 = tpu.memref_squeeze %parallel_loop3A_1356 : memref<1x64x128xf32, #tpu.memory_space<vmem>> -> memref<64x128xf32, #tpu.memory_space<vmem>>
        tpu.vector_store_idx %parallel_loop3A_1357[%parallel_loop3A_1251, %add3A_60], %parallel_loop3A_1352 : memref<64x128xf32, #tpu.memory_space<vmem>>[vector<16xi32>, vector<16xi32>], vector<16xf32>,
      } {sc.loop_unroll_factor = 8 : i64, sc.parallel_access}
      %add3A_740 = arith.addi %mul3A_18, %add3A_682 : i32
      %dma_start3A_741 = arith.constant 1 : i32
      %dma_start3A_742 = arith.constant 0 : i32
      %dma_start3A_743 = arith.constant 1 : i32
      %dma_start3A_744 = arith.constant 0 : i32
      %dma_start3A_745 = arith.constant 0 : i32
      %dma_start3A_746 = tpu.memref_slice %arg9[%dma_start3A_741, %dma_start3A_744, %dma_start3A_745] : memref<2x64x128xf32, #tpu.memory_space<vmem>> -> memref<1x8x128xf32, #tpu.memory_space<vmem>>
      %dma_start3A_747 = tpu.memref_squeeze %dma_start3A_746 : memref<1x8x128xf32, #tpu.memory_space<vmem>> -> memref<8x128xf32, #tpu.memory_space<vmem>>
      %dma_start3A_748 = arith.constant 0 : i32
      %dma_start3A_749 = arith.constant 0 : i32
      %dma_start3A_750 = tpu.memref_slice %arg5[%add3A_740, %dma_start3A_742, %select_n3A_32, %dma_start3A_748, %dma_start3A_749] : memref<200x8x8x8x128xf32, #tpu.memory_space<hbm>> -> memref<1x1x1x8x128xf32, #tpu.memory_space<hbm>>
      %dma_start3A_751 = tpu.memref_squeeze %dma_start3A_750 : memref<1x1x1x8x128xf32, #tpu.memory_space<hbm>> -> memref<8x128xf32, #tpu.memory_space<hbm>>
      %dma_start3A_752 = tpu.memref_slice %arg11[%dma_start3A_743] : memref<2x!tpu.dma_semaphore, #tpu.memory_space<semaphore_mem>> -> memref<1x!tpu.dma_semaphore, #tpu.memory_space<semaphore_mem>>
      %dma_start3A_753 = tpu.memref_squeeze %dma_start3A_752 : memref<1x!tpu.dma_semaphore, #tpu.memory_space<semaphore_mem>> -> memref<!tpu.dma_semaphore, #tpu.memory_space<semaphore_mem>>
      %dma_start3A_754 = arith.constant 0 : i32
      %dma_start3A_755 = arith.constant 0 : i32
      %dma_start3A_756 = tpu.memref_slice %arg5[%add3A_740, %dma_start3A_742, %select_n3A_32, %dma_start3A_754, %dma_start3A_755] : memref<200x8x8x8x128xf32, #tpu.memory_space<hbm>> -> memref<1x1x1x8x128xf32, #tpu.memory_space<hbm>>
      %dma_start3A_757 = tpu.memref_squeeze %dma_start3A_756 : memref<1x1x1x8x128xf32, #tpu.memory_space<hbm>> -> memref<8x128xf32, #tpu.memory_space<hbm>>
      %dma_start3A_758 = arith.constant 0 : i32
      %dma_start3A_759 = arith.constant 0 : i32
      %dma_start3A_760 = tpu.memref_slice %arg9[%dma_start3A_741, %dma_start3A_758, %dma_start3A_759] : memref<2x64x128xf32, #tpu.memory_space<vmem>> -> memref<1x8x128xf32, #tpu.memory_space<vmem>>
      %dma_start3A_761 = tpu.memref_squeeze %dma_start3A_760 : memref<1x8x128xf32, #tpu.memory_space<vmem>> -> memref<8x128xf32, #tpu.memory_space<vmem>>
      tpu.enqueue_dma source(%dma_start3A_761 : memref<8x128xf32, #tpu.memory_space<vmem>>) target(%dma_start3A_757 : memref<8x128xf32, #tpu.memory_space<hbm>>) target_semaphore(%dma_start3A_753 : memref<!tpu.dma_semaphore, #tpu.memory_space<semaphore_mem>>)
      %add3A_762 = arith.addi %mul3A_18, %add3A_682 : i32
      %dma_start3A_763 = arith.constant 1 : i32
      %dma_start3A_764 = arith.constant 1 : i32
      %dma_start3A_765 = arith.constant 1 : i32
      %dma_start3A_766 = arith.constant 8 : i32
      %dma_start3A_767 = arith.constant 0 : i32
      %dma_start3A_768 = tpu.memref_slice %arg9[%dma_start3A_763, %dma_start3A_766, %dma_start3A_767] : memref<2x64x128xf32, #tpu.memory_space<vmem>> -> memref<1x8x128xf32, #tpu.memory_space<vmem>>
      %dma_start3A_769 = tpu.memref_squeeze %dma_start3A_768 : memref<1x8x128xf32, #tpu.memory_space<vmem>> -> memref<8x128xf32, #tpu.memory_space<vmem>>
      %dma_start3A_770 = arith.constant 0 : i32
      %dma_start3A_771 = arith.constant 0 : i32
      %dma_start3A_772 = tpu.memref_slice %arg5[%add3A_762, %dma_start3A_764, %select_n3A_32, %dma_start3A_770, %dma_start3A_771] : memref<200x8x8x8x128xf32, #tpu.memory_space<hbm>> -> memref<1x1x1x8x128xf32, #tpu.memory_space<hbm>>
      %dma_start3A_773 = tpu.memref_squeeze %dma_start3A_772 : memref<1x1x1x8x128xf32, #tpu.memory_space<hbm>> -> memref<8x128xf32, #tpu.memory_space<hbm>>
      %dma_start3A_774 = tpu.memref_slice %arg11[%dma_start3A_765] : memref<2x!tpu.dma_semaphore, #tpu.memory_space<semaphore_mem>> -> memref<1x!tpu.dma_semaphore, #tpu.memory_space<semaphore_mem>>
      %dma_start3A_775 = tpu.memref_squeeze %dma_start3A_774 : memref<1x!tpu.dma_semaphore, #tpu.memory_space<semaphore_mem>> -> memref<!tpu.dma_semaphore, #tpu.memory_space<semaphore_mem>>
      %dma_start3A_776 = arith.constant 0 : i32
      %dma_start3A_777 = arith.constant 0 : i32
      %dma_start3A_778 = tpu.memref_slice %arg5[%add3A_762, %dma_start3A_764, %select_n3A_32, %dma_start3A_776, %dma_start3A_777] : memref<200x8x8x8x128xf32, #tpu.memory_space<hbm>> -> memref<1x1x1x8x128xf32, #tpu.memory_space<hbm>>
      %dma_start3A_779 = tpu.memref_squeeze %dma_start3A_778 : memref<1x1x1x8x128xf32, #tpu.memory_space<hbm>> -> memref<8x128xf32, #tpu.memory_space<hbm>>
      %dma_start3A_780 = arith.constant 8 : i32
      %dma_start3A_781 = arith.constant 0 : i32
      %dma_start3A_782 = tpu.memref_slice %arg9[%dma_start3A_763, %dma_start3A_780, %dma_start3A_781] : memref<2x64x128xf32, #tpu.memory_space<vmem>> -> memref<1x8x128xf32, #tpu.memory_space<vmem>>
      %dma_start3A_783 = tpu.memref_squeeze %dma_start3A_782 : memref<1x8x128xf32, #tpu.memory_space<vmem>> -> memref<8x128xf32, #tpu.memory_space<vmem>>
      tpu.enqueue_dma source(%dma_start3A_783 : memref<8x128xf32, #tpu.memory_space<vmem>>) target(%dma_start3A_779 : memref<8x128xf32, #tpu.memory_space<hbm>>) target_semaphore(%dma_start3A_775 : memref<!tpu.dma_semaphore, #tpu.memory_space<semaphore_mem>>)
      %add3A_784 = arith.addi %mul3A_18, %add3A_682 : i32
      %dma_start3A_785 = arith.constant 1 : i32
      %dma_start3A_786 = arith.constant 2 : i32
      %dma_start3A_787 = arith.constant 1 : i32
      %dma_start3A_788 = arith.constant 16 : i32
      %dma_start3A_789 = arith.constant 0 : i32
      %dma_start3A_790 = tpu.memref_slice %arg9[%dma_start3A_785, %dma_start3A_788, %dma_start3A_789] : memref<2x64x128xf32, #tpu.memory_space<vmem>> -> memref<1x8x128xf32, #tpu.memory_space<vmem>>
      %dma_start3A_791 = tpu.memref_squeeze %dma_start3A_790 : memref<1x8x128xf32, #tpu.memory_space<vmem>> -> memref<8x128xf32, #tpu.memory_space<vmem>>
      %dma_start3A_792 = arith.constant 0 : i32
      %dma_start3A_793 = arith.constant 0 : i32
      %dma_start3A_794 = tpu.memref_slice %arg5[%add3A_784, %dma_start3A_786, %select_n3A_32, %dma_start3A_792, %dma_start3A_793] : memref<200x8x8x8x128xf32, #tpu.memory_space<hbm>> -> memref<1x1x1x8x128xf32, #tpu.memory_space<hbm>>
      %dma_start3A_795 = tpu.memref_squeeze %dma_start3A_794 : memref<1x1x1x8x128xf32, #tpu.memory_space<hbm>> -> memref<8x128xf32, #tpu.memory_space<hbm>>
      %dma_start3A_796 = tpu.memref_slice %arg11[%dma_start3A_787] : memref<2x!tpu.dma_semaphore, #tpu.memory_space<semaphore_mem>> -> memref<1x!tpu.dma_semaphore, #tpu.memory_space<semaphore_mem>>
      %dma_start3A_797 = tpu.memref_squeeze %dma_start3A_796 : memref<1x!tpu.dma_semaphore, #tpu.memory_space<semaphore_mem>> -> memref<!tpu.dma_semaphore, #tpu.memory_space<semaphore_mem>>
      %dma_start3A_798 = arith.constant 0 : i32
      %dma_start3A_799 = arith.constant 0 : i32
      %dma_start3A_800 = tpu.memref_slice %arg5[%add3A_784, %dma_start3A_786, %select_n3A_32, %dma_start3A_798, %dma_start3A_799] : memref<200x8x8x8x128xf32, #tpu.memory_space<hbm>> -> memref<1x1x1x8x128xf32, #tpu.memory_space<hbm>>
      %dma_start3A_801 = tpu.memref_squeeze %dma_start3A_800 : memref<1x1x1x8x128xf32, #tpu.memory_space<hbm>> -> memref<8x128xf32, #tpu.memory_space<hbm>>
      %dma_start3A_802 = arith.constant 16 : i32
      %dma_start3A_803 = arith.constant 0 : i32
      %dma_start3A_804 = tpu.memref_slice %arg9[%dma_start3A_785, %dma_start3A_802, %dma_start3A_803] : memref<2x64x128xf32, #tpu.memory_space<vmem>> -> memref<1x8x128xf32, #tpu.memory_space<vmem>>
      %dma_start3A_805 = tpu.memref_squeeze %dma_start3A_804 : memref<1x8x128xf32, #tpu.memory_space<vmem>> -> memref<8x128xf32, #tpu.memory_space<vmem>>
      tpu.enqueue_dma source(%dma_start3A_805 : memref<8x128xf32, #tpu.memory_space<vmem>>) target(%dma_start3A_801 : memref<8x128xf32, #tpu.memory_space<hbm>>) target_semaphore(%dma_start3A_797 : memref<!tpu.dma_semaphore, #tpu.memory_space<semaphore_mem>>)
      %add3A_806 = arith.addi %mul3A_18, %add3A_682 : i32
      %dma_start3A_807 = arith.constant 1 : i32
      %dma_start3A_808 = arith.constant 3 : i32
      %dma_start3A_809 = arith.constant 1 : i32
      %dma_start3A_810 = arith.constant 24 : i32
      %dma_start3A_811 = arith.constant 0 : i32
      %dma_start3A_812 = tpu.memref_slice %arg9[%dma_start3A_807, %dma_start3A_810, %dma_start3A_811] : memref<2x64x128xf32, #tpu.memory_space<vmem>> -> memref<1x8x128xf32, #tpu.memory_space<vmem>>
      %dma_start3A_813 = tpu.memref_squeeze %dma_start3A_812 : memref<1x8x128xf32, #tpu.memory_space<vmem>> -> memref<8x128xf32, #tpu.memory_space<vmem>>
      %dma_start3A_814 = arith.constant 0 : i32
      %dma_start3A_815 = arith.constant 0 : i32
      %dma_start3A_816 = tpu.memref_slice %arg5[%add3A_806, %dma_start3A_808, %select_n3A_32, %dma_start3A_814, %dma_start3A_815] : memref<200x8x8x8x128xf32, #tpu.memory_space<hbm>> -> memref<1x1x1x8x128xf32, #tpu.memory_space<hbm>>
      %dma_start3A_817 = tpu.memref_squeeze %dma_start3A_816 : memref<1x1x1x8x128xf32, #tpu.memory_space<hbm>> -> memref<8x128xf32, #tpu.memory_space<hbm>>
      %dma_start3A_818 = tpu.memref_slice %arg11[%dma_start3A_809] : memref<2x!tpu.dma_semaphore, #tpu.memory_space<semaphore_mem>> -> memref<1x!tpu.dma_semaphore, #tpu.memory_space<semaphore_mem>>
      %dma_start3A_819 = tpu.memref_squeeze %dma_start3A_818 : memref<1x!tpu.dma_semaphore, #tpu.memory_space<semaphore_mem>> -> memref<!tpu.dma_semaphore, #tpu.memory_space<semaphore_mem>>
      %dma_start3A_820 = arith.constant 0 : i32
      %dma_start3A_821 = arith.constant 0 : i32
      %dma_start3A_822 = tpu.memref_slice %arg5[%add3A_806, %dma_start3A_808, %select_n3A_32, %dma_start3A_820, %dma_start3A_821] : memref<200x8x8x8x128xf32, #tpu.memory_space<hbm>> -> memref<1x1x1x8x128xf32, #tpu.memory_space<hbm>>
      %dma_start3A_823 = tpu.memref_squeeze %dma_start3A_822 : memref<1x1x1x8x128xf32, #tpu.memory_space<hbm>> -> memref<8x128xf32, #tpu.memory_space<hbm>>
      %dma_start3A_824 = arith.constant 24 : i32
      %dma_start3A_825 = arith.constant 0 : i32
      %dma_start3A_826 = tpu.memref_slice %arg9[%dma_start3A_807, %dma_start3A_824, %dma_start3A_825] : memref<2x64x128xf32, #tpu.memory_space<vmem>> -> memref<1x8x128xf32, #tpu.memory_space<vmem>>
      %dma_start3A_827 = tpu.memref_squeeze %dma_start3A_826 : memref<1x8x128xf32, #tpu.memory_space<vmem>> -> memref<8x128xf32, #tpu.memory_space<vmem>>
      tpu.enqueue_dma source(%dma_start3A_827 : memref<8x128xf32, #tpu.memory_space<vmem>>) target(%dma_start3A_823 : memref<8x128xf32, #tpu.memory_space<hbm>>) target_semaphore(%dma_start3A_819 : memref<!tpu.dma_semaphore, #tpu.memory_space<semaphore_mem>>)
      %add3A_828 = arith.addi %mul3A_18, %add3A_682 : i32
      %dma_start3A_829 = arith.constant 1 : i32
      %dma_start3A_830 = arith.constant 4 : i32
      %dma_start3A_831 = arith.constant 1 : i32
      %dma_start3A_832 = arith.constant 32 : i32
      %dma_start3A_833 = arith.constant 0 : i32
      %dma_start3A_834 = tpu.memref_slice %arg9[%dma_start3A_829, %dma_start3A_832, %dma_start3A_833] : memref<2x64x128xf32, #tpu.memory_space<vmem>> -> memref<1x8x128xf32, #tpu.memory_space<vmem>>
      %dma_start3A_835 = tpu.memref_squeeze %dma_start3A_834 : memref<1x8x128xf32, #tpu.memory_space<vmem>> -> memref<8x128xf32, #tpu.memory_space<vmem>>
      %dma_start3A_836 = arith.constant 0 : i32
      %dma_start3A_837 = arith.constant 0 : i32
      %dma_start3A_838 = tpu.memref_slice %arg5[%add3A_828, %dma_start3A_830, %select_n3A_32, %dma_start3A_836, %dma_start3A_837] : memref<200x8x8x8x128xf32, #tpu.memory_space<hbm>> -> memref<1x1x1x8x128xf32, #tpu.memory_space<hbm>>
      %dma_start3A_839 = tpu.memref_squeeze %dma_start3A_838 : memref<1x1x1x8x128xf32, #tpu.memory_space<hbm>> -> memref<8x128xf32, #tpu.memory_space<hbm>>
      %dma_start3A_840 = tpu.memref_slice %arg11[%dma_start3A_831] : memref<2x!tpu.dma_semaphore, #tpu.memory_space<semaphore_mem>> -> memref<1x!tpu.dma_semaphore, #tpu.memory_space<semaphore_mem>>
      %dma_start3A_841 = tpu.memref_squeeze %dma_start3A_840 : memref<1x!tpu.dma_semaphore, #tpu.memory_space<semaphore_mem>> -> memref<!tpu.dma_semaphore, #tpu.memory_space<semaphore_mem>>
      %dma_start3A_842 = arith.constant 0 : i32
      %dma_start3A_843 = arith.constant 0 : i32
      %dma_start3A_844 = tpu.memref_slice %arg5[%add3A_828, %dma_start3A_830, %select_n3A_32, %dma_start3A_842, %dma_start3A_843] : memref<200x8x8x8x128xf32, #tpu.memory_space<hbm>> -> memref<1x1x1x8x128xf32, #tpu.memory_space<hbm>>
      %dma_start3A_845 = tpu.memref_squeeze %dma_start3A_844 : memref<1x1x1x8x128xf32, #tpu.memory_space<hbm>> -> memref<8x128xf32, #tpu.memory_space<hbm>>
      %dma_start3A_846 = arith.constant 32 : i32
      %dma_start3A_847 = arith.constant 0 : i32
      %dma_start3A_848 = tpu.memref_slice %arg9[%dma_start3A_829, %dma_start3A_846, %dma_start3A_847] : memref<2x64x128xf32, #tpu.memory_space<vmem>> -> memref<1x8x128xf32, #tpu.memory_space<vmem>>
      %dma_start3A_849 = tpu.memref_squeeze %dma_start3A_848 : memref<1x8x128xf32, #tpu.memory_space<vmem>> -> memref<8x128xf32, #tpu.memory_space<vmem>>
      tpu.enqueue_dma source(%dma_start3A_849 : memref<8x128xf32, #tpu.memory_space<vmem>>) target(%dma_start3A_845 : memref<8x128xf32, #tpu.memory_space<hbm>>) target_semaphore(%dma_start3A_841 : memref<!tpu.dma_semaphore, #tpu.memory_space<semaphore_mem>>)
      %add3A_850 = arith.addi %mul3A_18, %add3A_682 : i32
      %dma_start3A_851 = arith.constant 1 : i32
      %dma_start3A_852 = arith.constant 5 : i32
      %dma_start3A_853 = arith.constant 1 : i32
      %dma_start3A_854 = arith.constant 40 : i32
      %dma_start3A_855 = arith.constant 0 : i32
      %dma_start3A_856 = tpu.memref_slice %arg9[%dma_start3A_851, %dma_start3A_854, %dma_start3A_855] : memref<2x64x128xf32, #tpu.memory_space<vmem>> -> memref<1x8x128xf32, #tpu.memory_space<vmem>>
      %dma_start3A_857 = tpu.memref_squeeze %dma_start3A_856 : memref<1x8x128xf32, #tpu.memory_space<vmem>> -> memref<8x128xf32, #tpu.memory_space<vmem>>
      %dma_start3A_858 = arith.constant 0 : i32
      %dma_start3A_859 = arith.constant 0 : i32
      %dma_start3A_860 = tpu.memref_slice %arg5[%add3A_850, %dma_start3A_852, %select_n3A_32, %dma_start3A_858, %dma_start3A_859] : memref<200x8x8x8x128xf32, #tpu.memory_space<hbm>> -> memref<1x1x1x8x128xf32, #tpu.memory_space<hbm>>
      %dma_start3A_861 = tpu.memref_squeeze %dma_start3A_860 : memref<1x1x1x8x128xf32, #tpu.memory_space<hbm>> -> memref<8x128xf32, #tpu.memory_space<hbm>>
      %dma_start3A_862 = tpu.memref_slice %arg11[%dma_start3A_853] : memref<2x!tpu.dma_semaphore, #tpu.memory_space<semaphore_mem>> -> memref<1x!tpu.dma_semaphore, #tpu.memory_space<semaphore_mem>>
      %dma_start3A_863 = tpu.memref_squeeze %dma_start3A_862 : memref<1x!tpu.dma_semaphore, #tpu.memory_space<semaphore_mem>> -> memref<!tpu.dma_semaphore, #tpu.memory_space<semaphore_mem>>
      %dma_start3A_864 = arith.constant 0 : i32
      %dma_start3A_865 = arith.constant 0 : i32
      %dma_start3A_866 = tpu.memref_slice %arg5[%add3A_850, %dma_start3A_852, %select_n3A_32, %dma_start3A_864, %dma_start3A_865] : memref<200x8x8x8x128xf32, #tpu.memory_space<hbm>> -> memref<1x1x1x8x128xf32, #tpu.memory_space<hbm>>
      %dma_start3A_867 = tpu.memref_squeeze %dma_start3A_866 : memref<1x1x1x8x128xf32, #tpu.memory_space<hbm>> -> memref<8x128xf32, #tpu.memory_space<hbm>>
      %dma_start3A_868 = arith.constant 40 : i32
      %dma_start3A_869 = arith.constant 0 : i32
      %dma_start3A_870 = tpu.memref_slice %arg9[%dma_start3A_851, %dma_start3A_868, %dma_start3A_869] : memref<2x64x128xf32, #tpu.memory_space<vmem>> -> memref<1x8x128xf32, #tpu.memory_space<vmem>>
      %dma_start3A_871 = tpu.memref_squeeze %dma_start3A_870 : memref<1x8x128xf32, #tpu.memory_space<vmem>> -> memref<8x128xf32, #tpu.memory_space<vmem>>
      tpu.enqueue_dma source(%dma_start3A_871 : memref<8x128xf32, #tpu.memory_space<vmem>>) target(%dma_start3A_867 : memref<8x128xf32, #tpu.memory_space<hbm>>) target_semaphore(%dma_start3A_863 : memref<!tpu.dma_semaphore, #tpu.memory_space<semaphore_mem>>)
      %add3A_872 = arith.addi %mul3A_18, %add3A_682 : i32
      %dma_start3A_873 = arith.constant 1 : i32
      %dma_start3A_874 = arith.constant 6 : i32
      %dma_start3A_875 = arith.constant 1 : i32
      %dma_start3A_876 = arith.constant 48 : i32
      %dma_start3A_877 = arith.constant 0 : i32
      %dma_start3A_878 = tpu.memref_slice %arg9[%dma_start3A_873, %dma_start3A_876, %dma_start3A_877] : memref<2x64x128xf32, #tpu.memory_space<vmem>> -> memref<1x8x128xf32, #tpu.memory_space<vmem>>
      %dma_start3A_879 = tpu.memref_squeeze %dma_start3A_878 : memref<1x8x128xf32, #tpu.memory_space<vmem>> -> memref<8x128xf32, #tpu.memory_space<vmem>>
      %dma_start3A_880 = arith.constant 0 : i32
      %dma_start3A_881 = arith.constant 0 : i32
      %dma_start3A_882 = tpu.memref_slice %arg5[%add3A_872, %dma_start3A_874, %select_n3A_32, %dma_start3A_880, %dma_start3A_881] : memref<200x8x8x8x128xf32, #tpu.memory_space<hbm>> -> memref<1x1x1x8x128xf32, #tpu.memory_space<hbm>>
      %dma_start3A_883 = tpu.memref_squeeze %dma_start3A_882 : memref<1x1x1x8x128xf32, #tpu.memory_space<hbm>> -> memref<8x128xf32, #tpu.memory_space<hbm>>
      %dma_start3A_884 = tpu.memref_slice %arg11[%dma_start3A_875] : memref<2x!tpu.dma_semaphore, #tpu.memory_space<semaphore_mem>> -> memref<1x!tpu.dma_semaphore, #tpu.memory_space<semaphore_mem>>
      %dma_start3A_885 = tpu.memref_squeeze %dma_start3A_884 : memref<1x!tpu.dma_semaphore, #tpu.memory_space<semaphore_mem>> -> memref<!tpu.dma_semaphore, #tpu.memory_space<semaphore_mem>>
      %dma_start3A_886 = arith.constant 0 : i32
      %dma_start3A_887 = arith.constant 0 : i32
      %dma_start3A_888 = tpu.memref_slice %arg5[%add3A_872, %dma_start3A_874, %select_n3A_32, %dma_start3A_886, %dma_start3A_887] : memref<200x8x8x8x128xf32, #tpu.memory_space<hbm>> -> memref<1x1x1x8x128xf32, #tpu.memory_space<hbm>>
      %dma_start3A_889 = tpu.memref_squeeze %dma_start3A_888 : memref<1x1x1x8x128xf32, #tpu.memory_space<hbm>> -> memref<8x128xf32, #tpu.memory_space<hbm>>
      %dma_start3A_890 = arith.constant 48 : i32
      %dma_start3A_891 = arith.constant 0 : i32
      %dma_start3A_892 = tpu.memref_slice %arg9[%dma_start3A_873, %dma_start3A_890, %dma_start3A_891] : memref<2x64x128xf32, #tpu.memory_space<vmem>> -> memref<1x8x128xf32, #tpu.memory_space<vmem>>
      %dma_start3A_893 = tpu.memref_squeeze %dma_start3A_892 : memref<1x8x128xf32, #tpu.memory_space<vmem>> -> memref<8x128xf32, #tpu.memory_space<vmem>>
      tpu.enqueue_dma source(%dma_start3A_893 : memref<8x128xf32, #tpu.memory_space<vmem>>) target(%dma_start3A_889 : memref<8x128xf32, #tpu.memory_space<hbm>>) target_semaphore(%dma_start3A_885 : memref<!tpu.dma_semaphore, #tpu.memory_space<semaphore_mem>>)
      %add3A_894 = arith.addi %mul3A_18, %add3A_682 : i32
      %dma_start3A_895 = arith.constant 1 : i32
      %dma_start3A_896 = arith.constant 7 : i32
      %dma_start3A_897 = arith.constant 1 : i32
      %dma_start3A_898 = arith.constant 56 : i32
      %dma_start3A_899 = arith.constant 0 : i32
      %dma_start3A_900 = tpu.memref_slice %arg9[%dma_start3A_895, %dma_start3A_898, %dma_start3A_899] : memref<2x64x128xf32, #tpu.memory_space<vmem>> -> memref<1x8x128xf32, #tpu.memory_space<vmem>>
      %dma_start3A_901 = tpu.memref_squeeze %dma_start3A_900 : memref<1x8x128xf32, #tpu.memory_space<vmem>> -> memref<8x128xf32, #tpu.memory_space<vmem>>
      %dma_start3A_902 = arith.constant 0 : i32
      %dma_start3A_903 = arith.constant 0 : i32
      %dma_start3A_904 = tpu.memref_slice %arg5[%add3A_894, %dma_start3A_896, %select_n3A_32, %dma_start3A_902, %dma_start3A_903] : memref<200x8x8x8x128xf32, #tpu.memory_space<hbm>> -> memref<1x1x1x8x128xf32, #tpu.memory_space<hbm>>
      %dma_start3A_905 = tpu.memref_squeeze %dma_start3A_904 : memref<1x1x1x8x128xf32, #tpu.memory_space<hbm>> -> memref<8x128xf32, #tpu.memory_space<hbm>>
      %dma_start3A_906 = tpu.memref_slice %arg11[%dma_start3A_897] : memref<2x!tpu.dma_semaphore, #tpu.memory_space<semaphore_mem>> -> memref<1x!tpu.dma_semaphore, #tpu.memory_space<semaphore_mem>>
      %dma_start3A_907 = tpu.memref_squeeze %dma_start3A_906 : memref<1x!tpu.dma_semaphore, #tpu.memory_space<semaphore_mem>> -> memref<!tpu.dma_semaphore, #tpu.memory_space<semaphore_mem>>
      %dma_start3A_908 = arith.constant 0 : i32
      %dma_start3A_909 = arith.constant 0 : i32
      %dma_start3A_910 = tpu.memref_slice %arg5[%add3A_894, %dma_start3A_896, %select_n3A_32, %dma_start3A_908, %dma_start3A_909] : memref<200x8x8x8x128xf32, #tpu.memory_space<hbm>> -> memref<1x1x1x8x128xf32, #tpu.memory_space<hbm>>
      %dma_start3A_911 = tpu.memref_squeeze %dma_start3A_910 : memref<1x1x1x8x128xf32, #tpu.memory_space<hbm>> -> memref<8x128xf32, #tpu.memory_space<hbm>>
      %dma_start3A_912 = arith.constant 56 : i32
      %dma_start3A_913 = arith.constant 0 : i32
      %dma_start3A_914 = tpu.memref_slice %arg9[%dma_start3A_895, %dma_start3A_912, %dma_start3A_913] : memref<2x64x128xf32, #tpu.memory_space<vmem>> -> memref<1x8x128xf32, #tpu.memory_space<vmem>>
      %dma_start3A_915 = tpu.memref_squeeze %dma_start3A_914 : memref<1x8x128xf32, #tpu.memory_space<vmem>> -> memref<8x128xf32, #tpu.memory_space<vmem>>
      tpu.enqueue_dma source(%dma_start3A_915 : memref<8x128xf32, #tpu.memory_space<vmem>>) target(%dma_start3A_911 : memref<8x128xf32, #tpu.memory_space<hbm>>) target_semaphore(%dma_start3A_907 : memref<!tpu.dma_semaphore, #tpu.memory_space<semaphore_mem>>)
    }
    %scan3A_78 = arith.constant 25 : i32
    %dma_wait3A = arith.constant 0 : i32
    %dma_wait3A_79 = arith.constant 0 : i32
    %dma_wait3A_80 = arith.constant 0 : i32
    %dma_wait3A_81 = arith.constant 0 : i32
    %dma_wait3A_82 = arith.constant 0 : i32
    %dma_wait3A_83 = arith.constant 0 : i32
    %dma_wait3A_84 = arith.constant 0 : i32
    %dma_wait3A_85 = tpu.memref_slice %arg9[%dma_wait3A, %dma_wait3A_83, %dma_wait3A_84] : memref<2x64x128xf32, #tpu.memory_space<vmem>> -> memref<1x8x128xf32, #tpu.memory_space<vmem>>
    %dma_wait3A_86 = tpu.memref_squeeze %dma_wait3A_85 : memref<1x8x128xf32, #tpu.memory_space<vmem>> -> memref<8x128xf32, #tpu.memory_space<vmem>>
    %dma_wait3A_87 = arith.constant 0 : i32
    %dma_wait3A_88 = arith.constant 0 : i32
    %dma_wait3A_89 = tpu.memref_slice %arg5[%dma_wait3A_79, %dma_wait3A_80, %dma_wait3A_81, %dma_wait3A_87, %dma_wait3A_88] : memref<200x8x8x8x128xf32, #tpu.memory_space<hbm>> -> memref<1x1x1x8x128xf32, #tpu.memory_space<hbm>>
    %dma_wait3A_90 = tpu.memref_squeeze %dma_wait3A_89 : memref<1x1x1x8x128xf32, #tpu.memory_space<hbm>> -> memref<8x128xf32, #tpu.memory_space<hbm>>
    %dma_wait3A_91 = tpu.memref_slice %arg11[%dma_wait3A_82] : memref<2x!tpu.dma_semaphore, #tpu.memory_space<semaphore_mem>> -> memref<1x!tpu.dma_semaphore, #tpu.memory_space<semaphore_mem>>
    %dma_wait3A_92 = tpu.memref_squeeze %dma_wait3A_91 : memref<1x!tpu.dma_semaphore, #tpu.memory_space<semaphore_mem>> -> memref<!tpu.dma_semaphore, #tpu.memory_space<semaphore_mem>>
    %dma_wait3A_93 = arith.constant 0 : i32
    %dma_wait3A_94 = arith.constant 0 : i32
    %dma_wait3A_95 = tpu.memref_slice %arg5[%dma_wait3A_79, %dma_wait3A_80, %dma_wait3A_81, %dma_wait3A_93, %dma_wait3A_94] : memref<200x8x8x8x128xf32, #tpu.memory_space<hbm>> -> memref<1x1x1x8x128xf32, #tpu.memory_space<hbm>>
    %dma_wait3A_96 = tpu.memref_squeeze %dma_wait3A_95 : memref<1x1x1x8x128xf32, #tpu.memory_space<hbm>> -> memref<8x128xf32, #tpu.memory_space<hbm>>
    %dma_wait3A_97 = arith.constant 0 : i32
    %dma_wait3A_98 = arith.constant 0 : i32
    %dma_wait3A_99 = tpu.memref_slice %arg9[%dma_wait3A, %dma_wait3A_97, %dma_wait3A_98] : memref<2x64x128xf32, #tpu.memory_space<vmem>> -> memref<1x8x128xf32, #tpu.memory_space<vmem>>
    %dma_wait3A_100 = tpu.memref_squeeze %dma_wait3A_99 : memref<1x8x128xf32, #tpu.memory_space<vmem>> -> memref<8x128xf32, #tpu.memory_space<vmem>>
    tpu.wait_dma2 semaphore(%dma_wait3A_92 : memref<!tpu.dma_semaphore, #tpu.memory_space<semaphore_mem>>) src(%dma_wait3A_100 : memref<8x128xf32, #tpu.memory_space<vmem>>) dst(%dma_wait3A_96 : memref<8x128xf32, #tpu.memory_space<hbm>>)
    %dma_wait3A_101 = arith.constant 0 : i32
    %dma_wait3A_102 = arith.constant 0 : i32
    %dma_wait3A_103 = arith.constant 0 : i32
    %dma_wait3A_104 = arith.constant 0 : i32
    %dma_wait3A_105 = arith.constant 0 : i32
    %dma_wait3A_106 = arith.constant 8 : i32
    %dma_wait3A_107 = arith.constant 0 : i32
    %dma_wait3A_108 = tpu.memref_slice %arg9[%dma_wait3A_101, %dma_wait3A_106, %dma_wait3A_107] : memref<2x64x128xf32, #tpu.memory_space<vmem>> -> memref<1x8x128xf32, #tpu.memory_space<vmem>>
    %dma_wait3A_109 = tpu.memref_squeeze %dma_wait3A_108 : memref<1x8x128xf32, #tpu.memory_space<vmem>> -> memref<8x128xf32, #tpu.memory_space<vmem>>
    %dma_wait3A_110 = arith.constant 0 : i32
    %dma_wait3A_111 = arith.constant 0 : i32
    %dma_wait3A_112 = tpu.memref_slice %arg5[%dma_wait3A_102, %dma_wait3A_103, %dma_wait3A_104, %dma_wait3A_110, %dma_wait3A_111] : memref<200x8x8x8x128xf32, #tpu.memory_space<hbm>> -> memref<1x1x1x8x128xf32, #tpu.memory_space<hbm>>
    %dma_wait3A_113 = tpu.memref_squeeze %dma_wait3A_112 : memref<1x1x1x8x128xf32, #tpu.memory_space<hbm>> -> memref<8x128xf32, #tpu.memory_space<hbm>>
    %dma_wait3A_114 = tpu.memref_slice %arg11[%dma_wait3A_105] : memref<2x!tpu.dma_semaphore, #tpu.memory_space<semaphore_mem>> -> memref<1x!tpu.dma_semaphore, #tpu.memory_space<semaphore_mem>>
    %dma_wait3A_115 = tpu.memref_squeeze %dma_wait3A_114 : memref<1x!tpu.dma_semaphore, #tpu.memory_space<semaphore_mem>> -> memref<!tpu.dma_semaphore, #tpu.memory_space<semaphore_mem>>
    %dma_wait3A_116 = arith.constant 0 : i32
    %dma_wait3A_117 = arith.constant 0 : i32
    %dma_wait3A_118 = tpu.memref_slice %arg5[%dma_wait3A_102, %dma_wait3A_103, %dma_wait3A_104, %dma_wait3A_116, %dma_wait3A_117] : memref<200x8x8x8x128xf32, #tpu.memory_space<hbm>> -> memref<1x1x1x8x128xf32, #tpu.memory_space<hbm>>
    %dma_wait3A_119 = tpu.memref_squeeze %dma_wait3A_118 : memref<1x1x1x8x128xf32, #tpu.memory_space<hbm>> -> memref<8x128xf32, #tpu.memory_space<hbm>>
    %dma_wait3A_120 = arith.constant 8 : i32
    %dma_wait3A_121 = arith.constant 0 : i32
    %dma_wait3A_122 = tpu.memref_slice %arg9[%dma_wait3A_101, %dma_wait3A_120, %dma_wait3A_121] : memref<2x64x128xf32, #tpu.memory_space<vmem>> -> memref<1x8x128xf32, #tpu.memory_space<vmem>>
    %dma_wait3A_123 = tpu.memref_squeeze %dma_wait3A_122 : memref<1x8x128xf32, #tpu.memory_space<vmem>> -> memref<8x128xf32, #tpu.memory_space<vmem>>
    tpu.wait_dma2 semaphore(%dma_wait3A_115 : memref<!tpu.dma_semaphore, #tpu.memory_space<semaphore_mem>>) src(%dma_wait3A_123 : memref<8x128xf32, #tpu.memory_space<vmem>>) dst(%dma_wait3A_119 : memref<8x128xf32, #tpu.memory_space<hbm>>)
    %dma_wait3A_124 = arith.constant 0 : i32
    %dma_wait3A_125 = arith.constant 0 : i32
    %dma_wait3A_126 = arith.constant 0 : i32
    %dma_wait3A_127 = arith.constant 0 : i32
    %dma_wait3A_128 = arith.constant 0 : i32
    %dma_wait3A_129 = arith.constant 16 : i32
    %dma_wait3A_130 = arith.constant 0 : i32
    %dma_wait3A_131 = tpu.memref_slice %arg9[%dma_wait3A_124, %dma_wait3A_129, %dma_wait3A_130] : memref<2x64x128xf32, #tpu.memory_space<vmem>> -> memref<1x8x128xf32, #tpu.memory_space<vmem>>
    %dma_wait3A_132 = tpu.memref_squeeze %dma_wait3A_131 : memref<1x8x128xf32, #tpu.memory_space<vmem>> -> memref<8x128xf32, #tpu.memory_space<vmem>>
    %dma_wait3A_133 = arith.constant 0 : i32
    %dma_wait3A_134 = arith.constant 0 : i32
    %dma_wait3A_135 = tpu.memref_slice %arg5[%dma_wait3A_125, %dma_wait3A_126, %dma_wait3A_127, %dma_wait3A_133, %dma_wait3A_134] : memref<200x8x8x8x128xf32, #tpu.memory_space<hbm>> -> memref<1x1x1x8x128xf32, #tpu.memory_space<hbm>>
    %dma_wait3A_136 = tpu.memref_squeeze %dma_wait3A_135 : memref<1x1x1x8x128xf32, #tpu.memory_space<hbm>> -> memref<8x128xf32, #tpu.memory_space<hbm>>
    %dma_wait3A_137 = tpu.memref_slice %arg11[%dma_wait3A_128] : memref<2x!tpu.dma_semaphore, #tpu.memory_space<semaphore_mem>> -> memref<1x!tpu.dma_semaphore, #tpu.memory_space<semaphore_mem>>
    %dma_wait3A_138 = tpu.memref_squeeze %dma_wait3A_137 : memref<1x!tpu.dma_semaphore, #tpu.memory_space<semaphore_mem>> -> memref<!tpu.dma_semaphore, #tpu.memory_space<semaphore_mem>>
    %dma_wait3A_139 = arith.constant 0 : i32
    %dma_wait3A_140 = arith.constant 0 : i32
    %dma_wait3A_141 = tpu.memref_slice %arg5[%dma_wait3A_125, %dma_wait3A_126, %dma_wait3A_127, %dma_wait3A_139, %dma_wait3A_140] : memref<200x8x8x8x128xf32, #tpu.memory_space<hbm>> -> memref<1x1x1x8x128xf32, #tpu.memory_space<hbm>>
    %dma_wait3A_142 = tpu.memref_squeeze %dma_wait3A_141 : memref<1x1x1x8x128xf32, #tpu.memory_space<hbm>> -> memref<8x128xf32, #tpu.memory_space<hbm>>
    %dma_wait3A_143 = arith.constant 16 : i32
    %dma_wait3A_144 = arith.constant 0 : i32
    %dma_wait3A_145 = tpu.memref_slice %arg9[%dma_wait3A_124, %dma_wait3A_143, %dma_wait3A_144] : memref<2x64x128xf32, #tpu.memory_space<vmem>> -> memref<1x8x128xf32, #tpu.memory_space<vmem>>
    %dma_wait3A_146 = tpu.memref_squeeze %dma_wait3A_145 : memref<1x8x128xf32, #tpu.memory_space<vmem>> -> memref<8x128xf32, #tpu.memory_space<vmem>>
    tpu.wait_dma2 semaphore(%dma_wait3A_138 : memref<!tpu.dma_semaphore, #tpu.memory_space<semaphore_mem>>) src(%dma_wait3A_146 : memref<8x128xf32, #tpu.memory_space<vmem>>) dst(%dma_wait3A_142 : memref<8x128xf32, #tpu.memory_space<hbm>>)
    %dma_wait3A_147 = arith.constant 0 : i32
    %dma_wait3A_148 = arith.constant 0 : i32
    %dma_wait3A_149 = arith.constant 0 : i32
    %dma_wait3A_150 = arith.constant 0 : i32
    %dma_wait3A_151 = arith.constant 0 : i32
    %dma_wait3A_152 = arith.constant 24 : i32
    %dma_wait3A_153 = arith.constant 0 : i32
    %dma_wait3A_154 = tpu.memref_slice %arg9[%dma_wait3A_147, %dma_wait3A_152, %dma_wait3A_153] : memref<2x64x128xf32, #tpu.memory_space<vmem>> -> memref<1x8x128xf32, #tpu.memory_space<vmem>>
    %dma_wait3A_155 = tpu.memref_squeeze %dma_wait3A_154 : memref<1x8x128xf32, #tpu.memory_space<vmem>> -> memref<8x128xf32, #tpu.memory_space<vmem>>
    %dma_wait3A_156 = arith.constant 0 : i32
    %dma_wait3A_157 = arith.constant 0 : i32
    %dma_wait3A_158 = tpu.memref_slice %arg5[%dma_wait3A_148, %dma_wait3A_149, %dma_wait3A_150, %dma_wait3A_156, %dma_wait3A_157] : memref<200x8x8x8x128xf32, #tpu.memory_space<hbm>> -> memref<1x1x1x8x128xf32, #tpu.memory_space<hbm>>
    %dma_wait3A_159 = tpu.memref_squeeze %dma_wait3A_158 : memref<1x1x1x8x128xf32, #tpu.memory_space<hbm>> -> memref<8x128xf32, #tpu.memory_space<hbm>>
    %dma_wait3A_160 = tpu.memref_slice %arg11[%dma_wait3A_151] : memref<2x!tpu.dma_semaphore, #tpu.memory_space<semaphore_mem>> -> memref<1x!tpu.dma_semaphore, #tpu.memory_space<semaphore_mem>>
    %dma_wait3A_161 = tpu.memref_squeeze %dma_wait3A_160 : memref<1x!tpu.dma_semaphore, #tpu.memory_space<semaphore_mem>> -> memref<!tpu.dma_semaphore, #tpu.memory_space<semaphore_mem>>
    %dma_wait3A_162 = arith.constant 0 : i32
    %dma_wait3A_163 = arith.constant 0 : i32
    %dma_wait3A_164 = tpu.memref_slice %arg5[%dma_wait3A_148, %dma_wait3A_149, %dma_wait3A_150, %dma_wait3A_162, %dma_wait3A_163] : memref<200x8x8x8x128xf32, #tpu.memory_space<hbm>> -> memref<1x1x1x8x128xf32, #tpu.memory_space<hbm>>
    %dma_wait3A_165 = tpu.memref_squeeze %dma_wait3A_164 : memref<1x1x1x8x128xf32, #tpu.memory_space<hbm>> -> memref<8x128xf32, #tpu.memory_space<hbm>>
    %dma_wait3A_166 = arith.constant 24 : i32
    %dma_wait3A_167 = arith.constant 0 : i32
    %dma_wait3A_168 = tpu.memref_slice %arg9[%dma_wait3A_147, %dma_wait3A_166, %dma_wait3A_167] : memref<2x64x128xf32, #tpu.memory_space<vmem>> -> memref<1x8x128xf32, #tpu.memory_space<vmem>>
    %dma_wait3A_169 = tpu.memref_squeeze %dma_wait3A_168 : memref<1x8x128xf32, #tpu.memory_space<vmem>> -> memref<8x128xf32, #tpu.memory_space<vmem>>
    tpu.wait_dma2 semaphore(%dma_wait3A_161 : memref<!tpu.dma_semaphore, #tpu.memory_space<semaphore_mem>>) src(%dma_wait3A_169 : memref<8x128xf32, #tpu.memory_space<vmem>>) dst(%dma_wait3A_165 : memref<8x128xf32, #tpu.memory_space<hbm>>)
    %dma_wait3A_170 = arith.constant 0 : i32
    %dma_wait3A_171 = arith.constant 0 : i32
    %dma_wait3A_172 = arith.constant 0 : i32
    %dma_wait3A_173 = arith.constant 0 : i32
    %dma_wait3A_174 = arith.constant 0 : i32
    %dma_wait3A_175 = arith.constant 32 : i32
    %dma_wait3A_176 = arith.constant 0 : i32
    %dma_wait3A_177 = tpu.memref_slice %arg9[%dma_wait3A_170, %dma_wait3A_175, %dma_wait3A_176] : memref<2x64x128xf32, #tpu.memory_space<vmem>> -> memref<1x8x128xf32, #tpu.memory_space<vmem>>
    %dma_wait3A_178 = tpu.memref_squeeze %dma_wait3A_177 : memref<1x8x128xf32, #tpu.memory_space<vmem>> -> memref<8x128xf32, #tpu.memory_space<vmem>>
    %dma_wait3A_179 = arith.constant 0 : i32
    %dma_wait3A_180 = arith.constant 0 : i32
    %dma_wait3A_181 = tpu.memref_slice %arg5[%dma_wait3A_171, %dma_wait3A_172, %dma_wait3A_173, %dma_wait3A_179, %dma_wait3A_180] : memref<200x8x8x8x128xf32, #tpu.memory_space<hbm>> -> memref<1x1x1x8x128xf32, #tpu.memory_space<hbm>>
    %dma_wait3A_182 = tpu.memref_squeeze %dma_wait3A_181 : memref<1x1x1x8x128xf32, #tpu.memory_space<hbm>> -> memref<8x128xf32, #tpu.memory_space<hbm>>
    %dma_wait3A_183 = tpu.memref_slice %arg11[%dma_wait3A_174] : memref<2x!tpu.dma_semaphore, #tpu.memory_space<semaphore_mem>> -> memref<1x!tpu.dma_semaphore, #tpu.memory_space<semaphore_mem>>
    %dma_wait3A_184 = tpu.memref_squeeze %dma_wait3A_183 : memref<1x!tpu.dma_semaphore, #tpu.memory_space<semaphore_mem>> -> memref<!tpu.dma_semaphore, #tpu.memory_space<semaphore_mem>>
    %dma_wait3A_185 = arith.constant 0 : i32
    %dma_wait3A_186 = arith.constant 0 : i32
    %dma_wait3A_187 = tpu.memref_slice %arg5[%dma_wait3A_171, %dma_wait3A_172, %dma_wait3A_173, %dma_wait3A_185, %dma_wait3A_186] : memref<200x8x8x8x128xf32, #tpu.memory_space<hbm>> -> memref<1x1x1x8x128xf32, #tpu.memory_space<hbm>>
    %dma_wait3A_188 = tpu.memref_squeeze %dma_wait3A_187 : memref<1x1x1x8x128xf32, #tpu.memory_space<hbm>> -> memref<8x128xf32, #tpu.memory_space<hbm>>
    %dma_wait3A_189 = arith.constant 32 : i32
    %dma_wait3A_190 = arith.constant 0 : i32
    %dma_wait3A_191 = tpu.memref_slice %arg9[%dma_wait3A_170, %dma_wait3A_189, %dma_wait3A_190] : memref<2x64x128xf32, #tpu.memory_space<vmem>> -> memref<1x8x128xf32, #tpu.memory_space<vmem>>
    %dma_wait3A_192 = tpu.memref_squeeze %dma_wait3A_191 : memref<1x8x128xf32, #tpu.memory_space<vmem>> -> memref<8x128xf32, #tpu.memory_space<vmem>>
    tpu.wait_dma2 semaphore(%dma_wait3A_184 : memref<!tpu.dma_semaphore, #tpu.memory_space<semaphore_mem>>) src(%dma_wait3A_192 : memref<8x128xf32, #tpu.memory_space<vmem>>) dst(%dma_wait3A_188 : memref<8x128xf32, #tpu.memory_space<hbm>>)
    %dma_wait3A_193 = arith.constant 0 : i32
    %dma_wait3A_194 = arith.constant 0 : i32
    %dma_wait3A_195 = arith.constant 0 : i32
    %dma_wait3A_196 = arith.constant 0 : i32
    %dma_wait3A_197 = arith.constant 0 : i32
    %dma_wait3A_198 = arith.constant 40 : i32
    %dma_wait3A_199 = arith.constant 0 : i32
    %dma_wait3A_200 = tpu.memref_slice %arg9[%dma_wait3A_193, %dma_wait3A_198, %dma_wait3A_199] : memref<2x64x128xf32, #tpu.memory_space<vmem>> -> memref<1x8x128xf32, #tpu.memory_space<vmem>>
    %dma_wait3A_201 = tpu.memref_squeeze %dma_wait3A_200 : memref<1x8x128xf32, #tpu.memory_space<vmem>> -> memref<8x128xf32, #tpu.memory_space<vmem>>
    %dma_wait3A_202 = arith.constant 0 : i32
    %dma_wait3A_203 = arith.constant 0 : i32
    %dma_wait3A_204 = tpu.memref_slice %arg5[%dma_wait3A_194, %dma_wait3A_195, %dma_wait3A_196, %dma_wait3A_202, %dma_wait3A_203] : memref<200x8x8x8x128xf32, #tpu.memory_space<hbm>> -> memref<1x1x1x8x128xf32, #tpu.memory_space<hbm>>
    %dma_wait3A_205 = tpu.memref_squeeze %dma_wait3A_204 : memref<1x1x1x8x128xf32, #tpu.memory_space<hbm>> -> memref<8x128xf32, #tpu.memory_space<hbm>>
    %dma_wait3A_206 = tpu.memref_slice %arg11[%dma_wait3A_197] : memref<2x!tpu.dma_semaphore, #tpu.memory_space<semaphore_mem>> -> memref<1x!tpu.dma_semaphore, #tpu.memory_space<semaphore_mem>>
    %dma_wait3A_207 = tpu.memref_squeeze %dma_wait3A_206 : memref<1x!tpu.dma_semaphore, #tpu.memory_space<semaphore_mem>> -> memref<!tpu.dma_semaphore, #tpu.memory_space<semaphore_mem>>
    %dma_wait3A_208 = arith.constant 0 : i32
    %dma_wait3A_209 = arith.constant 0 : i32
    %dma_wait3A_210 = tpu.memref_slice %arg5[%dma_wait3A_194, %dma_wait3A_195, %dma_wait3A_196, %dma_wait3A_208, %dma_wait3A_209] : memref<200x8x8x8x128xf32, #tpu.memory_space<hbm>> -> memref<1x1x1x8x128xf32, #tpu.memory_space<hbm>>
    %dma_wait3A_211 = tpu.memref_squeeze %dma_wait3A_210 : memref<1x1x1x8x128xf32, #tpu.memory_space<hbm>> -> memref<8x128xf32, #tpu.memory_space<hbm>>
    %dma_wait3A_212 = arith.constant 40 : i32
    %dma_wait3A_213 = arith.constant 0 : i32
    %dma_wait3A_214 = tpu.memref_slice %arg9[%dma_wait3A_193, %dma_wait3A_212, %dma_wait3A_213] : memref<2x64x128xf32, #tpu.memory_space<vmem>> -> memref<1x8x128xf32, #tpu.memory_space<vmem>>
    %dma_wait3A_215 = tpu.memref_squeeze %dma_wait3A_214 : memref<1x8x128xf32, #tpu.memory_space<vmem>> -> memref<8x128xf32, #tpu.memory_space<vmem>>
    tpu.wait_dma2 semaphore(%dma_wait3A_207 : memref<!tpu.dma_semaphore, #tpu.memory_space<semaphore_mem>>) src(%dma_wait3A_215 : memref<8x128xf32, #tpu.memory_space<vmem>>) dst(%dma_wait3A_211 : memref<8x128xf32, #tpu.memory_space<hbm>>)
    %dma_wait3A_216 = arith.constant 0 : i32
    %dma_wait3A_217 = arith.constant 0 : i32
    %dma_wait3A_218 = arith.constant 0 : i32
    %dma_wait3A_219 = arith.constant 0 : i32
    %dma_wait3A_220 = arith.constant 0 : i32
    %dma_wait3A_221 = arith.constant 48 : i32
    %dma_wait3A_222 = arith.constant 0 : i32
    %dma_wait3A_223 = tpu.memref_slice %arg9[%dma_wait3A_216, %dma_wait3A_221, %dma_wait3A_222] : memref<2x64x128xf32, #tpu.memory_space<vmem>> -> memref<1x8x128xf32, #tpu.memory_space<vmem>>
    %dma_wait3A_224 = tpu.memref_squeeze %dma_wait3A_223 : memref<1x8x128xf32, #tpu.memory_space<vmem>> -> memref<8x128xf32, #tpu.memory_space<vmem>>
    %dma_wait3A_225 = arith.constant 0 : i32
    %dma_wait3A_226 = arith.constant 0 : i32
    %dma_wait3A_227 = tpu.memref_slice %arg5[%dma_wait3A_217, %dma_wait3A_218, %dma_wait3A_219, %dma_wait3A_225, %dma_wait3A_226] : memref<200x8x8x8x128xf32, #tpu.memory_space<hbm>> -> memref<1x1x1x8x128xf32, #tpu.memory_space<hbm>>
    %dma_wait3A_228 = tpu.memref_squeeze %dma_wait3A_227 : memref<1x1x1x8x128xf32, #tpu.memory_space<hbm>> -> memref<8x128xf32, #tpu.memory_space<hbm>>
    %dma_wait3A_229 = tpu.memref_slice %arg11[%dma_wait3A_220] : memref<2x!tpu.dma_semaphore, #tpu.memory_space<semaphore_mem>> -> memref<1x!tpu.dma_semaphore, #tpu.memory_space<semaphore_mem>>
    %dma_wait3A_230 = tpu.memref_squeeze %dma_wait3A_229 : memref<1x!tpu.dma_semaphore, #tpu.memory_space<semaphore_mem>> -> memref<!tpu.dma_semaphore, #tpu.memory_space<semaphore_mem>>
    %dma_wait3A_231 = arith.constant 0 : i32
    %dma_wait3A_232 = arith.constant 0 : i32
    %dma_wait3A_233 = tpu.memref_slice %arg5[%dma_wait3A_217, %dma_wait3A_218, %dma_wait3A_219, %dma_wait3A_231, %dma_wait3A_232] : memref<200x8x8x8x128xf32, #tpu.memory_space<hbm>> -> memref<1x1x1x8x128xf32, #tpu.memory_space<hbm>>
    %dma_wait3A_234 = tpu.memref_squeeze %dma_wait3A_233 : memref<1x1x1x8x128xf32, #tpu.memory_space<hbm>> -> memref<8x128xf32, #tpu.memory_space<hbm>>
    %dma_wait3A_235 = arith.constant 48 : i32
    %dma_wait3A_236 = arith.constant 0 : i32
    %dma_wait3A_237 = tpu.memref_slice %arg9[%dma_wait3A_216, %dma_wait3A_235, %dma_wait3A_236] : memref<2x64x128xf32, #tpu.memory_space<vmem>> -> memref<1x8x128xf32, #tpu.memory_space<vmem>>
    %dma_wait3A_238 = tpu.memref_squeeze %dma_wait3A_237 : memref<1x8x128xf32, #tpu.memory_space<vmem>> -> memref<8x128xf32, #tpu.memory_space<vmem>>
    tpu.wait_dma2 semaphore(%dma_wait3A_230 : memref<!tpu.dma_semaphore, #tpu.memory_space<semaphore_mem>>) src(%dma_wait3A_238 : memref<8x128xf32, #tpu.memory_space<vmem>>) dst(%dma_wait3A_234 : memref<8x128xf32, #tpu.memory_space<hbm>>)
    %dma_wait3A_239 = arith.constant 0 : i32
    %dma_wait3A_240 = arith.constant 0 : i32
    %dma_wait3A_241 = arith.constant 0 : i32
    %dma_wait3A_242 = arith.constant 0 : i32
    %dma_wait3A_243 = arith.constant 0 : i32
    %dma_wait3A_244 = arith.constant 56 : i32
    %dma_wait3A_245 = arith.constant 0 : i32
    %dma_wait3A_246 = tpu.memref_slice %arg9[%dma_wait3A_239, %dma_wait3A_244, %dma_wait3A_245] : memref<2x64x128xf32, #tpu.memory_space<vmem>> -> memref<1x8x128xf32, #tpu.memory_space<vmem>>
    %dma_wait3A_247 = tpu.memref_squeeze %dma_wait3A_246 : memref<1x8x128xf32, #tpu.memory_space<vmem>> -> memref<8x128xf32, #tpu.memory_space<vmem>>
    %dma_wait3A_248 = arith.constant 0 : i32
    %dma_wait3A_249 = arith.constant 0 : i32
    %dma_wait3A_250 = tpu.memref_slice %arg5[%dma_wait3A_240, %dma_wait3A_241, %dma_wait3A_242, %dma_wait3A_248, %dma_wait3A_249] : memref<200x8x8x8x128xf32, #tpu.memory_space<hbm>> -> memref<1x1x1x8x128xf32, #tpu.memory_space<hbm>>
    %dma_wait3A_251 = tpu.memref_squeeze %dma_wait3A_250 : memref<1x1x1x8x128xf32, #tpu.memory_space<hbm>> -> memref<8x128xf32, #tpu.memory_space<hbm>>
    %dma_wait3A_252 = tpu.memref_slice %arg11[%dma_wait3A_243] : memref<2x!tpu.dma_semaphore, #tpu.memory_space<semaphore_mem>> -> memref<1x!tpu.dma_semaphore, #tpu.memory_space<semaphore_mem>>
    %dma_wait3A_253 = tpu.memref_squeeze %dma_wait3A_252 : memref<1x!tpu.dma_semaphore, #tpu.memory_space<semaphore_mem>> -> memref<!tpu.dma_semaphore, #tpu.memory_space<semaphore_mem>>
    %dma_wait3A_254 = arith.constant 0 : i32
    %dma_wait3A_255 = arith.constant 0 : i32
    %dma_wait3A_256 = tpu.memref_slice %arg5[%dma_wait3A_240, %dma_wait3A_241, %dma_wait3A_242, %dma_wait3A_254, %dma_wait3A_255] : memref<200x8x8x8x128xf32, #tpu.memory_space<hbm>> -> memref<1x1x1x8x128xf32, #tpu.memory_space<hbm>>
    %dma_wait3A_257 = tpu.memref_squeeze %dma_wait3A_256 : memref<1x1x1x8x128xf32, #tpu.memory_space<hbm>> -> memref<8x128xf32, #tpu.memory_space<hbm>>
    %dma_wait3A_258 = arith.constant 56 : i32
    %dma_wait3A_259 = arith.constant 0 : i32
    %dma_wait3A_260 = tpu.memref_slice %arg9[%dma_wait3A_239, %dma_wait3A_258, %dma_wait3A_259] : memref<2x64x128xf32, #tpu.memory_space<vmem>> -> memref<1x8x128xf32, #tpu.memory_space<vmem>>
    %dma_wait3A_261 = tpu.memref_squeeze %dma_wait3A_260 : memref<1x8x128xf32, #tpu.memory_space<vmem>> -> memref<8x128xf32, #tpu.memory_space<vmem>>
    tpu.wait_dma2 semaphore(%dma_wait3A_253 : memref<!tpu.dma_semaphore, #tpu.memory_space<semaphore_mem>>) src(%dma_wait3A_261 : memref<8x128xf32, #tpu.memory_space<vmem>>) dst(%dma_wait3A_257 : memref<8x128xf32, #tpu.memory_space<hbm>>)
    %dma_wait3A_262 = arith.constant 1 : i32
    %dma_wait3A_263 = arith.constant 0 : i32
    %dma_wait3A_264 = arith.constant 0 : i32
    %dma_wait3A_265 = arith.constant 0 : i32
    %dma_wait3A_266 = arith.constant 1 : i32
    %dma_wait3A_267 = arith.constant 0 : i32
    %dma_wait3A_268 = arith.constant 0 : i32
    %dma_wait3A_269 = tpu.memref_slice %arg9[%dma_wait3A_262, %dma_wait3A_267, %dma_wait3A_268] : memref<2x64x128xf32, #tpu.memory_space<vmem>> -> memref<1x8x128xf32, #tpu.memory_space<vmem>>
    %dma_wait3A_270 = tpu.memref_squeeze %dma_wait3A_269 : memref<1x8x128xf32, #tpu.memory_space<vmem>> -> memref<8x128xf32, #tpu.memory_space<vmem>>
    %dma_wait3A_271 = arith.constant 0 : i32
    %dma_wait3A_272 = arith.constant 0 : i32
    %dma_wait3A_273 = tpu.memref_slice %arg5[%dma_wait3A_263, %dma_wait3A_264, %dma_wait3A_265, %dma_wait3A_271, %dma_wait3A_272] : memref<200x8x8x8x128xf32, #tpu.memory_space<hbm>> -> memref<1x1x1x8x128xf32, #tpu.memory_space<hbm>>
    %dma_wait3A_274 = tpu.memref_squeeze %dma_wait3A_273 : memref<1x1x1x8x128xf32, #tpu.memory_space<hbm>> -> memref<8x128xf32, #tpu.memory_space<hbm>>
    %dma_wait3A_275 = tpu.memref_slice %arg11[%dma_wait3A_266] : memref<2x!tpu.dma_semaphore, #tpu.memory_space<semaphore_mem>> -> memref<1x!tpu.dma_semaphore, #tpu.memory_space<semaphore_mem>>
    %dma_wait3A_276 = tpu.memref_squeeze %dma_wait3A_275 : memref<1x!tpu.dma_semaphore, #tpu.memory_space<semaphore_mem>> -> memref<!tpu.dma_semaphore, #tpu.memory_space<semaphore_mem>>
    %dma_wait3A_277 = arith.constant 0 : i32
    %dma_wait3A_278 = arith.constant 0 : i32
    %dma_wait3A_279 = tpu.memref_slice %arg5[%dma_wait3A_263, %dma_wait3A_264, %dma_wait3A_265, %dma_wait3A_277, %dma_wait3A_278] : memref<200x8x8x8x128xf32, #tpu.memory_space<hbm>> -> memref<1x1x1x8x128xf32, #tpu.memory_space<hbm>>
    %dma_wait3A_280 = tpu.memref_squeeze %dma_wait3A_279 : memref<1x1x1x8x128xf32, #tpu.memory_space<hbm>> -> memref<8x128xf32, #tpu.memory_space<hbm>>
    %dma_wait3A_281 = arith.constant 0 : i32
    %dma_wait3A_282 = arith.constant 0 : i32
    %dma_wait3A_283 = tpu.memref_slice %arg9[%dma_wait3A_262, %dma_wait3A_281, %dma_wait3A_282] : memref<2x64x128xf32, #tpu.memory_space<vmem>> -> memref<1x8x128xf32, #tpu.memory_space<vmem>>
    %dma_wait3A_284 = tpu.memref_squeeze %dma_wait3A_283 : memref<1x8x128xf32, #tpu.memory_space<vmem>> -> memref<8x128xf32, #tpu.memory_space<vmem>>
    tpu.wait_dma2 semaphore(%dma_wait3A_276 : memref<!tpu.dma_semaphore, #tpu.memory_space<semaphore_mem>>) src(%dma_wait3A_284 : memref<8x128xf32, #tpu.memory_space<vmem>>) dst(%dma_wait3A_280 : memref<8x128xf32, #tpu.memory_space<hbm>>)
    %dma_wait3A_285 = arith.constant 1 : i32
    %dma_wait3A_286 = arith.constant 0 : i32
    %dma_wait3A_287 = arith.constant 0 : i32
    %dma_wait3A_288 = arith.constant 0 : i32
    %dma_wait3A_289 = arith.constant 1 : i32
    %dma_wait3A_290 = arith.constant 8 : i32
    %dma_wait3A_291 = arith.constant 0 : i32
    %dma_wait3A_292 = tpu.memref_slice %arg9[%dma_wait3A_285, %dma_wait3A_290, %dma_wait3A_291] : memref<2x64x128xf32, #tpu.memory_space<vmem>> -> memref<1x8x128xf32, #tpu.memory_space<vmem>>
    %dma_wait3A_293 = tpu.memref_squeeze %dma_wait3A_292 : memref<1x8x128xf32, #tpu.memory_space<vmem>> -> memref<8x128xf32, #tpu.memory_space<vmem>>
    %dma_wait3A_294 = arith.constant 0 : i32
    %dma_wait3A_295 = arith.constant 0 : i32
    %dma_wait3A_296 = tpu.memref_slice %arg5[%dma_wait3A_286, %dma_wait3A_287, %dma_wait3A_288, %dma_wait3A_294, %dma_wait3A_295] : memref<200x8x8x8x128xf32, #tpu.memory_space<hbm>> -> memref<1x1x1x8x128xf32, #tpu.memory_space<hbm>>
    %dma_wait3A_297 = tpu.memref_squeeze %dma_wait3A_296 : memref<1x1x1x8x128xf32, #tpu.memory_space<hbm>> -> memref<8x128xf32, #tpu.memory_space<hbm>>
    %dma_wait3A_298 = tpu.memref_slice %arg11[%dma_wait3A_289] : memref<2x!tpu.dma_semaphore, #tpu.memory_space<semaphore_mem>> -> memref<1x!tpu.dma_semaphore, #tpu.memory_space<semaphore_mem>>
    %dma_wait3A_299 = tpu.memref_squeeze %dma_wait3A_298 : memref<1x!tpu.dma_semaphore, #tpu.memory_space<semaphore_mem>> -> memref<!tpu.dma_semaphore, #tpu.memory_space<semaphore_mem>>
    %dma_wait3A_300 = arith.constant 0 : i32
    %dma_wait3A_301 = arith.constant 0 : i32
    %dma_wait3A_302 = tpu.memref_slice %arg5[%dma_wait3A_286, %dma_wait3A_287, %dma_wait3A_288, %dma_wait3A_300, %dma_wait3A_301] : memref<200x8x8x8x128xf32, #tpu.memory_space<hbm>> -> memref<1x1x1x8x128xf32, #tpu.memory_space<hbm>>
    %dma_wait3A_303 = tpu.memref_squeeze %dma_wait3A_302 : memref<1x1x1x8x128xf32, #tpu.memory_space<hbm>> -> memref<8x128xf32, #tpu.memory_space<hbm>>
    %dma_wait3A_304 = arith.constant 8 : i32
    %dma_wait3A_305 = arith.constant 0 : i32
    %dma_wait3A_306 = tpu.memref_slice %arg9[%dma_wait3A_285, %dma_wait3A_304, %dma_wait3A_305] : memref<2x64x128xf32, #tpu.memory_space<vmem>> -> memref<1x8x128xf32, #tpu.memory_space<vmem>>
    %dma_wait3A_307 = tpu.memref_squeeze %dma_wait3A_306 : memref<1x8x128xf32, #tpu.memory_space<vmem>> -> memref<8x128xf32, #tpu.memory_space<vmem>>
    tpu.wait_dma2 semaphore(%dma_wait3A_299 : memref<!tpu.dma_semaphore, #tpu.memory_space<semaphore_mem>>) src(%dma_wait3A_307 : memref<8x128xf32, #tpu.memory_space<vmem>>) dst(%dma_wait3A_303 : memref<8x128xf32, #tpu.memory_space<hbm>>)
    %dma_wait3A_308 = arith.constant 1 : i32
    %dma_wait3A_309 = arith.constant 0 : i32
    %dma_wait3A_310 = arith.constant 0 : i32
    %dma_wait3A_311 = arith.constant 0 : i32
    %dma_wait3A_312 = arith.constant 1 : i32
    %dma_wait3A_313 = arith.constant 16 : i32
    %dma_wait3A_314 = arith.constant 0 : i32
    %dma_wait3A_315 = tpu.memref_slice %arg9[%dma_wait3A_308, %dma_wait3A_313, %dma_wait3A_314] : memref<2x64x128xf32, #tpu.memory_space<vmem>> -> memref<1x8x128xf32, #tpu.memory_space<vmem>>
    %dma_wait3A_316 = tpu.memref_squeeze %dma_wait3A_315 : memref<1x8x128xf32, #tpu.memory_space<vmem>> -> memref<8x128xf32, #tpu.memory_space<vmem>>
    %dma_wait3A_317 = arith.constant 0 : i32
    %dma_wait3A_318 = arith.constant 0 : i32
    %dma_wait3A_319 = tpu.memref_slice %arg5[%dma_wait3A_309, %dma_wait3A_310, %dma_wait3A_311, %dma_wait3A_317, %dma_wait3A_318] : memref<200x8x8x8x128xf32, #tpu.memory_space<hbm>> -> memref<1x1x1x8x128xf32, #tpu.memory_space<hbm>>
    %dma_wait3A_320 = tpu.memref_squeeze %dma_wait3A_319 : memref<1x1x1x8x128xf32, #tpu.memory_space<hbm>> -> memref<8x128xf32, #tpu.memory_space<hbm>>
    %dma_wait3A_321 = tpu.memref_slice %arg11[%dma_wait3A_312] : memref<2x!tpu.dma_semaphore, #tpu.memory_space<semaphore_mem>> -> memref<1x!tpu.dma_semaphore, #tpu.memory_space<semaphore_mem>>
    %dma_wait3A_322 = tpu.memref_squeeze %dma_wait3A_321 : memref<1x!tpu.dma_semaphore, #tpu.memory_space<semaphore_mem>> -> memref<!tpu.dma_semaphore, #tpu.memory_space<semaphore_mem>>
    %dma_wait3A_323 = arith.constant 0 : i32
    %dma_wait3A_324 = arith.constant 0 : i32
    %dma_wait3A_325 = tpu.memref_slice %arg5[%dma_wait3A_309, %dma_wait3A_310, %dma_wait3A_311, %dma_wait3A_323, %dma_wait3A_324] : memref<200x8x8x8x128xf32, #tpu.memory_space<hbm>> -> memref<1x1x1x8x128xf32, #tpu.memory_space<hbm>>
    %dma_wait3A_326 = tpu.memref_squeeze %dma_wait3A_325 : memref<1x1x1x8x128xf32, #tpu.memory_space<hbm>> -> memref<8x128xf32, #tpu.memory_space<hbm>>
    %dma_wait3A_327 = arith.constant 16 : i32
    %dma_wait3A_328 = arith.constant 0 : i32
    %dma_wait3A_329 = tpu.memref_slice %arg9[%dma_wait3A_308, %dma_wait3A_327, %dma_wait3A_328] : memref<2x64x128xf32, #tpu.memory_space<vmem>> -> memref<1x8x128xf32, #tpu.memory_space<vmem>>
    %dma_wait3A_330 = tpu.memref_squeeze %dma_wait3A_329 : memref<1x8x128xf32, #tpu.memory_space<vmem>> -> memref<8x128xf32, #tpu.memory_space<vmem>>
    tpu.wait_dma2 semaphore(%dma_wait3A_322 : memref<!tpu.dma_semaphore, #tpu.memory_space<semaphore_mem>>) src(%dma_wait3A_330 : memref<8x128xf32, #tpu.memory_space<vmem>>) dst(%dma_wait3A_326 : memref<8x128xf32, #tpu.memory_space<hbm>>)
    %dma_wait3A_331 = arith.constant 1 : i32
    %dma_wait3A_332 = arith.constant 0 : i32
    %dma_wait3A_333 = arith.constant 0 : i32
    %dma_wait3A_334 = arith.constant 0 : i32
    %dma_wait3A_335 = arith.constant 1 : i32
    %dma_wait3A_336 = arith.constant 24 : i32
    %dma_wait3A_337 = arith.constant 0 : i32
    %dma_wait3A_338 = tpu.memref_slice %arg9[%dma_wait3A_331, %dma_wait3A_336, %dma_wait3A_337] : memref<2x64x128xf32, #tpu.memory_space<vmem>> -> memref<1x8x128xf32, #tpu.memory_space<vmem>>
    %dma_wait3A_339 = tpu.memref_squeeze %dma_wait3A_338 : memref<1x8x128xf32, #tpu.memory_space<vmem>> -> memref<8x128xf32, #tpu.memory_space<vmem>>
    %dma_wait3A_340 = arith.constant 0 : i32
    %dma_wait3A_341 = arith.constant 0 : i32
    %dma_wait3A_342 = tpu.memref_slice %arg5[%dma_wait3A_332, %dma_wait3A_333, %dma_wait3A_334, %dma_wait3A_340, %dma_wait3A_341] : memref<200x8x8x8x128xf32, #tpu.memory_space<hbm>> -> memref<1x1x1x8x128xf32, #tpu.memory_space<hbm>>
    %dma_wait3A_343 = tpu.memref_squeeze %dma_wait3A_342 : memref<1x1x1x8x128xf32, #tpu.memory_space<hbm>> -> memref<8x128xf32, #tpu.memory_space<hbm>>
    %dma_wait3A_344 = tpu.memref_slice %arg11[%dma_wait3A_335] : memref<2x!tpu.dma_semaphore, #tpu.memory_space<semaphore_mem>> -> memref<1x!tpu.dma_semaphore, #tpu.memory_space<semaphore_mem>>
    %dma_wait3A_345 = tpu.memref_squeeze %dma_wait3A_344 : memref<1x!tpu.dma_semaphore, #tpu.memory_space<semaphore_mem>> -> memref<!tpu.dma_semaphore, #tpu.memory_space<semaphore_mem>>
    %dma_wait3A_346 = arith.constant 0 : i32
    %dma_wait3A_347 = arith.constant 0 : i32
    %dma_wait3A_348 = tpu.memref_slice %arg5[%dma_wait3A_332, %dma_wait3A_333, %dma_wait3A_334, %dma_wait3A_346, %dma_wait3A_347] : memref<200x8x8x8x128xf32, #tpu.memory_space<hbm>> -> memref<1x1x1x8x128xf32, #tpu.memory_space<hbm>>
    %dma_wait3A_349 = tpu.memref_squeeze %dma_wait3A_348 : memref<1x1x1x8x128xf32, #tpu.memory_space<hbm>> -> memref<8x128xf32, #tpu.memory_space<hbm>>
    %dma_wait3A_350 = arith.constant 24 : i32
    %dma_wait3A_351 = arith.constant 0 : i32
    %dma_wait3A_352 = tpu.memref_slice %arg9[%dma_wait3A_331, %dma_wait3A_350, %dma_wait3A_351] : memref<2x64x128xf32, #tpu.memory_space<vmem>> -> memref<1x8x128xf32, #tpu.memory_space<vmem>>
    %dma_wait3A_353 = tpu.memref_squeeze %dma_wait3A_352 : memref<1x8x128xf32, #tpu.memory_space<vmem>> -> memref<8x128xf32, #tpu.memory_space<vmem>>
    tpu.wait_dma2 semaphore(%dma_wait3A_345 : memref<!tpu.dma_semaphore, #tpu.memory_space<semaphore_mem>>) src(%dma_wait3A_353 : memref<8x128xf32, #tpu.memory_space<vmem>>) dst(%dma_wait3A_349 : memref<8x128xf32, #tpu.memory_space<hbm>>)
    %dma_wait3A_354 = arith.constant 1 : i32
    %dma_wait3A_355 = arith.constant 0 : i32
    %dma_wait3A_356 = arith.constant 0 : i32
    %dma_wait3A_357 = arith.constant 0 : i32
    %dma_wait3A_358 = arith.constant 1 : i32
    %dma_wait3A_359 = arith.constant 32 : i32
    %dma_wait3A_360 = arith.constant 0 : i32
    %dma_wait3A_361 = tpu.memref_slice %arg9[%dma_wait3A_354, %dma_wait3A_359, %dma_wait3A_360] : memref<2x64x128xf32, #tpu.memory_space<vmem>> -> memref<1x8x128xf32, #tpu.memory_space<vmem>>
    %dma_wait3A_362 = tpu.memref_squeeze %dma_wait3A_361 : memref<1x8x128xf32, #tpu.memory_space<vmem>> -> memref<8x128xf32, #tpu.memory_space<vmem>>
    %dma_wait3A_363 = arith.constant 0 : i32
    %dma_wait3A_364 = arith.constant 0 : i32
    %dma_wait3A_365 = tpu.memref_slice %arg5[%dma_wait3A_355, %dma_wait3A_356, %dma_wait3A_357, %dma_wait3A_363, %dma_wait3A_364] : memref<200x8x8x8x128xf32, #tpu.memory_space<hbm>> -> memref<1x1x1x8x128xf32, #tpu.memory_space<hbm>>
    %dma_wait3A_366 = tpu.memref_squeeze %dma_wait3A_365 : memref<1x1x1x8x128xf32, #tpu.memory_space<hbm>> -> memref<8x128xf32, #tpu.memory_space<hbm>>
    %dma_wait3A_367 = tpu.memref_slice %arg11[%dma_wait3A_358] : memref<2x!tpu.dma_semaphore, #tpu.memory_space<semaphore_mem>> -> memref<1x!tpu.dma_semaphore, #tpu.memory_space<semaphore_mem>>
    %dma_wait3A_368 = tpu.memref_squeeze %dma_wait3A_367 : memref<1x!tpu.dma_semaphore, #tpu.memory_space<semaphore_mem>> -> memref<!tpu.dma_semaphore, #tpu.memory_space<semaphore_mem>>
    %dma_wait3A_369 = arith.constant 0 : i32
    %dma_wait3A_370 = arith.constant 0 : i32
    %dma_wait3A_371 = tpu.memref_slice %arg5[%dma_wait3A_355, %dma_wait3A_356, %dma_wait3A_357, %dma_wait3A_369, %dma_wait3A_370] : memref<200x8x8x8x128xf32, #tpu.memory_space<hbm>> -> memref<1x1x1x8x128xf32, #tpu.memory_space<hbm>>
    %dma_wait3A_372 = tpu.memref_squeeze %dma_wait3A_371 : memref<1x1x1x8x128xf32, #tpu.memory_space<hbm>> -> memref<8x128xf32, #tpu.memory_space<hbm>>
    %dma_wait3A_373 = arith.constant 32 : i32
    %dma_wait3A_374 = arith.constant 0 : i32
    %dma_wait3A_375 = tpu.memref_slice %arg9[%dma_wait3A_354, %dma_wait3A_373, %dma_wait3A_374] : memref<2x64x128xf32, #tpu.memory_space<vmem>> -> memref<1x8x128xf32, #tpu.memory_space<vmem>>
    %dma_wait3A_376 = tpu.memref_squeeze %dma_wait3A_375 : memref<1x8x128xf32, #tpu.memory_space<vmem>> -> memref<8x128xf32, #tpu.memory_space<vmem>>
    tpu.wait_dma2 semaphore(%dma_wait3A_368 : memref<!tpu.dma_semaphore, #tpu.memory_space<semaphore_mem>>) src(%dma_wait3A_376 : memref<8x128xf32, #tpu.memory_space<vmem>>) dst(%dma_wait3A_372 : memref<8x128xf32, #tpu.memory_space<hbm>>)
    %dma_wait3A_377 = arith.constant 1 : i32
    %dma_wait3A_378 = arith.constant 0 : i32
    %dma_wait3A_379 = arith.constant 0 : i32
    %dma_wait3A_380 = arith.constant 0 : i32
    %dma_wait3A_381 = arith.constant 1 : i32
    %dma_wait3A_382 = arith.constant 40 : i32
    %dma_wait3A_383 = arith.constant 0 : i32
    %dma_wait3A_384 = tpu.memref_slice %arg9[%dma_wait3A_377, %dma_wait3A_382, %dma_wait3A_383] : memref<2x64x128xf32, #tpu.memory_space<vmem>> -> memref<1x8x128xf32, #tpu.memory_space<vmem>>
    %dma_wait3A_385 = tpu.memref_squeeze %dma_wait3A_384 : memref<1x8x128xf32, #tpu.memory_space<vmem>> -> memref<8x128xf32, #tpu.memory_space<vmem>>
    %dma_wait3A_386 = arith.constant 0 : i32
    %dma_wait3A_387 = arith.constant 0 : i32
    %dma_wait3A_388 = tpu.memref_slice %arg5[%dma_wait3A_378, %dma_wait3A_379, %dma_wait3A_380, %dma_wait3A_386, %dma_wait3A_387] : memref<200x8x8x8x128xf32, #tpu.memory_space<hbm>> -> memref<1x1x1x8x128xf32, #tpu.memory_space<hbm>>
    %dma_wait3A_389 = tpu.memref_squeeze %dma_wait3A_388 : memref<1x1x1x8x128xf32, #tpu.memory_space<hbm>> -> memref<8x128xf32, #tpu.memory_space<hbm>>
    %dma_wait3A_390 = tpu.memref_slice %arg11[%dma_wait3A_381] : memref<2x!tpu.dma_semaphore, #tpu.memory_space<semaphore_mem>> -> memref<1x!tpu.dma_semaphore, #tpu.memory_space<semaphore_mem>>
    %dma_wait3A_391 = tpu.memref_squeeze %dma_wait3A_390 : memref<1x!tpu.dma_semaphore, #tpu.memory_space<semaphore_mem>> -> memref<!tpu.dma_semaphore, #tpu.memory_space<semaphore_mem>>
    %dma_wait3A_392 = arith.constant 0 : i32
    %dma_wait3A_393 = arith.constant 0 : i32
    %dma_wait3A_394 = tpu.memref_slice %arg5[%dma_wait3A_378, %dma_wait3A_379, %dma_wait3A_380, %dma_wait3A_392, %dma_wait3A_393] : memref<200x8x8x8x128xf32, #tpu.memory_space<hbm>> -> memref<1x1x1x8x128xf32, #tpu.memory_space<hbm>>
    %dma_wait3A_395 = tpu.memref_squeeze %dma_wait3A_394 : memref<1x1x1x8x128xf32, #tpu.memory_space<hbm>> -> memref<8x128xf32, #tpu.memory_space<hbm>>
    %dma_wait3A_396 = arith.constant 40 : i32
    %dma_wait3A_397 = arith.constant 0 : i32
    %dma_wait3A_398 = tpu.memref_slice %arg9[%dma_wait3A_377, %dma_wait3A_396, %dma_wait3A_397] : memref<2x64x128xf32, #tpu.memory_space<vmem>> -> memref<1x8x128xf32, #tpu.memory_space<vmem>>
    %dma_wait3A_399 = tpu.memref_squeeze %dma_wait3A_398 : memref<1x8x128xf32, #tpu.memory_space<vmem>> -> memref<8x128xf32, #tpu.memory_space<vmem>>
    tpu.wait_dma2 semaphore(%dma_wait3A_391 : memref<!tpu.dma_semaphore, #tpu.memory_space<semaphore_mem>>) src(%dma_wait3A_399 : memref<8x128xf32, #tpu.memory_space<vmem>>) dst(%dma_wait3A_395 : memref<8x128xf32, #tpu.memory_space<hbm>>)
    %dma_wait3A_400 = arith.constant 1 : i32
    %dma_wait3A_401 = arith.constant 0 : i32
    %dma_wait3A_402 = arith.constant 0 : i32
    %dma_wait3A_403 = arith.constant 0 : i32
    %dma_wait3A_404 = arith.constant 1 : i32
    %dma_wait3A_405 = arith.constant 48 : i32
    %dma_wait3A_406 = arith.constant 0 : i32
    %dma_wait3A_407 = tpu.memref_slice %arg9[%dma_wait3A_400, %dma_wait3A_405, %dma_wait3A_406] : memref<2x64x128xf32, #tpu.memory_space<vmem>> -> memref<1x8x128xf32, #tpu.memory_space<vmem>>
    %dma_wait3A_408 = tpu.memref_squeeze %dma_wait3A_407 : memref<1x8x128xf32, #tpu.memory_space<vmem>> -> memref<8x128xf32, #tpu.memory_space<vmem>>
    %dma_wait3A_409 = arith.constant 0 : i32
    %dma_wait3A_410 = arith.constant 0 : i32
    %dma_wait3A_411 = tpu.memref_slice %arg5[%dma_wait3A_401, %dma_wait3A_402, %dma_wait3A_403, %dma_wait3A_409, %dma_wait3A_410] : memref<200x8x8x8x128xf32, #tpu.memory_space<hbm>> -> memref<1x1x1x8x128xf32, #tpu.memory_space<hbm>>
    %dma_wait3A_412 = tpu.memref_squeeze %dma_wait3A_411 : memref<1x1x1x8x128xf32, #tpu.memory_space<hbm>> -> memref<8x128xf32, #tpu.memory_space<hbm>>
    %dma_wait3A_413 = tpu.memref_slice %arg11[%dma_wait3A_404] : memref<2x!tpu.dma_semaphore, #tpu.memory_space<semaphore_mem>> -> memref<1x!tpu.dma_semaphore, #tpu.memory_space<semaphore_mem>>
    %dma_wait3A_414 = tpu.memref_squeeze %dma_wait3A_413 : memref<1x!tpu.dma_semaphore, #tpu.memory_space<semaphore_mem>> -> memref<!tpu.dma_semaphore, #tpu.memory_space<semaphore_mem>>
    %dma_wait3A_415 = arith.constant 0 : i32
    %dma_wait3A_416 = arith.constant 0 : i32
    %dma_wait3A_417 = tpu.memref_slice %arg5[%dma_wait3A_401, %dma_wait3A_402, %dma_wait3A_403, %dma_wait3A_415, %dma_wait3A_416] : memref<200x8x8x8x128xf32, #tpu.memory_space<hbm>> -> memref<1x1x1x8x128xf32, #tpu.memory_space<hbm>>
    %dma_wait3A_418 = tpu.memref_squeeze %dma_wait3A_417 : memref<1x1x1x8x128xf32, #tpu.memory_space<hbm>> -> memref<8x128xf32, #tpu.memory_space<hbm>>
    %dma_wait3A_419 = arith.constant 48 : i32
    %dma_wait3A_420 = arith.constant 0 : i32
    %dma_wait3A_421 = tpu.memref_slice %arg9[%dma_wait3A_400, %dma_wait3A_419, %dma_wait3A_420] : memref<2x64x128xf32, #tpu.memory_space<vmem>> -> memref<1x8x128xf32, #tpu.memory_space<vmem>>
    %dma_wait3A_422 = tpu.memref_squeeze %dma_wait3A_421 : memref<1x8x128xf32, #tpu.memory_space<vmem>> -> memref<8x128xf32, #tpu.memory_space<vmem>>
    tpu.wait_dma2 semaphore(%dma_wait3A_414 : memref<!tpu.dma_semaphore, #tpu.memory_space<semaphore_mem>>) src(%dma_wait3A_422 : memref<8x128xf32, #tpu.memory_space<vmem>>) dst(%dma_wait3A_418 : memref<8x128xf32, #tpu.memory_space<hbm>>)
    %dma_wait3A_423 = arith.constant 1 : i32
    %dma_wait3A_424 = arith.constant 0 : i32
    %dma_wait3A_425 = arith.constant 0 : i32
    %dma_wait3A_426 = arith.constant 0 : i32
    %dma_wait3A_427 = arith.constant 1 : i32
    %dma_wait3A_428 = arith.constant 56 : i32
    %dma_wait3A_429 = arith.constant 0 : i32
    %dma_wait3A_430 = tpu.memref_slice %arg9[%dma_wait3A_423, %dma_wait3A_428, %dma_wait3A_429] : memref<2x64x128xf32, #tpu.memory_space<vmem>> -> memref<1x8x128xf32, #tpu.memory_space<vmem>>
    %dma_wait3A_431 = tpu.memref_squeeze %dma_wait3A_430 : memref<1x8x128xf32, #tpu.memory_space<vmem>> -> memref<8x128xf32, #tpu.memory_space<vmem>>
    %dma_wait3A_432 = arith.constant 0 : i32
    %dma_wait3A_433 = arith.constant 0 : i32
    %dma_wait3A_434 = tpu.memref_slice %arg5[%dma_wait3A_424, %dma_wait3A_425, %dma_wait3A_426, %dma_wait3A_432, %dma_wait3A_433] : memref<200x8x8x8x128xf32, #tpu.memory_space<hbm>> -> memref<1x1x1x8x128xf32, #tpu.memory_space<hbm>>
    %dma_wait3A_435 = tpu.memref_squeeze %dma_wait3A_434 : memref<1x1x1x8x128xf32, #tpu.memory_space<hbm>> -> memref<8x128xf32, #tpu.memory_space<hbm>>
    %dma_wait3A_436 = tpu.memref_slice %arg11[%dma_wait3A_427] : memref<2x!tpu.dma_semaphore, #tpu.memory_space<semaphore_mem>> -> memref<1x!tpu.dma_semaphore, #tpu.memory_space<semaphore_mem>>
    %dma_wait3A_437 = tpu.memref_squeeze %dma_wait3A_436 : memref<1x!tpu.dma_semaphore, #tpu.memory_space<semaphore_mem>> -> memref<!tpu.dma_semaphore, #tpu.memory_space<semaphore_mem>>
    %dma_wait3A_438 = arith.constant 0 : i32
    %dma_wait3A_439 = arith.constant 0 : i32
    %dma_wait3A_440 = tpu.memref_slice %arg5[%dma_wait3A_424, %dma_wait3A_425, %dma_wait3A_426, %dma_wait3A_438, %dma_wait3A_439] : memref<200x8x8x8x128xf32, #tpu.memory_space<hbm>> -> memref<1x1x1x8x128xf32, #tpu.memory_space<hbm>>
    %dma_wait3A_441 = tpu.memref_squeeze %dma_wait3A_440 : memref<1x1x1x8x128xf32, #tpu.memory_space<hbm>> -> memref<8x128xf32, #tpu.memory_space<hbm>>
    %dma_wait3A_442 = arith.constant 56 : i32
    %dma_wait3A_443 = arith.constant 0 : i32
    %dma_wait3A_444 = tpu.memref_slice %arg9[%dma_wait3A_423, %dma_wait3A_442, %dma_wait3A_443] : memref<2x64x128xf32, #tpu.memory_space<vmem>> -> memref<1x8x128xf32, #tpu.memory_space<vmem>>
    %dma_wait3A_445 = tpu.memref_squeeze %dma_wait3A_444 : memref<1x8x128xf32, #tpu.memory_space<vmem>> -> memref<8x128xf32, #tpu.memory_space<vmem>>
    tpu.wait_dma2 semaphore(%dma_wait3A_437 : memref<!tpu.dma_semaphore, #tpu.memory_space<semaphore_mem>>) src(%dma_wait3A_445 : memref<8x128xf32, #tpu.memory_space<vmem>>) dst(%dma_wait3A_441 : memref<8x128xf32, #tpu.memory_space<hbm>>)
    return
  }
}

</mosaic_0001>

<sc_bundles>
// kernel: kernel.3.cloned.1.call-start
scs
__scs_entry_jumppad:
0x0: {  	(pc) =	sbr.rel $0x88, $3  }
0x1: {  	(tag) =	ssettag $0x0;
	lr =	simm.s32 $0x1  }
0x2: {  	[smem:$0x3F9E] =	sst lr;
	_ =	strace $0xD0000000  }
0x3: {  	_ = 	snop  }
0x4: {  	_ = 	snop  }
0x5: {  	_ = 	snop  }
0x6: {  	_ = 	snop  }
0x7: {  	_ = 	snop  }
__scs_overlays_trampoline_lowered:
0x8: {  	[smem:$0x3FAD] =	sst s0  }
0x9: {  	[smem:$0x3FAE] =	sst s1  }
0xa: {  	[smem:$0x3FAF] =	sst s2  }
0xb: {  	[smem:$0x3FB0] =	sst s3  }
0xc: {  	[smem:$0x3FB1] =	sst s4  }
0xd: {  	[smem:$0x3FB2] =	sst s5  }
0xe: {  	[smem:$0x3FB3] =	sst s6  }
0xf: {  	[smem:$0x3FB4] =	sst s7  }
0x10: {  	[smem:$0x3FB5] =	sst s8  }
0x11: {  	[smem:$0x3FB6] =	sst s9;
	s0 =	simm.s32 @!p0 $0x0  }
0x12: {  	s1 =	sld [smem:$0x3F9C];
	s0 =	simm.s32 @p0 $0x1  }
0x13: {  	[smem:$0x3FB7] =	sst s0;
	s0 =	simm.s32 @!p1 $0x0  }
0x14: {  	s2 =	sld [smem:$0x3F9B];
	s0 =	simm.s32 @p1 $0x1  }
0x15: {  	[smem:$0x3FB8] =	sst s0;
	s0 =	simm.s32 @!p2 $0x0  }
0x16: {  	s3 =	sld [smem:$0x3FDB];
	s0 =	simm.s32 @p2 $0x1  }
0x17: {  	s4 =	simm.s32 $0x1BF5;
	[smem:$0x3FBA] =	sst s0  }
0x18: {  	s0 =	sld [smem:$0x3F9D];
	_ =	swait.ge [sflag:s4], $0x0  }
0x19: {  	s7 =	sld [smem:$0x3F9E]  }
0x1a: {  	s8 =	sadd.s32 $0xFFFFE003, lr  }
0x1b: {  	s9 =	sadd.s32 $0xFFFFFEF7, lr;
	s5 =	simm.s32 $0xFFFFFFFF;
	p2 =	slt.u32 s8, $0xFFFFF086  }
0x1c: {  	p1 =	slt.u32 s9, $0xF7A;
	s5 =	simm.s32 @!p2 $0x0  }
0x1d: {  	s5 =	simm.s32 @p1 $0x1;
	p0 =	seq.s32 s7, s2  }
0x1e: {  	s7 =	smul.u32 @!p0 $0xF7A, s2;
	p2 =	seq.s32 @!p0 s5, $0x0  }
0x1f: {  	s9 =	smul.u32 $0xF7A, s1;
	s8 =	simm.s32 @!p0 $0x1BF5;
	p2 =	por !p2, p0  }
0x20: {  	[sflag:s8] =	ssyncset.s32 @!p0 $0xFFFFF086;
	s6 =	sadd.s32 @!p0 s3, s7;
	s7 =	simm.s32 @!p0 $0x108  }
0x21: {  	s3 =	sadd.s32 s3, s9;
	s6 =	sadd.s32 @!p0 $0x88, s6;
	s7 =	simm.s32 @p2 $0x1082  }
0x22: {  	[simem:s7], [sflag:s8] =	dma.local @!p0 [hbm:s6], $0xF7A  }
0x23: {  	s9 =	sor.u32 $0xD0000000, s2;
	s6 =	simm.s32 $0x108;
	_ =	swait.ge @!p0 [sflag:s8], $0x0  }
0x24: {  	s3 =	sadd.s32 $0x88, s3;
	s6 =	simm.s32 @!p1 $0x1082;
	[sflag:s4] =	ssyncset.s32 $0xFFFFF086  }
0x25: {  	[simem:s6], [sflag:s4] =	dma.local [hbm:s3], $0xF7A  }
0x26: {  	[smem:$0x3F9E] =	sst s1;
	(tag) =	ssettag s2;
	_ =	strace s9  }
0x27: {  	s1 =	sld [smem:$0x3FAE]  }
0x28: {  	s2 =	sld [smem:$0x3FAF]  }
0x29: {  	s4 =	sld [smem:$0x3FB1]  }
0x2a: {  	p0 =	seq.s32 s5, $0x0;
	s5 =	sld [smem:$0x3FB2]  }
0x2b: {  	s6 =	sld [smem:$0x3FB3]  }
0x2c: {  	s7 =	sld [smem:$0x3FB4]  }
0x2d: {  	s3 =	simm.s32 $0x108;
	s8 =	sld [smem:$0x3FB5]  }
0x2e: {  	s3 =	simm.s32 @!p0 $0x1082;
	s9 =	sld [smem:$0x3FB6]  }
0x2f: {  	lr =	sadd.s32 s0, s3;
	s0 =	sld [smem:$0x3FAD]  }
0x30: {  	s3 =	sld [smem:$0x3FB0]  }
0x31: {  	[smem:$0x3FB9] =	sst s10  }
0x32: {  	s10 =	sld [smem:$0x3FB7];
	_ =	sdelay $0x3  }
0x33: {  	p0 =	seq.s32 s10, $0x1;
	s10 =	sld [smem:$0x3FB9];
	_ =	sdelay $0x3  }
0x34: {  	[smem:$0x3FB9] =	sst s10  }
0x35: {  	s10 =	sld [smem:$0x3FB8];
	_ =	sdelay $0x3  }
0x36: {  	p1 =	seq.s32 s10, $0x1;
	s10 =	sld [smem:$0x3FB9];
	_ =	sdelay $0x3  }
0x37: {  	[smem:$0x3FB9] =	sst s10  }
0x38: {  	s10 =	sld [smem:$0x3FBA]  }
0x39: {  	_ = 	snop;
	(pc) =	sbr.ind lr, $3  }
0x3a: {  	_ = 	snop  }
0x3b: {  	_ = 	snop  }
0x3c: {  	p2 =	seq.s32 s10, $0x1;
	s10 =	sld [smem:$0x3FB9]  }
0x3d: {  	_ =	shalt  }
0x3e: {  	_ =	shalt  }
0x3f: {  	_ =	shalt  }
0x40: {  	_ =	shalt  }
0x41: {  	_ =	shalt  }
0x42: {  	_ =	shalt  }
0x43: {  	_ =	shalt  }
0x44: {  	_ =	shalt  }
0x45: {  	_ =	shalt  }
0x46: {  	_ =	shalt  }
0x47: {  	_ =	shalt  }
0x48: {  	_ =	shalt  }
0x49: {  	_ =	shalt  }
0x4a: {  	_ =	shalt  }
0x4b: {  	_ =	shalt  }
0x4c: {  	_ =	shalt  }
0x4d: {  	_ =	shalt  }
0x4e: {  	_ =	shalt  }
0x4f: {  	_ =	shalt  }
0x50: {  	_ =	shalt  }
0x51: {  	_ =	shalt  }
0x52: {  	_ =	shalt  }
0x53: {  	_ =	shalt  }
0x54: {  	_ =	shalt  }
0x55: {  	_ =	shalt  }
0x56: {  	_ =	shalt  }
0x57: {  	_ =	shalt  }
0x58: {  	_ =	shalt  }
0x59: {  	_ =	shalt  }
0x5a: {  	_ =	shalt  }
0x5b: {  	_ =	shalt  }
0x5c: {  	_ =	shalt  }
0x5d: {  	_ =	shalt  }
0x5e: {  	_ =	shalt  }
0x5f: {  	_ =	shalt  }
0x60: {  	_ =	shalt  }
0x61: {  	_ =	shalt  }
0x62: {  	_ =	shalt  }
0x63: {  	_ =	shalt  }
0x64: {  	_ =	shalt  }
0x65: {  	_ =	shalt  }
0x66: {  	_ =	shalt  }
0x67: {  	_ =	shalt  }
0x68: {  	_ =	shalt  }
0x69: {  	_ =	shalt  }
0x6a: {  	_ =	shalt  }
0x6b: {  	_ =	shalt  }
0x6c: {  	_ =	shalt  }
0x6d: {  	_ =	shalt  }
0x6e: {  	_ =	shalt  }
0x6f: {  	_ =	shalt  }
0x70: {  	_ =	shalt  }
0x71: {  	_ =	shalt  }
0x72: {  	_ =	shalt  }
0x73: {  	_ =	shalt  }
0x74: {  	_ =	shalt  }
0x75: {  	_ =	shalt  }
0x76: {  	_ =	shalt  }
0x77: {  	_ =	shalt  }
0x78: {  	_ =	shalt  }
0x79: {  	_ =	shalt  }
0x7a: {  	_ =	shalt  }
0x7b: {  	_ =	shalt  }
0x7c: {  	_ =	shalt  }
0x7d: {  	_ =	shalt  }
0x7e: {  	_ =	shalt  }
0x7f: {  	_ =	shalt  }
0x80: {  	_ =	shalt  }
0x81: {  	_ =	shalt  }
0x82: {  	_ =	shalt  }
0x83: {  	_ =	shalt  }
0x84: {  	_ =	shalt  }
0x85: {  	_ =	shalt  }
0x86: {  	_ =	shalt  }
0x87: {  	_ =	shalt  }
.Lfunc_end0:
.L_simem_size_0:
called_computation_lowered:
.L_overlay_start_0:
0x88: {  	s2 =	sld [smem:$0x3FD9]  }
0x89: {  	s3 =	sld [smem:$0x3FFE];
	_ =	sdelay $0x1  }
0x8a: {  	s1 =	srdreg.scid  }
0x8b: {  	s0 =	sand.u32 $0x1, s1  }
0x8c: {  	s17 =	sshll.u32 s0, $0xA;
	s2 =	sadd.s32 s3, s2  }
0x8d: {  	s2 =	sadd.s32 s2, s17  }
0x8e: {  	[smem:$0x3FC5] =	sst s2  }
0x8f: {  	_ = 	snop  }
0x90: {  	s2 =	sld [smem:$0x3FD0];
	(tm) =	ssettm $0x1  }
0x91: {  	s18 =	sld [smem:$0x3FFB];
	_ =	sdelay $0x3  }
0x92: {  	_ =	strace s18  }
0x93: {  	s3 =	sld [smem:$0x3FFC];
	_ =	sdelay $0x3  }
0x94: {  	_ =	strace s3  }
0x95: {  	s3 =	sld [smem:$0x3FFD];
	_ =	sdelay $0x3  }
0x96: {  	_ =	strace s3  }
0x97: {  	_ =	strace $0x8FFFFFFF  }
0x98: {  	s19 =	sld [smem:$0x3FDB];
	_ =	sdelay $0x1  }
0x99: {  	s4 =	simm.s32 $_scs_section_size  }
0x9a: {  	s5 =	simm.s32 $_size__tile_overlayer_lowered;
	s6 =	simm.s32 $_tile_overlayer_lowered  }
0x9b: {  	s22 =	simm.s32 $0x1BFF;
	s21 =	sshll.u32 s6, $0x1;
	s3 =	sadd.s32 s4, s19  }
0x9c: {  	s7 =	simm.s32 $0x0;
	s20 =	sshll.u32 s5, $0x1;
	s5 =	sadd.s32 s21, s3  }
0x9d: {  	[timem:s7], [sflag:s22] =	dma.local [hbm:s5], s20  }
0x9e: {  	_ =	swait.ge [sflag:s22], s20  }
0x9f: {  	s4 =	ssub.s32 $0x0, s20;
	[sflag:s22] =	ssyncset.done $0x0  }
0xa0: {  	[sflag:s22] =	ssyncadd.s32 s4;
	_ =	sdelay $0x1  }
0xa1: {  	s23 =	simm.s32 $0x1B8B  }
0xa2: {  	_ =	swait.ge [sflag:s23], $0x1  }
0xa3: {  	[sflag:s23] =	ssyncset.done $0x0  }
0xa4: {  	s25 =	simm.s32 $0x1B8E;
	s24 =	sld [smem:$0x3FFE];
	[sflag:s23] =	ssyncadd.s32 $0xFFFFFFFF  }
0xa5: {  	s26 =	simm.s32 $execute0_lowered;
	[smem:$0x3FD2] =	sst s25  }
0xa6: {  	s5 =	sshll.u32 s26, $0x1;
	_ =	strace $0x80000046;
	[dreg:$0x1] =	wrdreg $0xFFFFFFFF  }
0xa7: {  	s28 =	simm.s32 $_size_execute0_lowered;
	s3 =	sadd.s32 s3, s5;
	[dreg:$0x0] =	wrdreg $0x0  }
0xa8: {  	s5 =	sshll.u32 s28, $0x1;
	[dreg:$0x2] =	wrdreg s3  }
0xa9: {  	[dreg:$0x3] =	wrdreg s5  }
0xaa: {  	[dreg:$0x4] =	wrdreg $0xC0  }
0xab: {  	_ =	task [dreg:s7], $0x5FFFF  }
0xac: {  	[dreg:$0x1] =	wrdreg $0xFFFFFFFF  }
0xad: {  	[dreg:$0x0] =	wrdreg $0x60  }
0xae: {  	[dreg:$0x2] =	wrdreg s24  }
0xaf: {  	[dreg:$0x3] =	wrdreg s2  }
0xb0: {  	[dreg:$0x4] =	wrdreg $0x9  }
0xb1: {  	_ =	task.clear_ibuf [dreg:s7], $0x5FFFF;
	_ =	strace $0x90000046  }
0xb2: {  	s29 =	simm.s32 $0x9;
	_ =	strace $0x80000048  }
0xb3: {  	_ =	swait.ge [sflag:s29], $0x1  }
0xb4: {  	[sflag:s29] =	ssyncadd.s32 $0xFFFFFFFF  }
0xb5: {  	_ =	strace $0x90000048  }
0xb6: {  	_ =	sfence  }
0xb7: {  	s30 =	sld [smem:$0x0];
	_ =	sdelay $0x2  }
0xb8: {  	s31 =	sshll.u32 s1, $0xD;
	s1 =	sshrl.u32 s1, $0x2  }
0xb9: {  	s3 =	sand.u32 $0x4000, s31;
	s1 =	sadd.s32 s1, s30  }
0xba: {  	s0 =	sor.u32 s3, s0;
	s1 =	sshll.u32 s1, $0x11  }
0xbb: {  	s0 =	sor.u32 s1, s0  }
0xbc: {  	s0 =	sadd.s32 $0x8F2B, s0  }
0xbd: {  	[sflag:s0] =	ssyncadd.remote.s32 $0x1  }
0xbe: {  	_ =	sfence.sel $0xFFFF  }
0xbf: {  	[dreg:$0x0] =	wrdreg $0xFFFFFFFF;
	(pc) =	sbr.abs _section_cstart, $3  }
0xc0: {  	[dreg:$0x1] =	wrdreg $0xFFFFFFFF  }
0xc1: {  	_ =	task.clear_ibuf [dreg:s7], $0x2FFFF;
	_ =	strace $0x9FFFFFFF  }
0xc2: {  	(tm) =	ssettm $0x7FFFFFFF  }
0xc3: {  	_ =	shalt  }
tec
execute0_lowered:
.L_overlay_start_1:
0x0: {  	(tag) =	ssettag $0x1  }
0x1: {  	v0 =	vimm.s32 $0xC3824100;
	v20 =	vlaneseq.u32;
	v2 =	vimm.s32 $0x7C7  }
0x2: {  	vm14 =	vcmask $0x300;
	vm0 =	vcmask $0xF00;
	vm13 =	vcmask $0x704  }
0x3: {  	vm12 =	vcmask $0xB08;
	vm10 =	vcmask $0x1310;
	vm11 =	vcmask $0xF0C  }
0x4: {  	vm9 =	vcmask $0x1714;
	vm8 =	vcmask $0x1B18;
	vm7 =	vcmask $0x1F1C  }
0x5: {  	vm6 =	vcmask $0x2320;
	vm5 =	vcmask $0x2724;
	vm4 =	vcmask $0x2B28  }
0x6: {  	vm3 =	vcmask $0x2F2C;
	vm2 =	vcmask $0x3330;
	vm15 =	vcmask $0x3734  }
0x7: {  	v3 =	vimm.s32 $0xBC7;
	vm1 =	vcmask $0x3B38;
	v5 =	vimm.s32 $0xFC7  }
0x8: {  	v6 =	vimm.s32 $0x13C7;
	v9 =	vimm.s32 $0x17C7;
	v11 =	vimm.s32 $0x1BC7  }
0x9: {  	v12 =	vimm.s32 $0x1FC7;
	v1 =	vunpack.c.0.s8.s32 v0;
	v2 =	vsel vm14, $0x400, v2  }
0xa: {  	v3 =	vsel vm14, $0x800, v3;
	v5 =	vsel vm14, $0xC00, v5;
	v6 =	vsel vm14, $0x1000, v6  }
0xb: {  	v9 =	vsel vm14, $0x1400, v9;
	v11 =	vsel vm14, $0x1800, v11;
	v12 =	vsel vm14, $0x1C00, v12  }
0xc: {  	v52 =	vmul.u32 $0x40, v20;
	v14 =	vor.u32 $0x60, v20;
	v16 =	vor.u32 $0x70, v20  }
0xd: {  	v2 =	vsel vm13, $0x441, v2;
	v4 =	vsel vm13, $0x841, v3;
	v3 =	vor.u32 $0x10, v20  }
0xe: {  	v5 =	vsel vm13, $0xC41, v5;
	v6 =	vsel vm13, $0x1041, v6;
	v10 =	vsel vm13, $0x1441, v9  }
0xf: {  	v9 =	vor.u32 $0x40, v20;
	v11 =	vsel vm13, $0x1841, v11;
	v12 =	vsel vm13, $0x1C41, v12  }
0x10: {  	v1 =	vand.u32 $0xFF, v1;
	v2 =	vsel vm12, $0x482, v2;
	v4 =	vsel vm12, $0x882, v4  }
0x11: {  	v5 =	vsel vm12, $0xC82, v5;
	v6 =	vsel vm12, $0x1082, v6;
	v10 =	vsel vm12, $0x1482, v10  }
0x12: {  	v11 =	vsel vm12, $0x1882, v11;
	v12 =	vsel vm12, $0x1C82, v12;
	v54 =	vor.u32 $0x400, v52  }
0x13: {  	v55 =	vor.u32 $0x800, v52;
	v58 =	vor.u32 $0xC00, v52;
	v59 =	vor.u32 $0x1000, v52  }
0x14: {  	v1 =	vnsel vm0, $0x3C7, v1;
	v2 =	vsel vm11, $0x4C3, v2;
	v4 =	vsel vm11, $0x8C3, v4  }
0x15: {  	v5 =	vsel vm11, $0xCC3, v5;
	v6 =	vsel vm11, $0x10C3, v6;
	v10 =	vsel vm11, $0x14C3, v10  }
0x16: {  	v11 =	vsel vm11, $0x18C3, v11;
	v12 =	vsel vm11, $0x1CC3, v12;
	v1 =	vsel vm10, $0x104, v1  }
0x17: {  	v2 =	vsel vm10, $0x504, v2;
	v4 =	vsel vm10, $0x904, v4;
	v5 =	vsel vm10, $0xD04, v5  }
0x18: {  	v6 =	vsel vm10, $0x1104, v6;
	v10 =	vsel vm10, $0x1504, v10;
	v11 =	vsel vm10, $0x1904, v11  }
0x19: {  	v12 =	vsel vm10, $0x1D04, v12;
	v1 =	vsel vm9, $0x145, v1;
	v2 =	vsel vm9, $0x545, v2  }
0x1a: {  	v4 =	vsel vm9, $0x945, v4;
	v5 =	vsel vm9, $0xD45, v5;
	v6 =	vsel vm9, $0x1145, v6  }
0x1b: {  	v10 =	vsel vm9, $0x1545, v10;
	v11 =	vsel vm9, $0x1945, v11;
	v12 =	vsel vm9, $0x1D45, v12  }
0x1c: {  	v1 =	vsel vm8, $0x186, v1;
	v2 =	vsel vm8, $0x586, v2;
	v4 =	vsel vm8, $0x986, v4  }
0x1d: {  	v5 =	vsel vm8, $0xD86, v5;
	v6 =	vsel vm8, $0x1186, v6;
	v10 =	vsel vm8, $0x1586, v10  }
0x1e: {  	v11 =	vsel vm8, $0x1986, v11;
	v12 =	vsel vm8, $0x1D86, v12;
	v1 =	vsel vm7, $0x1C7, v1  }
0x1f: {  	v2 =	vsel vm7, $0x5C7, v2;
	v4 =	vsel vm7, $0x9C7, v4;
	v5 =	vsel vm7, $0xDC7, v5  }
0x20: {  	v6 =	vsel vm7, $0x11C7, v6;
	v10 =	vsel vm7, $0x15C7, v10;
	v11 =	vsel vm7, $0x19C7, v11  }
0x21: {  	v12 =	vsel vm7, $0x1DC7, v12;
	v1 =	vsel vm6, $0x200, v1;
	v2 =	vsel vm6, $0x600, v2  }
0x22: {  	v4 =	vsel vm6, $0xA00, v4;
	v5 =	vsel vm6, $0xE00, v5;
	v6 =	vsel vm6, $0x1200, v6  }
0x23: {  	v10 =	vsel vm6, $0x1600, v10;
	v11 =	vsel vm6, $0x1A00, v11;
	v12 =	vsel vm6, $0x1E00, v12  }
0x24: {  	s3 =	stileid.u32;
	s0 =	rddreg [dreg:$0x0];
	v1 =	vsel vm5, $0x241, v1;
	v2 =	vsel vm5, $0x641, v2;
	v4 =	vsel vm5, $0xA41, v4  }
0x25: {  	s1 =	srdreg.scid;
	s17 =	simm.s32 $0x80;
	s21 =	simm.s32 $0x2580;
	v5 =	vsel vm5, $0xE41, v5;
	v6 =	vsel vm5, $0x1241, v6;
	v10 =	vsel vm5, $0x1641, v10  }
0x26: {  	s22 =	simm.s32 $0x1;
	s23 =	simm.s32 $0x4580;
	s24 =	simm.s32 $0x6580;
	v11 =	vsel vm5, $0x1A41, v11;
	v12 =	vsel vm5, $0x1E41, v12;
	v1 =	vsel vm4, $0x282, v1  }
0x27: {  	s18 =	simm.s32 $0x8580;
	s16 =	simm.s32 $0x9580;
	s19 =	simm.s32 $0x9980;
	v2 =	vsel vm4, $0x682, v2;
	v4 =	vsel vm4, $0xA82, v4;
	v5 =	vsel vm4, $0xE82, v5  }
0x28: {  	s2 =	sshll.u32 s3, $0x1;
	s5 =	sshrl.u32 s3, $0x2;
	s3 =	simm.s32 $0x0;
	v6 =	vsel vm4, $0x1282, v6;
	v10 =	vsel vm4, $0x1682, v10;
	v11 =	vsel vm4, $0x1A82, v11  }
0x29: {  	s25 =	simm.s32 $0x9D80;
	s4 =	smul.u32 $0xC800, s5;
	[smem:$0x7FF] =	sst s3;
	v12 =	vsel vm4, $0x1E82, v12;
	v1 =	vsel vm3, $0x2C3, v1;
	v2 =	vsel vm3, $0x6C3, v2  }
0x2a: {  	s26 =	sand.u32 $0x6, s2;
	s2 =	rddreg [dreg:$0x1];
	_ =	strace $0x80000047;
	[tilespmem:$0x1FFC0] =	vst v52;
	v4 =	vsel vm3, $0xAC3, v4;
	v7 =	vsel vm3, $0xEC3, v5;
	v6 =	vsel vm3, $0x12C3, v6  }
0x2b: {  	s28 =	simm.s32 $0x4;
	s20 =	simm.s32 $0x0;
	s29 =	smul.u32 $0x190, s5;
	[tilespmem:$0x1FFD0] =	vst v54;
	v10 =	vsel vm3, $0x16C3, v10;
	v13 =	vsel vm3, $0x1AC3, v11;
	v1 =	vsel vm2, $0x304, v1  }
0x2c: {  	s1 =	sand.u32 $0x1, s1;
	s5 =	smul.u32 $0x32, s5;
	s10 =	sadd.s32 $0x800, s2;
	[tilespmem:$0x1FFE0] =	vst v58;
	v12 =	vsel vm3, $0x1EC3, v12;
	v2 =	vsel vm2, $0x704, v2;
	v1 =	vsel vm15, $0x345, v1  }
0x2d: {  	s6 =	sor.u32 s1, s26;
	s11 =	sadd.s32 $0xC00, s2;
	s12 =	sadd.s32 $0x1000, s2;
	[tilespmem:$0x1FFF0] =	vst v59;
	v4 =	vsel vm2, $0xB04, v4;
	v2 =	vsel vm15, $0x745, v2;
	v24 =	vsel vm1, $0x386, v1  }
0x2e: {  	s1 =	ssub.s32 $0x2, s1;
	s13 =	sadd.s32 $0x1400, s2;
	s14 =	sadd.s32 $0x1800, s2;
	v7 =	vsel vm2, $0xF04, v7;
	v4 =	vsel vm15, $0xB45, v4;
	v25 =	vsel vm1, $0x786, v2;
	[tilespmem:$0x1FF40] =	vst v24  }
0x2f: {  	s15 =	sadd.s32 $0x1C00, s2;
	s7 =	sshll.u32 s6, $0x7;
	s9 =	sshrl.u32 s1, $0x1;
	v8 =	vsel vm2, $0x1304, v6;
	v7 =	vsel vm15, $0xF45, v7;
	v26 =	vsel vm1, $0xB86, v4;
	[tilespmem:$0x1FF50] =	vst v25  }
0x30: {  	s26 =	simm.s32 $0xA180;
	s4 =	sor.u32 s4, s7;
	s1 =	ssub.s32 s1, s9;
	v10 =	vsel vm2, $0x1704, v10;
	v8 =	vsel vm15, $0x1345, v8;
	v27 =	vsel vm1, $0xF86, v7;
	[tilespmem:$0x1FF60] =	vst v26  }
0x31: {  	s9 =	sadd.s32 $0x400, s2;
	s7 =	simm.s32 $0x9180;
	s4 =	sshrl.u32 s4, $0x3;
	v13 =	vsel vm2, $0x1B04, v13;
	v10 =	vsel vm15, $0x1745, v10;
	v56 =	vsel vm1, $0x1386, v8;
	[tilespmem:$0x1FF70] =	vst v27  }
0x32: {  	s31 =	smax.u32 s1, $0x1;
	s8 =	sadd.s32 s4, s0;
	s4 =	sadd.s32 $0x7000, s0;
	v15 =	vsel vm2, $0x1F04, v12;
	v13 =	vsel vm15, $0x1B45, v13;
	v57 =	vsel vm1, $0x1786, v10;
	[tilespmem:$0x1FF80] =	vst v56  }
0x33: {  	v21 =	vor.u32 $0x1400, v52;
	s0 =	sadd.s32 s29, s0;
	[dreg:$0x5] =	wrdreg s31;
	s30 =	sadd.s32 $0xC00, s8;
	v15 =	vsel vm15, $0x1F45, v15;
	v12 =	vsel vm1, $0x1B86, v13;
	[tilespmem:$0x1FF90] =	vst v57  }
0x34: {  	v22 =	vor.u32 $0x1800, v52;
	v23 =	vor.u32 $0x1C00, v52;
	s0 =	sadd.s32 $0x400, s0;
	s8 =	sshll.u32 s6, $0xA;
	[dreg:$0x3] =	wrdreg s30;
	v53 =	vsel vm1, $0x1F86, v15;
	[tilespmem:$0x1FFA0] =	vst v12  }
0x35: {  	s6 =	simm.s32 $0x8D80;
	[dreg:$0x4] =	wrdreg s0;
	s0 =	simm.s32 $0x2;
	v5 =	vor.u32 $0x20, v20;
	v11 =	vor.u32 $0x50, v20;
	v7 =	vor.u32 $0x30, v20;
	[tilespmem:$0x1FFB0] =	vst v53  }
.LBB2_1:
0x36: {  	[dreg:$0x6] =	wrdreg s20  }
0x37: {  	s1 =	rddreg [dreg:$0x3];
	s31 =	simm.s32 $0x400;
	s30 =	simm.s32 $0x5  }
0x38: {  	[tilespmem:s3], [sflag:$0x5] =	stream.strided.gather [hbm4b:s1+s17], $0x1900, s31, s17, $0x38;
	[tilespmem:$0xA580] =	vst v63  }
0x39: {  	_ =	swait.ge [sflag:s30], $0x1900  }
0x3a: {  	[sflag:s30] =	ssyncset.done $0x0  }
0x3b: {  	s29 =	simm.s32 $0x1900;
	s31 =	rddreg [dreg:$0x4];
	[sflag:s30] =	ssyncadd.s32 $0xFFFFE700  }
0x3c: {  	[tilespmem:s29], [sflag:$0x5] =	stream.linear.gather [hbm4b:s31+s3], $0xC80, $0x38;
	[tilespmem:$0xA580] =	vst v63  }
0x3d: {  	_ =	swait.ge [sflag:s30], $0xC80  }
0x3e: {  	[sflag:s30] =	ssyncset.done $0x0  }
0x3f: {  	s29 =	simm.s32 $0x0;
	[sflag:s30] =	ssyncadd.s32 $0xFFFFF380  }
0x40: {  	[tilespmem:s21], [sflag:$0x1] =	stream.indirect.gather [hbm4b:s4+s17], $0x40, s3, s17, $0xb8;
	[tilespmem:$0xA580] =	vst v63  }
.LBB2_2:
0x41: {  	_ =	swait.ge [sflag:s22], $0x2000;
	s30 =	sshllo.u32 s29, $0x1  }
0x42: {  	[sflag:s22] =	ssyncset.done $0x0;
	s1 =	sshll.u32 s30, $0x7  }
0x43: {  	p0 =	seq.s32 s29, $0x0;
	[sflag:s22] =	ssyncadd.s32 $0xFFFFE000;
	s1 =	sand.u32 $0x3FFFFF80, s1  }
0x44: {  	[tilespmem:s23], [sflag:$0x2] =	stream.indirect.gather [hbm4b:s4+s17], $0x40, s1, s17, $0xb8;
	[tilespmem:$0xA580] =	vst v63  }
0x45: {  	s1 =	simm.s32 @!p0 $0x3  }
0x46: {  	_ =	swait.ge @!p0 [sflag:s1], $0x400  }
0x47: {  	[sflag:s1] =	ssyncset.done @!p0 $0x0  }
0x48: {  	[sflag:s1] =	ssyncadd.s32 @!p0 $0xFFFFFC00  }
0x49: {  	_ =	swait.ge @!p0 [sflag:s1], $0x400  }
0x4a: {  	[sflag:s1] =	ssyncset.done @!p0 $0x0  }
0x4b: {  	[sflag:s1] =	ssyncadd.s32 @!p0 $0xFFFFFC00  }
0x4c: {  	_ =	swait.ge @!p0 [sflag:s1], $0x400  }
0x4d: {  	[sflag:s1] =	ssyncset.done @!p0 $0x0  }
0x4e: {  	[sflag:s1] =	ssyncadd.s32 @!p0 $0xFFFFFC00  }
0x4f: {  	_ =	swait.ge @!p0 [sflag:s1], $0x400  }
0x50: {  	[sflag:s1] =	ssyncset.done @!p0 $0x0  }
0x51: {  	[sflag:s1] =	ssyncadd.s32 @!p0 $0xFFFFFC00  }
0x52: {  	_ =	swait.ge @!p0 [sflag:s1], $0x400  }
0x53: {  	[sflag:s1] =	ssyncset.done @!p0 $0x0  }
0x54: {  	[sflag:s1] =	ssyncadd.s32 @!p0 $0xFFFFFC00  }
0x55: {  	_ =	swait.ge @!p0 [sflag:s1], $0x400  }
0x56: {  	[sflag:s1] =	ssyncset.done @!p0 $0x0  }
0x57: {  	[sflag:s1] =	ssyncadd.s32 @!p0 $0xFFFFFC00  }
0x58: {  	_ =	swait.ge @!p0 [sflag:s1], $0x400  }
0x59: {  	[sflag:s1] =	ssyncset.done @!p0 $0x0  }
0x5a: {  	[sflag:s1] =	ssyncadd.s32 @!p0 $0xFFFFFC00  }
0x5b: {  	_ =	swait.ge @!p0 [sflag:s1], $0x400  }
0x5c: {  	s31 =	sshll.u32 s29, $0x7;
	[sflag:s1] =	ssyncset.done @!p0 $0x0  }
0x5d: {  	s20 =	sand.u32 $0x3FFFFF80, s31;
	[sflag:s1] =	ssyncadd.s32 @!p0 $0xFFFFFC00  }
0x5e: {  	v0 =	vld [tilespmem:s20+$0x1900];
	_ =	sdelay $0x4  }
0x5f: {  	[tilespmem:$0x1FF00] =	vst v0;
	v0 =	vld [tilespmem:s20+$0x1910];
	_ =	sdelay $0x4  }
0x60: {  	[tilespmem:$0x1FF10] =	vst v0;
	v0 =	vld [tilespmem:s20+$0x1920];
	_ =	sdelay $0x4  }
0x61: {  	[tilespmem:$0x1FF20] =	vst v0;
	v0 =	vld [tilespmem:s20+$0x1930];
	_ =	sdelay $0x4  }
0x62: {  	s31 =	sshll.u32 s29, $0x1;
	s1 =	simm.s32 $0x0;
	p0 =	por $0x1, $0x1;
	[tilespmem:$0x1FF30] =	vst v0  }
.LBB2_3:
0x63: {  	v29 =	vadd.s32 s1, v20  }
0x64: {  	v30 =	vand.u32 $0x8, v29  }
0x65: {  	v31 =	vor.u32 v24, v30;
	_ =	sdelay $0x2  }
0x66: {  	v1 =	vmov v12;
	v12 =	vld [tilespmem:$0x1FF00];
	_ =	sdelay $0x1  }
0x67: {  	v28 =	vand.u32 $0xF, v29;
	v31 =	vld.idx.msk [tilespmem:v31+s21+$0x0], $0xffff  }
0x68: {  	v33 =	vshll.u32 v28, $0x7  }
0x69: {  	v32 =	vor.u32 v20, v33  }
0x6a: {  	v35 =	vor.u32 v25, v30;
	v34 =	vperm.xlane v12, v28;
	_ =	sdelay $0x1  }
0x6b: {  	v31 =	vadd.f32 v31, v34;
	_ =	sdelay $0x1  }
0x6c: {  	[tilespmem:v32+s24+$0x0] =	vst.idx.msk $0xffff, v31  }
0x6d: {  	v31 =	vld.idx.msk [tilespmem:v35+s21+$0x0], $0xffff;
	_ =	sdelay $0x1  }
0x6e: {  	v37 =	vor.u32 v3, v33  }
0x6f: {  	v38 =	vor.u32 v26, v30;
	_ =	sdelay $0x1  }
0x70: {  	v31 =	vadd.f32 v31, v34;
	_ =	sdelay $0x1  }
0x71: {  	[tilespmem:v37+s24+$0x0] =	vst.idx.msk $0xffff, v31  }
0x72: {  	v31 =	vld.idx.msk [tilespmem:v38+s21+$0x0], $0xffff;
	_ =	sdelay $0x1  }
0x73: {  	v39 =	vor.u32 v5, v33  }
0x74: {  	v40 =	vor.u32 v27, v30;
	_ =	sdelay $0x1  }
0x75: {  	v31 =	vadd.f32 v31, v34;
	_ =	sdelay $0x1  }
0x76: {  	[tilespmem:v39+s24+$0x0] =	vst.idx.msk $0xffff, v31  }
0x77: {  	v31 =	vld.idx.msk [tilespmem:v40+s21+$0x0], $0xffff;
	_ =	sdelay $0x1  }
0x78: {  	v41 =	vor.u32 v7, v33  }
0x79: {  	v42 =	vor.u32 v56, v30;
	_ =	sdelay $0x1  }
0x7a: {  	v31 =	vadd.f32 v31, v34;
	_ =	sdelay $0x1  }
0x7b: {  	[tilespmem:v41+s24+$0x0] =	vst.idx.msk $0xffff, v31  }
0x7c: {  	v31 =	vld.idx.msk [tilespmem:v42+s21+$0x0], $0xffff;
	_ =	sdelay $0x1  }
0x7d: {  	v43 =	vor.u32 v9, v33  }
0x7e: {  	v44 =	vor.u32 v57, v30;
	_ =	sdelay $0x1  }
0x7f: {  	v31 =	vadd.f32 v31, v34;
	_ =	sdelay $0x1  }
0x80: {  	[tilespmem:v43+s24+$0x0] =	vst.idx.msk $0xffff, v31  }
0x81: {  	v35 =	vld.idx.msk [tilespmem:v44+s21+$0x0], $0xffff;
	_ =	sdelay $0x1  }
0x82: {  	s20 =	sor.u32 $0x1, s1;
	v36 =	vor.u32 v11, v33  }
0x83: {  	v0 =	vadd.s32 s20, v20;
	v37 =	vor.u32 v1, v30  }
0x84: {  	v31 =	vand.u32 $0xF, v0  }
0x85: {  	v38 =	vor.u32 v52, v31;
	v35 =	vadd.f32 v35, v34;
	_ =	sdelay $0x1  }
0x86: {  	[tilespmem:v36+s24+$0x0] =	vst.idx.msk $0xffff, v35  }
0x87: {  	v35 =	vld.idx.msk [tilespmem:v37+s21+$0x0], $0xffff;
	_ =	sdelay $0x1  }
0x88: {  	v46 =	vor.u32 v14, v33;
	v45 =	vld.idx.msk [tilespmem:v38+s21+$0x0], $0xffff  }
0x89: {  	v30 =	vor.u32 v53, v30;
	v38 =	vshll.u32 v31, $0x7  }
0x8a: {  	v39 =	vor.u32 v20, v38  }
0x8b: {  	v40 =	vperm.xlane v12, v31;
	v41 =	vor.u32 v54, v31;
	v35 =	vadd.f32 v35, v34;
	_ =	sdelay $0x1  }
0x8c: {  	v36 =	vadd.f32 v45, v40;
	[tilespmem:v46+s24+$0x0] =	vst.idx.msk $0xffff, v35  }
0x8d: {  	v30 =	vld.idx.msk [tilespmem:v30+s21+$0x0], $0xffff  }
0x8e: {  	v47 =	vor.u32 $0x10, v29;
	[tilespmem:v39+s24+$0x0] =	vst.idx.msk $0xffff, v36  }
0x8f: {  	v33 =	vor.u32 v16, v33;
	v37 =	vand.u32 $0x18, v47;
	v36 =	vld.idx.msk [tilespmem:v41+s21+$0x0], $0xffff  }
0x90: {  	v48 =	vor.u32 v24, v37  }
0x91: {  	v49 =	vor.u32 v3, v38  }
0x92: {  	v42 =	vor.u32 v55, v31;
	v30 =	vadd.f32 v30, v34  }
0x93: {  	v4 =	vld [tilespmem:$0x1FF10]  }
0x94: {  	v50 =	vadd.f32 v36, v40;
	[tilespmem:v33+s24+$0x0] =	vst.idx.msk $0xffff, v30  }
0x95: {  	v30 =	vld.idx.msk [tilespmem:v48+s21+$0x0], $0xffff  }
0x96: {  	v35 =	vshll.u32 v47, $0x7;
	[tilespmem:v49+s24+$0x0] =	vst.idx.msk $0xffff, v50  }
0x97: {  	v60 =	vor.u32 v20, v35;
	v51 =	vld.idx.msk [tilespmem:v42+s21+$0x0], $0xffff  }
0x98: {  	v61 =	vor.u32 v25, v37;
	v36 =	vperm.xlane v4, v28  }
0x99: {  	v62 =	vor.u32 v5, v38  }
0x9a: {  	v63 =	vor.u32 v58, v31;
	v30 =	vadd.f32 v30, v36;
	_ =	sdelay $0x1  }
0x9b: {  	v33 =	vadd.f32 v51, v40;
	[tilespmem:v60+s24+$0x0] =	vst.idx.msk $0xffff, v30  }
0x9c: {  	v30 =	vld.idx.msk [tilespmem:v61+s21+$0x0], $0xffff  }
0x9d: {  	[tilespmem:v62+s24+$0x0] =	vst.idx.msk $0xffff, v33  }
0x9e: {  	v45 =	vor.u32 v3, v35;
	v33 =	vld.idx.msk [tilespmem:v63+s21+$0x0], $0xffff  }
0x9f: {  	v46 =	vor.u32 v26, v37  }
0xa0: {  	v47 =	vor.u32 v7, v38  }
0xa1: {  	v48 =	vor.u32 v59, v31;
	v30 =	vadd.f32 v30, v36;
	_ =	sdelay $0x1  }
0xa2: {  	v33 =	vadd.f32 v33, v40;
	[tilespmem:v45+s24+$0x0] =	vst.idx.msk $0xffff, v30  }
0xa3: {  	v30 =	vld.idx.msk [tilespmem:v46+s21+$0x0], $0xffff  }
0xa4: {  	[tilespmem:v47+s24+$0x0] =	vst.idx.msk $0xffff, v33  }
0xa5: {  	v49 =	vor.u32 v5, v35;
	v33 =	vld.idx.msk [tilespmem:v48+s21+$0x0], $0xffff  }
0xa6: {  	v50 =	vor.u32 v27, v37  }
0xa7: {  	v51 =	vor.u32 v9, v38  }
0xa8: {  	v60 =	vor.u32 v21, v31;
	v30 =	vadd.f32 v30, v36;
	_ =	sdelay $0x1  }
0xa9: {  	v33 =	vadd.f32 v33, v40;
	[tilespmem:v49+s24+$0x0] =	vst.idx.msk $0xffff, v30  }
0xaa: {  	v30 =	vld.idx.msk [tilespmem:v50+s21+$0x0], $0xffff  }
0xab: {  	[tilespmem:v51+s24+$0x0] =	vst.idx.msk $0xffff, v33  }
0xac: {  	v61 =	vor.u32 v7, v35;
	v33 =	vld.idx.msk [tilespmem:v60+s21+$0x0], $0xffff  }
0xad: {  	v62 =	vor.u32 v56, v37  }
0xae: {  	v63 =	vor.u32 v11, v38  }
0xaf: {  	v45 =	vor.u32 v22, v31;
	v30 =	vadd.f32 v30, v36;
	_ =	sdelay $0x1  }
0xb0: {  	v33 =	vadd.f32 v33, v40;
	[tilespmem:v61+s24+$0x0] =	vst.idx.msk $0xffff, v30  }
0xb1: {  	v30 =	vld.idx.msk [tilespmem:v62+s21+$0x0], $0xffff  }
0xb2: {  	[tilespmem:v63+s24+$0x0] =	vst.idx.msk $0xffff, v33  }
0xb3: {  	v46 =	vor.u32 v9, v35;
	v33 =	vld.idx.msk [tilespmem:v45+s21+$0x0], $0xffff  }
0xb4: {  	v47 =	vor.u32 v57, v37  }
0xb5: {  	v48 =	vor.u32 v14, v38  }
0xb6: {  	v49 =	vor.u32 v23, v31;
	v30 =	vadd.f32 v30, v36;
	_ =	sdelay $0x1  }
0xb7: {  	s20 =	sor.u32 $0x2, s1;
	v33 =	vadd.f32 v33, v40;
	[tilespmem:v46+s24+$0x0] =	vst.idx.msk $0xffff, v30  }
0xb8: {  	v8 =	vadd.s32 s20, v20;
	v30 =	vld.idx.msk [tilespmem:v47+s21+$0x0], $0xffff  }
0xb9: {  	[tilespmem:v48+s24+$0x0] =	vst.idx.msk $0xffff, v33;
	v33 =	vand.u32 $0xF, v8  }
0xba: {  	v60 =	vor.u32 v11, v35;
	v50 =	vld.idx.msk [tilespmem:v49+s21+$0x0], $0xffff;
	v51 =	vor.u32 v52, v33  }
0xbb: {  	v43 =	vor.u32 $0x10, v0;
	v44 =	vor.u32 v1, v37  }
0xbc: {  	v38 =	vor.u32 v16, v38;
	v45 =	vand.u32 $0x1F, v43  }
0xbd: {  	v46 =	vor.u32 v52, v45;
	v30 =	vadd.f32 v30, v36;
	_ =	sdelay $0x1  }
0xbe: {  	v39 =	vadd.f32 v50, v40;
	v61 =	vld.idx.msk [tilespmem:v51+s21+$0x0], $0xffff;
	[tilespmem:v60+s24+$0x0] =	vst.idx.msk $0xffff, v30  }
0xbf: {  	v30 =	vshll.u32 v33, $0x7;
	v62 =	vld.idx.msk [tilespmem:v44+s21+$0x0], $0xffff  }
0xc0: {  	[tilespmem:v38+s24+$0x0] =	vst.idx.msk $0xffff, v39;
	v63 =	vor.u32 v20, v30  }
0xc1: {  	v34 =	vor.u32 v14, v35;
	v42 =	vperm.xlane v12, v33;
	v32 =	vor.u32 v54, v33;
	v39 =	vld.idx.msk [tilespmem:v46+s21+$0x0], $0xffff  }
0xc2: {  	v37 =	vor.u32 v53, v37;
	v43 =	vshll.u32 v43, $0x7  }
0xc3: {  	v47 =	vor.u32 v20, v43;
	v40 =	vadd.f32 v61, v42  }
0xc4: {  	v48 =	vperm.xlane v4, v31;
	v49 =	vor.u32 v54, v45;
	v41 =	vadd.f32 v62, v36  }
0xc5: {  	[tilespmem:v63+s24+$0x0] =	vst.idx.msk $0xffff, v40  }
0xc6: {  	v51 =	vadd.f32 v39, v48;
	v39 =	vld.idx.msk [tilespmem:v32+s21+$0x0], $0xffff;
	[tilespmem:v34+s24+$0x0] =	vst.idx.msk $0xffff, v41  }
0xc7: {  	v37 =	vld.idx.msk [tilespmem:v37+s21+$0x0], $0xffff  }
0xc8: {  	v38 =	vor.u32 v3, v30;
	[tilespmem:v47+s24+$0x0] =	vst.idx.msk $0xffff, v51;
	v40 =	vor.u32 $0x20, v28  }
0xc9: {  	v35 =	vor.u32 v16, v35;
	v61 =	vor.u32 v55, v33;
	v60 =	vld.idx.msk [tilespmem:v49+s21+$0x0], $0xffff;
	v46 =	vand.u32 $0x28, v40  }
0xca: {  	v62 =	vor.u32 v24, v46  }
0xcb: {  	v63 =	vor.u32 v3, v43;
	v39 =	vadd.f32 v39, v42  }
0xcc: {  	v50 =	vor.u32 v55, v45;
	v36 =	vadd.f32 v37, v36  }
0xcd: {  	v34 =	vld [tilespmem:$0x1FF20];
	[tilespmem:v38+s24+$0x0] =	vst.idx.msk $0xffff, v39  }
0xce: {  	v51 =	vadd.f32 v60, v48;
	v38 =	vld.idx.msk [tilespmem:v61+s21+$0x0], $0xffff;
	[tilespmem:v35+s24+$0x0] =	vst.idx.msk $0xffff, v36  }
0xcf: {  	v35 =	vld.idx.msk [tilespmem:v62+s21+$0x0], $0xffff  }
0xd0: {  	[tilespmem:v63+s24+$0x0] =	vst.idx.msk $0xffff, v51;
	v37 =	vshll.u32 v40, $0x7;
	v36 =	vor.u32 v5, v30  }
0xd1: {  	v39 =	vld.idx.msk [tilespmem:v50+s21+$0x0], $0xffff;
	v40 =	vor.u32 v58, v33;
	v60 =	vor.u32 v20, v37  }
0xd2: {  	v47 =	vperm.xlane v34, v28;
	v61 =	vor.u32 v25, v46  }
0xd3: {  	v62 =	vor.u32 v5, v43;
	v38 =	vadd.f32 v38, v42  }
0xd4: {  	v63 =	vor.u32 v58, v45;
	v35 =	vadd.f32 v35, v47  }
0xd5: {  	[tilespmem:v36+s24+$0x0] =	vst.idx.msk $0xffff, v38  }
0xd6: {  	v51 =	vadd.f32 v39, v48;
	v38 =	vld.idx.msk [tilespmem:v40+s21+$0x0], $0xffff;
	[tilespmem:v60+s24+$0x0] =	vst.idx.msk $0xffff, v35  }
0xd7: {  	v35 =	vld.idx.msk [tilespmem:v61+s21+$0x0], $0xffff  }
0xd8: {  	[tilespmem:v62+s24+$0x0] =	vst.idx.msk $0xffff, v51;
	v36 =	vor.u32 v7, v30  }
0xd9: {  	v39 =	vld.idx.msk [tilespmem:v63+s21+$0x0], $0xffff;
	v40 =	vor.u32 v59, v33;
	v60 =	vor.u32 v3, v37  }
0xda: {  	v61 =	vor.u32 v26, v46  }
0xdb: {  	v62 =	vor.u32 v7, v43;
	v38 =	vadd.f32 v38, v42  }
0xdc: {  	v63 =	vor.u32 v59, v45;
	v35 =	vadd.f32 v35, v47  }
0xdd: {  	[tilespmem:v36+s24+$0x0] =	vst.idx.msk $0xffff, v38  }
0xde: {  	v51 =	vadd.f32 v39, v48;
	v38 =	vld.idx.msk [tilespmem:v40+s21+$0x0], $0xffff;
	[tilespmem:v60+s24+$0x0] =	vst.idx.msk $0xffff, v35  }
0xdf: {  	v35 =	vld.idx.msk [tilespmem:v61+s21+$0x0], $0xffff  }
0xe0: {  	[tilespmem:v62+s24+$0x0] =	vst.idx.msk $0xffff, v51;
	v36 =	vor.u32 v9, v30  }
0xe1: {  	v39 =	vld.idx.msk [tilespmem:v63+s21+$0x0], $0xffff;
	v40 =	vor.u32 v21, v33;
	v60 =	vor.u32 v5, v37  }
0xe2: {  	v61 =	vor.u32 v27, v46  }
0xe3: {  	v62 =	vor.u32 v9, v43;
	v38 =	vadd.f32 v38, v42  }
0xe4: {  	v63 =	vor.u32 v21, v45;
	v35 =	vadd.f32 v35, v47  }
0xe5: {  	[tilespmem:v36+s24+$0x0] =	vst.idx.msk $0xffff, v38  }
0xe6: {  	v51 =	vadd.f32 v39, v48;
	v38 =	vld.idx.msk [tilespmem:v40+s21+$0x0], $0xffff;
	[tilespmem:v60+s24+$0x0] =	vst.idx.msk $0xffff, v35  }
0xe7: {  	v35 =	vld.idx.msk [tilespmem:v61+s21+$0x0], $0xffff  }
0xe8: {  	[tilespmem:v62+s24+$0x0] =	vst.idx.msk $0xffff, v51;
	v36 =	vor.u32 v11, v30  }
0xe9: {  	v39 =	vld.idx.msk [tilespmem:v63+s21+$0x0], $0xffff;
	v40 =	vor.u32 v22, v33;
	v60 =	vor.u32 v7, v37  }
0xea: {  	v61 =	vor.u32 v56, v46  }
0xeb: {  	v62 =	vor.u32 v11, v43;
	v38 =	vadd.f32 v38, v42  }
0xec: {  	v63 =	vor.u32 v22, v45;
	v35 =	vadd.f32 v35, v47  }
0xed: {  	[tilespmem:v36+s24+$0x0] =	vst.idx.msk $0xffff, v38  }
0xee: {  	v51 =	vadd.f32 v39, v48;
	v38 =	vld.idx.msk [tilespmem:v40+s21+$0x0], $0xffff;
	[tilespmem:v60+s24+$0x0] =	vst.idx.msk $0xffff, v35  }
0xef: {  	v35 =	vld.idx.msk [tilespmem:v61+s21+$0x0], $0xffff  }
0xf0: {  	[tilespmem:v62+s24+$0x0] =	vst.idx.msk $0xffff, v51;
	v36 =	vor.u32 v14, v30  }
0xf1: {  	v41 =	vor.u32 v9, v37;
	v60 =	vld.idx.msk [tilespmem:v63+s21+$0x0], $0xffff;
	v61 =	vor.u32 v23, v33  }
0xf2: {  	v62 =	vor.u32 v57, v46  }
0xf3: {  	v63 =	vor.u32 v14, v43;
	v38 =	vadd.f32 v38, v42  }
0xf4: {  	v45 =	vor.u32 v23, v45;
	v35 =	vadd.f32 v35, v47  }
0xf5: {  	v50 =	vor.u32 v1, v46;
	v1 =	vld [tilespmem:$0x1FFC0];
	[tilespmem:v36+s24+$0x0] =	vst.idx.msk $0xffff, v38  }
0xf6: {  	v60 =	vadd.f32 v60, v48;
	v61 =	vld.idx.msk [tilespmem:v61+s21+$0x0], $0xffff;
	[tilespmem:v41+s24+$0x0] =	vst.idx.msk $0xffff, v35  }
0xf7: {  	v35 =	vor.u32 $0x10, v8;
	v40 =	vld.idx.msk [tilespmem:v62+s21+$0x0], $0xffff  }
0xf8: {  	v30 =	vor.u32 v16, v30;
	[tilespmem:v63+s24+$0x0] =	vst.idx.msk $0xffff, v60;
	v38 =	vand.u32 $0x1F, v35  }
0xf9: {  	v36 =	vor.u32 v11, v37;
	v62 =	vld.idx.msk [tilespmem:v45+s21+$0x0], $0xffff;
	v45 =	vor.u32 $0x20, v31;
	v63 =	vor.u32 v52, v38  }
0xfa: {  	v32 =	vand.u32 $0x7, v0;
	v51 =	vand.u32 $0x28, v45  }
0xfb: {  	v60 =	vor.u32 v16, v43;
	v44 =	vor.u32 v32, v51;
	v39 =	vadd.f32 v61, v42  }
0xfc: {  	v61 =	vor.u32 v1, v44;
	v40 =	vadd.f32 v40, v47  }
0xfd: {  	[tilespmem:v30+s24+$0x0] =	vst.idx.msk $0xffff, v39  }
0xfe: {  	v62 =	vadd.f32 v62, v48;
	v63 =	vld.idx.msk [tilespmem:v63+s21+$0x0], $0xffff;
	[tilespmem:v36+s24+$0x0] =	vst.idx.msk $0xffff, v40  }
0xff: {  	v43 =	vshll.u32 v35, $0x7;
	v35 =	vld.idx.msk [tilespmem:v50+s21+$0x0], $0xffff  }
0x100: {  	v30 =	vor.u32 v20, v43;
	[tilespmem:v60+s24+$0x0] =	vst.idx.msk $0xffff, v62  }
0x101: {  	v42 =	vor.u32 v54, v38;
	v39 =	vperm.xlane v4, v33;
	v60 =	vor.u32 v14, v37;
	v52 =	vld.idx.msk [tilespmem:v61+s21+$0x0], $0xffff  }
0x102: {  	v40 =	vshll.u32 v45, $0x7;
	v61 =	vor.u32 v53, v46  }
0x103: {  	v62 =	vor.u32 v20, v40;
	v49 =	vadd.f32 v63, v39  }
0x104: {  	v41 =	vperm.xlane v34, v31;
	v63 =	vor.u32 v54, v44;
	v35 =	vadd.f32 v35, v47  }
0x105: {  	[tilespmem:v30+s24+$0x0] =	vst.idx.msk $0xffff, v49  }
0x106: {  	v52 =	vadd.f32 v52, v41;
	v53 =	vld.idx.msk [tilespmem:v42+s21+$0x0], $0xffff;
	[tilespmem:v60+s24+$0x0] =	vst.idx.msk $0xffff, v35  }
0x107: {  	v35 =	vld.idx.msk [tilespmem:v61+s21+$0x0], $0xffff  }
0x108: {  	v29 =	vor.u32 $0x30, v29;
	v32 =	vor.u32 v3, v43;
	[tilespmem:v62+s24+$0x0] =	vst.idx.msk $0xffff, v52  }
0x109: {  	v6 =	vand.u32 $0x38, v29;
	v62 =	vor.u32 v16, v37;
	v60 =	vld.idx.msk [tilespmem:v63+s21+$0x0], $0xffff;
	v61 =	vor.u32 v55, v38  }
0x10a: {  	v1 =	vld [tilespmem:$0x1FFC0];
	v63 =	vor.u32 v24, v6  }
0x10b: {  	v30 =	vor.u32 v3, v40;
	v36 =	vadd.f32 v53, v39  }
0x10c: {  	s20 =	sor.u32 $0x3, s1;
	v51 =	vor.u32 v55, v44;
	v47 =	vadd.f32 v35, v47  }
0x10d: {  	v10 =	vld [tilespmem:$0x1FF30];
	v17 =	vadd.s32 s20, v20;
	[tilespmem:v32+s24+$0x0] =	vst.idx.msk $0xffff, v36  }
0x10e: {  	v53 =	vadd.f32 v60, v41;
	v35 =	vand.u32 $0xF, v17;
	v42 =	vld.idx.msk [tilespmem:v61+s21+$0x0], $0xffff;
	[tilespmem:v62+s24+$0x0] =	vst.idx.msk $0xffff, v47  }
0x10f: {  	v45 =	vor.u32 v1, v35;
	v46 =	vld.idx.msk [tilespmem:v63+s21+$0x0], $0xffff  }
0x110: {  	v37 =	vshll.u32 v29, $0x7;
	v36 =	vor.u32 v5, v43;
	[tilespmem:v30+s24+$0x0] =	vst.idx.msk $0xffff, v53  }
0x111: {  	v61 =	vor.u32 v58, v38;
	v62 =	vor.u32 v20, v37;
	v60 =	vld.idx.msk [tilespmem:v51+s21+$0x0], $0xffff  }
0x112: {  	v2 =	vperm.xlane v10, v28;
	v63 =	vor.u32 v25, v6  }
0x113: {  	[tilespmem:$0x1FEB0] =	vst v8;
	v30 =	vor.u32 v5, v40;
	v42 =	vadd.f32 v42, v39  }
0x114: {  	v32 =	vor.u32 v58, v44;
	v45 =	vld.idx.msk [tilespmem:v45+s21+$0x0], $0xffff;
	v46 =	vadd.f32 v46, v2  }
0x115: {  	v49 =	vshll.u32 v35, $0x7;
	[tilespmem:v36+s24+$0x0] =	vst.idx.msk $0xffff, v42  }
0x116: {  	v60 =	vadd.f32 v60, v41;
	v47 =	vld.idx.msk [tilespmem:v61+s21+$0x0], $0xffff;
	v61 =	vor.u32 v20, v49;
	[tilespmem:v62+s24+$0x0] =	vst.idx.msk $0xffff, v46  }
0x117: {  	v36 =	vperm.xlane v12, v35;
	v62 =	vor.u32 v54, v35;
	v50 =	vld.idx.msk [tilespmem:v63+s21+$0x0], $0xffff  }
0x118: {  	v42 =	vor.u32 v7, v43;
	[tilespmem:v30+s24+$0x0] =	vst.idx.msk $0xffff, v60  }
0x119: {  	v52 =	vor.u32 v59, v38;
	v53 =	vor.u32 v3, v37;
	v63 =	vld.idx.msk [tilespmem:v32+s21+$0x0], $0xffff;
	v45 =	vadd.f32 v45, v36  }
0x11a: {  	v54 =	vor.u32 v26, v6  }
0x11b: {  	v60 =	vor.u32 v7, v40;
	v47 =	vadd.f32 v47, v39;
	[tilespmem:v61+s24+$0x0] =	vst.idx.msk $0xffff, v45  }
0x11c: {  	v61 =	vor.u32 v59, v44;
	v46 =	vld.idx.msk [tilespmem:v62+s21+$0x0], $0xffff;
	v62 =	vadd.f32 v50, v2  }
0x11d: {  	v32 =	vmov v55;
	[tilespmem:v42+s24+$0x0] =	vst.idx.msk $0xffff, v47  }
0x11e: {  	v63 =	vadd.f32 v63, v41;
	v50 =	vor.u32 v3, v49;
	v47 =	vld.idx.msk [tilespmem:v52+s21+$0x0], $0xffff;
	[tilespmem:v53+s24+$0x0] =	vst.idx.msk $0xffff, v62  }
0x11f: {  	v48 =	vor.u32 v32, v35;
	v30 =	vld.idx.msk [tilespmem:v54+s21+$0x0], $0xffff  }
0x120: {  	[tilespmem:v60+s24+$0x0] =	vst.idx.msk $0xffff, v63;
	v60 =	vor.u32 v9, v43  }
0x121: {  	v53 =	vor.u32 v5, v37;
	v45 =	vld.idx.msk [tilespmem:v61+s21+$0x0], $0xffff;
	v61 =	vor.u32 v21, v38;
	v46 =	vadd.f32 v46, v36  }
0x122: {  	v62 =	vor.u32 v27, v6  }
0x123: {  	v63 =	vor.u32 v9, v40;
	v47 =	vadd.f32 v47, v39;
	[tilespmem:v50+s24+$0x0] =	vst.idx.msk $0xffff, v46  }
0x124: {  	v46 =	vor.u32 v21, v44;
	v48 =	vld.idx.msk [tilespmem:v48+s21+$0x0], $0xffff;
	v30 =	vadd.f32 v30, v2  }
0x125: {  	[tilespmem:v60+s24+$0x0] =	vst.idx.msk $0xffff, v47  }
0x126: {  	v60 =	vadd.f32 v45, v41;
	v45 =	vld.idx.msk [tilespmem:v61+s21+$0x0], $0xffff;
	v61 =	vor.u32 v5, v49;
	[tilespmem:v53+s24+$0x0] =	vst.idx.msk $0xffff, v30  }
0x127: {  	v50 =	vor.u32 v58, v35;
	v62 =	vld.idx.msk [tilespmem:v62+s21+$0x0], $0xffff  }
0x128: {  	[tilespmem:v63+s24+$0x0] =	vst.idx.msk $0xffff, v60;
	v63 =	vor.u32 v11, v43  }
0x129: {  	v52 =	vor.u32 v22, v38;
	v30 =	vor.u32 v7, v37;
	v46 =	vld.idx.msk [tilespmem:v46+s21+$0x0], $0xffff;
	v48 =	vadd.f32 v48, v36  }
0x12a: {  	v58 =	vor.u32 v56, v6  }
0x12b: {  	v60 =	vor.u32 v11, v40;
	v45 =	vadd.f32 v45, v39;
	[tilespmem:v61+s24+$0x0] =	vst.idx.msk $0xffff, v48  }
0x12c: {  	v61 =	vor.u32 v22, v44;
	v48 =	vld.idx.msk [tilespmem:v50+s21+$0x0], $0xffff;
	v62 =	vadd.f32 v62, v2  }
0x12d: {  	v1 =	vld [tilespmem:$0x1FFC0];
	[tilespmem:v63+s24+$0x0] =	vst.idx.msk $0xffff, v45  }
0x12e: {  	v63 =	vadd.f32 v46, v41;
	v46 =	vor.u32 v7, v49;
	v45 =	vld.idx.msk [tilespmem:v52+s21+$0x0], $0xffff;
	[tilespmem:v30+s24+$0x0] =	vst.idx.msk $0xffff, v62  }
0x12f: {  	v50 =	vor.u32 v59, v35;
	v30 =	vld.idx.msk [tilespmem:v58+s21+$0x0], $0xffff  }
0x130: {  	[tilespmem:v60+s24+$0x0] =	vst.idx.msk $0xffff, v63;
	v58 =	vor.u32 v14, v43  }
0x131: {  	s20 =	sor.u32 $0x4, s1;
	v59 =	vor.u32 v23, v38;
	v47 =	vld.idx.msk [tilespmem:v61+s21+$0x0], $0xffff;
	v61 =	vor.u32 v9, v37;
	v60 =	vadd.f32 v48, v36  }
0x132: {  	v42 =	vadd.s32 s20, v20;
	v62 =	vor.u32 v57, v6  }
0x133: {  	v38 =	vand.u32 $0xF, v42;
	v45 =	vadd.f32 v45, v39;
	[tilespmem:v46+s24+$0x0] =	vst.idx.msk $0xffff, v60  }
0x134: {  	v63 =	vor.u32 v14, v40;
	v46 =	vld.idx.msk [tilespmem:v50+s21+$0x0], $0xffff;
	v50 =	vor.u32 v1, v38;
	v51 =	vadd.f32 v30, v2  }
0x135: {  	v53 =	vor.u32 v9, v49;
	[tilespmem:v58+s24+$0x0] =	vst.idx.msk $0xffff, v45  }
0x136: {  	v44 =	vor.u32 v23, v44;
	v48 =	vor.u32 $0x20, v33;
	v52 =	vld.idx.msk [tilespmem:v59+s21+$0x0], $0xffff;
	[tilespmem:v61+s24+$0x0] =	vst.idx.msk $0xffff, v51  }
0x137: {  	v30 =	vadd.f32 v47, v41;
	v61 =	vand.u32 $0x7, v8;
	v60 =	vld.idx.msk [tilespmem:v62+s21+$0x0], $0xffff;
	v62 =	vand.u32 $0x28, v48  }
0x138: {  	v47 =	vor.u32 v61, v62;
	v61 =	vor.u32 $0x30, v0;
	v0 =	vld [tilespmem:$0x1FFC0]  }
0x139: {  	[tilespmem:v63+s24+$0x0] =	vst.idx.msk $0xffff, v30;
	v63 =	vadd.f32 v46, v36;
	v45 =	vld.idx.msk [tilespmem:v50+s21+$0x0], $0xffff  }
0x13a: {  	v55 =	vor.u32 v16, v43;
	v54 =	vshll.u32 v38, $0x7;
	v1 =	vld [tilespmem:$0x1FFC0]  }
0x13b: {  	v51 =	vor.u32 v21, v35;
	[tilespmem:v53+s24+$0x0] =	vst.idx.msk $0xffff, v63;
	v53 =	vor.u32 v20, v54  }
0x13c: {  	v44 =	vld.idx.msk [tilespmem:v44+s21+$0x0], $0xffff;
	v29 =	vand.u32 $0x3F, v61;
	v30 =	vadd.f32 v52, v39;
	v52 =	vperm.xlane v12, v38  }
0x13d: {  	v63 =	vor.u32 v0, v29;
	v0 =	vld [tilespmem:$0x1FFC0]  }
0x13e: {  	s20 =	sor.u32 $0x5, s1;
	v45 =	vadd.f32 v45, v52  }
0x13f: {  	v43 =	vadd.s32 s20, v20;
	s20 =	sor.u32 $0x6, s1;
	v46 =	vor.u32 v1, v47;
	v1 =	vld [tilespmem:$0x1FFD0]  }
0x140: {  	v51 =	vld.idx.msk [tilespmem:v51+s21+$0x0], $0xffff;
	[tilespmem:v53+s24+$0x0] =	vst.idx.msk $0xffff, v45;
	v45 =	vadd.s32 s20, v20  }
0x141: {  	[tilespmem:v55+s24+$0x0] =	vst.idx.msk $0xffff, v30;
	v55 =	vadd.f32 v44, v41;
	v41 =	vand.u32 $0xF, v45  }
0x142: {  	[tilespmem:$0x1FEF0] =	vst v2;
	v50 =	vor.u32 v11, v49;
	v60 =	vadd.f32 v60, v2;
	v2 =	vor.u32 v0, v41;
	v0 =	vld [tilespmem:$0x1FFC0];
	_ =	sdelay $0x1  }
0x143: {  	s20 =	sor.u32 $0x7, s1  }
0x144: {  	v57 =	vor.u32 v1, v38;
	v1 =	vld [tilespmem:$0x1FFC0];
	v51 =	vadd.f32 v51, v36;
	v44 =	vadd.s32 s20, v20  }
0x145: {  	v62 =	vor.u32 v16, v40;
	v40 =	vand.u32 $0xF, v44  }
0x146: {  	[tilespmem:v50+s24+$0x0] =	vst.idx.msk $0xffff, v51;
	v51 =	vor.u32 v0, v40;
	v0 =	vld [tilespmem:$0x1FFD0];
	_ =	sdelay $0x1  }
0x147: {  	v39 =	vand.u32 $0xF, v43;
	v30 =	vor.u32 v22, v35  }
0x148: {  	v56 =	vor.u32 v1, v39;
	_ =	sdelay $0x1  }
0x149: {  	[tilespmem:v62+s24+$0x0] =	vst.idx.msk $0xffff, v55;
	v55 =	vor.u32 v0, v39;
	v0 =	vld [tilespmem:$0x1FFD0]  }
0x14a: {  	v53 =	vld.idx.msk [tilespmem:v57+s21+$0x0], $0xffff  }
0x14b: {  	v59 =	vld.idx.msk [tilespmem:v30+s21+$0x0], $0xffff  }
0x14c: {  	v1 =	vld.idx.msk [tilespmem:v56+s21+$0x0], $0xffff  }
0x14d: {  	v18 =	vperm.xlane v10, v31;
	v58 =	vld.idx.msk [tilespmem:v46+s21+$0x0], $0xffff;
	v50 =	vor.u32 v3, v54;
	v57 =	vshll.u32 v39, $0x7  }
0x14e: {  	v13 =	vor.u32 v23, v35;
	[tilespmem:$0x1FED0] =	vst v6;
	v6 =	vor.u32 v20, v57;
	v15 =	vor.u32 v0, v47;
	v0 =	vld [tilespmem:$0x1FFD0]  }
0x14f: {  	v19 =	vld [tilespmem:$0x1FFE0];
	v8 =	vor.u32 v32, v38;
	v48 =	vshll.u32 v48, $0x7;
	v56 =	vperm.xlane v12, v39  }
0x150: {  	v46 =	vperm.xlane v34, v33;
	v62 =	vld.idx.msk [tilespmem:v63+s21+$0x0], $0xffff;
	v30 =	vor.u32 v14, v49;
	v53 =	vadd.f32 v53, v52  }
0x151: {  	v10 =	vor.u32 v20, v48;
	v2 =	vld.idx.msk [tilespmem:v2+s21+$0x0], $0xffff;
	v31 =	vadd.f32 v59, v36;
	v1 =	vadd.f32 v1, v56  }
0x152: {  	v4 =	vadd.f32 v58, v46;
	v58 =	vshll.u32 v41, $0x7;
	[tilespmem:v50+s24+$0x0] =	vst.idx.msk $0xffff, v53;
	v50 =	vld.idx.msk [tilespmem:v51+s21+$0x0], $0xffff  }
0x153: {  	[tilespmem:v6+s24+$0x0] =	vst.idx.msk $0xffff, v1;
	v1 =	vor.u32 v20, v58;
	v24 =	vor.u32 v0, v41;
	v0 =	vld [tilespmem:$0x1FFD0]  }
0x154: {  	[tilespmem:$0x1FEC0] =	vst v17;
	v59 =	vshll.u32 v40, $0x7;
	v53 =	vperm.xlane v12, v41;
	v6 =	vld.idx.msk [tilespmem:v55+s21+$0x0], $0xffff  }
0x155: {  	v26 =	vor.u32 $0x10, v17;
	v25 =	vor.u32 v20, v59;
	[tilespmem:v30+s24+$0x0] =	vst.idx.msk $0xffff, v31;
	v31 =	vmov v17;
	v17 =	vld [tilespmem:$0x1FFE0]  }
0x156: {  	v27 =	vor.u32 v3, v57;
	v8 =	vld.idx.msk [tilespmem:v8+s21+$0x0], $0xffff;
	v2 =	vadd.f32 v2, v53;
	v55 =	vperm.xlane v12, v40  }
0x157: {  	[tilespmem:v10+s24+$0x0] =	vst.idx.msk $0xffff, v4;
	v13 =	vld.idx.msk [tilespmem:v13+s21+$0x0], $0xffff  }
0x158: {  	v50 =	vadd.f32 v50, v55;
	[tilespmem:v1+s24+$0x0] =	vst.idx.msk $0xffff, v2;
	v1 =	vld [tilespmem:$0x1FFC0];
	v63 =	vor.u32 v0, v40  }
0x159: {  	v12 =	vor.u32 v32, v39;
	v2 =	vadd.f32 v6, v56;
	v0 =	vor.u32 v5, v54;
	v6 =	vld.idx.msk [tilespmem:v24+s21+$0x0], $0xffff  }
0x15a: {  	v49 =	vor.u32 v16, v49;
	v30 =	vld [tilespmem:$0x1FF10];
	v51 =	vand.u32 $0x1F, v26;
	v17 =	vor.u32 v17, v38;
	[tilespmem:v25+s24+$0x0] =	vst.idx.msk $0xffff, v50  }
0x15b: {  	v50 =	vshll.u32 v26, $0x7;
	v26 =	vor.u32 v19, v39;
	v19 =	vld [tilespmem:$0x1FFF0];
	[tilespmem:v27+s24+$0x0] =	vst.idx.msk $0xffff, v2;
	v2 =	vor.u32 v3, v58  }
0x15c: {  	v4 =	vadd.f32 v8, v52;
	v10 =	vld.idx.msk [tilespmem:v15+s21+$0x0], $0xffff  }
0x15d: {  	v13 =	vadd.f32 v13, v36;
	v1 =	vor.u32 v1, v51;
	v8 =	vld.idx.msk [tilespmem:v63+s21+$0x0], $0xffff  }
0x15e: {  	[tilespmem:v0+s24+$0x0] =	vst.idx.msk $0xffff, v4;
	v0 =	vld.idx.msk [tilespmem:v12+s21+$0x0], $0xffff;
	v4 =	vor.u32 v32, v41;
	v6 =	vadd.f32 v6, v53  }
0x15f: {  	[tilespmem:v49+s24+$0x0] =	vst.idx.msk $0xffff, v13;
	v12 =	vor.u32 v3, v59;
	v13 =	vld.idx.msk [tilespmem:v17+s21+$0x0], $0xffff  }
0x160: {  	v15 =	vor.u32 v32, v40;
	[tilespmem:v2+s24+$0x0] =	vst.idx.msk $0xffff, v6;
	v2 =	vld [tilespmem:$0x1FFD0]  }
0x161: {  	v25 =	vor.u32 v7, v54;
	v63 =	vor.u32 v19, v38;
	v19 =	vld [tilespmem:$0x1FFE0]  }
0x162: {  	v1 =	vld.idx.msk [tilespmem:v1+s21+$0x0], $0xffff;
	v17 =	vor.u32 v5, v57;
	v8 =	vadd.f32 v8, v55  }
0x163: {  	v27 =	vor.u32 v20, v50;
	v4 =	vld.idx.msk [tilespmem:v4+s21+$0x0], $0xffff  }
0x164: {  	[tilespmem:v12+s24+$0x0] =	vst.idx.msk $0xffff, v8;
	v8 =	vadd.f32 v10, v46;
	v10 =	vadd.f32 v13, v52;
	v13 =	vld [tilespmem:$0x1FFE0]  }
0x165: {  	v49 =	vperm.xlane v30, v35;
	v0 =	vadd.f32 v0, v56;
	v2 =	vor.u32 v2, v51;
	v12 =	vld.idx.msk [tilespmem:v15+s21+$0x0], $0xffff  }
0x166: {  	[tilespmem:v25+s24+$0x0] =	vst.idx.msk $0xffff, v10;
	v25 =	vor.u32 v19, v40;
	v19 =	vld [tilespmem:$0x1FFF0]  }
0x167: {  	v1 =	vadd.f32 v1, v49;
	[tilespmem:v17+s24+$0x0] =	vst.idx.msk $0xffff, v0;
	v0 =	vor.u32 v5, v58  }
0x168: {  	v15 =	vor.u32 v5, v59;
	v10 =	vld.idx.msk [tilespmem:v26+s21+$0x0], $0xffff  }
0x169: {  	v24 =	vadd.f32 v62, v18;
	[tilespmem:v27+s24+$0x0] =	vst.idx.msk $0xffff, v1;
	v17 =	vor.u32 v3, v48;
	v1 =	vld.idx.msk [tilespmem:v63+s21+$0x0], $0xffff  }
0x16a: {  	v27 =	vor.u32 v7, v57;
	v4 =	vadd.f32 v4, v53;
	v13 =	vor.u32 v13, v41;
	v2 =	vld.idx.msk [tilespmem:v2+s21+$0x0], $0xffff  }
0x16b: {  	v62 =	vor.u32 v9, v54;
	v12 =	vadd.f32 v12, v55;
	v63 =	vor.u32 v19, v39  }
0x16c: {  	v36 =	vor.u32 v3, v50;
	[tilespmem:v0+s24+$0x0] =	vst.idx.msk $0xffff, v4;
	v4 =	vor.u32 v21, v38  }
0x16d: {  	v10 =	vadd.f32 v10, v56;
	[tilespmem:v15+s24+$0x0] =	vst.idx.msk $0xffff, v12;
	v12 =	vld [tilespmem:$0x1FFF0]  }
0x16e: {  	[tilespmem:v17+s24+$0x0] =	vst.idx.msk $0xffff, v8;
	v1 =	vadd.f32 v1, v52;
	v8 =	vld.idx.msk [tilespmem:v25+s21+$0x0], $0xffff  }
0x16f: {  	[tilespmem:v27+s24+$0x0] =	vst.idx.msk $0xffff, v10;
	v13 =	vld.idx.msk [tilespmem:v13+s21+$0x0], $0xffff;
	v2 =	vadd.f32 v2, v49  }
0x170: {  	[tilespmem:v62+s24+$0x0] =	vst.idx.msk $0xffff, v1;
	v1 =	vld.idx.msk [tilespmem:v63+s21+$0x0], $0xffff  }
0x171: {  	v26 =	vor.u32 v32, v47;
	[tilespmem:v36+s24+$0x0] =	vst.idx.msk $0xffff, v2;
	v2 =	vld.idx.msk [tilespmem:v4+s21+$0x0], $0xffff  }
0x172: {  	v0 =	vor.u32 v32, v51;
	v4 =	vld [tilespmem:$0x1FFF0]  }
0x173: {  	v10 =	vor.u32 v7, v58;
	v17 =	vor.u32 v12, v41;
	v12 =	vld [tilespmem:$0x1FFD0]  }
0x174: {  	v25 =	vor.u32 v7, v59  }
0x175: {  	v28 =	vshll.u32 v61, $0x7;
	v61 =	vor.u32 v11, v54;
	v36 =	vor.u32 v9, v57  }
0x176: {  	v15 =	vld.idx.msk [tilespmem:v26+s21+$0x0], $0xffff;
	v26 =	vor.u32 v20, v28;
	v62 =	vor.u32 v21, v39;
	v13 =	vadd.f32 v13, v53  }
0x177: {  	v63 =	vor.u32 v5, v50;
	v0 =	vld.idx.msk [tilespmem:v0+s21+$0x0], $0xffff;
	v8 =	vadd.f32 v8, v55;
	v4 =	vor.u32 v4, v40  }
0x178: {  	[tilespmem:v10+s24+$0x0] =	vst.idx.msk $0xffff, v13;
	v1 =	vadd.f32 v1, v56;
	v27 =	vor.u32 v12, v29;
	v12 =	vld [tilespmem:$0x1FFE0]  }
0x179: {  	[tilespmem:v25+s24+$0x0] =	vst.idx.msk $0xffff, v8;
	v10 =	vor.u32 v22, v38;
	v2 =	vadd.f32 v2, v52;
	v17 =	vld.idx.msk [tilespmem:v17+s21+$0x0], $0xffff  }
0x17a: {  	[tilespmem:v36+s24+$0x0] =	vst.idx.msk $0xffff, v1  }
0x17b: {  	v1 =	vor.u32 v9, v58;
	[tilespmem:v61+s24+$0x0] =	vst.idx.msk $0xffff, v2;
	v2 =	vld.idx.msk [tilespmem:v62+s21+$0x0], $0xffff  }
0x17c: {  	[tilespmem:v26+s24+$0x0] =	vst.idx.msk $0xffff, v24;
	v24 =	vor.u32 v21, v41;
	v0 =	vadd.f32 v0, v49;
	v4 =	vld.idx.msk [tilespmem:v4+s21+$0x0], $0xffff  }
0x17d: {  	v13 =	vor.u32 v12, v51;
	v12 =	vld [tilespmem:$0x1FFE0]  }
0x17e: {  	v36 =	vor.u32 v11, v57;
	[tilespmem:v63+s24+$0x0] =	vst.idx.msk $0xffff, v0;
	v0 =	vld.idx.msk [tilespmem:v10+s21+$0x0], $0xffff;
	v17 =	vadd.f32 v17, v53  }
0x17f: {  	v8 =	vadd.f32 v15, v46;
	v25 =	vor.u32 v9, v59  }
0x180: {  	v61 =	vor.u32 v14, v54;
	v62 =	vor.u32 v22, v39;
	v15 =	vld.idx.msk [tilespmem:v27+s21+$0x0], $0xffff;
	[tilespmem:v1+s24+$0x0] =	vst.idx.msk $0xffff, v17  }
0x181: {  	v26 =	vor.u32 v5, v48;
	v10 =	vor.u32 v21, v40;
	v2 =	vadd.f32 v2, v56;
	v24 =	vld.idx.msk [tilespmem:v24+s21+$0x0], $0xffff  }
0x182: {  	v6 =	vor.u32 v11, v37;
	v4 =	vadd.f32 v4, v55;
	v27 =	vor.u32 v12, v47;
	v12 =	vld [tilespmem:$0x1FFF0]  }
0x183: {  	v1 =	vor.u32 v23, v38;
	v0 =	vadd.f32 v0, v52;
	[tilespmem:v36+s24+$0x0] =	vst.idx.msk $0xffff, v2;
	v13 =	vld.idx.msk [tilespmem:v13+s21+$0x0], $0xffff  }
0x184: {  	v2 =	vor.u32 v11, v58;
	[tilespmem:v25+s24+$0x0] =	vst.idx.msk $0xffff, v4  }
0x185: {  	v63 =	vor.u32 v7, v50;
	[tilespmem:v61+s24+$0x0] =	vst.idx.msk $0xffff, v0;
	v0 =	vld.idx.msk [tilespmem:v62+s21+$0x0], $0xffff  }
0x186: {  	[tilespmem:v26+s24+$0x0] =	vst.idx.msk $0xffff, v8;
	v4 =	vadd.f32 v15, v18;
	v15 =	vor.u32 v22, v41;
	v8 =	vld.idx.msk [tilespmem:v10+s21+$0x0], $0xffff  }
0x187: {  	v36 =	vor.u32 v14, v57;
	v24 =	vadd.f32 v24, v53;
	v17 =	vor.u32 v12, v51;
	v12 =	vld [tilespmem:$0x1FFC0]  }
0x188: {  	[tilespmem:v6+s24+$0x0] =	vst.idx.msk $0xffff, v60;
	v25 =	vor.u32 v11, v59;
	v1 =	vld.idx.msk [tilespmem:v1+s21+$0x0], $0xffff;
	v13 =	vadd.f32 v13, v49  }
0x189: {  	v6 =	vor.u32 v23, v39;
	v26 =	vor.u32 v22, v40;
	v10 =	vld.idx.msk [tilespmem:v27+s21+$0x0], $0xffff;
	[tilespmem:v2+s24+$0x0] =	vst.idx.msk $0xffff, v24  }
0x18a: {  	v27 =	vor.u32 v16, v54;
	v0 =	vadd.f32 v0, v56;
	[tilespmem:v63+s24+$0x0] =	vst.idx.msk $0xffff, v13;
	v13 =	vor.u32 $0x10, v42  }
0x18b: {  	v15 =	vld.idx.msk [tilespmem:v15+s21+$0x0], $0xffff;
	v8 =	vadd.f32 v8, v55;
	v54 =	vand.u32 $0x1F, v13  }
0x18c: {  	[tilespmem:v36+s24+$0x0] =	vst.idx.msk $0xffff, v0;
	v61 =	vor.u32 v12, v54  }
0x18d: {  	v1 =	vadd.f32 v1, v52;
	v0 =	vor.u32 v14, v58;
	[tilespmem:v25+s24+$0x0] =	vst.idx.msk $0xffff, v8  }
0x18e: {  	v60 =	vor.u32 v3, v28;
	v24 =	vld.idx.msk [tilespmem:v26+s21+$0x0], $0xffff  }
0x18f: {  	v8 =	vadd.f32 v10, v46;
	v10 =	vor.u32 v7, v48;
	[tilespmem:v27+s24+$0x0] =	vst.idx.msk $0xffff, v1;
	v1 =	vld.idx.msk [tilespmem:v6+s21+$0x0], $0xffff  }
0x190: {  	v12 =	vld [tilespmem:$0x1FFC0];
	v15 =	vadd.f32 v15, v53  }
0x191: {  	v27 =	vld.idx.msk [tilespmem:v61+s21+$0x0], $0xffff  }
0x192: {  	[tilespmem:v0+s24+$0x0] =	vst.idx.msk $0xffff, v15;
	v0 =	vld [tilespmem:$0x1FFD0]  }
0x193: {  	[tilespmem:v60+s24+$0x0] =	vst.idx.msk $0xffff, v4;
	v4 =	vor.u32 v16, v57;
	v52 =	vperm.xlane v30, v38  }
0x194: {  	v57 =	vshll.u32 v13, $0x7;
	[tilespmem:v10+s24+$0x0] =	vst.idx.msk $0xffff, v8;
	v8 =	vld [tilespmem:$0x1FFC0];
	v10 =	vadd.f32 v24, v55;
	v24 =	vor.u32 $0x10, v45  }
0x195: {  	v6 =	vor.u32 v23, v41;
	v1 =	vadd.f32 v1, v56;
	v56 =	vand.u32 $0x1F, v24  }
0x196: {  	v13 =	vor.u32 v20, v57;
	v15 =	vadd.f32 v27, v52;
	v27 =	vor.u32 v12, v56;
	v12 =	vld [tilespmem:$0x1FFC0]  }
0x197: {  	v36 =	vor.u32 $0x10, v43;
	v25 =	vor.u32 v14, v59;
	v0 =	vor.u32 v0, v54  }
0x198: {  	v62 =	vand.u32 $0x1F, v36;
	v17 =	vld.idx.msk [tilespmem:v17+s21+$0x0], $0xffff;
	v61 =	vor.u32 v23, v40  }
0x199: {  	[tilespmem:v4+s24+$0x0] =	vst.idx.msk $0xffff, v1;
	v4 =	vor.u32 $0x10, v44;
	v8 =	vor.u32 v8, v62  }
0x19a: {  	v26 =	vor.u32 v9, v50;
	v6 =	vld.idx.msk [tilespmem:v6+s21+$0x0], $0xffff;
	v60 =	vand.u32 $0x1F, v4  }
0x19b: {  	[tilespmem:v13+s24+$0x0] =	vst.idx.msk $0xffff, v15;
	v13 =	vor.u32 v12, v60;
	v12 =	vld [tilespmem:$0x1FFD0]  }
0x19c: {  	[tilespmem:v25+s24+$0x0] =	vst.idx.msk $0xffff, v10;
	v0 =	vld.idx.msk [tilespmem:v0+s21+$0x0], $0xffff  }
0x19d: {  	v2 =	vor.u32 v32, v29;
	v17 =	vadd.f32 v17, v49;
	v1 =	vor.u32 v16, v58;
	v25 =	vld.idx.msk [tilespmem:v61+s21+$0x0], $0xffff  }
0x19e: {  	v61 =	vshll.u32 v36, $0x7;
	v36 =	vor.u32 v3, v57;
	v8 =	vld.idx.msk [tilespmem:v8+s21+$0x0], $0xffff  }
0x19f: {  	v59 =	vor.u32 v16, v59;
	[tilespmem:v26+s24+$0x0] =	vst.idx.msk $0xffff, v17  }
0x1a0: {  	v6 =	vadd.f32 v6, v53;
	v15 =	vor.u32 v20, v61;
	v17 =	vor.u32 v12, v62;
	v12 =	vld [tilespmem:$0x1FFF0]  }
0x1a1: {  	v58 =	vperm.xlane v30, v39;
	v0 =	vadd.f32 v0, v52  }
0x1a2: {  	v2 =	vld.idx.msk [tilespmem:v2+s21+$0x0], $0xffff;
	[tilespmem:v1+s24+$0x0] =	vst.idx.msk $0xffff, v6;
	v25 =	vadd.f32 v25, v55  }
0x1a3: {  	v6 =	vadd.f32 v8, v58;
	[tilespmem:v36+s24+$0x0] =	vst.idx.msk $0xffff, v0;
	v0 =	vld [tilespmem:$0x1FFD0]  }
0x1a4: {  	v63 =	vshll.u32 v24, $0x7;
	v10 =	vor.u32 v21, v51;
	[tilespmem:v59+s24+$0x0] =	vst.idx.msk $0xffff, v25;
	v8 =	vld.idx.msk [tilespmem:v27+s21+$0x0], $0xffff  }
0x1a5: {  	v26 =	vor.u32 v5, v28;
	v13 =	vld.idx.msk [tilespmem:v13+s21+$0x0], $0xffff;
	[tilespmem:v15+s24+$0x0] =	vst.idx.msk $0xffff, v6;
	v25 =	vor.u32 v12, v47  }
0x1a6: {  	v59 =	vshll.u32 v4, $0x7;
	v6 =	vor.u32 v20, v63;
	v4 =	vld.idx.msk [tilespmem:v17+s21+$0x0], $0xffff  }
0x1a7: {  	v53 =	vperm.xlane v30, v41;
	v12 =	vld [tilespmem:$0x1FFD0];
	v17 =	vor.u32 v20, v59  }
0x1a8: {  	v2 =	vadd.f32 v2, v18;
	v55 =	vperm.xlane v30, v40;
	v0 =	vor.u32 v0, v60  }
0x1a9: {  	v10 =	vld.idx.msk [tilespmem:v10+s21+$0x0], $0xffff;
	v1 =	vor.u32 v32, v54;
	v30 =	vor.u32 v3, v61;
	v8 =	vadd.f32 v8, v53  }
0x1aa: {  	[tilespmem:v26+s24+$0x0] =	vst.idx.msk $0xffff, v2;
	v13 =	vadd.f32 v13, v55;
	v2 =	vld.idx.msk [tilespmem:v25+s21+$0x0], $0xffff;
	v25 =	vor.u32 v32, v62  }
0x1ab: {  	v27 =	vor.u32 v11, v50;
	[tilespmem:v6+s24+$0x0] =	vst.idx.msk $0xffff, v8  }
0x1ac: {  	v6 =	vld [tilespmem:$0x1FFE0];
	v15 =	vor.u32 v12, v56;
	v4 =	vadd.f32 v4, v58;
	[tilespmem:v17+s24+$0x0] =	vst.idx.msk $0xffff, v13  }
0x1ad: {  	v24 =	vor.u32 v22, v51;
	v0 =	vld.idx.msk [tilespmem:v0+s21+$0x0], $0xffff  }
0x1ae: {  	v1 =	vld.idx.msk [tilespmem:v1+s21+$0x0], $0xffff;
	[tilespmem:v30+s24+$0x0] =	vst.idx.msk $0xffff, v4  }
0x1af: {  	v10 =	vadd.f32 v10, v49;
	v17 =	vld.idx.msk [tilespmem:v25+s21+$0x0], $0xffff;
	v25 =	vor.u32 v3, v59  }
0x1b0: {  	v13 =	vor.u32 v9, v48  }
0x1b1: {  	v26 =	vor.u32 v5, v57;
	[tilespmem:v27+s24+$0x0] =	vst.idx.msk $0xffff, v10;
	v8 =	vld.idx.msk [tilespmem:v15+s21+$0x0], $0xffff  }
0x1b2: {  	v10 =	vld.idx.msk [tilespmem:v24+s21+$0x0], $0xffff;
	v6 =	vor.u32 v6, v54;
	v0 =	vadd.f32 v0, v55  }
0x1b3: {  	v12 =	vld [tilespmem:$0x1FFA0];
	v4 =	vor.u32 v3, v63;
	v2 =	vadd.f32 v2, v46  }
0x1b4: {  	v1 =	vadd.f32 v1, v52;
	[tilespmem:v25+s24+$0x0] =	vst.idx.msk $0xffff, v0;
	v0 =	vld [tilespmem:$0x1FED0]  }
0x1b5: {  	[tilespmem:v13+s24+$0x0] =	vst.idx.msk $0xffff, v2;
	v2 =	vld [tilespmem:$0x1FFE0]  }
0x1b6: {  	[tilespmem:v26+s24+$0x0] =	vst.idx.msk $0xffff, v1;
	v15 =	vor.u32 v21, v47;
	v8 =	vadd.f32 v8, v53  }
0x1b7: {  	v27 =	vor.u32 v14, v50;
	v24 =	vor.u32 v32, v56;
	v6 =	vld.idx.msk [tilespmem:v6+s21+$0x0], $0xffff  }
0x1b8: {  	v26 =	vor.u32 v23, v51;
	[tilespmem:v4+s24+$0x0] =	vst.idx.msk $0xffff, v8;
	v4 =	vld [tilespmem:$0x1FFF0]  }
0x1b9: {  	v51 =	vor.u32 v5, v61;
	v0 =	vor.u32 v12, v0;
	v12 =	vld [tilespmem:$0x1FFE0]  }
0x1ba: {  	v10 =	vadd.f32 v10, v49;
	v2 =	vor.u32 v2, v62  }
0x1bb: {  	v13 =	vld.idx.msk [tilespmem:v15+s21+$0x0], $0xffff;
	v15 =	vor.u32 v7, v57  }
0x1bc: {  	v1 =	vor.u32 v32, v60;
	[tilespmem:v27+s24+$0x0] =	vst.idx.msk $0xffff, v10;
	v8 =	vadd.f32 v17, v58;
	v17 =	vld.idx.msk [tilespmem:v24+s21+$0x0], $0xffff  }
0x1bd: {  	v10 =	vld.idx.msk [tilespmem:v26+s21+$0x0], $0xffff;
	v6 =	vadd.f32 v6, v52;
	v4 =	vor.u32 v4, v54  }
0x1be: {  	[tilespmem:v51+s24+$0x0] =	vst.idx.msk $0xffff, v8;
	v8 =	vor.u32 v5, v63;
	v25 =	vor.u32 v12, v56;
	v12 =	vld [tilespmem:$0x1FFF0]  }
0x1bf: {  	v2 =	vld.idx.msk [tilespmem:v2+s21+$0x0], $0xffff  }
0x1c0: {  	v30 =	vor.u32 $0x20, v35;
	[tilespmem:v15+s24+$0x0] =	vst.idx.msk $0xffff, v6;
	v6 =	vld [tilespmem:$0x1FFE0]  }
0x1c1: {  	v1 =	vld.idx.msk [tilespmem:v1+s21+$0x0], $0xffff;
	v24 =	vand.u32 $0x7, v31;
	v31 =	vor.u32 v7, v61;
	v17 =	vadd.f32 v17, v53  }
0x1c2: {  	v27 =	vor.u32 v16, v50;
	v26 =	vor.u32 v5, v59;
	v15 =	vand.u32 $0x28, v30;
	v4 =	vld.idx.msk [tilespmem:v4+s21+$0x0], $0xffff  }
0x1c3: {  	v50 =	vor.u32 v24, v15;
	[tilespmem:v8+s24+$0x0] =	vst.idx.msk $0xffff, v17;
	v15 =	vor.u32 v12, v62;
	v12 =	vld [tilespmem:$0x1FFC0]  }
0x1c4: {  	v8 =	vor.u32 v9, v57;
	v2 =	vadd.f32 v2, v58;
	v25 =	vld.idx.msk [tilespmem:v25+s21+$0x0], $0xffff  }
0x1c5: {  	v6 =	vor.u32 v6, v60  }
0x1c6: {  	v1 =	vadd.f32 v1, v55;
	[tilespmem:v31+s24+$0x0] =	vst.idx.msk $0xffff, v2;
	v2 =	vor.u32 v7, v63  }
0x1c7: {  	v4 =	vadd.f32 v4, v52  }
0x1c8: {  	[tilespmem:v26+s24+$0x0] =	vst.idx.msk $0xffff, v1;
	v24 =	vor.u32 v12, v50;
	v12 =	vld [tilespmem:$0x1FFF0]  }
0x1c9: {  	v17 =	vor.u32 v21, v54;
	[tilespmem:v8+s24+$0x0] =	vst.idx.msk $0xffff, v4;
	v4 =	vld [tilespmem:$0x1FFF0];
	v25 =	vadd.f32 v25, v53  }
0x1ca: {  	v10 =	vadd.f32 v10, v49;
	v6 =	vld.idx.msk [tilespmem:v6+s21+$0x0], $0xffff  }
0x1cb: {  	[tilespmem:v2+s24+$0x0] =	vst.idx.msk $0xffff, v25;
	v2 =	vld [tilespmem:$0x1FFD0]  }
0x1cc: {  	[tilespmem:v27+s24+$0x0] =	vst.idx.msk $0xffff, v10;
	v1 =	vadd.f32 v13, v46;
	v13 =	vor.u32 v11, v48;
	v10 =	vld.idx.msk [tilespmem:v15+s21+$0x0], $0xffff  }
0x1cd: {  	v26 =	vor.u32 v7, v59;
	v15 =	vor.u32 v12, v56;
	v24 =	vld.idx.msk [tilespmem:v24+s21+$0x0], $0xffff  }
0x1ce: {  	v51 =	vshll.u32 v30, $0x7;
	v8 =	vld.idx.msk [tilespmem:v17+s21+$0x0], $0xffff;
	v17 =	vor.u32 v9, v61;
	v4 =	vor.u32 v4, v60  }
0x1cf: {  	v36 =	vor.u32 v21, v62;
	v27 =	vor.u32 v20, v51  }
0x1d0: {  	v49 =	vperm.xlane v34, v35;
	v6 =	vadd.f32 v6, v55;
	v2 =	vor.u32 v2, v50  }
0x1d1: {  	[tilespmem:v13+s24+$0x0] =	vst.idx.msk $0xffff, v1;
	v25 =	vor.u32 v11, v57;
	v10 =	vadd.f32 v10, v58;
	v12 =	vld [tilespmem:$0x1FFE0]  }
0x1d2: {  	[tilespmem:v26+s24+$0x0] =	vst.idx.msk $0xffff, v6;
	v6 =	vor.u32 v22, v54;
	v15 =	vld.idx.msk [tilespmem:v15+s21+$0x0], $0xffff;
	v1 =	vadd.f32 v24, v49  }
0x1d3: {  	[tilespmem:v17+s24+$0x0] =	vst.idx.msk $0xffff, v10;
	v4 =	vld.idx.msk [tilespmem:v4+s21+$0x0], $0xffff  }
0x1d4: {  	v8 =	vadd.f32 v8, v52;
	v10 =	vor.u32 v9, v63;
	[tilespmem:v27+s24+$0x0] =	vst.idx.msk $0xffff, v1;
	v1 =	vld.idx.msk [tilespmem:v36+s21+$0x0], $0xffff  }
0x1d5: {  	v17 =	vor.u32 v9, v59;
	v2 =	vld.idx.msk [tilespmem:v2+s21+$0x0], $0xffff  }
0x1d6: {  	[tilespmem:v25+s24+$0x0] =	vst.idx.msk $0xffff, v8;
	v8 =	vor.u32 v21, v60;
	v25 =	vor.u32 v11, v61  }
0x1d7: {  	v30 =	vor.u32 v22, v62;
	v6 =	vld.idx.msk [tilespmem:v6+s21+$0x0], $0xffff;
	v27 =	vor.u32 v3, v51;
	v15 =	vadd.f32 v15, v53  }
0x1d8: {  	v19 =	vmov v29;
	v13 =	vor.u32 v21, v56;
	v4 =	vadd.f32 v4, v55  }
0x1d9: {  	v0 =	vld.idx.msk [tilespmem:v0+s21+$0x0], $0xffff;
	[tilespmem:v10+s24+$0x0] =	vst.idx.msk $0xffff, v15;
	v15 =	vor.u32 v14, v57;
	v1 =	vadd.f32 v1, v58  }
0x1da: {  	v26 =	vor.u32 v12, v19;
	v12 =	vld [tilespmem:$0x1FEF0];
	[tilespmem:v17+s24+$0x0] =	vst.idx.msk $0xffff, v4;
	v2 =	vadd.f32 v2, v49  }
0x1db: {  	v8 =	vld.idx.msk [tilespmem:v8+s21+$0x0], $0xffff;
	[tilespmem:v25+s24+$0x0] =	vst.idx.msk $0xffff, v1  }
0x1dc: {  	v6 =	vadd.f32 v6, v52;
	[tilespmem:v27+s24+$0x0] =	vst.idx.msk $0xffff, v2;
	v2 =	vld.idx.msk [tilespmem:v30+s21+$0x0], $0xffff  }
0x1dd: {  	v17 =	vor.u32 v23, v54;
	v13 =	vld.idx.msk [tilespmem:v13+s21+$0x0], $0xffff;
	v27 =	vor.u32 v11, v59  }
0x1de: {  	[tilespmem:v15+s24+$0x0] =	vst.idx.msk $0xffff, v6;
	v6 =	vor.u32 v14, v61;
	v15 =	vor.u32 v22, v60  }
0x1df: {  	v26 =	vld.idx.msk [tilespmem:v26+s21+$0x0], $0xffff;
	v1 =	vor.u32 v11, v63  }
0x1e0: {  	v0 =	vadd.f32 v0, v12;
	v12 =	vld [tilespmem:$0x1FFF0];
	v25 =	vor.u32 v22, v56;
	v8 =	vadd.f32 v8, v55  }
0x1e1: {  	[tilespmem:$0x1FEE0] =	vst v37;
	v2 =	vadd.f32 v2, v58  }
0x1e2: {  	v4 =	vor.u32 v14, v37;
	v13 =	vadd.f32 v13, v53;
	v17 =	vld.idx.msk [tilespmem:v17+s21+$0x0], $0xffff;
	[tilespmem:v27+s24+$0x0] =	vst.idx.msk $0xffff, v8  }
0x1e3: {  	v10 =	vor.u32 v32, v50;
	[tilespmem:v6+s24+$0x0] =	vst.idx.msk $0xffff, v2;
	v6 =	vld.idx.msk [tilespmem:v15+s21+$0x0], $0xffff  }
0x1e4: {  	v36 =	vor.u32 v7, v28;
	v30 =	vor.u32 v23, v62;
	[tilespmem:v1+s24+$0x0] =	vst.idx.msk $0xffff, v13;
	v15 =	vld [tilespmem:$0x1FFC0]  }
0x1e5: {  	v37 =	vor.u32 v16, v57;
	v26 =	vadd.f32 v26, v18;
	v12 =	vor.u32 v12, v19;
	v25 =	vld.idx.msk [tilespmem:v25+s21+$0x0], $0xffff  }
0x1e6: {  	v31 =	vmovc v19;
	v19 =	vor.u32 v14, v59;
	v1 =	vor.u32 $0x20, v38;
	v13 =	vand.u32 $0x7, v42  }
0x1e7: {  	[tilespmem:v4+s24+$0x0] =	vst.idx.msk $0xffff, v0;
	v8 =	vand.u32 $0x28, v1;
	v54 =	vshll.u32 v1, $0x7;
	v1 =	vld [tilespmem:$0x1FFC0];
	v2 =	vor.u32 v14, v63  }
0x1e8: {  	v4 =	vor.u32 v23, v56;
	v10 =	vld.idx.msk [tilespmem:v10+s21+$0x0], $0xffff;
	v57 =	vor.u32 v13, v8;
	v13 =	vadd.f32 v17, v52  }
0x1e9: {  	v29 =	vmovc v18;
	v0 =	vor.u32 $0x20, v39;
	v60 =	vor.u32 v23, v60;
	v18 =	vld.idx.msk [tilespmem:v30+s21+$0x0], $0xffff;
	v15 =	vor.u32 v15, v57  }
0x1ea: {  	v17 =	vand.u32 $0x7, v43;
	[tilespmem:v37+s24+$0x0] =	vst.idx.msk $0xffff, v13;
	v13 =	vand.u32 $0x28, v0;
	v25 =	vadd.f32 v25, v53  }
0x1eb: {  	v61 =	vor.u32 v16, v61;
	v56 =	vor.u32 v17, v13  }
0x1ec: {  	v17 =	vld [tilespmem:$0x1FFD0];
	v1 =	vor.u32 v1, v56;
	[tilespmem:v2+s24+$0x0] =	vst.idx.msk $0xffff, v25;
	v2 =	vadd.f32 v6, v55  }
0x1ed: {  	v24 =	vor.u32 v22, v47;
	v10 =	vadd.f32 v10, v49;
	v8 =	vor.u32 v5, v51;
	v4 =	vld.idx.msk [tilespmem:v4+s21+$0x0], $0xffff  }
0x1ee: {  	v30 =	vor.u32 $0x20, v40;
	[tilespmem:v19+s24+$0x0] =	vst.idx.msk $0xffff, v2;
	v6 =	vld.idx.msk [tilespmem:v15+s21+$0x0], $0xffff;
	v15 =	vadd.f32 v18, v58  }
0x1ef: {  	[tilespmem:v36+s24+$0x0] =	vst.idx.msk $0xffff, v26;
	v13 =	vor.u32 v20, v54;
	v2 =	vand.u32 $0x7, v45;
	v26 =	vld.idx.msk [tilespmem:v60+s21+$0x0], $0xffff;
	v18 =	vor.u32 $0x20, v41  }
0x1f0: {  	v19 =	vor.u32 v16, v63;
	v25 =	vand.u32 $0x28, v18;
	[tilespmem:v61+s24+$0x0] =	vst.idx.msk $0xffff, v15;
	v61 =	vshll.u32 v0, $0x7;
	v0 =	vld [tilespmem:$0x1FFC0]  }
0x1f1: {  	v63 =	vor.u32 v2, v25;
	v2 =	vand.u32 $0x7, v44;
	v15 =	vand.u32 $0x28, v30;
	v1 =	vld.idx.msk [tilespmem:v1+s21+$0x0], $0xffff  }
0x1f2: {  	v52 =	vperm.xlane v34, v38;
	v17 =	vor.u32 v17, v57;
	v60 =	vor.u32 v2, v15;
	v2 =	vld [tilespmem:$0x1FFC0]  }
0x1f3: {  	v62 =	vld [tilespmem:$0x1FFE0];
	v4 =	vadd.f32 v4, v53  }
0x1f4: {  	[tilespmem:v8+s24+$0x0] =	vst.idx.msk $0xffff, v10;
	v8 =	vor.u32 v20, v61;
	v6 =	vadd.f32 v6, v52  }
0x1f5: {  	v24 =	vld.idx.msk [tilespmem:v24+s21+$0x0], $0xffff;
	v58 =	vperm.xlane v34, v39;
	v15 =	vor.u32 v16, v59;
	[tilespmem:v19+s24+$0x0] =	vst.idx.msk $0xffff, v4  }
0x1f6: {  	v19 =	vld [tilespmem:$0x1FFD0];
	v0 =	vor.u32 v0, v60;
	[tilespmem:v13+s24+$0x0] =	vst.idx.msk $0xffff, v6  }
0x1f7: {  	v2 =	vor.u32 v2, v63;
	v13 =	vld.idx.msk [tilespmem:v17+s21+$0x0], $0xffff;
	v1 =	vadd.f32 v1, v58  }
0x1f8: {  	v62 =	vor.u32 v62, v50;
	v6 =	vadd.f32 v26, v55;
	v17 =	vld [tilespmem:$0x1FFD0]  }
0x1f9: {  	[tilespmem:v8+s24+$0x0] =	vst.idx.msk $0xffff, v1;
	v8 =	vld.idx.msk [tilespmem:v12+s21+$0x0], $0xffff  }
0x1fa: {  	[tilespmem:v15+s24+$0x0] =	vst.idx.msk $0xffff, v6;
	v12 =	vld [tilespmem:$0x1FFD0]  }
0x1fb: {  	v27 =	vor.u32 v14, v48;
	v0 =	vld.idx.msk [tilespmem:v0+s21+$0x0], $0xffff  }
0x1fc: {  	v59 =	vshll.u32 v30, $0x7;
	v2 =	vld.idx.msk [tilespmem:v2+s21+$0x0], $0xffff  }
0x1fd: {  	v10 =	vld.idx.msk [tilespmem:v62+s21+$0x0], $0xffff;
	v62 =	vshll.u32 v18, $0x7;
	v18 =	vor.u32 v20, v59;
	v17 =	vor.u32 v17, v56  }
0x1fe: {  	v24 =	vadd.f32 v24, v46;
	v53 =	vperm.xlane v34, v40;
	v25 =	vld [tilespmem:$0x1FFF0];
	v1 =	vor.u32 v20, v62  }
0x1ff: {  	v55 =	vperm.xlane v34, v41;
	v6 =	vor.u32 v3, v54;
	v12 =	vor.u32 v12, v63  }
0x200: {  	[tilespmem:v27+s24+$0x0] =	vst.idx.msk $0xffff, v24;
	v15 =	vor.u32 v32, v57;
	v0 =	vadd.f32 v0, v53  }
0x201: {  	v4 =	vor.u32 v7, v51;
	v19 =	vor.u32 v19, v60;
	v2 =	vadd.f32 v2, v55  }
0x202: {  	v24 =	vor.u32 v23, v47;
	v13 =	vadd.f32 v13, v52;
	v17 =	vld.idx.msk [tilespmem:v17+s21+$0x0], $0xffff;
	[tilespmem:v18+s24+$0x0] =	vst.idx.msk $0xffff, v0  }
0x203: {  	v10 =	vadd.f32 v10, v49;
	v25 =	vor.u32 v25, v50;
	v18 =	vld [tilespmem:$0x1FFE0];
	[tilespmem:v1+s24+$0x0] =	vst.idx.msk $0xffff, v2  }
0x204: {  	[tilespmem:v6+s24+$0x0] =	vst.idx.msk $0xffff, v13;
	v6 =	vor.u32 v3, v61;
	v1 =	vadd.f32 v8, v29;
	v8 =	vld.idx.msk [tilespmem:v12+s21+$0x0], $0xffff  }
0x205: {  	v13 =	vld.idx.msk [tilespmem:v15+s21+$0x0], $0xffff;
	v2 =	vor.u32 v9, v28  }
0x206: {  	[tilespmem:v4+s24+$0x0] =	vst.idx.msk $0xffff, v10;
	v10 =	vld.idx.msk [tilespmem:v19+s21+$0x0], $0xffff;
	v19 =	vor.u32 v3, v62  }
0x207: {  	v15 =	vor.u32 v32, v56;
	v4 =	vadd.f32 v17, v58  }
0x208: {  	v24 =	vld.idx.msk [tilespmem:v24+s21+$0x0], $0xffff;
	v26 =	vor.u32 v32, v60;
	v0 =	vor.u32 v5, v54  }
0x209: {  	v17 =	vld.idx.msk [tilespmem:v25+s21+$0x0], $0xffff;
	v18 =	vor.u32 v18, v57;
	[tilespmem:v6+s24+$0x0] =	vst.idx.msk $0xffff, v4;
	v8 =	vadd.f32 v8, v55  }
0x20a: {  	v4 =	vor.u32 v32, v63;
	v6 =	vor.u32 v3, v59;
	[tilespmem:v2+s24+$0x0] =	vst.idx.msk $0xffff, v1;
	v1 =	vld [tilespmem:$0x1FEB0]  }
0x20b: {  	v13 =	vadd.f32 v13, v52;
	v25 =	vor.u32 v9, v51;
	[tilespmem:v19+s24+$0x0] =	vst.idx.msk $0xffff, v8;
	v8 =	vld [tilespmem:$0x1FFE0]  }
0x20c: {  	v12 =	vor.u32 v16, v48;
	v15 =	vld.idx.msk [tilespmem:v15+s21+$0x0], $0xffff  }
0x20d: {  	[tilespmem:v0+s24+$0x0] =	vst.idx.msk $0xffff, v13;
	v2 =	vor.u32 v21, v50;
	v10 =	vadd.f32 v10, v53;
	v19 =	vld [tilespmem:$0x1FFC0]  }
0x20e: {  	v13 =	vadd.f32 v17, v49;
	v17 =	vld.idx.msk [tilespmem:v18+s21+$0x0], $0xffff  }
0x20f: {  	v0 =	vor.u32 v5, v61;
	v18 =	vadd.f32 v24, v46;
	v4 =	vld.idx.msk [tilespmem:v4+s21+$0x0], $0xffff;
	[tilespmem:v6+s24+$0x0] =	vst.idx.msk $0xffff, v10  }
0x210: {  	[tilespmem:v25+s24+$0x0] =	vst.idx.msk $0xffff, v13;
	v13 =	vld.idx.msk [tilespmem:v26+s21+$0x0], $0xffff;
	v8 =	vor.u32 v8, v56  }
0x211: {  	[tilespmem:v12+s24+$0x0] =	vst.idx.msk $0xffff, v18;
	v12 =	vld [tilespmem:$0x1FFF0]  }
0x212: {  	v1 =	vor.u32 $0x30, v1;
	v6 =	vor.u32 v7, v54;
	v10 =	vadd.f32 v15, v58;
	v2 =	vld.idx.msk [tilespmem:v2+s21+$0x0], $0xffff  }
0x213: {  	v24 =	vld [tilespmem:$0x1FFE0];
	v25 =	vor.u32 v22, v50;
	v34 =	vand.u32 $0x3F, v1;
	v15 =	vor.u32 v5, v62  }
0x214: {  	v18 =	vor.u32 v11, v51;
	v19 =	vor.u32 v19, v34;
	[tilespmem:v0+s24+$0x0] =	vst.idx.msk $0xffff, v10;
	v0 =	vld [tilespmem:$0x1FFE0]  }
0x215: {  	v46 =	vshll.u32 v1, $0x7;
	v10 =	vor.u32 v5, v59;
	v17 =	vadd.f32 v17, v52;
	v8 =	vld.idx.msk [tilespmem:v8+s21+$0x0], $0xffff  }
0x216: {  	v30 =	vld [tilespmem:$0x1FF30];
	v1 =	vor.u32 v7, v61;
	v4 =	vadd.f32 v4, v55;
	v12 =	vor.u32 v12, v57  }
0x217: {  	[tilespmem:v6+s24+$0x0] =	vst.idx.msk $0xffff, v17;
	v6 =	vadd.f32 v13, v53;
	v2 =	vadd.f32 v2, v49;
	v13 =	vld [tilespmem:$0x1FFF0]  }
0x218: {  	[tilespmem:v15+s24+$0x0] =	vst.idx.msk $0xffff, v4;
	v15 =	vld [tilespmem:$0x1FFD0]  }
0x219: {  	v0 =	vor.u32 v0, v63;
	v19 =	vld.idx.msk [tilespmem:v19+s21+$0x0], $0xffff;
	[tilespmem:v18+s24+$0x0] =	vst.idx.msk $0xffff, v2  }
0x21a: {  	v24 =	vor.u32 v24, v60;
	[tilespmem:v10+s24+$0x0] =	vst.idx.msk $0xffff, v6;
	v17 =	vld.idx.msk [tilespmem:v25+s21+$0x0], $0xffff;
	v6 =	vadd.f32 v8, v58  }
0x21b: {  	v12 =	vld.idx.msk [tilespmem:v12+s21+$0x0], $0xffff  }
0x21c: {  	v4 =	vor.u32 v20, v46;
	[tilespmem:v1+s24+$0x0] =	vst.idx.msk $0xffff, v6;
	v1 =	vld [tilespmem:$0x1FFF0]  }
0x21d: {  	v33 =	vperm.xlane v30, v33;
	v2 =	vor.u32 v9, v54;
	v25 =	vld [tilespmem:$0x1FFF0];
	v13 =	vor.u32 v13, v56  }
0x21e: {  	v15 =	vor.u32 v15, v34;
	v0 =	vld.idx.msk [tilespmem:v0+s21+$0x0], $0xffff  }
0x21f: {  	v8 =	vld.idx.msk [tilespmem:v24+s21+$0x0], $0xffff;
	v10 =	vadd.f32 v19, v33;
	v24 =	vor.u32 v14, v51  }
0x220: {  	v18 =	vor.u32 v21, v57;
	v19 =	vor.u32 v7, v62;
	v12 =	vadd.f32 v12, v52  }
0x221: {  	v27 =	vld [tilespmem:$0x1FFC0];
	v6 =	vor.u32 v7, v59;
	[tilespmem:v4+s24+$0x0] =	vst.idx.msk $0xffff, v10;
	v1 =	vor.u32 v1, v63  }
0x222: {  	v25 =	vor.u32 v25, v60;
	v13 =	vld.idx.msk [tilespmem:v13+s21+$0x0], $0xffff;
	[tilespmem:v2+s24+$0x0] =	vst.idx.msk $0xffff, v12;
	v12 =	vadd.f32 v17, v49  }
0x223: {  	v4 =	vor.u32 v23, v50;
	v10 =	vld.idx.msk [tilespmem:v15+s21+$0x0], $0xffff;
	v0 =	vadd.f32 v0, v55  }
0x224: {  	v2 =	vor.u32 v9, v61;
	v8 =	vadd.f32 v8, v53;
	[tilespmem:v24+s24+$0x0] =	vst.idx.msk $0xffff, v12;
	v24 =	vld [tilespmem:$0x1FEC0]  }
0x225: {  	v15 =	vld.idx.msk [tilespmem:v18+s21+$0x0], $0xffff;
	[tilespmem:v19+s24+$0x0] =	vst.idx.msk $0xffff, v0  }
0x226: {  	v26 =	vor.u32 v3, v46;
	v17 =	vor.u32 v21, v56;
	[tilespmem:v6+s24+$0x0] =	vst.idx.msk $0xffff, v8;
	v1 =	vld.idx.msk [tilespmem:v1+s21+$0x0], $0xffff  }
0x227: {  	v6 =	vor.u32 v11, v54;
	v8 =	vadd.f32 v13, v58;
	v12 =	vld.idx.msk [tilespmem:v25+s21+$0x0], $0xffff  }
0x228: {  	v18 =	vor.u32 v22, v57;
	v19 =	vor.u32 v9, v62;
	v4 =	vld.idx.msk [tilespmem:v4+s21+$0x0], $0xffff;
	v10 =	vadd.f32 v10, v33  }
0x229: {  	[tilespmem:v2+s24+$0x0] =	vst.idx.msk $0xffff, v8;
	v2 =	vor.u32 v21, v63;
	v8 =	vor.u32 v9, v59;
	v24 =	vor.u32 $0x30, v24  }
0x22a: {  	v13 =	vor.u32 v16, v51;
	v15 =	vadd.f32 v15, v52;
	v47 =	vand.u32 $0x3F, v24  }
0x22b: {  	v17 =	vld.idx.msk [tilespmem:v17+s21+$0x0], $0xffff;
	[tilespmem:v26+s24+$0x0] =	vst.idx.msk $0xffff, v10;
	v27 =	vor.u32 v27, v47;
	v1 =	vadd.f32 v1, v55  }
0x22c: {  	v25 =	vor.u32 v21, v60;
	[tilespmem:v6+s24+$0x0] =	vst.idx.msk $0xffff, v15;
	v12 =	vadd.f32 v12, v53  }
0x22d: {  	v6 =	vor.u32 v11, v61;
	[tilespmem:v19+s24+$0x0] =	vst.idx.msk $0xffff, v1;
	v1 =	vadd.f32 v4, v49;
	v4 =	vld.idx.msk [tilespmem:v18+s21+$0x0], $0xffff  }
0x22e: {  	v0 =	vor.u32 v21, v31;
	[tilespmem:v8+s24+$0x0] =	vst.idx.msk $0xffff, v12;
	v2 =	vld.idx.msk [tilespmem:v2+s21+$0x0], $0xffff  }
0x22f: {  	v15 =	vor.u32 v22, v56;
	[tilespmem:v13+s24+$0x0] =	vst.idx.msk $0xffff, v1;
	v1 =	vor.u32 v14, v54  }
0x230: {  	v12 =	vadd.f32 v17, v58;
	v17 =	vor.u32 v23, v57;
	v18 =	vor.u32 v11, v62;
	v10 =	vld.idx.msk [tilespmem:v27+s21+$0x0], $0xffff  }
0x231: {  	v8 =	vor.u32 v32, v34;
	v13 =	vld.idx.msk [tilespmem:v25+s21+$0x0], $0xffff  }
0x232: {  	v35 =	vperm.xlane v30, v35;
	v37 =	vshll.u32 v24, $0x7;
	[tilespmem:v6+s24+$0x0] =	vst.idx.msk $0xffff, v12;
	v25 =	vld [tilespmem:$0x1FFD0];
	v4 =	vadd.f32 v4, v52  }
0x233: {  	v0 =	vld.idx.msk [tilespmem:v0+s21+$0x0], $0xffff;
	v6 =	vor.u32 v22, v63;
	v12 =	vor.u32 v11, v59;
	v2 =	vadd.f32 v2, v55  }
0x234: {  	v24 =	vor.u32 v22, v60;
	v19 =	vor.u32 v20, v37;
	v15 =	vld.idx.msk [tilespmem:v15+s21+$0x0], $0xffff;
	[tilespmem:v1+s24+$0x0] =	vst.idx.msk $0xffff, v4  }
0x235: {  	[tilespmem:v18+s24+$0x0] =	vst.idx.msk $0xffff, v2;
	v2 =	vadd.f32 v10, v35;
	v10 =	vld.idx.msk [tilespmem:v17+s21+$0x0], $0xffff  }
0x236: {  	v1 =	vld.idx.msk [tilespmem:v8+s21+$0x0], $0xffff;
	v8 =	vadd.f32 v13, v53  }
0x237: {  	v25 =	vor.u32 v25, v47;
	v4 =	vor.u32 v14, v61  }
0x238: {  	v13 =	vor.u32 v23, v56;
	[tilespmem:v12+s24+$0x0] =	vst.idx.msk $0xffff, v8;
	v6 =	vld.idx.msk [tilespmem:v6+s21+$0x0], $0xffff  }
0x239: {  	v38 =	vperm.xlane v30, v38;
	[tilespmem:v19+s24+$0x0] =	vst.idx.msk $0xffff, v2;
	v2 =	vor.u32 v16, v54;
	v12 =	vld.idx.msk [tilespmem:v24+s21+$0x0], $0xffff  }
0x23a: {  	v26 =	vor.u32 v23, v60;
	v8 =	vadd.f32 v15, v58;
	v10 =	vadd.f32 v10, v52;
	v52 =	vld [tilespmem:$0x1FFC0]  }
0x23b: {  	v0 =	vadd.f32 v0, v29;
	v27 =	vor.u32 $0x30, v45;
	v19 =	vor.u32 v14, v62  }
0x23c: {  	v17 =	vld.idx.msk [tilespmem:v25+s21+$0x0], $0xffff;
	[tilespmem:v4+s24+$0x0] =	vst.idx.msk $0xffff, v8;
	v4 =	vor.u32 v23, v63;
	v8 =	vor.u32 v14, v59  }
0x23d: {  	v60 =	vand.u32 $0x3F, v27;
	v18 =	vor.u32 $0x30, v42;
	v25 =	vor.u32 v5, v46;
	v13 =	vld.idx.msk [tilespmem:v13+s21+$0x0], $0xffff  }
0x23e: {  	v48 =	vand.u32 $0x3F, v18;
	v6 =	vadd.f32 v6, v55;
	[tilespmem:v2+s24+$0x0] =	vst.idx.msk $0xffff, v10;
	v2 =	vor.u32 v16, v61  }
0x23f: {  	v10 =	vor.u32 $0x30, v43;
	v12 =	vadd.f32 v12, v53;
	v24 =	vor.u32 v52, v48  }
0x240: {  	v15 =	vor.u32 v11, v28;
	v42 =	vshll.u32 v18, $0x7;
	[tilespmem:v19+s24+$0x0] =	vst.idx.msk $0xffff, v6;
	v6 =	vld [tilespmem:$0x1FFE0];
	v43 =	vand.u32 $0x3F, v10  }
0x241: {  	v1 =	vadd.f32 v1, v33;
	[tilespmem:v8+s24+$0x0] =	vst.idx.msk $0xffff, v12;
	v4 =	vld.idx.msk [tilespmem:v4+s21+$0x0], $0xffff;
	v12 =	vor.u32 v52, v43  }
0x242: {  	v54 =	vld [tilespmem:$0x1FFD0];
	v19 =	vor.u32 v32, v47;
	v8 =	vor.u32 v3, v37;
	v13 =	vadd.f32 v13, v58  }
0x243: {  	v17 =	vadd.f32 v17, v35;
	[tilespmem:v25+s24+$0x0] =	vst.idx.msk $0xffff, v1;
	v1 =	vor.u32 v16, v62;
	v18 =	vld.idx.msk [tilespmem:v26+s21+$0x0], $0xffff  }
0x244: {  	[tilespmem:v2+s24+$0x0] =	vst.idx.msk $0xffff, v13;
	v2 =	vor.u32 v52, v60;
	v13 =	vor.u32 $0x30, v44;
	v24 =	vld.idx.msk [tilespmem:v24+s21+$0x0], $0xffff  }
0x245: {  	[tilespmem:v15+s24+$0x0] =	vst.idx.msk $0xffff, v0;
	v26 =	vor.u32 v16, v59;
	v6 =	vor.u32 v6, v34;
	v61 =	vand.u32 $0x3F, v13  }
0x246: {  	v25 =	vor.u32 v20, v42;
	v4 =	vadd.f32 v4, v55;
	v0 =	vld.idx.msk [tilespmem:v12+s21+$0x0], $0xffff;
	v12 =	vor.u32 v52, v61  }
0x247: {  	v39 =	vperm.xlane v30, v39;
	v15 =	vor.u32 v54, v48;
	v62 =	vshll.u32 v10, $0x7;
	v58 =	vld [tilespmem:$0x1FFE0];
	[tilespmem:v8+s24+$0x0] =	vst.idx.msk $0xffff, v17  }
0x248: {  	v17 =	vor.u32 v20, v62;
	v10 =	vld.idx.msk [tilespmem:v19+s21+$0x0], $0xffff;
	[tilespmem:v1+s24+$0x0] =	vst.idx.msk $0xffff, v4;
	v1 =	vadd.f32 v18, v53  }
0x249: {  	v41 =	vperm.xlane v30, v41;
	v45 =	vshll.u32 v27, $0x7;
	v2 =	vld.idx.msk [tilespmem:v2+s21+$0x0], $0xffff;
	v8 =	vadd.f32 v24, v38  }
0x24a: {  	v40 =	vperm.xlane v30, v40;
	v18 =	vor.u32 v20, v45;
	v6 =	vld.idx.msk [tilespmem:v6+s21+$0x0], $0xffff;
	[tilespmem:v26+s24+$0x0] =	vst.idx.msk $0xffff, v1  }
0x24b: {  	v1 =	vor.u32 v54, v43;
	v0 =	vadd.f32 v0, v39;
	v12 =	vld.idx.msk [tilespmem:v12+s21+$0x0], $0xffff;
	[tilespmem:v25+s24+$0x0] =	vst.idx.msk $0xffff, v8  }
0x24c: {  	v63 =	vshll.u32 v13, $0x7;
	v19 =	vor.u32 v54, v60;
	v4 =	vor.u32 v5, v37;
	v15 =	vld.idx.msk [tilespmem:v15+s21+$0x0], $0xffff  }
0x24d: {  	v59 =	vld [tilespmem:$0x1FFF0];
	v8 =	vor.u32 v58, v47;
	[tilespmem:v17+s24+$0x0] =	vst.idx.msk $0xffff, v0;
	v0 =	vor.u32 v20, v63  }
0x24e: {  	v13 =	vor.u32 v3, v42;
	v2 =	vadd.f32 v2, v41;
	v17 =	vor.u32 v54, v61  }
0x24f: {  	v24 =	vor.u32 v7, v46;
	v10 =	vadd.f32 v10, v35;
	v25 =	vor.u32 v32, v48  }
0x250: {  	v1 =	vld.idx.msk [tilespmem:v1+s21+$0x0], $0xffff;
	[tilespmem:v18+s24+$0x0] =	vst.idx.msk $0xffff, v2;
	v2 =	vadd.f32 v12, v40  }
0x251: {  	[tilespmem:v4+s24+$0x0] =	vst.idx.msk $0xffff, v10;
	v6 =	vadd.f32 v6, v33;
	v10 =	vld.idx.msk [tilespmem:v19+s21+$0x0], $0xffff;
	v4 =	vadd.f32 v15, v38  }
0x252: {  	v12 =	vor.u32 v59, v34;
	v8 =	vld.idx.msk [tilespmem:v8+s21+$0x0], $0xffff;
	[tilespmem:v0+s24+$0x0] =	vst.idx.msk $0xffff, v2;
	v15 =	vor.u32 v3, v62  }
0x253: {  	v0 =	vor.u32 v32, v43;
	v2 =	vor.u32 v3, v45;
	[tilespmem:v13+s24+$0x0] =	vst.idx.msk $0xffff, v4;
	v4 =	vld.idx.msk [tilespmem:v17+s21+$0x0], $0xffff  }
0x254: {  	[tilespmem:v24+s24+$0x0] =	vst.idx.msk $0xffff, v6;
	v6 =	vor.u32 v7, v37;
	v17 =	vor.u32 v32, v60;
	v13 =	vld.idx.msk [tilespmem:v25+s21+$0x0], $0xffff  }
0x255: {  	v19 =	vor.u32 v3, v63;
	v1 =	vadd.f32 v1, v39  }
0x256: {  	v24 =	vor.u32 v5, v42;
	v10 =	vadd.f32 v10, v41;
	v25 =	vor.u32 v32, v61  }
0x257: {  	v18 =	vor.u32 v59, v47;
	v12 =	vld.idx.msk [tilespmem:v12+s21+$0x0], $0xffff;
	v8 =	vadd.f32 v8, v35;
	[tilespmem:v15+s24+$0x0] =	vst.idx.msk $0xffff, v1  }
0x258: {  	[tilespmem:v2+s24+$0x0] =	vst.idx.msk $0xffff, v10;
	v1 =	vor.u32 v58, v48;
	v0 =	vld.idx.msk [tilespmem:v0+s21+$0x0], $0xffff;
	v2 =	vadd.f32 v4, v40  }
0x259: {  	[tilespmem:v6+s24+$0x0] =	vst.idx.msk $0xffff, v8;
	v6 =	vld.idx.msk [tilespmem:v17+s21+$0x0], $0xffff;
	v17 =	vor.u32 v9, v46;
	v4 =	vadd.f32 v13, v38  }
0x25a: {  	v10 =	vor.u32 v5, v62;
	v15 =	vor.u32 v22, v31;
	[tilespmem:v19+s24+$0x0] =	vst.idx.msk $0xffff, v2  }
0x25b: {  	v2 =	vor.u32 v58, v43;
	[tilespmem:v24+s24+$0x0] =	vst.idx.msk $0xffff, v4;
	v4 =	vor.u32 v5, v45;
	v13 =	vld.idx.msk [tilespmem:v25+s21+$0x0], $0xffff  }
0x25c: {  	v8 =	vld.idx.msk [tilespmem:v18+s21+$0x0], $0xffff;
	v18 =	vor.u32 v58, v60;
	v12 =	vadd.f32 v12, v33  }
0x25d: {  	v19 =	vor.u32 v5, v63;
	v24 =	vor.u32 v9, v37;
	v1 =	vld.idx.msk [tilespmem:v1+s21+$0x0], $0xffff;
	v0 =	vadd.f32 v0, v39  }
0x25e: {  	v25 =	vor.u32 v58, v61;
	v6 =	vadd.f32 v6, v41;
	[tilespmem:v17+s24+$0x0] =	vst.idx.msk $0xffff, v12  }
0x25f: {  	v12 =	vld.idx.msk [tilespmem:v15+s21+$0x0], $0xffff;
	[tilespmem:v10+s24+$0x0] =	vst.idx.msk $0xffff, v0;
	v10 =	vor.u32 v7, v42  }
0x260: {  	v0 =	vor.u32 v21, v34;
	v2 =	vld.idx.msk [tilespmem:v2+s21+$0x0], $0xffff;
	[tilespmem:v4+s24+$0x0] =	vst.idx.msk $0xffff, v6;
	v4 =	vadd.f32 v13, v40  }
0x261: {  	v15 =	vor.u32 v7, v62;
	v6 =	vadd.f32 v8, v35;
	v8 =	vld.idx.msk [tilespmem:v18+s21+$0x0], $0xffff  }
0x262: {  	v13 =	vor.u32 v59, v48;
	v1 =	vadd.f32 v1, v38;
	[tilespmem:v19+s24+$0x0] =	vst.idx.msk $0xffff, v4  }
0x263: {  	[tilespmem:v24+s24+$0x0] =	vst.idx.msk $0xffff, v6;
	v4 =	vor.u32 v59, v43;
	v6 =	vor.u32 v7, v45;
	v17 =	vld.idx.msk [tilespmem:v25+s21+$0x0], $0xffff  }
0x264: {  	[tilespmem:v10+s24+$0x0] =	vst.idx.msk $0xffff, v1  }
0x265: {  	v0 =	vld.idx.msk [tilespmem:v0+s21+$0x0], $0xffff;
	v10 =	vor.u32 v7, v63;
	v1 =	vadd.f32 v2, v39;
	v2 =	vor.u32 v59, v60  }
0x266: {  	v18 =	vor.u32 v21, v47;
	v19 =	vor.u32 v14, v28;
	v8 =	vadd.f32 v8, v41  }
0x267: {  	v24 =	vor.u32 v59, v61;
	v13 =	vld.idx.msk [tilespmem:v13+s21+$0x0], $0xffff;
	[tilespmem:v15+s24+$0x0] =	vst.idx.msk $0xffff, v1;
	v1 =	vor.u32 v11, v46  }
0x268: {  	v4 =	vld.idx.msk [tilespmem:v4+s21+$0x0], $0xffff;
	[tilespmem:v6+s24+$0x0] =	vst.idx.msk $0xffff, v8;
	v6 =	vadd.f32 v17, v40  }
0x269: {  	v15 =	vor.u32 v9, v42;
	v8 =	vadd.f32 v12, v29  }
0x26a: {  	v0 =	vadd.f32 v0, v33;
	v2 =	vld.idx.msk [tilespmem:v2+s21+$0x0], $0xffff;
	[tilespmem:v10+s24+$0x0] =	vst.idx.msk $0xffff, v6;
	v10 =	vor.u32 v9, v62  }
0x26b: {  	v12 =	vld.idx.msk [tilespmem:v18+s21+$0x0], $0xffff;
	v6 =	vor.u32 v21, v48;
	[tilespmem:v19+s24+$0x0] =	vst.idx.msk $0xffff, v8;
	v8 =	vor.u32 v21, v43  }
0x26c: {  	v17 =	vld.idx.msk [tilespmem:v24+s21+$0x0], $0xffff;
	[tilespmem:v1+s24+$0x0] =	vst.idx.msk $0xffff, v0;
	v0 =	vadd.f32 v13, v38;
	v1 =	vor.u32 v9, v45  }
0x26d: {  	v13 =	vor.u32 v21, v60;
	v4 =	vadd.f32 v4, v39  }
0x26e: {  	v18 =	vor.u32 v9, v63;
	[tilespmem:v15+s24+$0x0] =	vst.idx.msk $0xffff, v0;
	v0 =	vor.u32 v11, v37  }
0x26f: {  	v15 =	vor.u32 v21, v61;
	v2 =	vadd.f32 v2, v41;
	[tilespmem:v10+s24+$0x0] =	vst.idx.msk $0xffff, v4  }
0x270: {  	v4 =	vor.u32 v22, v34;
	v8 =	vld.idx.msk [tilespmem:v8+s21+$0x0], $0xffff  }
0x271: {  	v6 =	vld.idx.msk [tilespmem:v6+s21+$0x0], $0xffff;
	v10 =	vadd.f32 v12, v35;
	v12 =	vadd.f32 v17, v40;
	[tilespmem:v1+s24+$0x0] =	vst.idx.msk $0xffff, v2  }
0x272: {  	v2 =	vor.u32 v11, v62;
	v13 =	vld.idx.msk [tilespmem:v13+s21+$0x0], $0xffff  }
0x273: {  	v1 =	vor.u32 v11, v42;
	[tilespmem:v18+s24+$0x0] =	vst.idx.msk $0xffff, v12  }
0x274: {  	[tilespmem:v0+s24+$0x0] =	vst.idx.msk $0xffff, v10;
	v0 =	vld.idx.msk [tilespmem:v15+s21+$0x0], $0xffff  }
0x275: {  	v53 =	vld [tilespmem:$0x1FFB0];
	v17 =	vor.u32 v22, v47;
	v12 =	vor.u32 v11, v45;
	v8 =	vadd.f32 v8, v39  }
0x276: {  	v18 =	vor.u32 v11, v63;
	v15 =	vor.u32 v22, v43;
	v6 =	vadd.f32 v6, v38;
	v4 =	vld.idx.msk [tilespmem:v4+s21+$0x0], $0xffff  }
0x277: {  	[tilespmem:v2+s24+$0x0] =	vst.idx.msk $0xffff, v8;
	v2 =	vadd.f32 v13, v41;
	v13 =	vld [tilespmem:$0x1FED0]  }
0x278: {  	[tilespmem:v1+s24+$0x0] =	vst.idx.msk $0xffff, v6;
	v1 =	vor.u32 v14, v46  }
0x279: {  	v10 =	vor.u32 v22, v48;
	v0 =	vadd.f32 v0, v40  }
0x27a: {  	v6 =	vld.idx.msk [tilespmem:v17+s21+$0x0], $0xffff;
	v17 =	vor.u32 v22, v60;
	[tilespmem:v12+s24+$0x0] =	vst.idx.msk $0xffff, v2  }
0x27b: {  	v8 =	vor.u32 v22, v61;
	v12 =	vld.idx.msk [tilespmem:v15+s21+$0x0], $0xffff;
	[tilespmem:v18+s24+$0x0] =	vst.idx.msk $0xffff, v0;
	v0 =	vadd.f32 v4, v33  }
0x27c: {  	v19 =	vor.u32 v14, v37;
	v13 =	vor.u32 v53, v13  }
0x27d: {  	v26 =	vld [tilespmem:$0x1FEE0];
	[tilespmem:v1+s24+$0x0] =	vst.idx.msk $0xffff, v0;
	v1 =	vor.u32 v14, v62  }
0x27e: {  	v10 =	vld.idx.msk [tilespmem:v10+s21+$0x0], $0xffff;
	v2 =	vor.u32 v23, v31  }
0x27f: {  	v4 =	vor.u32 v23, v34;
	v6 =	vadd.f32 v6, v35;
	v17 =	vld.idx.msk [tilespmem:v17+s21+$0x0], $0xffff  }
0x280: {  	v15 =	vor.u32 v23, v47;
	v18 =	vor.u32 v14, v42;
	v8 =	vld.idx.msk [tilespmem:v8+s21+$0x0], $0xffff;
	v12 =	vadd.f32 v12, v39  }
0x281: {  	v0 =	vor.u32 v23, v48;
	[tilespmem:v19+s24+$0x0] =	vst.idx.msk $0xffff, v6;
	v13 =	vld.idx.msk [tilespmem:v13+s21+$0x0], $0xffff  }
0x282: {  	v6 =	vor.u32 v23, v43;
	v19 =	vor.u32 v14, v45;
	[tilespmem:v1+s24+$0x0] =	vst.idx.msk $0xffff, v12;
	v12 =	vld [tilespmem:$0x1FEF0]  }
0x283: {  	v25 =	vor.u32 v14, v63;
	v24 =	vor.u32 v23, v60;
	v10 =	vadd.f32 v10, v38;
	v2 =	vld.idx.msk [tilespmem:v2+s21+$0x0], $0xffff  }
0x284: {  	v27 =	vor.u32 v23, v61;
	v26 =	vor.u32 v16, v26;
	v4 =	vld.idx.msk [tilespmem:v4+s21+$0x0], $0xffff  }
0x285: {  	v15 =	vld.idx.msk [tilespmem:v15+s21+$0x0], $0xffff;
	[tilespmem:v18+s24+$0x0] =	vst.idx.msk $0xffff, v10;
	v10 =	vor.u32 v16, v28;
	v17 =	vadd.f32 v17, v41  }
0x286: {  	v1 =	vor.u32 v16, v46;
	v0 =	vld.idx.msk [tilespmem:v0+s21+$0x0], $0xffff;
	v8 =	vadd.f32 v8, v40  }
0x287: {  	[tilespmem:v19+s24+$0x0] =	vst.idx.msk $0xffff, v17;
	v6 =	vld.idx.msk [tilespmem:v6+s21+$0x0], $0xffff;
	v12 =	vadd.f32 v13, v12;
	v13 =	vor.u32 v16, v37  }
0x288: {  	[tilespmem:v25+s24+$0x0] =	vst.idx.msk $0xffff, v8;
	v2 =	vadd.f32 v2, v29;
	v8 =	vor.u32 v16, v42;
	v17 =	vld.idx.msk [tilespmem:v24+s21+$0x0], $0xffff  }
0x289: {  	v4 =	vadd.f32 v4, v33;
	v18 =	vld.idx.msk [tilespmem:v27+s21+$0x0], $0xffff;
	[tilespmem:v26+s24+$0x0] =	vst.idx.msk $0xffff, v12;
	v12 =	vor.u32 v16, v62  }
0x28a: {  	v57 =	vld [tilespmem:$0x1FF90];
	[tilespmem:v10+s24+$0x0] =	vst.idx.msk $0xffff, v2;
	v2 =	vadd.f32 v15, v35;
	v10 =	vor.u32 v16, v45  }
0x28b: {  	p1 =	por p0, p0;
	v56 =	vld [tilespmem:$0x1FF80];
	[tilespmem:v1+s24+$0x0] =	vst.idx.msk $0xffff, v4;
	v0 =	vadd.f32 v0, v38;
	v1 =	vor.u32 v16, v63  }
.Ltmp0:
0x28c: {  	v25 =	vld [tilespmem:$0x1FF50];
	[tilespmem:v13+s24+$0x0] =	vst.idx.msk $0xffff, v2;
	v2 =	vadd.f32 v6, v39;
	(pc) =	sbr.rel @p1 .LBB2_3-.Ltmp0, $4  }
0x28d: {  	v24 =	vld [tilespmem:$0x1FF40];
	[tilespmem:v8+s24+$0x0] =	vst.idx.msk $0xffff, v0;
	v0 =	vadd.f32 v17, v41  }
0x28e: {  	v27 =	vld [tilespmem:$0x1FF70];
	[tilespmem:v12+s24+$0x0] =	vst.idx.msk $0xffff, v2;
	v2 =	vadd.f32 v18, v40  }
0x28f: {  	v26 =	vld [tilespmem:$0x1FF60];
	[tilespmem:v10+s24+$0x0] =	vst.idx.msk $0xffff, v0  }
0x290: {  	p0 =	por $0x0, $0x0;
	s1 =	simm.s32 $0x8;
	v55 =	vmov v32;
	v12 =	vld [tilespmem:$0x1FFA0];
	[tilespmem:v1+s24+$0x0] =	vst.idx.msk $0xffff, v2  }
0x291: {  	s1 =	sadd.s32 s5, s31  }
0x292: {  	s1 =	sshll.u32 s1, $0x10  }
0x293: {  	s1 =	sor.u32 s8, s1  }
0x294: {  	s1 =	sshrl.u32 s1, $0x3  }
0x295: {  	s20 =	sadd.s32 s2, s1  }
0x296: {  	[hbm4b:s20+s3] =	stream.linear.scatter [tilespmem:s24], [sflag:$0x3], $0x400, $0x38;
	[tilespmem:$0xA580] =	vst v63  }
0x297: {  	s31 =	simm.s32 $0x6980;
	s20 =	sadd.s32 s1, s9  }
0x298: {  	[hbm4b:s20+s3] =	stream.linear.scatter [tilespmem:s31], [sflag:$0x3], $0x400, $0x38;
	[tilespmem:$0xA580] =	vst v63  }
0x299: {  	s20 =	sadd.s32 s1, s10;
	s31 =	simm.s32 $0x6D80  }
0x29a: {  	[hbm4b:s20+s3] =	stream.linear.scatter [tilespmem:s31], [sflag:$0x3], $0x400, $0x38;
	[tilespmem:$0xA580] =	vst v63  }
0x29b: {  	s20 =	sadd.s32 s1, s11;
	s31 =	simm.s32 $0x7180  }
0x29c: {  	[hbm4b:s20+s3] =	stream.linear.scatter [tilespmem:s31], [sflag:$0x3], $0x400, $0x38;
	[tilespmem:$0xA580] =	vst v63  }
0x29d: {  	s20 =	sadd.s32 s1, s12;
	s31 =	simm.s32 $0x7580  }
0x29e: {  	[hbm4b:s20+s3] =	stream.linear.scatter [tilespmem:s31], [sflag:$0x3], $0x400, $0x38;
	[tilespmem:$0xA580] =	vst v63  }
0x29f: {  	s20 =	sadd.s32 s1, s13;
	s31 =	simm.s32 $0x7980  }
0x2a0: {  	[hbm4b:s20+s3] =	stream.linear.scatter [tilespmem:s31], [sflag:$0x3], $0x400, $0x38;
	[tilespmem:$0xA580] =	vst v63  }
0x2a1: {  	s20 =	sadd.s32 s1, s14;
	s31 =	simm.s32 $0x7D80  }
0x2a2: {  	[hbm4b:s20+s3] =	stream.linear.scatter [tilespmem:s31], [sflag:$0x3], $0x400, $0x38;
	[tilespmem:$0xA580] =	vst v63  }
0x2a3: {  	p0 =	seq.s32 s29, $0x18;
	s1 =	sadd.s32 s1, s15;
	s31 =	simm.s32 $0x8180  }
0x2a4: {  	[hbm4b:s1+s3] =	stream.linear.scatter [tilespmem:s31], [sflag:$0x3], $0x400, $0x38;
	[tilespmem:$0xA580] =	vst v63  }
0x2a5: {  	p1 =	seq.s32 @!p0 s29, $0x0;
	s1 =	sshll.u32 @!p0 s29, $0x8;
	_ =	swait.ge [sflag:s0], $0x2000  }
0x2a6: {  	s20 =	simm.s32 @!p0 $0x80;
	s1 =	sand.u32 @!p0 $0x3FFFFF00, s1;
	[sflag:s0] =	ssyncset.done $0x0  }
0x2a7: {  	s31 =	simm.s32 @!p0 $0x2580;
	s1 =	sadd.s32 @!p0 $0x100, s1;
	[sflag:s0] =	ssyncadd.s32 $0xFFFFE000  }
0x2a8: {  	[tilespmem:s31], [sflag:$0x1] =	stream.indirect.gather @!p0 [hbm4b:s4+s20], $0x40, s1, s20, $0xb8;
	[tilespmem:$0xA580] =	vst v63  }
0x2a9: {  	p0 =	por p0, !p1  }
0x2aa: {  	_ =	swait.ge @p0 [sflag:s28], $0x400  }
0x2ab: {  	[sflag:s28] =	ssyncset.done @p0 $0x0  }
0x2ac: {  	[sflag:s28] =	ssyncadd.s32 @p0 $0xFFFFFC00  }
0x2ad: {  	_ =	swait.ge @p0 [sflag:s28], $0x400  }
0x2ae: {  	[sflag:s28] =	ssyncset.done @p0 $0x0  }
0x2af: {  	[sflag:s28] =	ssyncadd.s32 @p0 $0xFFFFFC00  }
0x2b0: {  	_ =	swait.ge @p0 [sflag:s28], $0x400  }
0x2b1: {  	[sflag:s28] =	ssyncset.done @p0 $0x0  }
0x2b2: {  	[sflag:s28] =	ssyncadd.s32 @p0 $0xFFFFFC00  }
0x2b3: {  	_ =	swait.ge @p0 [sflag:s28], $0x400  }
0x2b4: {  	[sflag:s28] =	ssyncset.done @p0 $0x0  }
0x2b5: {  	[sflag:s28] =	ssyncadd.s32 @p0 $0xFFFFFC00  }
0x2b6: {  	_ =	swait.ge @p0 [sflag:s28], $0x400  }
0x2b7: {  	[sflag:s28] =	ssyncset.done @p0 $0x0  }
0x2b8: {  	[sflag:s28] =	ssyncadd.s32 @p0 $0xFFFFFC00  }
0x2b9: {  	_ =	swait.ge @p0 [sflag:s28], $0x400  }
0x2ba: {  	[sflag:s28] =	ssyncset.done @p0 $0x0  }
0x2bb: {  	[sflag:s28] =	ssyncadd.s32 @p0 $0xFFFFFC00  }
0x2bc: {  	_ =	swait.ge @p0 [sflag:s28], $0x400  }
0x2bd: {  	[sflag:s28] =	ssyncset.done @p0 $0x0  }
0x2be: {  	[sflag:s28] =	ssyncadd.s32 @p0 $0xFFFFFC00  }
0x2bf: {  	_ =	swait.ge @p0 [sflag:s28], $0x400  }
0x2c0: {  	s31 =	sshll.u32 s30, $0x6;
	[sflag:s28] =	ssyncset.done @p0 $0x0  }
0x2c1: {  	s1 =	sand.u32 $0x3FFFFFC0, s31;
	[sflag:s28] =	ssyncadd.s32 @p0 $0xFFFFFC00  }
0x2c2: {  	v0 =	vld [tilespmem:s1+$0x1900];
	_ =	sdelay $0x4  }
0x2c3: {  	[tilespmem:$0x1FE70] =	vst v0;
	v0 =	vld [tilespmem:s1+$0x1910];
	_ =	sdelay $0x4  }
0x2c4: {  	[tilespmem:$0x1FE80] =	vst v0;
	v0 =	vld [tilespmem:s1+$0x1920];
	_ =	sdelay $0x4  }
0x2c5: {  	[tilespmem:$0x1FE90] =	vst v0;
	v0 =	vld [tilespmem:s1+$0x1930];
	_ =	sdelay $0x4  }
0x2c6: {  	p0 =	por $0x1, $0x1;
	s1 =	simm.s32 $0x0;
	[tilespmem:$0x1FEA0] =	vst v0  }
.LBB2_5:
0x2c7: {  	v29 =	vadd.s32 s1, v20  }
0x2c8: {  	v0 =	vand.u32 $0x8, v29  }
0x2c9: {  	v1 =	vor.u32 v24, v0;
	_ =	sdelay $0x2  }
0x2ca: {  	v51 =	vld [tilespmem:$0x1FE70];
	_ =	sdelay $0x1  }
0x2cb: {  	v28 =	vand.u32 $0xF, v29;
	v1 =	vld.idx.msk [tilespmem:v1+s23+$0x0], $0xffff  }
0x2cc: {  	v2 =	vshll.u32 v28, $0x7  }
0x2cd: {  	v4 =	vor.u32 v20, v2  }
0x2ce: {  	v8 =	vor.u32 v25, v0;
	v6 =	vperm.xlane v51, v28;
	_ =	sdelay $0x1  }
0x2cf: {  	v1 =	vadd.f32 v1, v6;
	_ =	sdelay $0x1  }
0x2d0: {  	[tilespmem:v4+s18+$0x0] =	vst.idx.msk $0xffff, v1  }
0x2d1: {  	v1 =	vld.idx.msk [tilespmem:v8+s23+$0x0], $0xffff;
	_ =	sdelay $0x1  }
0x2d2: {  	v4 =	vor.u32 v3, v2  }
0x2d3: {  	v8 =	vor.u32 v26, v0;
	_ =	sdelay $0x1  }
0x2d4: {  	v1 =	vadd.f32 v1, v6;
	_ =	sdelay $0x1  }
0x2d5: {  	[tilespmem:v4+s18+$0x0] =	vst.idx.msk $0xffff, v1  }
0x2d6: {  	v1 =	vld.idx.msk [tilespmem:v8+s23+$0x0], $0xffff;
	_ =	sdelay $0x1  }
0x2d7: {  	v4 =	vor.u32 v5, v2  }
0x2d8: {  	v8 =	vor.u32 v27, v0;
	_ =	sdelay $0x1  }
0x2d9: {  	v1 =	vadd.f32 v1, v6;
	_ =	sdelay $0x1  }
0x2da: {  	[tilespmem:v4+s18+$0x0] =	vst.idx.msk $0xffff, v1  }
0x2db: {  	v1 =	vld.idx.msk [tilespmem:v8+s23+$0x0], $0xffff;
	_ =	sdelay $0x1  }
0x2dc: {  	v4 =	vor.u32 v7, v2  }
0x2dd: {  	v8 =	vor.u32 v56, v0;
	_ =	sdelay $0x1  }
0x2de: {  	v1 =	vadd.f32 v1, v6;
	_ =	sdelay $0x1  }
0x2df: {  	[tilespmem:v4+s18+$0x0] =	vst.idx.msk $0xffff, v1  }
0x2e0: {  	v1 =	vld.idx.msk [tilespmem:v8+s23+$0x0], $0xffff;
	_ =	sdelay $0x1  }
0x2e1: {  	v4 =	vor.u32 v9, v2  }
0x2e2: {  	v8 =	vor.u32 v57, v0;
	_ =	sdelay $0x1  }
0x2e3: {  	v1 =	vadd.f32 v1, v6;
	_ =	sdelay $0x1  }
0x2e4: {  	[tilespmem:v4+s18+$0x0] =	vst.idx.msk $0xffff, v1  }
0x2e5: {  	v1 =	vld.idx.msk [tilespmem:v8+s23+$0x0], $0xffff  }
0x2e6: {  	s20 =	sor.u32 $0x1, s1  }
0x2e7: {  	v45 =	vadd.s32 s20, v20;
	v4 =	vor.u32 v11, v2  }
0x2e8: {  	v31 =	vand.u32 $0xF, v45;
	v8 =	vor.u32 v12, v0  }
0x2e9: {  	v10 =	vor.u32 v52, v31  }
0x2ea: {  	v1 =	vadd.f32 v1, v6;
	_ =	sdelay $0x1  }
0x2eb: {  	[tilespmem:v4+s18+$0x0] =	vst.idx.msk $0xffff, v1  }
0x2ec: {  	v1 =	vld.idx.msk [tilespmem:v8+s23+$0x0], $0xffff  }
0x2ed: {  	v4 =	vld.idx.msk [tilespmem:v10+s23+$0x0], $0xffff  }
0x2ee: {  	v10 =	vshll.u32 v31, $0x7;
	v8 =	vor.u32 v14, v2  }
0x2ef: {  	v18 =	vmov v12;
	v0 =	vor.u32 v53, v0;
	v12 =	vor.u32 v20, v10  }
0x2f0: {  	v15 =	vor.u32 v54, v31;
	v13 =	vperm.xlane v51, v31  }
0x2f1: {  	v1 =	vadd.f32 v1, v6  }
0x2f2: {  	v4 =	vadd.f32 v4, v13  }
0x2f3: {  	[tilespmem:v8+s18+$0x0] =	vst.idx.msk $0xffff, v1  }
0x2f4: {  	[tilespmem:v12+s18+$0x0] =	vst.idx.msk $0xffff, v4;
	v0 =	vld.idx.msk [tilespmem:v0+s23+$0x0], $0xffff  }
0x2f5: {  	v1 =	vor.u32 $0x10, v29;
	v4 =	vld.idx.msk [tilespmem:v15+s23+$0x0], $0xffff  }
0x2f6: {  	v2 =	vor.u32 v16, v2;
	v8 =	vand.u32 $0x18, v1  }
0x2f7: {  	v15 =	vor.u32 v3, v10;
	v12 =	vor.u32 v24, v8  }
0x2f8: {  	v17 =	vor.u32 v55, v31  }
0x2f9: {  	v0 =	vadd.f32 v0, v6  }
0x2fa: {  	v34 =	vld [tilespmem:$0x1FE80];
	v4 =	vadd.f32 v4, v13  }
0x2fb: {  	[tilespmem:v2+s18+$0x0] =	vst.idx.msk $0xffff, v0  }
0x2fc: {  	[tilespmem:v15+s18+$0x0] =	vst.idx.msk $0xffff, v4;
	v0 =	vld.idx.msk [tilespmem:v12+s23+$0x0], $0xffff  }
0x2fd: {  	v1 =	vshll.u32 v1, $0x7;
	v2 =	vld.idx.msk [tilespmem:v17+s23+$0x0], $0xffff  }
0x2fe: {  	v4 =	vor.u32 v20, v1  }
0x2ff: {  	v6 =	vperm.xlane v34, v28;
	v15 =	vor.u32 v5, v10;
	v12 =	vor.u32 v25, v8  }
0x300: {  	v17 =	vor.u32 v58, v31  }
0x301: {  	v0 =	vadd.f32 v0, v6  }
0x302: {  	v2 =	vadd.f32 v2, v13  }
0x303: {  	[tilespmem:v4+s18+$0x0] =	vst.idx.msk $0xffff, v0  }
0x304: {  	[tilespmem:v15+s18+$0x0] =	vst.idx.msk $0xffff, v2;
	v0 =	vld.idx.msk [tilespmem:v12+s23+$0x0], $0xffff  }
0x305: {  	v2 =	vld.idx.msk [tilespmem:v17+s23+$0x0], $0xffff  }
0x306: {  	v4 =	vor.u32 v3, v1  }
0x307: {  	v15 =	vor.u32 v7, v10;
	v12 =	vor.u32 v26, v8  }
0x308: {  	v17 =	vor.u32 v59, v31  }
0x309: {  	v0 =	vadd.f32 v0, v6  }
0x30a: {  	v2 =	vadd.f32 v2, v13  }
0x30b: {  	[tilespmem:v4+s18+$0x0] =	vst.idx.msk $0xffff, v0  }
0x30c: {  	[tilespmem:v15+s18+$0x0] =	vst.idx.msk $0xffff, v2;
	v0 =	vld.idx.msk [tilespmem:v12+s23+$0x0], $0xffff  }
0x30d: {  	v2 =	vld.idx.msk [tilespmem:v17+s23+$0x0], $0xffff  }
0x30e: {  	v4 =	vor.u32 v5, v1  }
0x30f: {  	v15 =	vor.u32 v9, v10;
	v12 =	vor.u32 v27, v8  }
0x310: {  	v17 =	vor.u32 v21, v31  }
0x311: {  	v0 =	vadd.f32 v0, v6  }
0x312: {  	v2 =	vadd.f32 v2, v13  }
0x313: {  	[tilespmem:v4+s18+$0x0] =	vst.idx.msk $0xffff, v0  }
0x314: {  	[tilespmem:v15+s18+$0x0] =	vst.idx.msk $0xffff, v2;
	v0 =	vld.idx.msk [tilespmem:v12+s23+$0x0], $0xffff  }
0x315: {  	v2 =	vld.idx.msk [tilespmem:v17+s23+$0x0], $0xffff  }
0x316: {  	v4 =	vor.u32 v7, v1  }
0x317: {  	v15 =	vor.u32 v11, v10;
	v12 =	vor.u32 v56, v8  }
0x318: {  	v17 =	vor.u32 v22, v31  }
0x319: {  	v0 =	vadd.f32 v0, v6  }
0x31a: {  	v2 =	vadd.f32 v2, v13  }
0x31b: {  	[tilespmem:v4+s18+$0x0] =	vst.idx.msk $0xffff, v0  }
0x31c: {  	[tilespmem:v15+s18+$0x0] =	vst.idx.msk $0xffff, v2;
	v0 =	vld.idx.msk [tilespmem:v12+s23+$0x0], $0xffff  }
0x31d: {  	v2 =	vld.idx.msk [tilespmem:v17+s23+$0x0], $0xffff  }
0x31e: {  	v4 =	vor.u32 v9, v1  }
0x31f: {  	v15 =	vor.u32 v14, v10;
	v12 =	vor.u32 v57, v8  }
0x320: {  	v17 =	vor.u32 v23, v31  }
0x321: {  	v0 =	vadd.f32 v0, v6  }
0x322: {  	v2 =	vadd.f32 v2, v13  }
0x323: {  	s31 =	sor.u32 $0x2, s1;
	[tilespmem:v4+s18+$0x0] =	vst.idx.msk $0xffff, v0  }
0x324: {  	v38 =	vadd.s32 s31, v20;
	[tilespmem:v15+s18+$0x0] =	vst.idx.msk $0xffff, v2;
	v0 =	vld.idx.msk [tilespmem:v12+s23+$0x0], $0xffff  }
0x325: {  	v33 =	vand.u32 $0xF, v38;
	v2 =	vld.idx.msk [tilespmem:v17+s23+$0x0], $0xffff  }
0x326: {  	v15 =	vor.u32 $0x10, v45;
	v4 =	vor.u32 v52, v33;
	v12 =	vor.u32 v11, v1  }
0x327: {  	v10 =	vor.u32 v16, v10;
	v17 =	vor.u32 v18, v8;
	v18 =	vand.u32 $0x1F, v15  }
0x328: {  	v19 =	vor.u32 v52, v18  }
0x329: {  	v0 =	vadd.f32 v0, v6  }
0x32a: {  	v2 =	vadd.f32 v2, v13  }
0x32b: {  	v4 =	vld.idx.msk [tilespmem:v4+s23+$0x0], $0xffff;
	[tilespmem:v12+s18+$0x0] =	vst.idx.msk $0xffff, v0  }
0x32c: {  	[tilespmem:v10+s18+$0x0] =	vst.idx.msk $0xffff, v2;
	v0 =	vshll.u32 v33, $0x7;
	v12 =	vld.idx.msk [tilespmem:v17+s23+$0x0], $0xffff  }
0x32d: {  	v15 =	vshll.u32 v15, $0x7;
	v10 =	vld.idx.msk [tilespmem:v19+s23+$0x0], $0xffff;
	v2 =	vor.u32 v20, v0  }
0x32e: {  	v13 =	vperm.xlane v51, v33;
	v19 =	vor.u32 v14, v1;
	v17 =	vor.u32 v54, v33  }
0x32f: {  	v8 =	vor.u32 v53, v8;
	v30 =	vor.u32 v20, v15  }
0x330: {  	v35 =	vperm.xlane v34, v31;
	v36 =	vor.u32 v54, v18;
	v4 =	vadd.f32 v4, v13  }
0x331: {  	v12 =	vadd.f32 v12, v6  }
0x332: {  	[tilespmem:v2+s18+$0x0] =	vst.idx.msk $0xffff, v4;
	v2 =	vadd.f32 v10, v35  }
0x333: {  	v4 =	vld.idx.msk [tilespmem:v17+s23+$0x0], $0xffff;
	[tilespmem:v19+s18+$0x0] =	vst.idx.msk $0xffff, v12  }
0x334: {  	[tilespmem:v30+s18+$0x0] =	vst.idx.msk $0xffff, v2;
	v8 =	vld.idx.msk [tilespmem:v8+s23+$0x0], $0xffff  }
0x335: {  	v10 =	vor.u32 $0x20, v28;
	v2 =	vor.u32 v3, v0;
	v12 =	vld.idx.msk [tilespmem:v36+s23+$0x0], $0xffff  }
0x336: {  	v1 =	vor.u32 v16, v1;
	v17 =	vor.u32 v55, v33;
	v19 =	vand.u32 $0x28, v10  }
0x337: {  	v49 =	vor.u32 v3, v15;
	v48 =	vor.u32 v24, v19  }
0x338: {  	v37 =	vor.u32 v55, v18;
	v4 =	vadd.f32 v4, v13  }
0x339: {  	v6 =	vadd.f32 v8, v6  }
0x33a: {  	v42 =	vld [tilespmem:$0x1FE90];
	[tilespmem:v2+s18+$0x0] =	vst.idx.msk $0xffff, v4;
	v2 =	vadd.f32 v12, v35  }
0x33b: {  	v4 =	vld.idx.msk [tilespmem:v17+s23+$0x0], $0xffff;
	[tilespmem:v1+s18+$0x0] =	vst.idx.msk $0xffff, v6  }
0x33c: {  	[tilespmem:v49+s18+$0x0] =	vst.idx.msk $0xffff, v2;
	v1 =	vld.idx.msk [tilespmem:v48+s23+$0x0], $0xffff  }
0x33d: {  	v2 =	vor.u32 v5, v0;
	v6 =	vshll.u32 v10, $0x7;
	v8 =	vld.idx.msk [tilespmem:v37+s23+$0x0], $0xffff  }
0x33e: {  	v10 =	vor.u32 v58, v33;
	v17 =	vor.u32 v20, v6  }
0x33f: {  	v60 =	vor.u32 v5, v15;
	v50 =	vor.u32 v25, v19;
	v12 =	vperm.xlane v42, v28  }
0x340: {  	v61 =	vor.u32 v58, v18;
	v4 =	vadd.f32 v4, v13  }
0x341: {  	v1 =	vadd.f32 v1, v12  }
0x342: {  	[tilespmem:v2+s18+$0x0] =	vst.idx.msk $0xffff, v4;
	v2 =	vadd.f32 v8, v35  }
0x343: {  	v4 =	vld.idx.msk [tilespmem:v10+s23+$0x0], $0xffff;
	[tilespmem:v17+s18+$0x0] =	vst.idx.msk $0xffff, v1  }
0x344: {  	[tilespmem:v60+s18+$0x0] =	vst.idx.msk $0xffff, v2;
	v1 =	vld.idx.msk [tilespmem:v50+s23+$0x0], $0xffff  }
0x345: {  	v2 =	vor.u32 v7, v0;
	v8 =	vld.idx.msk [tilespmem:v61+s23+$0x0], $0xffff  }
0x346: {  	v10 =	vor.u32 v59, v33;
	v17 =	vor.u32 v3, v6  }
0x347: {  	v63 =	vor.u32 v7, v15;
	v62 =	vor.u32 v26, v19  }
0x348: {  	v40 =	vor.u32 v59, v18;
	v4 =	vadd.f32 v4, v13  }
0x349: {  	v1 =	vadd.f32 v1, v12  }
0x34a: {  	[tilespmem:v2+s18+$0x0] =	vst.idx.msk $0xffff, v4;
	v2 =	vadd.f32 v8, v35  }
0x34b: {  	v4 =	vld.idx.msk [tilespmem:v10+s23+$0x0], $0xffff;
	[tilespmem:v17+s18+$0x0] =	vst.idx.msk $0xffff, v1  }
0x34c: {  	[tilespmem:v63+s18+$0x0] =	vst.idx.msk $0xffff, v2;
	v1 =	vld.idx.msk [tilespmem:v62+s23+$0x0], $0xffff  }
0x34d: {  	v2 =	vor.u32 v9, v0;
	v8 =	vld.idx.msk [tilespmem:v40+s23+$0x0], $0xffff  }
0x34e: {  	v10 =	vor.u32 v21, v33;
	v17 =	vor.u32 v5, v6  }
0x34f: {  	v43 =	vor.u32 v9, v15;
	v41 =	vor.u32 v27, v19  }
0x350: {  	v44 =	vor.u32 v21, v18;
	v4 =	vadd.f32 v4, v13  }
0x351: {  	v1 =	vadd.f32 v1, v12  }
0x352: {  	[tilespmem:v2+s18+$0x0] =	vst.idx.msk $0xffff, v4;
	v2 =	vadd.f32 v8, v35  }
0x353: {  	v4 =	vld.idx.msk [tilespmem:v10+s23+$0x0], $0xffff;
	[tilespmem:v17+s18+$0x0] =	vst.idx.msk $0xffff, v1  }
0x354: {  	[tilespmem:v43+s18+$0x0] =	vst.idx.msk $0xffff, v2;
	v1 =	vld.idx.msk [tilespmem:v41+s23+$0x0], $0xffff  }
0x355: {  	v2 =	vor.u32 v11, v0;
	v8 =	vld.idx.msk [tilespmem:v44+s23+$0x0], $0xffff  }
0x356: {  	v10 =	vor.u32 v22, v33;
	v17 =	vor.u32 v7, v6  }
0x357: {  	v47 =	vor.u32 v11, v15;
	v46 =	vor.u32 v56, v19  }
0x358: {  	v48 =	vor.u32 v22, v18;
	v4 =	vadd.f32 v4, v13  }
0x359: {  	v1 =	vadd.f32 v1, v12  }
0x35a: {  	[tilespmem:v2+s18+$0x0] =	vst.idx.msk $0xffff, v4;
	v2 =	vadd.f32 v8, v35  }
0x35b: {  	v4 =	vld.idx.msk [tilespmem:v10+s23+$0x0], $0xffff;
	[tilespmem:v17+s18+$0x0] =	vst.idx.msk $0xffff, v1  }
0x35c: {  	[tilespmem:v47+s18+$0x0] =	vst.idx.msk $0xffff, v2;
	v1 =	vld.idx.msk [tilespmem:v46+s23+$0x0], $0xffff  }
0x35d: {  	v2 =	vor.u32 v14, v0;
	v8 =	vld.idx.msk [tilespmem:v48+s23+$0x0], $0xffff  }
0x35e: {  	v10 =	vor.u32 v23, v33;
	v17 =	vor.u32 v9, v6  }
0x35f: {  	v49 =	vor.u32 v57, v19;
	v50 =	vor.u32 v14, v15  }
0x360: {  	v18 =	vor.u32 v23, v18;
	v4 =	vadd.f32 v4, v13  }
0x361: {  	v1 =	vadd.f32 v1, v12  }
0x362: {  	v60 =	vld [tilespmem:$0x1FFA0];
	[tilespmem:v2+s18+$0x0] =	vst.idx.msk $0xffff, v4;
	v2 =	vadd.f32 v8, v35  }
0x363: {  	v4 =	vld.idx.msk [tilespmem:v10+s23+$0x0], $0xffff;
	[tilespmem:v17+s18+$0x0] =	vst.idx.msk $0xffff, v1  }
0x364: {  	v61 =	vand.u32 $0x7, v45;
	v1 =	vor.u32 $0x10, v38;
	[tilespmem:v50+s18+$0x0] =	vst.idx.msk $0xffff, v2;
	v8 =	vld.idx.msk [tilespmem:v49+s23+$0x0], $0xffff  }
0x365: {  	[tilespmem:$0x1FE10] =	vst v38;
	v0 =	vor.u32 v16, v0;
	v46 =	vmovc v38;
	v17 =	vor.u32 $0x20, v31;
	v38 =	vand.u32 $0x1F, v1;
	v10 =	vld.idx.msk [tilespmem:v18+s23+$0x0], $0xffff  }
0x366: {  	v2 =	vor.u32 v11, v6;
	v62 =	vand.u32 $0x28, v17;
	v18 =	vor.u32 v52, v38  }
0x367: {  	v15 =	vor.u32 v16, v15;
	v30 =	vor.u32 v60, v19;
	v44 =	vor.u32 v61, v62  }
0x368: {  	v4 =	vadd.f32 v4, v13;
	v13 =	vor.u32 v52, v44  }
0x369: {  	v8 =	vadd.f32 v8, v12  }
0x36a: {  	[tilespmem:v0+s18+$0x0] =	vst.idx.msk $0xffff, v4;
	v0 =	vadd.f32 v10, v35  }
0x36b: {  	v4 =	vld.idx.msk [tilespmem:v18+s23+$0x0], $0xffff;
	[tilespmem:v2+s18+$0x0] =	vst.idx.msk $0xffff, v8  }
0x36c: {  	v43 =	vshll.u32 v1, $0x7;
	[tilespmem:v15+s18+$0x0] =	vst.idx.msk $0xffff, v0;
	v1 =	vld.idx.msk [tilespmem:v30+s23+$0x0], $0xffff  }
0x36d: {  	v39 =	vperm.xlane v34, v33;
	v0 =	vor.u32 v20, v43;
	v2 =	vld.idx.msk [tilespmem:v13+s23+$0x0], $0xffff  }
0x36e: {  	v40 =	vshll.u32 v17, $0x7;
	v10 =	vor.u32 v14, v6;
	v8 =	vor.u32 v54, v38  }
0x36f: {  	v15 =	vor.u32 v20, v40;
	v13 =	vor.u32 v53, v19  }
0x370: {  	v41 =	vperm.xlane v42, v31;
	v17 =	vor.u32 v54, v44;
	v4 =	vadd.f32 v4, v39  }
0x371: {  	v1 =	vadd.f32 v1, v12  }
0x372: {  	[tilespmem:v0+s18+$0x0] =	vst.idx.msk $0xffff, v4;
	v0 =	vadd.f32 v2, v41  }
0x373: {  	v2 =	vld.idx.msk [tilespmem:v8+s23+$0x0], $0xffff;
	[tilespmem:v10+s18+$0x0] =	vst.idx.msk $0xffff, v1  }
0x374: {  	[tilespmem:v15+s18+$0x0] =	vst.idx.msk $0xffff, v0;
	v1 =	vld.idx.msk [tilespmem:v13+s23+$0x0], $0xffff  }
0x375: {  	v4 =	vor.u32 $0x30, v29;
	v0 =	vor.u32 v3, v43;
	v8 =	vld.idx.msk [tilespmem:v17+s23+$0x0], $0xffff  }
0x376: {  	v6 =	vor.u32 v16, v6;
	v10 =	vor.u32 v55, v38;
	v15 =	vand.u32 $0x38, v4  }
0x377: {  	v13 =	vor.u32 v24, v15;
	v24 =	vmov v15;
	v15 =	vor.u32 v3, v40  }
0x378: {  	v17 =	vor.u32 v55, v44;
	v2 =	vadd.f32 v2, v39  }
0x379: {  	v1 =	vadd.f32 v1, v12  }
0x37a: {  	[tilespmem:v0+s18+$0x0] =	vst.idx.msk $0xffff, v2;
	v0 =	vadd.f32 v8, v41  }
0x37b: {  	s31 =	sor.u32 $0x3, s1;
	v2 =	vld.idx.msk [tilespmem:v10+s23+$0x0], $0xffff;
	[tilespmem:v6+s18+$0x0] =	vst.idx.msk $0xffff, v1  }
0x37c: {  	v63 =	vadd.s32 s31, v20;
	[tilespmem:v15+s18+$0x0] =	vst.idx.msk $0xffff, v0;
	v6 =	vld.idx.msk [tilespmem:v13+s23+$0x0], $0xffff  }
0x37d: {  	[tilespmem:$0x1FE00] =	vst v63;
	v12 =	vshll.u32 v4, $0x7;
	v4 =	vld.idx.msk [tilespmem:v17+s23+$0x0], $0xffff  }
0x37e: {  	v35 =	vand.u32 $0xF, v63;
	v29 =	vld [tilespmem:$0x1FEA0]  }
0x37f: {  	v1 =	vor.u32 v52, v35  }
0x380: {  	v0 =	vor.u32 v5, v43  }
0x381: {  	v8 =	vor.u32 v58, v38  }
0x382: {  	v10 =	vor.u32 v20, v12;
	v13 =	vor.u32 v5, v40  }
0x383: {  	v2 =	vadd.f32 v2, v39;
	v18 =	vperm.xlane v29, v28;
	v28 =	vmovc v12;
	v12 =	vor.u32 v25, v24  }
0x384: {  	v15 =	vor.u32 v58, v44;
	v1 =	vld.idx.msk [tilespmem:v1+s23+$0x0], $0xffff  }
0x385: {  	v49 =	vshll.u32 v35, $0x7;
	[tilespmem:v0+s18+$0x0] =	vst.idx.msk $0xffff, v2;
	v6 =	vadd.f32 v6, v18  }
0x386: {  	v0 =	vadd.f32 v4, v41;
	v4 =	vor.u32 v20, v49;
	v2 =	vld.idx.msk [tilespmem:v8+s23+$0x0], $0xffff  }
0x387: {  	v36 =	vperm.xlane v51, v35;
	[tilespmem:v10+s18+$0x0] =	vst.idx.msk $0xffff, v6;
	v6 =	vor.u32 v54, v35  }
0x388: {  	[tilespmem:v13+s18+$0x0] =	vst.idx.msk $0xffff, v0;
	v0 =	vor.u32 v7, v43;
	v8 =	vld.idx.msk [tilespmem:v12+s23+$0x0], $0xffff  }
0x389: {  	v10 =	vld.idx.msk [tilespmem:v15+s23+$0x0], $0xffff;
	v1 =	vadd.f32 v1, v36;
	v12 =	vor.u32 v59, v38  }
0x38a: {  	v17 =	vor.u32 v7, v40;
	v13 =	vor.u32 v3, v28  }
0x38b: {  	v15 =	vor.u32 v26, v24;
	v2 =	vadd.f32 v2, v39;
	[tilespmem:v4+s18+$0x0] =	vst.idx.msk $0xffff, v1  }
0x38c: {  	v1 =	vor.u32 v59, v44;
	v4 =	vld.idx.msk [tilespmem:v6+s23+$0x0], $0xffff  }
0x38d: {  	[tilespmem:v0+s18+$0x0] =	vst.idx.msk $0xffff, v2;
	v6 =	vadd.f32 v8, v18  }
0x38e: {  	v0 =	vadd.f32 v10, v41;
	v2 =	vld.idx.msk [tilespmem:v12+s23+$0x0], $0xffff;
	v8 =	vor.u32 v3, v49  }
0x38f: {  	[tilespmem:v13+s18+$0x0] =	vst.idx.msk $0xffff, v6;
	v6 =	vor.u32 v55, v35  }
0x390: {  	[tilespmem:v17+s18+$0x0] =	vst.idx.msk $0xffff, v0;
	v0 =	vor.u32 v9, v43;
	v10 =	vld.idx.msk [tilespmem:v15+s23+$0x0], $0xffff  }
0x391: {  	v12 =	vor.u32 v21, v38;
	v1 =	vld.idx.msk [tilespmem:v1+s23+$0x0], $0xffff;
	v4 =	vadd.f32 v4, v36  }
0x392: {  	v17 =	vor.u32 v9, v40;
	v13 =	vor.u32 v5, v28  }
0x393: {  	v15 =	vor.u32 v27, v24;
	v2 =	vadd.f32 v2, v39;
	[tilespmem:v8+s18+$0x0] =	vst.idx.msk $0xffff, v4  }
0x394: {  	v4 =	vor.u32 v21, v44;
	v6 =	vld.idx.msk [tilespmem:v6+s23+$0x0], $0xffff  }
0x395: {  	[tilespmem:v0+s18+$0x0] =	vst.idx.msk $0xffff, v2;
	v8 =	vadd.f32 v10, v18  }
0x396: {  	v0 =	vadd.f32 v1, v41;
	v2 =	vor.u32 v5, v49;
	v1 =	vld.idx.msk [tilespmem:v12+s23+$0x0], $0xffff  }
0x397: {  	[tilespmem:v13+s18+$0x0] =	vst.idx.msk $0xffff, v8;
	v8 =	vor.u32 v58, v35  }
0x398: {  	[tilespmem:v17+s18+$0x0] =	vst.idx.msk $0xffff, v0;
	v0 =	vor.u32 v11, v43;
	v10 =	vld.idx.msk [tilespmem:v15+s23+$0x0], $0xffff  }
0x399: {  	v12 =	vor.u32 v22, v38;
	v4 =	vld.idx.msk [tilespmem:v4+s23+$0x0], $0xffff;
	v6 =	vadd.f32 v6, v36  }
0x39a: {  	v17 =	vor.u32 v11, v40;
	v13 =	vor.u32 v7, v28  }
0x39b: {  	v15 =	vor.u32 v56, v24;
	v1 =	vadd.f32 v1, v39;
	[tilespmem:v2+s18+$0x0] =	vst.idx.msk $0xffff, v6  }
0x39c: {  	v2 =	vor.u32 v22, v44;
	v6 =	vld.idx.msk [tilespmem:v8+s23+$0x0], $0xffff  }
0x39d: {  	[tilespmem:v0+s18+$0x0] =	vst.idx.msk $0xffff, v1;
	v8 =	vadd.f32 v10, v18  }
0x39e: {  	v0 =	vadd.f32 v4, v41;
	v1 =	vld.idx.msk [tilespmem:v12+s23+$0x0], $0xffff;
	v4 =	vor.u32 v7, v49  }
0x39f: {  	[tilespmem:v13+s18+$0x0] =	vst.idx.msk $0xffff, v8;
	v8 =	vor.u32 v59, v35  }
0x3a0: {  	[tilespmem:v17+s18+$0x0] =	vst.idx.msk $0xffff, v0;
	v0 =	vor.u32 v14, v43;
	v10 =	vld.idx.msk [tilespmem:v15+s23+$0x0], $0xffff  }
0x3a1: {  	v2 =	vld.idx.msk [tilespmem:v2+s23+$0x0], $0xffff;
	v6 =	vadd.f32 v6, v36  }
0x3a2: {  	s31 =	sor.u32 $0x4, s1;
	v12 =	vor.u32 v23, v38;
	v13 =	vor.u32 v9, v28;
	v17 =	vor.u32 v14, v40  }
0x3a3: {  	v37 =	vadd.s32 s31, v20;
	v15 =	vor.u32 v57, v24;
	v1 =	vadd.f32 v1, v39;
	[tilespmem:v4+s18+$0x0] =	vst.idx.msk $0xffff, v6  }
0x3a4: {  	v38 =	vand.u32 $0xF, v37;
	v4 =	vld.idx.msk [tilespmem:v8+s23+$0x0], $0xffff  }
0x3a5: {  	v6 =	vor.u32 v52, v38;
	[tilespmem:v0+s18+$0x0] =	vst.idx.msk $0xffff, v1;
	v8 =	vadd.f32 v10, v18  }
0x3a6: {  	v10 =	vor.u32 v23, v44;
	v0 =	vadd.f32 v2, v41;
	v2 =	vor.u32 v9, v49  }
0x3a7: {  	v1 =	vld.idx.msk [tilespmem:v12+s23+$0x0], $0xffff;
	v12 =	vor.u32 v21, v35;
	[tilespmem:v13+s18+$0x0] =	vst.idx.msk $0xffff, v8;
	v8 =	vor.u32 $0x20, v33  }
0x3a8: {  	[tilespmem:v17+s18+$0x0] =	vst.idx.msk $0xffff, v0;
	v0 =	vand.u32 $0x7, v46;
	v13 =	vld.idx.msk [tilespmem:v15+s23+$0x0], $0xffff;
	v15 =	vand.u32 $0x28, v8  }
0x3a9: {  	v47 =	vor.u32 v0, v15;
	v0 =	vadd.f32 v4, v36  }
0x3aa: {  	v4 =	vld.idx.msk [tilespmem:v6+s23+$0x0], $0xffff  }
0x3ab: {  	v17 =	vor.u32 v16, v43;
	v6 =	vld.idx.msk [tilespmem:v10+s23+$0x0], $0xffff;
	[tilespmem:v2+s18+$0x0] =	vst.idx.msk $0xffff, v0  }
0x3ac: {  	v2 =	vld.idx.msk [tilespmem:v12+s23+$0x0], $0xffff  }
0x3ad: {  	v12 =	vld [tilespmem:$0x1FFD0]  }
0x3ae: {  	v54 =	vshll.u32 v38, $0x7;
	v1 =	vadd.f32 v1, v39;
	v60 =	vadd.f32 v13, v18;
	v13 =	vld [tilespmem:$0x1FFC0]  }
0x3af: {  	v10 =	vor.u32 v52, v47;
	v0 =	vor.u32 v20, v54  }
0x3b0: {  	s31 =	sor.u32 $0x5, s1;
	v52 =	vperm.xlane v51, v38;
	[tilespmem:v17+s18+$0x0] =	vst.idx.msk $0xffff, v1;
	v17 =	vor.u32 v16, v40  }
0x3b1: {  	v43 =	vadd.s32 s31, v20;
	v1 =	vor.u32 v11, v49  }
0x3b2: {  	v39 =	vand.u32 $0xF, v43;
	v4 =	vadd.f32 v4, v52;
	v12 =	vor.u32 v12, v38  }
0x3b3: {  	[tilespmem:$0x1FE60] =	vst v18;
	v6 =	vadd.f32 v6, v41;
	v13 =	vor.u32 v13, v39  }
0x3b4: {  	v18 =	vld [tilespmem:$0x1FFC0];
	[tilespmem:v0+s18+$0x0] =	vst.idx.msk $0xffff, v4;
	v0 =	vadd.f32 v2, v36  }
0x3b5: {  	v15 =	vor.u32 v22, v35;
	[tilespmem:v17+s18+$0x0] =	vst.idx.msk $0xffff, v6;
	v6 =	vld [tilespmem:$0x1FFD0]  }
0x3b6: {  	[tilespmem:v1+s18+$0x0] =	vst.idx.msk $0xffff, v0;
	v1 =	vld [tilespmem:$0x1FFC0]  }
0x3b7: {  	v2 =	vld.idx.msk [tilespmem:v12+s23+$0x0], $0xffff  }
0x3b8: {  	v61 =	vor.u32 $0x30, v45;
	v4 =	vld.idx.msk [tilespmem:v13+s23+$0x0], $0xffff  }
0x3b9: {  	v30 =	vand.u32 $0x3F, v61;
	v57 =	vshll.u32 v39, $0x7;
	v12 =	vld [tilespmem:$0x1FFC0]  }
0x3ba: {  	v18 =	vor.u32 v18, v30;
	v13 =	vld.idx.msk [tilespmem:v15+s23+$0x0], $0xffff;
	v15 =	vor.u32 v20, v57  }
0x3bb: {  	s31 =	sor.u32 $0x6, s1;
	v56 =	vperm.xlane v51, v39;
	v6 =	vor.u32 v6, v39  }
0x3bc: {  	v45 =	vadd.s32 s31, v20;
	s31 =	sor.u32 $0x7, s1  }
0x3bd: {  	v25 =	vld [tilespmem:$0x1FFE0];
	v44 =	vadd.s32 s31, v20;
	v41 =	vand.u32 $0xF, v45;
	v4 =	vadd.f32 v4, v56  }
0x3be: {  	[tilespmem:$0x1FE40] =	vst v24;
	v24 =	vld [tilespmem:$0x1FFD0];
	v48 =	vshll.u32 v8, $0x7;
	v40 =	vand.u32 $0xF, v44;
	v12 =	vor.u32 v12, v41  }
0x3bf: {  	v0 =	vor.u32 v3, v54;
	v8 =	vld.idx.msk [tilespmem:v18+s23+$0x0], $0xffff;
	v1 =	vor.u32 v1, v40;
	[tilespmem:v15+s18+$0x0] =	vst.idx.msk $0xffff, v4  }
0x3c0: {  	v4 =	vld.idx.msk [tilespmem:v6+s23+$0x0], $0xffff  }
0x3c1: {  	v17 =	vor.u32 v14, v49;
	v18 =	vor.u32 v55, v38;
	v6 =	vld [tilespmem:$0x1FFD0]  }
0x3c2: {  	v50 =	vor.u32 v23, v35;
	v2 =	vadd.f32 v2, v52;
	v15 =	vld [tilespmem:$0x1FFD0]  }
0x3c3: {  	v31 =	vperm.xlane v29, v31;
	v62 =	vor.u32 v24, v47;
	v24 =	vor.u32 v32, v39;
	v12 =	vld.idx.msk [tilespmem:v12+s23+$0x0], $0xffff  }
0x3c4: {  	v58 =	vshll.u32 v41, $0x7;
	[tilespmem:v0+s18+$0x0] =	vst.idx.msk $0xffff, v2;
	v0 =	vld.idx.msk [tilespmem:v1+s23+$0x0], $0xffff;
	v1 =	vadd.f32 v13, v36  }
0x3c5: {  	v59 =	vshll.u32 v40, $0x7;
	v10 =	vld.idx.msk [tilespmem:v10+s23+$0x0], $0xffff;
	v53 =	vperm.xlane v51, v41;
	v2 =	vor.u32 v20, v58  }
0x3c6: {  	v13 =	vor.u32 v20, v59;
	[tilespmem:v17+s18+$0x0] =	vst.idx.msk $0xffff, v1;
	v1 =	vld.idx.msk [tilespmem:v18+s23+$0x0], $0xffff;
	v6 =	vor.u32 v6, v41  }
0x3c7: {  	v55 =	vperm.xlane v51, v40;
	v18 =	vld.idx.msk [tilespmem:v50+s23+$0x0], $0xffff;
	v50 =	vor.u32 v3, v57;
	v15 =	vor.u32 v15, v40  }
0x3c8: {  	v17 =	vor.u32 $0x10, v63;
	v63 =	vor.u32 v5, v54;
	v12 =	vadd.f32 v12, v53  }
0x3c9: {  	v26 =	vld [tilespmem:$0x1FFF0];
	v25 =	vor.u32 v25, v38;
	v19 =	vor.u32 v20, v48;
	v0 =	vadd.f32 v0, v55  }
0x3ca: {  	v46 =	vperm.xlane v42, v33;
	v4 =	vadd.f32 v4, v56;
	[tilespmem:v2+s18+$0x0] =	vst.idx.msk $0xffff, v12;
	v2 =	vld [tilespmem:$0x1FFC0]  }
0x3cb: {  	v49 =	vor.u32 v16, v49;
	[tilespmem:v13+s18+$0x0] =	vst.idx.msk $0xffff, v0;
	v1 =	vadd.f32 v1, v52;
	v6 =	vld.idx.msk [tilespmem:v6+s23+$0x0], $0xffff  }
0x3cc: {  	v10 =	vadd.f32 v10, v46;
	v0 =	vadd.f32 v8, v31;
	[tilespmem:v50+s18+$0x0] =	vst.idx.msk $0xffff, v4;
	v8 =	vld.idx.msk [tilespmem:v15+s23+$0x0], $0xffff  }
0x3cd: {  	v4 =	vor.u32 v3, v58;
	[tilespmem:v63+s18+$0x0] =	vst.idx.msk $0xffff, v1;
	v1 =	vld.idx.msk [tilespmem:v24+s23+$0x0], $0xffff  }
0x3ce: {  	[tilespmem:v19+s18+$0x0] =	vst.idx.msk $0xffff, v10;
	v51 =	vand.u32 $0x1F, v17;
	v12 =	vadd.f32 v18, v36;
	v24 =	vld [tilespmem:$0x1FFE0];
	v15 =	vor.u32 v3, v59  }
0x3cf: {  	v10 =	vld.idx.msk [tilespmem:v62+s23+$0x0], $0xffff;
	v13 =	vor.u32 v32, v41;
	v50 =	vshll.u32 v17, $0x7;
	v2 =	vor.u32 v2, v51  }
0x3d0: {  	v17 =	vor.u32 v5, v57;
	[tilespmem:v49+s18+$0x0] =	vst.idx.msk $0xffff, v12;
	v12 =	vld.idx.msk [tilespmem:v25+s23+$0x0], $0xffff;
	v6 =	vadd.f32 v6, v53  }
0x3d1: {  	v63 =	vor.u32 v26, v38;
	v26 =	vld [tilespmem:$0x1FFF0];
	v18 =	vor.u32 v32, v40;
	v8 =	vadd.f32 v8, v55  }
0x3d2: {  	v19 =	vor.u32 v7, v54;
	[tilespmem:v4+s18+$0x0] =	vst.idx.msk $0xffff, v6;
	v4 =	vld [tilespmem:$0x1FFD0]  }
0x3d3: {  	v24 =	vor.u32 v24, v39;
	[tilespmem:v15+s18+$0x0] =	vst.idx.msk $0xffff, v8;
	v15 =	vld [tilespmem:$0x1FFE0]  }
0x3d4: {  	v1 =	vadd.f32 v1, v56;
	v2 =	vld.idx.msk [tilespmem:v2+s23+$0x0], $0xffff  }
0x3d5: {  	v12 =	vadd.f32 v12, v52;
	v6 =	vld.idx.msk [tilespmem:v13+s23+$0x0], $0xffff  }
0x3d6: {  	v49 =	vperm.xlane v34, v35;
	v25 =	vor.u32 v20, v50;
	[tilespmem:v17+s18+$0x0] =	vst.idx.msk $0xffff, v1;
	v13 =	vld.idx.msk [tilespmem:v18+s23+$0x0], $0xffff  }
0x3d7: {  	[tilespmem:v19+s18+$0x0] =	vst.idx.msk $0xffff, v12;
	v19 =	vld [tilespmem:$0x1FFE0];
	v18 =	vor.u32 v3, v48;
	v4 =	vor.u32 v4, v51  }
0x3d8: {  	v17 =	vor.u32 v5, v59;
	v12 =	vld.idx.msk [tilespmem:v24+s23+$0x0], $0xffff;
	v24 =	vor.u32 v32, v47  }
0x3d9: {  	v2 =	vadd.f32 v2, v49  }
0x3da: {  	v62 =	vor.u32 v9, v54;
	v10 =	vadd.f32 v10, v46;
	v1 =	vor.u32 v5, v58  }
0x3db: {  	v15 =	vor.u32 v15, v41;
	v13 =	vadd.f32 v13, v55;
	[tilespmem:v25+s18+$0x0] =	vst.idx.msk $0xffff, v2;
	v2 =	vld.idx.msk [tilespmem:v63+s23+$0x0], $0xffff  }
0x3dc: {  	v19 =	vor.u32 v19, v40;
	[tilespmem:v18+s18+$0x0] =	vst.idx.msk $0xffff, v10;
	v25 =	vor.u32 v7, v57;
	v4 =	vld.idx.msk [tilespmem:v4+s23+$0x0], $0xffff  }
0x3dd: {  	v6 =	vadd.f32 v6, v53;
	v63 =	vor.u32 v26, v39;
	[tilespmem:v17+s18+$0x0] =	vst.idx.msk $0xffff, v13;
	v13 =	vld.idx.msk [tilespmem:v24+s23+$0x0], $0xffff  }
0x3de: {  	v26 =	vor.u32 v3, v50;
	v24 =	vld [tilespmem:$0x1FFD0]  }
0x3df: {  	v12 =	vadd.f32 v12, v56;
	[tilespmem:v1+s18+$0x0] =	vst.idx.msk $0xffff, v6;
	v1 =	vor.u32 v21, v38;
	v17 =	vld [tilespmem:$0x1FFF0]  }
0x3e0: {  	v36 =	vshll.u32 v61, $0x7;
	v6 =	vor.u32 v32, v51;
	v15 =	vld.idx.msk [tilespmem:v15+s23+$0x0], $0xffff;
	v2 =	vadd.f32 v2, v52  }
0x3e1: {  	v10 =	vld.idx.msk [tilespmem:v19+s23+$0x0], $0xffff;
	v19 =	vor.u32 v20, v36;
	[tilespmem:v25+s18+$0x0] =	vst.idx.msk $0xffff, v12;
	v4 =	vadd.f32 v4, v49  }
0x3e2: {  	v12 =	vor.u32 v7, v58;
	[tilespmem:v62+s18+$0x0] =	vst.idx.msk $0xffff, v2;
	v2 =	vld.idx.msk [tilespmem:v63+s23+$0x0], $0xffff  }
0x3e3: {  	v18 =	vor.u32 v7, v59;
	v24 =	vor.u32 v24, v30;
	[tilespmem:v26+s18+$0x0] =	vst.idx.msk $0xffff, v4;
	v4 =	vld [tilespmem:$0x1FFF0]  }
0x3e4: {  	v61 =	vor.u32 v21, v39;
	v1 =	vld.idx.msk [tilespmem:v1+s23+$0x0], $0xffff  }
0x3e5: {  	v17 =	vor.u32 v17, v41;
	v25 =	vor.u32 v9, v57;
	v15 =	vadd.f32 v15, v53;
	v6 =	vld.idx.msk [tilespmem:v6+s23+$0x0], $0xffff  }
0x3e6: {  	v10 =	vadd.f32 v10, v55;
	[tilespmem:v19+s18+$0x0] =	vst.idx.msk $0xffff, v0;
	v26 =	vor.u32 v11, v54  }
0x3e7: {  	v62 =	vor.u32 v5, v50;
	[tilespmem:v12+s18+$0x0] =	vst.idx.msk $0xffff, v15;
	v12 =	vor.u32 v22, v38;
	v15 =	vld [tilespmem:$0x1FFE0]  }
0x3e8: {  	[tilespmem:v18+s18+$0x0] =	vst.idx.msk $0xffff, v10;
	v10 =	vld.idx.msk [tilespmem:v24+s23+$0x0], $0xffff;
	v2 =	vadd.f32 v2, v56;
	v4 =	vor.u32 v4, v40  }
0x3e9: {  	v24 =	vld [tilespmem:$0x1FFE0];
	v1 =	vadd.f32 v1, v52  }
0x3ea: {  	v17 =	vld.idx.msk [tilespmem:v17+s23+$0x0], $0xffff;
	[tilespmem:v25+s18+$0x0] =	vst.idx.msk $0xffff, v2;
	v6 =	vadd.f32 v6, v49  }
0x3eb: {  	v19 =	vor.u32 v5, v48;
	[tilespmem:v26+s18+$0x0] =	vst.idx.msk $0xffff, v1;
	v1 =	vld.idx.msk [tilespmem:v61+s23+$0x0], $0xffff  }
0x3ec: {  	v2 =	vor.u32 v9, v58;
	v15 =	vor.u32 v15, v51;
	[tilespmem:v62+s18+$0x0] =	vst.idx.msk $0xffff, v6;
	v6 =	vld.idx.msk [tilespmem:v12+s23+$0x0], $0xffff  }
0x3ed: {  	v8 =	vor.u32 v11, v28;
	v25 =	vor.u32 v11, v57;
	v4 =	vld.idx.msk [tilespmem:v4+s23+$0x0], $0xffff  }
0x3ee: {  	v0 =	vadd.f32 v13, v46;
	v13 =	vor.u32 v21, v41;
	v26 =	vor.u32 v14, v54  }
0x3ef: {  	v18 =	vor.u32 v9, v59;
	v61 =	vor.u32 v22, v39;
	v17 =	vadd.f32 v17, v53  }
0x3f0: {  	v27 =	vld [tilespmem:$0x1FFC0];
	[tilespmem:v19+s18+$0x0] =	vst.idx.msk $0xffff, v0;
	v12 =	vor.u32 v21, v40;
	v1 =	vadd.f32 v1, v56  }
0x3f1: {  	[tilespmem:v2+s18+$0x0] =	vst.idx.msk $0xffff, v17;
	v2 =	vor.u32 v23, v38;
	v15 =	vld.idx.msk [tilespmem:v15+s23+$0x0], $0xffff;
	v0 =	vadd.f32 v6, v52  }
0x3f2: {  	v24 =	vor.u32 v24, v47;
	v17 =	vld [tilespmem:$0x1FFF0];
	[tilespmem:v25+s18+$0x0] =	vst.idx.msk $0xffff, v1;
	v4 =	vadd.f32 v4, v55  }
0x3f3: {  	v13 =	vld.idx.msk [tilespmem:v13+s23+$0x0], $0xffff;
	[tilespmem:v26+s18+$0x0] =	vst.idx.msk $0xffff, v0  }
0x3f4: {  	v62 =	vor.u32 v7, v50;
	v0 =	vld.idx.msk [tilespmem:v61+s23+$0x0], $0xffff;
	[tilespmem:v18+s18+$0x0] =	vst.idx.msk $0xffff, v4  }
0x3f5: {  	v1 =	vor.u32 v11, v58;
	v6 =	vld.idx.msk [tilespmem:v12+s23+$0x0], $0xffff  }
0x3f6: {  	v2 =	vld.idx.msk [tilespmem:v2+s23+$0x0], $0xffff;
	v12 =	vadd.f32 v15, v49;
	v15 =	vor.u32 v22, v41  }
0x3f7: {  	[tilespmem:v8+s18+$0x0] =	vst.idx.msk $0xffff, v60;
	v4 =	vadd.f32 v10, v31;
	v10 =	vld.idx.msk [tilespmem:v24+s23+$0x0], $0xffff;
	v18 =	vor.u32 v11, v59  }
0x3f8: {  	v25 =	vor.u32 v14, v57;
	v17 =	vor.u32 v17, v51;
	v13 =	vadd.f32 v13, v53  }
0x3f9: {  	v8 =	vor.u32 v23, v39;
	v24 =	vor.u32 v16, v54;
	[tilespmem:v62+s18+$0x0] =	vst.idx.msk $0xffff, v12;
	v12 =	vor.u32 $0x10, v37  }
0x3fa: {  	v19 =	vor.u32 v22, v40;
	[tilespmem:v1+s18+$0x0] =	vst.idx.msk $0xffff, v13;
	v54 =	vand.u32 $0x1F, v12;
	v6 =	vadd.f32 v6, v55  }
0x3fb: {  	v0 =	vadd.f32 v0, v56;
	v2 =	vadd.f32 v2, v52;
	v60 =	vor.u32 v27, v54;
	v13 =	vld.idx.msk [tilespmem:v15+s23+$0x0], $0xffff  }
0x3fc: {  	[tilespmem:v18+s18+$0x0] =	vst.idx.msk $0xffff, v6;
	v6 =	vadd.f32 v10, v46;
	v10 =	vor.u32 v7, v48  }
0x3fd: {  	v17 =	vld.idx.msk [tilespmem:v17+s23+$0x0], $0xffff;
	[tilespmem:v25+s18+$0x0] =	vst.idx.msk $0xffff, v0;
	v0 =	vor.u32 v14, v58  }
0x3fe: {  	v26 =	vor.u32 v3, v36;
	[tilespmem:v24+s18+$0x0] =	vst.idx.msk $0xffff, v2;
	v2 =	vld.idx.msk [tilespmem:v8+s23+$0x0], $0xffff  }
0x3ff: {  	v15 =	vld.idx.msk [tilespmem:v19+s23+$0x0], $0xffff  }
0x400: {  	v24 =	vld.idx.msk [tilespmem:v60+s23+$0x0], $0xffff;
	v13 =	vadd.f32 v13, v53  }
0x401: {  	v8 =	vor.u32 v23, v41;
	[tilespmem:v10+s18+$0x0] =	vst.idx.msk $0xffff, v6;
	v6 =	vld [tilespmem:$0x1FFC0]  }
0x402: {  	v19 =	vor.u32 v9, v50;
	[tilespmem:v0+s18+$0x0] =	vst.idx.msk $0xffff, v13;
	v0 =	vld [tilespmem:$0x1FFD0]  }
0x403: {  	[tilespmem:v26+s18+$0x0] =	vst.idx.msk $0xffff, v4;
	v4 =	vor.u32 v16, v57;
	v57 =	vshll.u32 v12, $0x7;
	v18 =	vor.u32 v14, v59  }
0x404: {  	[tilespmem:$0x1FE30] =	vst v43;
	v52 =	vperm.xlane v34, v38;
	v27 =	vmovc v43;
	v25 =	vor.u32 $0x10, v43;
	v43 =	vor.u32 v23, v40  }
0x405: {  	v12 =	vor.u32 v20, v57;
	v62 =	vand.u32 $0x1F, v25;
	v17 =	vadd.f32 v17, v49  }
0x406: {  	v2 =	vadd.f32 v2, v56;
	v10 =	vadd.f32 v15, v55;
	v8 =	vld.idx.msk [tilespmem:v8+s23+$0x0], $0xffff;
	v6 =	vor.u32 v6, v62  }
0x407: {  	[tilespmem:v19+s18+$0x0] =	vst.idx.msk $0xffff, v17;
	v13 =	vadd.f32 v24, v52;
	v24 =	vld [tilespmem:$0x1FFC0];
	v0 =	vor.u32 v0, v54  }
0x408: {  	v17 =	vld [tilespmem:$0x1FFD0];
	[tilespmem:v18+s18+$0x0] =	vst.idx.msk $0xffff, v10  }
0x409: {  	[tilespmem:v4+s18+$0x0] =	vst.idx.msk $0xffff, v2;
	v18 =	vld.idx.msk [tilespmem:v43+s23+$0x0], $0xffff  }
0x40a: {  	v1 =	vor.u32 v32, v30;
	v2 =	vor.u32 v16, v58;
	v15 =	vor.u32 $0x10, v45;
	[tilespmem:v12+s18+$0x0] =	vst.idx.msk $0xffff, v13;
	v12 =	vld [tilespmem:$0x1FFC0]  }
0x40b: {  	v26 =	vor.u32 v16, v59;
	v56 =	vand.u32 $0x1F, v15;
	v6 =	vld.idx.msk [tilespmem:v6+s23+$0x0], $0xffff  }
0x40c: {  	v61 =	vshll.u32 v25, $0x7;
	v24 =	vor.u32 v24, v56;
	v0 =	vld.idx.msk [tilespmem:v0+s23+$0x0], $0xffff  }
0x40d: {  	v25 =	vor.u32 v3, v57;
	v13 =	vor.u32 v20, v61;
	v8 =	vadd.f32 v8, v53  }
0x40e: {  	v4 =	vor.u32 $0x10, v44;
	v58 =	vperm.xlane v34, v39;
	v18 =	vadd.f32 v18, v55  }
0x40f: {  	v1 =	vld.idx.msk [tilespmem:v1+s23+$0x0], $0xffff;
	v60 =	vand.u32 $0x1F, v4;
	v10 =	vor.u32 v21, v51;
	[tilespmem:v2+s18+$0x0] =	vst.idx.msk $0xffff, v8  }
0x410: {  	v12 =	vor.u32 v12, v60;
	[tilespmem:v26+s18+$0x0] =	vst.idx.msk $0xffff, v18;
	v18 =	vld [tilespmem:$0x1FFF0];
	v6 =	vadd.f32 v6, v58  }
0x411: {  	v17 =	vor.u32 v17, v62;
	v8 =	vld.idx.msk [tilespmem:v24+s23+$0x0], $0xffff;
	v0 =	vadd.f32 v0, v52  }
0x412: {  	v63 =	vshll.u32 v15, $0x7;
	v2 =	vor.u32 v32, v54;
	[tilespmem:v13+s18+$0x0] =	vst.idx.msk $0xffff, v6;
	v13 =	vld [tilespmem:$0x1FFD0]  }
0x413: {  	v6 =	vor.u32 v20, v63;
	[tilespmem:v25+s18+$0x0] =	vst.idx.msk $0xffff, v0;
	v0 =	vld [tilespmem:$0x1FFD0]  }
0x414: {  	v19 =	vor.u32 v5, v36;
	v53 =	vperm.xlane v34, v41;
	v10 =	vld.idx.msk [tilespmem:v10+s23+$0x0], $0xffff  }
0x415: {  	v12 =	vld.idx.msk [tilespmem:v12+s23+$0x0], $0xffff;
	v18 =	vor.u32 v18, v47  }
0x416: {  	v59 =	vshll.u32 v4, $0x7;
	v8 =	vadd.f32 v8, v53;
	v4 =	vld.idx.msk [tilespmem:v17+s23+$0x0], $0xffff  }
0x417: {  	v1 =	vadd.f32 v1, v31;
	v15 =	vor.u32 v20, v59;
	v2 =	vld.idx.msk [tilespmem:v2+s23+$0x0], $0xffff;
	v13 =	vor.u32 v13, v56  }
0x418: {  	v55 =	vperm.xlane v34, v40;
	v0 =	vor.u32 v0, v60;
	[tilespmem:v6+s18+$0x0] =	vst.idx.msk $0xffff, v8;
	v6 =	vld [tilespmem:$0x1FFE0]  }
0x419: {  	[tilespmem:v19+s18+$0x0] =	vst.idx.msk $0xffff, v1;
	v25 =	vor.u32 v3, v61  }
0x41a: {  	v24 =	vor.u32 v11, v50;
	v12 =	vadd.f32 v12, v55;
	v1 =	vld.idx.msk [tilespmem:v18+s23+$0x0], $0xffff;
	v18 =	vor.u32 v32, v62  }
0x41b: {  	v19 =	vor.u32 v5, v57;
	v17 =	vor.u32 v22, v51  }
0x41c: {  	[tilespmem:v15+s18+$0x0] =	vst.idx.msk $0xffff, v12;
	v12 =	vor.u32 v9, v48;
	v4 =	vadd.f32 v4, v58;
	v8 =	vld.idx.msk [tilespmem:v13+s23+$0x0], $0xffff  }
0x41d: {  	v10 =	vadd.f32 v10, v49;
	v2 =	vadd.f32 v2, v52;
	v6 =	vor.u32 v6, v54;
	v0 =	vld.idx.msk [tilespmem:v0+s23+$0x0], $0xffff  }
0x41e: {  	v43 =	vld [tilespmem:$0x1FE00];
	[tilespmem:v25+s18+$0x0] =	vst.idx.msk $0xffff, v4;
	v4 =	vor.u32 v3, v63;
	v13 =	vor.u32 v21, v47  }
0x41f: {  	[tilespmem:v24+s18+$0x0] =	vst.idx.msk $0xffff, v10;
	v1 =	vadd.f32 v1, v46;
	v15 =	vld.idx.msk [tilespmem:v18+s23+$0x0], $0xffff;
	v18 =	vor.u32 v3, v59  }
0x420: {  	v10 =	vld.idx.msk [tilespmem:v17+s23+$0x0], $0xffff;
	v17 =	vor.u32 v32, v56;
	[tilespmem:v19+s18+$0x0] =	vst.idx.msk $0xffff, v2  }
0x421: {  	[tilespmem:v12+s18+$0x0] =	vst.idx.msk $0xffff, v1;
	v1 =	vld [tilespmem:$0x1FFE0];
	v8 =	vadd.f32 v8, v53  }
0x422: {  	v6 =	vld.idx.msk [tilespmem:v6+s23+$0x0], $0xffff;
	v0 =	vadd.f32 v0, v55  }
0x423: {  	v12 =	vld.idx.msk [tilespmem:v13+s23+$0x0], $0xffff;
	[tilespmem:v4+s18+$0x0] =	vst.idx.msk $0xffff, v8  }
0x424: {  	v24 =	vor.u32 v14, v50;
	[tilespmem:v18+s18+$0x0] =	vst.idx.msk $0xffff, v0;
	v0 =	vld [tilespmem:$0x1FFA0]  }
0x425: {  	v25 =	vor.u32 v5, v61;
	v8 =	vadd.f32 v15, v58;
	v15 =	vld.idx.msk [tilespmem:v17+s23+$0x0], $0xffff  }
0x426: {  	v13 =	vor.u32 v7, v57;
	v17 =	vld [tilespmem:$0x1FE40]  }
0x427: {  	v10 =	vadd.f32 v10, v49;
	v4 =	vld [tilespmem:$0x1FFF0]  }
0x428: {  	v19 =	vor.u32 v23, v51  }
0x429: {  	[tilespmem:v24+s18+$0x0] =	vst.idx.msk $0xffff, v10;
	v1 =	vor.u32 v1, v62;
	v18 =	vld [tilespmem:$0x1FFE0];
	v6 =	vadd.f32 v6, v52  }
0x42a: {  	v2 =	vor.u32 v32, v60;
	[tilespmem:v25+s18+$0x0] =	vst.idx.msk $0xffff, v8;
	v25 =	vor.u32 $0x20, v35  }
0x42b: {  	[tilespmem:v13+s18+$0x0] =	vst.idx.msk $0xffff, v6;
	v13 =	vand.u32 $0x28, v25;
	v0 =	vor.u32 v0, v17;
	v17 =	vand.u32 $0x7, v43  }
0x42c: {  	v24 =	vor.u32 v16, v50;
	v4 =	vor.u32 v4, v54;
	v50 =	vor.u32 v17, v13;
	v13 =	vld [tilespmem:$0x1FFF0]  }
0x42d: {  	v10 =	vld.idx.msk [tilespmem:v19+s23+$0x0], $0xffff;
	v8 =	vor.u32 v5, v63  }
0x42e: {  	v1 =	vld.idx.msk [tilespmem:v1+s23+$0x0], $0xffff;
	v18 =	vor.u32 v18, v56  }
0x42f: {  	v6 =	vld [tilespmem:$0x1FFE0]  }
0x430: {  	v26 =	vor.u32 v7, v61;
	v2 =	vld.idx.msk [tilespmem:v2+s23+$0x0], $0xffff;
	v15 =	vadd.f32 v15, v53  }
0x431: {  	v4 =	vld.idx.msk [tilespmem:v4+s23+$0x0], $0xffff;
	v13 =	vor.u32 v13, v62  }
0x432: {  	v19 =	vor.u32 v5, v59;
	v17 =	vld [tilespmem:$0x1FFC0];
	[tilespmem:v8+s18+$0x0] =	vst.idx.msk $0xffff, v15  }
0x433: {  	v8 =	vor.u32 v9, v57;
	v1 =	vadd.f32 v1, v58;
	v18 =	vld.idx.msk [tilespmem:v18+s23+$0x0], $0xffff  }
0x434: {  	v10 =	vadd.f32 v10, v49;
	v6 =	vor.u32 v6, v60  }
0x435: {  	v2 =	vadd.f32 v2, v55;
	[tilespmem:v26+s18+$0x0] =	vst.idx.msk $0xffff, v1;
	v1 =	vor.u32 v7, v63  }
0x436: {  	[tilespmem:v24+s18+$0x0] =	vst.idx.msk $0xffff, v10;
	v4 =	vadd.f32 v4, v52;
	v10 =	vld.idx.msk [tilespmem:v13+s23+$0x0], $0xffff  }
0x437: {  	[tilespmem:v19+s18+$0x0] =	vst.idx.msk $0xffff, v2;
	v17 =	vor.u32 v17, v50;
	v13 =	vld [tilespmem:$0x1FFF0]  }
0x438: {  	v15 =	vor.u32 v21, v54;
	v18 =	vadd.f32 v18, v53;
	[tilespmem:v8+s18+$0x0] =	vst.idx.msk $0xffff, v4;
	v4 =	vld [tilespmem:$0x1FFF0]  }
0x439: {  	v6 =	vld.idx.msk [tilespmem:v6+s23+$0x0], $0xffff  }
0x43a: {  	[tilespmem:v1+s18+$0x0] =	vst.idx.msk $0xffff, v18;
	v1 =	vld [tilespmem:$0x1FFD0]  }
0x43b: {  	v2 =	vadd.f32 v12, v46;
	v12 =	vor.u32 v11, v48  }
0x43c: {  	v19 =	vor.u32 v7, v59;
	v17 =	vld.idx.msk [tilespmem:v17+s23+$0x0], $0xffff;
	v13 =	vor.u32 v13, v56  }
0x43d: {  	v51 =	vshll.u32 v25, $0x7;
	v8 =	vld.idx.msk [tilespmem:v15+s23+$0x0], $0xffff;
	v15 =	vor.u32 v9, v61;
	v4 =	vor.u32 v4, v60  }
0x43e: {  	v24 =	vor.u32 v20, v51;
	v25 =	vor.u32 v21, v62  }
0x43f: {  	v49 =	vperm.xlane v42, v35;
	v6 =	vadd.f32 v6, v55;
	v1 =	vor.u32 v1, v50  }
0x440: {  	[tilespmem:v12+s18+$0x0] =	vst.idx.msk $0xffff, v2;
	v18 =	vor.u32 v11, v57;
	v10 =	vadd.f32 v10, v58  }
0x441: {  	[tilespmem:v19+s18+$0x0] =	vst.idx.msk $0xffff, v6;
	v6 =	vor.u32 v22, v54;
	v2 =	vadd.f32 v17, v49;
	v13 =	vld.idx.msk [tilespmem:v13+s23+$0x0], $0xffff  }
0x442: {  	[tilespmem:v15+s18+$0x0] =	vst.idx.msk $0xffff, v10;
	v4 =	vld.idx.msk [tilespmem:v4+s23+$0x0], $0xffff  }
0x443: {  	v8 =	vadd.f32 v8, v52;
	v10 =	vor.u32 v9, v63;
	[tilespmem:v24+s18+$0x0] =	vst.idx.msk $0xffff, v2;
	v2 =	vld.idx.msk [tilespmem:v25+s23+$0x0], $0xffff  }
0x444: {  	v15 =	vor.u32 v9, v59;
	v1 =	vld.idx.msk [tilespmem:v1+s23+$0x0], $0xffff  }
0x445: {  	[tilespmem:v18+s18+$0x0] =	vst.idx.msk $0xffff, v8;
	v8 =	vor.u32 v21, v60;
	v18 =	vor.u32 v11, v61  }
0x446: {  	v24 =	vor.u32 v3, v51;
	v25 =	vor.u32 v22, v62;
	v6 =	vld.idx.msk [tilespmem:v6+s23+$0x0], $0xffff;
	v13 =	vadd.f32 v13, v53  }
0x447: {  	v20 =	vld [tilespmem:$0x1FE60];
	v4 =	vadd.f32 v4, v55  }
0x448: {  	v0 =	vld.idx.msk [tilespmem:v0+s23+$0x0], $0xffff;
	v2 =	vadd.f32 v2, v58;
	[tilespmem:v10+s18+$0x0] =	vst.idx.msk $0xffff, v13;
	v13 =	vor.u32 v14, v57  }
0x449: {  	v12 =	vor.u32 v21, v56;
	v19 =	vld [tilespmem:$0x1FFE0];
	v1 =	vadd.f32 v1, v49;
	[tilespmem:v15+s18+$0x0] =	vst.idx.msk $0xffff, v4  }
0x44a: {  	[tilespmem:v18+s18+$0x0] =	vst.idx.msk $0xffff, v2;
	v8 =	vld.idx.msk [tilespmem:v8+s23+$0x0], $0xffff  }
0x44b: {  	v6 =	vadd.f32 v6, v52;
	[tilespmem:v24+s18+$0x0] =	vst.idx.msk $0xffff, v1;
	v1 =	vld.idx.msk [tilespmem:v25+s23+$0x0], $0xffff  }
0x44c: {  	v15 =	vor.u32 v23, v54;
	v24 =	vor.u32 v11, v59  }
0x44d: {  	[tilespmem:v13+s18+$0x0] =	vst.idx.msk $0xffff, v6;
	v6 =	vor.u32 v14, v61;
	v13 =	vor.u32 v22, v60  }
0x44e: {  	v12 =	vld.idx.msk [tilespmem:v12+s23+$0x0], $0xffff  }
0x44f: {  	v0 =	vadd.f32 v0, v20;
	v8 =	vadd.f32 v8, v55  }
0x450: {  	v20 =	vld [tilespmem:$0x1FFF0];
	v19 =	vor.u32 v19, v30;
	v2 =	vor.u32 v11, v63;
	v1 =	vadd.f32 v1, v58  }
0x451: {  	v18 =	vor.u32 v22, v56;
	v15 =	vld.idx.msk [tilespmem:v15+s23+$0x0], $0xffff;
	[tilespmem:v24+s18+$0x0] =	vst.idx.msk $0xffff, v8  }
0x452: {  	[tilespmem:v6+s18+$0x0] =	vst.idx.msk $0xffff, v1;
	v6 =	vld.idx.msk [tilespmem:v13+s23+$0x0], $0xffff  }
0x453: {  	v12 =	vadd.f32 v12, v53;
	v13 =	vld [tilespmem:$0x1FFC0]  }
0x454: {  	v34 =	vor.u32 v16, v57;
	v4 =	vor.u32 v14, v28  }
0x455: {  	v19 =	vld.idx.msk [tilespmem:v19+s23+$0x0], $0xffff;
	v54 =	vor.u32 v23, v62;
	[tilespmem:v2+s18+$0x0] =	vst.idx.msk $0xffff, v12;
	v2 =	vor.u32 $0x20, v38  }
0x456: {  	v26 =	vor.u32 v20, v30;
	v12 =	vand.u32 $0x7, v37;
	v8 =	vand.u32 $0x28, v2;
	v18 =	vld.idx.msk [tilespmem:v18+s23+$0x0], $0xffff  }
0x457: {  	v20 =	vor.u32 v14, v59;
	v25 =	vor.u32 v7, v36;
	v57 =	vor.u32 v12, v8  }
0x458: {  	v1 =	vor.u32 v14, v63;
	v12 =	vadd.f32 v15, v52;
	v13 =	vor.u32 v13, v57  }
0x459: {  	v17 =	vor.u32 v22, v47;
	v10 =	vor.u32 v32, v50;
	[tilespmem:v4+s18+$0x0] =	vst.idx.msk $0xffff, v0;
	v0 =	vor.u32 $0x20, v39  }
0x45a: {  	v19 =	vadd.f32 v19, v31;
	v15 =	vand.u32 $0x7, v27;
	v27 =	vld.idx.msk [tilespmem:v54+s23+$0x0], $0xffff;
	[tilespmem:v34+s18+$0x0] =	vst.idx.msk $0xffff, v12;
	v12 =	vand.u32 $0x28, v0  }
0x45b: {  	[tilespmem:$0x1FE50] =	vst v28;
	v4 =	vor.u32 v23, v56;
	v18 =	vadd.f32 v18, v53;
	v56 =	vor.u32 v15, v12;
	v15 =	vld [tilespmem:$0x1FFD0]  }
0x45c: {  	v60 =	vor.u32 v23, v60;
	v61 =	vor.u32 v16, v61;
	[tilespmem:v25+s18+$0x0] =	vst.idx.msk $0xffff, v19;
	v54 =	vshll.u32 v2, $0x7;
	v2 =	vld [tilespmem:$0x1FFC0]  }
0x45d: {  	v28 =	vlaneseq.u32;
	v19 =	vor.u32 v16, v63;
	[tilespmem:v1+s18+$0x0] =	vst.idx.msk $0xffff, v18;
	v1 =	vadd.f32 v6, v55;
	v6 =	vld.idx.msk [tilespmem:v13+s23+$0x0], $0xffff  }
0x45e: {  	v17 =	vld.idx.msk [tilespmem:v17+s23+$0x0], $0xffff;
	v24 =	vor.u32 v14, v48;
	v52 =	vperm.xlane v42, v38;
	v12 =	vor.u32 v28, v54  }
0x45f: {  	v10 =	vld.idx.msk [tilespmem:v10+s23+$0x0], $0xffff;
	v18 =	vor.u32 $0x20, v41;
	[tilespmem:v20+s18+$0x0] =	vst.idx.msk $0xffff, v1;
	v1 =	vand.u32 $0x7, v45;
	v13 =	vadd.f32 v27, v58  }
0x460: {  	v34 =	vld [tilespmem:$0x1FFE0];
	v20 =	vand.u32 $0x28, v18;
	v15 =	vor.u32 v15, v57;
	v27 =	vor.u32 $0x20, v40  }
0x461: {  	v25 =	vld.idx.msk [tilespmem:v60+s23+$0x0], $0xffff;
	v63 =	vor.u32 v1, v20;
	v1 =	vand.u32 $0x7, v44;
	[tilespmem:v61+s18+$0x0] =	vst.idx.msk $0xffff, v13;
	v13 =	vand.u32 $0x28, v27  }
0x462: {  	v2 =	vor.u32 v2, v56;
	v60 =	vor.u32 v1, v13;
	v1 =	vld [tilespmem:$0x1FFC0];
	v6 =	vadd.f32 v6, v52  }
0x463: {  	v8 =	vor.u32 v5, v51;
	v4 =	vld.idx.msk [tilespmem:v4+s23+$0x0], $0xffff  }
0x464: {  	v61 =	vshll.u32 v0, $0x7;
	v0 =	vld [tilespmem:$0x1FFC0];
	[tilespmem:v12+s18+$0x0] =	vst.idx.msk $0xffff, v6  }
0x465: {  	v17 =	vadd.f32 v17, v46;
	v12 =	vld.idx.msk [tilespmem:v15+s23+$0x0], $0xffff  }
0x466: {  	[tilespmem:$0x1FE20] =	vst v37;
	v10 =	vadd.f32 v10, v49;
	v15 =	vld [tilespmem:$0x1FFD0]  }
0x467: {  	[tilespmem:v24+s18+$0x0] =	vst.idx.msk $0xffff, v17;
	v2 =	vld.idx.msk [tilespmem:v2+s23+$0x0], $0xffff;
	v1 =	vor.u32 v1, v63  }
0x468: {  	v17 =	vld [tilespmem:$0x1FFD0];
	[tilespmem:v8+s18+$0x0] =	vst.idx.msk $0xffff, v10;
	v37 =	vor.u32 v34, v50;
	v13 =	vor.u32 v16, v59  }
0x469: {  	v4 =	vadd.f32 v4, v53;
	v8 =	vor.u32 v28, v61;
	v0 =	vor.u32 v0, v60  }
0x46a: {  	v24 =	vld [tilespmem:$0x1FFF0];
	v58 =	vperm.xlane v42, v39  }
0x46b: {  	[tilespmem:v19+s18+$0x0] =	vst.idx.msk $0xffff, v4;
	v19 =	vld [tilespmem:$0x1FFD0];
	v6 =	vadd.f32 v25, v55;
	v15 =	vor.u32 v15, v56  }
0x46c: {  	v62 =	vshll.u32 v18, $0x7;
	v2 =	vadd.f32 v2, v58;
	v1 =	vld.idx.msk [tilespmem:v1+s23+$0x0], $0xffff  }
0x46d: {  	v17 =	vor.u32 v17, v63;
	v10 =	vld.idx.msk [tilespmem:v37+s23+$0x0], $0xffff;
	[tilespmem:v13+s18+$0x0] =	vst.idx.msk $0xffff, v6;
	v6 =	vor.u32 v3, v54  }
0x46e: {  	v13 =	vor.u32 v32, v57;
	[tilespmem:v8+s18+$0x0] =	vst.idx.msk $0xffff, v2;
	v2 =	vor.u32 v28, v62;
	v0 =	vld.idx.msk [tilespmem:v0+s23+$0x0], $0xffff  }
0x46f: {  	v59 =	vshll.u32 v27, $0x7;
	v4 =	vor.u32 v7, v51;
	v55 =	vperm.xlane v42, v41;
	v8 =	vld.idx.msk [tilespmem:v26+s23+$0x0], $0xffff  }
0x470: {  	v18 =	vor.u32 v28, v59;
	v12 =	vadd.f32 v12, v52;
	v15 =	vld.idx.msk [tilespmem:v15+s23+$0x0], $0xffff  }
0x471: {  	v53 =	vperm.xlane v42, v40;
	v19 =	vor.u32 v19, v60;
	v1 =	vadd.f32 v1, v55  }
0x472: {  	v10 =	vadd.f32 v10, v49;
	[tilespmem:v6+s18+$0x0] =	vst.idx.msk $0xffff, v12;
	v6 =	vor.u32 v3, v61  }
0x473: {  	v12 =	vld.idx.msk [tilespmem:v13+s23+$0x0], $0xffff;
	v13 =	vor.u32 v32, v56;
	v0 =	vadd.f32 v0, v53;
	[tilespmem:v2+s18+$0x0] =	vst.idx.msk $0xffff, v1  }
0x474: {  	v24 =	vor.u32 v24, v50;
	[tilespmem:v4+s18+$0x0] =	vst.idx.msk $0xffff, v10;
	v1 =	vadd.f32 v8, v31;
	v8 =	vld.idx.msk [tilespmem:v17+s23+$0x0], $0xffff  }
0x475: {  	v20 =	vor.u32 v23, v47;
	[tilespmem:v18+s18+$0x0] =	vst.idx.msk $0xffff, v0;
	v18 =	vld [tilespmem:$0x1FFE0];
	v4 =	vadd.f32 v15, v58  }
0x476: {  	v10 =	vld.idx.msk [tilespmem:v19+s23+$0x0], $0xffff;
	v19 =	vor.u32 v3, v62  }
0x477: {  	v2 =	vor.u32 v9, v36;
	[tilespmem:v6+s18+$0x0] =	vst.idx.msk $0xffff, v4  }
0x478: {  	v6 =	vor.u32 v3, v59;
	v13 =	vld.idx.msk [tilespmem:v13+s23+$0x0], $0xffff  }
0x479: {  	v0 =	vor.u32 v5, v54;
	v17 =	vld.idx.msk [tilespmem:v24+s23+$0x0], $0xffff;
	v8 =	vadd.f32 v8, v55  }
0x47a: {  	v20 =	vld.idx.msk [tilespmem:v20+s23+$0x0], $0xffff;
	v24 =	vor.u32 v9, v51;
	v18 =	vor.u32 v18, v57  }
0x47b: {  	v4 =	vor.u32 v32, v63;
	v10 =	vadd.f32 v10, v53;
	[tilespmem:v19+s18+$0x0] =	vst.idx.msk $0xffff, v8;
	v8 =	vld [tilespmem:$0x1FFE0]  }
0x47c: {  	v12 =	vadd.f32 v12, v52;
	[tilespmem:v2+s18+$0x0] =	vst.idx.msk $0xffff, v1;
	v1 =	vld [tilespmem:$0x1FE10];
	v2 =	vor.u32 v21, v50  }
0x47d: {  	v25 =	vor.u32 v32, v60;
	[tilespmem:v6+s18+$0x0] =	vst.idx.msk $0xffff, v10;
	v10 =	vadd.f32 v13, v58;
	v13 =	vld [tilespmem:$0x1FFF0]  }
0x47e: {  	v15 =	vor.u32 v16, v48;
	[tilespmem:v0+s18+$0x0] =	vst.idx.msk $0xffff, v12;
	v12 =	vadd.f32 v17, v49;
	v19 =	vld [tilespmem:$0x1FFC0]  }
0x47f: {  	v0 =	vor.u32 v5, v61;
	v17 =	vld.idx.msk [tilespmem:v18+s23+$0x0], $0xffff  }
0x480: {  	[tilespmem:v24+s18+$0x0] =	vst.idx.msk $0xffff, v12;
	v4 =	vld.idx.msk [tilespmem:v4+s23+$0x0], $0xffff;
	v8 =	vor.u32 v8, v56  }
0x481: {  	v18 =	vadd.f32 v20, v46;
	v6 =	vor.u32 v7, v54;
	v2 =	vld.idx.msk [tilespmem:v2+s23+$0x0], $0xffff  }
0x482: {  	v12 =	vld.idx.msk [tilespmem:v25+s23+$0x0], $0xffff;
	v13 =	vor.u32 v13, v57  }
0x483: {  	v20 =	vld [tilespmem:$0x1FFE0];
	v1 =	vor.u32 $0x30, v1;
	[tilespmem:v15+s18+$0x0] =	vst.idx.msk $0xffff, v18;
	v15 =	vor.u32 v5, v62  }
0x484: {  	v34 =	vand.u32 $0x3F, v1;
	v18 =	vor.u32 v11, v51;
	[tilespmem:v0+s18+$0x0] =	vst.idx.msk $0xffff, v10;
	v0 =	vld [tilespmem:$0x1FFE0];
	v17 =	vadd.f32 v17, v52  }
0x485: {  	v19 =	vor.u32 v19, v34;
	v10 =	vor.u32 v5, v59;
	v8 =	vld.idx.msk [tilespmem:v8+s23+$0x0], $0xffff  }
0x486: {  	v24 =	vor.u32 v22, v50;
	v46 =	vshll.u32 v1, $0x7;
	v4 =	vadd.f32 v4, v55;
	[tilespmem:v6+s18+$0x0] =	vst.idx.msk $0xffff, v17  }
0x487: {  	v1 =	vor.u32 v7, v61;
	v2 =	vadd.f32 v2, v49;
	v6 =	vadd.f32 v12, v53;
	v12 =	vld.idx.msk [tilespmem:v13+s23+$0x0], $0xffff  }
0x488: {  	[tilespmem:v15+s18+$0x0] =	vst.idx.msk $0xffff, v4;
	v13 =	vld [tilespmem:$0x1FFF0]  }
0x489: {  	v15 =	vld [tilespmem:$0x1FFD0];
	[tilespmem:v18+s18+$0x0] =	vst.idx.msk $0xffff, v2;
	v0 =	vor.u32 v0, v63  }
0x48a: {  	v20 =	vor.u32 v20, v60;
	v19 =	vld.idx.msk [tilespmem:v19+s23+$0x0], $0xffff;
	[tilespmem:v10+s18+$0x0] =	vst.idx.msk $0xffff, v6;
	v6 =	vadd.f32 v8, v58  }
0x48b: {  	v17 =	vld.idx.msk [tilespmem:v24+s23+$0x0], $0xffff  }
0x48c: {  	[tilespmem:v1+s18+$0x0] =	vst.idx.msk $0xffff, v6;
	v1 =	vld [tilespmem:$0x1FFF0]  }
0x48d: {  	v24 =	vld [tilespmem:$0x1FFF0];
	v13 =	vor.u32 v13, v56  }
0x48e: {  	v33 =	vperm.xlane v29, v33;
	v4 =	vor.u32 v28, v46;
	v0 =	vld.idx.msk [tilespmem:v0+s23+$0x0], $0xffff  }
0x48f: {  	v2 =	vor.u32 v9, v54;
	v15 =	vor.u32 v15, v34;
	v8 =	vld.idx.msk [tilespmem:v20+s23+$0x0], $0xffff  }
0x490: {  	v18 =	vor.u32 v21, v57;
	v10 =	vadd.f32 v19, v33;
	v19 =	vor.u32 v7, v62  }
0x491: {  	v6 =	vor.u32 v7, v59;
	v1 =	vor.u32 v1, v63  }
0x492: {  	v20 =	vor.u32 v14, v51;
	v24 =	vor.u32 v24, v60;
	v12 =	vadd.f32 v12, v52;
	v13 =	vld.idx.msk [tilespmem:v13+s23+$0x0], $0xffff  }
0x493: {  	v26 =	vld [tilespmem:$0x1FFC0];
	[tilespmem:v4+s18+$0x0] =	vst.idx.msk $0xffff, v10;
	v4 =	vor.u32 v23, v50;
	v0 =	vadd.f32 v0, v55  }
0x494: {  	v10 =	vld.idx.msk [tilespmem:v15+s23+$0x0], $0xffff;
	[tilespmem:v2+s18+$0x0] =	vst.idx.msk $0xffff, v12;
	v2 =	vor.u32 v9, v61;
	v8 =	vadd.f32 v8, v53  }
0x495: {  	v12 =	vadd.f32 v17, v49;
	v15 =	vld.idx.msk [tilespmem:v18+s23+$0x0], $0xffff;
	[tilespmem:v19+s18+$0x0] =	vst.idx.msk $0xffff, v0  }
0x496: {  	v17 =	vor.u32 v21, v56;
	[tilespmem:v6+s18+$0x0] =	vst.idx.msk $0xffff, v8;
	v1 =	vld.idx.msk [tilespmem:v1+s23+$0x0], $0xffff  }
0x497: {  	[tilespmem:v20+s18+$0x0] =	vst.idx.msk $0xffff, v12;
	v6 =	vor.u32 v11, v54;
	v8 =	vadd.f32 v13, v58  }
0x498: {  	v25 =	vor.u32 v3, v46;
	v18 =	vor.u32 v22, v57;
	v19 =	vor.u32 v9, v62;
	v4 =	vld.idx.msk [tilespmem:v4+s23+$0x0], $0xffff  }
0x499: {  	v20 =	vor.u32 $0x30, v43;
	v12 =	vld.idx.msk [tilespmem:v24+s23+$0x0], $0xffff;
	[tilespmem:v2+s18+$0x0] =	vst.idx.msk $0xffff, v8;
	v2 =	vor.u32 v21, v63  }
0x49a: {  	v47 =	vand.u32 $0x3F, v20;
	v15 =	vadd.f32 v15, v52;
	v13 =	vor.u32 v16, v51  }
0x49b: {  	v26 =	vor.u32 v26, v47;
	v8 =	vor.u32 v9, v59;
	v17 =	vld.idx.msk [tilespmem:v17+s23+$0x0], $0xffff;
	v1 =	vadd.f32 v1, v55  }
0x49c: {  	v0 =	vor.u32 v21, v30;
	v10 =	vadd.f32 v10, v33;
	[tilespmem:v6+s18+$0x0] =	vst.idx.msk $0xffff, v15  }
0x49d: {  	v24 =	vor.u32 v21, v60;
	[tilespmem:v19+s18+$0x0] =	vst.idx.msk $0xffff, v1;
	v1 =	vadd.f32 v4, v49;
	v4 =	vld.idx.msk [tilespmem:v18+s23+$0x0], $0xffff  }
0x49e: {  	[tilespmem:v25+s18+$0x0] =	vst.idx.msk $0xffff, v10;
	v6 =	vor.u32 v11, v61;
	v12 =	vadd.f32 v12, v53;
	v2 =	vld.idx.msk [tilespmem:v2+s23+$0x0], $0xffff  }
0x49f: {  	v18 =	vor.u32 v11, v62;
	[tilespmem:v13+s18+$0x0] =	vst.idx.msk $0xffff, v1;
	v1 =	vor.u32 v14, v54  }
0x4a0: {  	[tilespmem:v8+s18+$0x0] =	vst.idx.msk $0xffff, v12;
	v12 =	vadd.f32 v17, v58;
	v17 =	vor.u32 v23, v57;
	v10 =	vld.idx.msk [tilespmem:v26+s23+$0x0], $0xffff  }
0x4a1: {  	v37 =	vshll.u32 v20, $0x7;
	v15 =	vor.u32 v22, v56  }
0x4a2: {  	v19 =	vor.u32 v28, v37;
	v8 =	vor.u32 v32, v34;
	v13 =	vld.idx.msk [tilespmem:v24+s23+$0x0], $0xffff;
	v4 =	vadd.f32 v4, v52  }
0x4a3: {  	v35 =	vperm.xlane v29, v35;
	v0 =	vld.idx.msk [tilespmem:v0+s23+$0x0], $0xffff;
	[tilespmem:v6+s18+$0x0] =	vst.idx.msk $0xffff, v12;
	v2 =	vadd.f32 v2, v55  }
0x4a4: {  	v24 =	vld [tilespmem:$0x1FFD0];
	v6 =	vor.u32 v22, v63;
	v12 =	vor.u32 v11, v59;
	[tilespmem:v1+s18+$0x0] =	vst.idx.msk $0xffff, v4  }
0x4a5: {  	v20 =	vor.u32 v22, v60;
	[tilespmem:v18+s18+$0x0] =	vst.idx.msk $0xffff, v2;
	v2 =	vadd.f32 v10, v35;
	v10 =	vld.idx.msk [tilespmem:v17+s23+$0x0], $0xffff  }
0x4a6: {  	v15 =	vld.idx.msk [tilespmem:v15+s23+$0x0], $0xffff  }
0x4a7: {  	v1 =	vld.idx.msk [tilespmem:v8+s23+$0x0], $0xffff;
	v8 =	vadd.f32 v13, v53;
	[tilespmem:v19+s18+$0x0] =	vst.idx.msk $0xffff, v2;
	v2 =	vor.u32 v16, v54  }
0x4a8: {  	v18 =	vld [tilespmem:$0x1FE20]  }
0x4a9: {  	v24 =	vor.u32 v24, v47;
	v4 =	vor.u32 v14, v61;
	[tilespmem:v12+s18+$0x0] =	vst.idx.msk $0xffff, v8;
	v6 =	vld.idx.msk [tilespmem:v6+s23+$0x0], $0xffff  }
0x4aa: {  	v13 =	vor.u32 v23, v56;
	v12 =	vld.idx.msk [tilespmem:v20+s23+$0x0], $0xffff;
	v10 =	vadd.f32 v10, v52  }
0x4ab: {  	v52 =	vld [tilespmem:$0x1FFC0]  }
0x4ac: {  	v38 =	vperm.xlane v29, v38;
	v8 =	vadd.f32 v15, v58;
	[tilespmem:v2+s18+$0x0] =	vst.idx.msk $0xffff, v10;
	v10 =	vld [tilespmem:$0x1FE30]  }
0x4ad: {  	v25 =	vor.u32 v23, v60;
	v0 =	vadd.f32 v0, v31;
	v19 =	vor.u32 v14, v62  }
0x4ae: {  	v17 =	vld.idx.msk [tilespmem:v24+s23+$0x0], $0xffff;
	[tilespmem:v4+s18+$0x0] =	vst.idx.msk $0xffff, v8;
	v4 =	vor.u32 v23, v63;
	v8 =	vor.u32 v14, v59  }
0x4af: {  	v26 =	vor.u32 $0x30, v45;
	v24 =	vor.u32 v5, v46;
	v18 =	vor.u32 $0x30, v18;
	v13 =	vld.idx.msk [tilespmem:v13+s23+$0x0], $0xffff  }
0x4b0: {  	v48 =	vand.u32 $0x3F, v18;
	v6 =	vadd.f32 v6, v55;
	v2 =	vor.u32 v16, v61  }
0x4b1: {  	v12 =	vadd.f32 v12, v53;
	v20 =	vor.u32 v52, v48;
	v10 =	vor.u32 $0x30, v10  }
0x4b2: {  	v15 =	vor.u32 v11, v36;
	v1 =	vadd.f32 v1, v33;
	[tilespmem:v19+s18+$0x0] =	vst.idx.msk $0xffff, v6;
	v6 =	vld [tilespmem:$0x1FFE0];
	v43 =	vand.u32 $0x3F, v10  }
0x4b3: {  	v60 =	vand.u32 $0x3F, v26;
	v42 =	vshll.u32 v18, $0x7;
	[tilespmem:v8+s18+$0x0] =	vst.idx.msk $0xffff, v12;
	v4 =	vld.idx.msk [tilespmem:v4+s23+$0x0], $0xffff;
	v12 =	vor.u32 v52, v43  }
0x4b4: {  	v54 =	vld [tilespmem:$0x1FFD0];
	v19 =	vor.u32 v32, v47;
	v8 =	vor.u32 v3, v37;
	v13 =	vadd.f32 v13, v58  }
0x4b5: {  	v17 =	vadd.f32 v17, v35;
	[tilespmem:v24+s18+$0x0] =	vst.idx.msk $0xffff, v1;
	v1 =	vor.u32 v16, v62;
	v18 =	vld.idx.msk [tilespmem:v25+s23+$0x0], $0xffff  }
0x4b6: {  	[tilespmem:v2+s18+$0x0] =	vst.idx.msk $0xffff, v13;
	v2 =	vor.u32 v52, v60;
	v13 =	vor.u32 $0x30, v44;
	v20 =	vld.idx.msk [tilespmem:v20+s23+$0x0], $0xffff  }
0x4b7: {  	[tilespmem:v15+s18+$0x0] =	vst.idx.msk $0xffff, v0;
	v25 =	vor.u32 v16, v59;
	v6 =	vor.u32 v6, v34;
	v61 =	vand.u32 $0x3F, v13  }
0x4b8: {  	v24 =	vor.u32 v28, v42;
	v4 =	vadd.f32 v4, v55;
	v0 =	vld.idx.msk [tilespmem:v12+s23+$0x0], $0xffff;
	v12 =	vor.u32 v52, v61  }
0x4b9: {  	v39 =	vperm.xlane v29, v39;
	v15 =	vor.u32 v54, v48;
	v58 =	vld [tilespmem:$0x1FFE0];
	v62 =	vshll.u32 v10, $0x7;
	[tilespmem:v8+s18+$0x0] =	vst.idx.msk $0xffff, v17  }
0x4ba: {  	v17 =	vor.u32 v28, v62;
	v10 =	vld.idx.msk [tilespmem:v19+s23+$0x0], $0xffff;
	[tilespmem:v1+s18+$0x0] =	vst.idx.msk $0xffff, v4;
	v1 =	vadd.f32 v18, v53  }
0x4bb: {  	v40 =	vperm.xlane v29, v40;
	v45 =	vshll.u32 v26, $0x7;
	v2 =	vld.idx.msk [tilespmem:v2+s23+$0x0], $0xffff;
	v8 =	vadd.f32 v20, v38  }
0x4bc: {  	v41 =	vperm.xlane v29, v41;
	v18 =	vor.u32 v28, v45;
	v6 =	vld.idx.msk [tilespmem:v6+s23+$0x0], $0xffff;
	[tilespmem:v25+s18+$0x0] =	vst.idx.msk $0xffff, v1  }
0x4bd: {  	v1 =	vor.u32 v54, v43;
	[tilespmem:v24+s18+$0x0] =	vst.idx.msk $0xffff, v8;
	v0 =	vadd.f32 v0, v39;
	v12 =	vld.idx.msk [tilespmem:v12+s23+$0x0], $0xffff  }
0x4be: {  	v63 =	vshll.u32 v13, $0x7;
	v19 =	vor.u32 v54, v60;
	v4 =	vor.u32 v5, v37;
	v15 =	vld.idx.msk [tilespmem:v15+s23+$0x0], $0xffff  }
0x4bf: {  	v59 =	vld [tilespmem:$0x1FFF0];
	v8 =	vor.u32 v58, v47;
	[tilespmem:v17+s18+$0x0] =	vst.idx.msk $0xffff, v0;
	v0 =	vor.u32 v28, v63  }
0x4c0: {  	v13 =	vor.u32 v3, v42;
	v2 =	vadd.f32 v2, v41;
	v17 =	vor.u32 v54, v61  }
0x4c1: {  	v20 =	vor.u32 v7, v46;
	v10 =	vadd.f32 v10, v35;
	v24 =	vor.u32 v32, v48  }
0x4c2: {  	[tilespmem:v18+s18+$0x0] =	vst.idx.msk $0xffff, v2;
	v1 =	vld.idx.msk [tilespmem:v1+s23+$0x0], $0xffff;
	v2 =	vadd.f32 v12, v40  }
0x4c3: {  	[tilespmem:v4+s18+$0x0] =	vst.idx.msk $0xffff, v10;
	v6 =	vadd.f32 v6, v33;
	v10 =	vld.idx.msk [tilespmem:v19+s23+$0x0], $0xffff;
	v4 =	vadd.f32 v15, v38  }
0x4c4: {  	v8 =	vld.idx.msk [tilespmem:v8+s23+$0x0], $0xffff;
	v15 =	vor.u32 v3, v62;
	v12 =	vor.u32 v59, v34;
	[tilespmem:v0+s18+$0x0] =	vst.idx.msk $0xffff, v2  }
0x4c5: {  	[tilespmem:v13+s18+$0x0] =	vst.idx.msk $0xffff, v4;
	v0 =	vor.u32 v32, v43;
	v2 =	vor.u32 v3, v45;
	v4 =	vld.idx.msk [tilespmem:v17+s23+$0x0], $0xffff  }
0x4c6: {  	[tilespmem:v20+s18+$0x0] =	vst.idx.msk $0xffff, v6;
	v6 =	vor.u32 v7, v37;
	v13 =	vld.idx.msk [tilespmem:v24+s23+$0x0], $0xffff;
	v17 =	vor.u32 v32, v60  }
0x4c7: {  	v19 =	vor.u32 v3, v63;
	v1 =	vadd.f32 v1, v39  }
0x4c8: {  	v20 =	vor.u32 v5, v42;
	v10 =	vadd.f32 v10, v41;
	v24 =	vor.u32 v32, v61  }
0x4c9: {  	v18 =	vor.u32 v59, v47;
	v8 =	vadd.f32 v8, v35;
	v12 =	vld.idx.msk [tilespmem:v12+s23+$0x0], $0xffff;
	[tilespmem:v15+s18+$0x0] =	vst.idx.msk $0xffff, v1  }
0x4ca: {  	v1 =	vor.u32 v58, v48;
	v0 =	vld.idx.msk [tilespmem:v0+s23+$0x0], $0xffff;
	[tilespmem:v2+s18+$0x0] =	vst.idx.msk $0xffff, v10;
	v2 =	vadd.f32 v4, v40  }
0x4cb: {  	[tilespmem:v6+s18+$0x0] =	vst.idx.msk $0xffff, v8;
	v4 =	vadd.f32 v13, v38;
	v6 =	vld.idx.msk [tilespmem:v17+s23+$0x0], $0xffff;
	v17 =	vor.u32 v9, v46  }
0x4cc: {  	v15 =	vor.u32 v22, v30;
	v10 =	vor.u32 v5, v62;
	[tilespmem:v19+s18+$0x0] =	vst.idx.msk $0xffff, v2  }
0x4cd: {  	[tilespmem:v20+s18+$0x0] =	vst.idx.msk $0xffff, v4;
	v2 =	vor.u32 v58, v43;
	v4 =	vor.u32 v5, v45;
	v13 =	vld.idx.msk [tilespmem:v24+s23+$0x0], $0xffff  }
0x4ce: {  	v8 =	vld.idx.msk [tilespmem:v18+s23+$0x0], $0xffff;
	v18 =	vor.u32 v58, v60;
	v12 =	vadd.f32 v12, v33  }
0x4cf: {  	v19 =	vor.u32 v5, v63;
	v20 =	vor.u32 v9, v37;
	v1 =	vld.idx.msk [tilespmem:v1+s23+$0x0], $0xffff;
	v0 =	vadd.f32 v0, v39  }
0x4d0: {  	v24 =	vor.u32 v58, v61;
	v6 =	vadd.f32 v6, v41;
	[tilespmem:v17+s18+$0x0] =	vst.idx.msk $0xffff, v12  }
0x4d1: {  	v12 =	vld.idx.msk [tilespmem:v15+s23+$0x0], $0xffff;
	[tilespmem:v10+s18+$0x0] =	vst.idx.msk $0xffff, v0;
	v10 =	vor.u32 v7, v42  }
0x4d2: {  	v0 =	vor.u32 v21, v34;
	[tilespmem:v4+s18+$0x0] =	vst.idx.msk $0xffff, v6;
	v2 =	vld.idx.msk [tilespmem:v2+s23+$0x0], $0xffff;
	v4 =	vadd.f32 v13, v40  }
0x4d3: {  	v15 =	vor.u32 v7, v62;
	v6 =	vadd.f32 v8, v35;
	v8 =	vld.idx.msk [tilespmem:v18+s23+$0x0], $0xffff  }
0x4d4: {  	v1 =	vadd.f32 v1, v38;
	v13 =	vor.u32 v59, v48;
	[tilespmem:v19+s18+$0x0] =	vst.idx.msk $0xffff, v4  }
0x4d5: {  	[tilespmem:v20+s18+$0x0] =	vst.idx.msk $0xffff, v6;
	v6 =	vor.u32 v7, v45;
	v4 =	vor.u32 v59, v43;
	v17 =	vld.idx.msk [tilespmem:v24+s23+$0x0], $0xffff  }
0x4d6: {  	[tilespmem:v10+s18+$0x0] =	vst.idx.msk $0xffff, v1  }
0x4d7: {  	v0 =	vld.idx.msk [tilespmem:v0+s23+$0x0], $0xffff;
	v10 =	vor.u32 v7, v63;
	v1 =	vadd.f32 v2, v39;
	v2 =	vor.u32 v59, v60  }
0x4d8: {  	v18 =	vor.u32 v21, v47;
	v19 =	vor.u32 v14, v36;
	v8 =	vadd.f32 v8, v41  }
0x4d9: {  	v20 =	vor.u32 v59, v61;
	v13 =	vld.idx.msk [tilespmem:v13+s23+$0x0], $0xffff;
	[tilespmem:v15+s18+$0x0] =	vst.idx.msk $0xffff, v1;
	v1 =	vor.u32 v11, v46  }
0x4da: {  	[tilespmem:v6+s18+$0x0] =	vst.idx.msk $0xffff, v8;
	v4 =	vld.idx.msk [tilespmem:v4+s23+$0x0], $0xffff;
	v6 =	vadd.f32 v17, v40  }
0x4db: {  	v15 =	vor.u32 v9, v42;
	v8 =	vadd.f32 v12, v31  }
0x4dc: {  	v0 =	vadd.f32 v0, v33;
	v2 =	vld.idx.msk [tilespmem:v2+s23+$0x0], $0xffff;
	[tilespmem:v10+s18+$0x0] =	vst.idx.msk $0xffff, v6;
	v10 =	vor.u32 v9, v62  }
0x4dd: {  	v12 =	vld.idx.msk [tilespmem:v18+s23+$0x0], $0xffff;
	[tilespmem:v19+s18+$0x0] =	vst.idx.msk $0xffff, v8;
	v8 =	vor.u32 v21, v43;
	v6 =	vor.u32 v21, v48  }
0x4de: {  	v17 =	vld.idx.msk [tilespmem:v20+s23+$0x0], $0xffff;
	[tilespmem:v1+s18+$0x0] =	vst.idx.msk $0xffff, v0;
	v0 =	vadd.f32 v13, v38;
	v1 =	vor.u32 v9, v45  }
0x4df: {  	v13 =	vor.u32 v21, v60;
	v4 =	vadd.f32 v4, v39  }
0x4e0: {  	v18 =	vor.u32 v9, v63;
	[tilespmem:v15+s18+$0x0] =	vst.idx.msk $0xffff, v0;
	v0 =	vor.u32 v11, v37  }
0x4e1: {  	v15 =	vor.u32 v21, v61;
	v2 =	vadd.f32 v2, v41;
	[tilespmem:v10+s18+$0x0] =	vst.idx.msk $0xffff, v4  }
0x4e2: {  	v4 =	vor.u32 v22, v34;
	v8 =	vld.idx.msk [tilespmem:v8+s23+$0x0], $0xffff  }
0x4e3: {  	v6 =	vld.idx.msk [tilespmem:v6+s23+$0x0], $0xffff;
	v10 =	vadd.f32 v12, v35;
	v12 =	vadd.f32 v17, v40;
	[tilespmem:v1+s18+$0x0] =	vst.idx.msk $0xffff, v2  }
0x4e4: {  	v2 =	vor.u32 v11, v62;
	v13 =	vld.idx.msk [tilespmem:v13+s23+$0x0], $0xffff  }
0x4e5: {  	v1 =	vor.u32 v11, v42;
	[tilespmem:v18+s18+$0x0] =	vst.idx.msk $0xffff, v12  }
0x4e6: {  	[tilespmem:v0+s18+$0x0] =	vst.idx.msk $0xffff, v10;
	v0 =	vld.idx.msk [tilespmem:v15+s23+$0x0], $0xffff  }
0x4e7: {  	v53 =	vld [tilespmem:$0x1FFB0];
	v17 =	vor.u32 v22, v47;
	v12 =	vor.u32 v11, v45;
	v8 =	vadd.f32 v8, v39  }
0x4e8: {  	v18 =	vor.u32 v11, v63;
	v15 =	vor.u32 v22, v43;
	v6 =	vadd.f32 v6, v38;
	v4 =	vld.idx.msk [tilespmem:v4+s23+$0x0], $0xffff  }
0x4e9: {  	[tilespmem:v2+s18+$0x0] =	vst.idx.msk $0xffff, v8;
	v2 =	vadd.f32 v13, v41;
	v13 =	vld [tilespmem:$0x1FE40]  }
0x4ea: {  	[tilespmem:v1+s18+$0x0] =	vst.idx.msk $0xffff, v6;
	v1 =	vor.u32 v14, v46  }
0x4eb: {  	v10 =	vor.u32 v22, v48;
	v0 =	vadd.f32 v0, v40  }
0x4ec: {  	v6 =	vld.idx.msk [tilespmem:v17+s23+$0x0], $0xffff;
	v17 =	vor.u32 v22, v60;
	[tilespmem:v12+s18+$0x0] =	vst.idx.msk $0xffff, v2  }
0x4ed: {  	v8 =	vor.u32 v22, v61;
	v12 =	vld.idx.msk [tilespmem:v15+s23+$0x0], $0xffff;
	[tilespmem:v18+s18+$0x0] =	vst.idx.msk $0xffff, v0;
	v0 =	vadd.f32 v4, v33  }
0x4ee: {  	v19 =	vor.u32 v14, v37;
	v13 =	vor.u32 v53, v13  }
0x4ef: {  	v25 =	vld [tilespmem:$0x1FE50];
	[tilespmem:v1+s18+$0x0] =	vst.idx.msk $0xffff, v0;
	v1 =	vor.u32 v14, v62  }
0x4f0: {  	v10 =	vld.idx.msk [tilespmem:v10+s23+$0x0], $0xffff;
	v2 =	vor.u32 v23, v30  }
0x4f1: {  	v4 =	vor.u32 v23, v34;
	v6 =	vadd.f32 v6, v35;
	v17 =	vld.idx.msk [tilespmem:v17+s23+$0x0], $0xffff  }
0x4f2: {  	v15 =	vor.u32 v23, v47;
	v18 =	vor.u32 v14, v42;
	v8 =	vld.idx.msk [tilespmem:v8+s23+$0x0], $0xffff;
	v12 =	vadd.f32 v12, v39  }
0x4f3: {  	v0 =	vor.u32 v23, v48;
	[tilespmem:v19+s18+$0x0] =	vst.idx.msk $0xffff, v6;
	v13 =	vld.idx.msk [tilespmem:v13+s23+$0x0], $0xffff  }
0x4f4: {  	v6 =	vor.u32 v23, v43;
	v19 =	vor.u32 v14, v45;
	[tilespmem:v1+s18+$0x0] =	vst.idx.msk $0xffff, v12;
	v12 =	vld [tilespmem:$0x1FE60]  }
0x4f5: {  	v24 =	vor.u32 v14, v63;
	v20 =	vor.u32 v23, v60;
	v10 =	vadd.f32 v10, v38;
	v2 =	vld.idx.msk [tilespmem:v2+s23+$0x0], $0xffff  }
0x4f6: {  	v26 =	vor.u32 v23, v61;
	v25 =	vor.u32 v16, v25;
	v4 =	vld.idx.msk [tilespmem:v4+s23+$0x0], $0xffff  }
0x4f7: {  	v15 =	vld.idx.msk [tilespmem:v15+s23+$0x0], $0xffff;
	[tilespmem:v18+s18+$0x0] =	vst.idx.msk $0xffff, v10;
	v10 =	vor.u32 v16, v36;
	v17 =	vadd.f32 v17, v41  }
0x4f8: {  	v1 =	vor.u32 v16, v46;
	v0 =	vld.idx.msk [tilespmem:v0+s23+$0x0], $0xffff;
	v8 =	vadd.f32 v8, v40  }
0x4f9: {  	[tilespmem:v19+s18+$0x0] =	vst.idx.msk $0xffff, v17;
	v6 =	vld.idx.msk [tilespmem:v6+s23+$0x0], $0xffff;
	v12 =	vadd.f32 v13, v12;
	v13 =	vor.u32 v16, v37  }
0x4fa: {  	[tilespmem:v24+s18+$0x0] =	vst.idx.msk $0xffff, v8;
	v2 =	vadd.f32 v2, v31;
	v8 =	vor.u32 v16, v42;
	v17 =	vld.idx.msk [tilespmem:v20+s23+$0x0], $0xffff  }
0x4fb: {  	v4 =	vadd.f32 v4, v33;
	v18 =	vld.idx.msk [tilespmem:v26+s23+$0x0], $0xffff;
	[tilespmem:v25+s18+$0x0] =	vst.idx.msk $0xffff, v12;
	v12 =	vor.u32 v16, v62  }
0x4fc: {  	v27 =	vld [tilespmem:$0x1FF70];
	[tilespmem:v10+s18+$0x0] =	vst.idx.msk $0xffff, v2;
	v2 =	vadd.f32 v15, v35;
	v10 =	vor.u32 v16, v45  }
0x4fd: {  	p1 =	por p0, p0;
	v57 =	vld [tilespmem:$0x1FF90];
	[tilespmem:v1+s18+$0x0] =	vst.idx.msk $0xffff, v4;
	v0 =	vadd.f32 v0, v38;
	v1 =	vor.u32 v16, v63  }
.Ltmp1:
0x4fe: {  	v56 =	vld [tilespmem:$0x1FF80];
	[tilespmem:v13+s18+$0x0] =	vst.idx.msk $0xffff, v2;
	v2 =	vadd.f32 v6, v39;
	(pc) =	sbr.rel @p1 .LBB2_5-.Ltmp1, $4  }
0x4ff: {  	v24 =	vld [tilespmem:$0x1FF40];
	[tilespmem:v8+s18+$0x0] =	vst.idx.msk $0xffff, v0;
	v0 =	vadd.f32 v17, v41  }
0x500: {  	v26 =	vld [tilespmem:$0x1FF60];
	[tilespmem:v12+s18+$0x0] =	vst.idx.msk $0xffff, v2;
	v2 =	vadd.f32 v18, v40  }
0x501: {  	v25 =	vld [tilespmem:$0x1FF50];
	[tilespmem:v10+s18+$0x0] =	vst.idx.msk $0xffff, v0  }
0x502: {  	p0 =	por $0x0, $0x0;
	s1 =	simm.s32 $0x8;
	v55 =	vmov v32;
	v20 =	vlaneseq.u32;
	v12 =	vld [tilespmem:$0x1FFA0];
	[tilespmem:v1+s18+$0x0] =	vst.idx.msk $0xffff, v2  }
0x503: {  	s1 =	sadd.s32 s5, s30  }
0x504: {  	s1 =	sshll.u32 s1, $0x10  }
0x505: {  	s1 =	sor.u32 s8, s1  }
0x506: {  	s1 =	sshrl.u32 s1, $0x3  }
0x507: {  	s20 =	sadd.s32 s2, s1  }
0x508: {  	[hbm4b:s20+s3] =	stream.linear.scatter [tilespmem:s18], [sflag:$0x4], $0x400, $0x38;
	[tilespmem:$0xA580] =	vst v63  }
0x509: {  	s31 =	simm.s32 $0x8980;
	s20 =	sadd.s32 s1, s9  }
0x50a: {  	[hbm4b:s20+s3] =	stream.linear.scatter [tilespmem:s31], [sflag:$0x4], $0x400, $0x38;
	[tilespmem:$0xA580] =	vst v63  }
0x50b: {  	s31 =	sadd.s32 s1, s10  }
0x50c: {  	[hbm4b:s31+s3] =	stream.linear.scatter [tilespmem:s6], [sflag:$0x4], $0x400, $0x38;
	[tilespmem:$0xA580] =	vst v63  }
0x50d: {  	s30 =	sadd.s32 s1, s11  }
0x50e: {  	[hbm4b:s30+s3] =	stream.linear.scatter [tilespmem:s7], [sflag:$0x4], $0x400, $0x38;
	[tilespmem:$0xA580] =	vst v63  }
0x50f: {  	s29 =	sadd.s32 $0x1, s29;
	s31 =	sadd.s32 s1, s12  }
0x510: {  	[hbm4b:s31+s3] =	stream.linear.scatter [tilespmem:s16], [sflag:$0x4], $0x400, $0x38;
	[tilespmem:$0xA580] =	vst v63  }
0x511: {  	p0 =	sne.s32 s29, $0x19;
	s30 =	sadd.s32 s1, s13  }
0x512: {  	[hbm4b:s30+s3] =	stream.linear.scatter [tilespmem:s19], [sflag:$0x4], $0x400, $0x38;
	[tilespmem:$0xA580] =	vst v63  }
.Ltmp2:
0x513: {  	_ = 	snop;
	(pc) =	sbr.rel @p0 .LBB2_2-.Ltmp2, $4  }
0x514: {  	s31 =	sadd.s32 s1, s14  }
0x515: {  	[hbm4b:s31+s3] =	stream.linear.scatter [tilespmem:s25], [sflag:$0x4], $0x400, $0x38;
	[tilespmem:$0xA580] =	vst v63  }
0x516: {  	s1 =	sadd.s32 s1, s15  }
0x517: {  	[hbm4b:s1+s3] =	stream.linear.scatter [tilespmem:s26], [sflag:$0x4], $0x400, $0x38;
	[tilespmem:$0xA580] =	vst v63  }
0x518: {  	s1 =	simm.s32 $0x3  }
0x519: {  	_ =	swait.ge [sflag:s1], $0x400  }
0x51a: {  	[sflag:s1] =	ssyncset.done $0x0  }
0x51b: {  	[sflag:s1] =	ssyncadd.s32 $0xFFFFFC00  }
0x51c: {  	_ =	swait.ge [sflag:s1], $0x400  }
0x51d: {  	[sflag:s1] =	ssyncset.done $0x0  }
0x51e: {  	[sflag:s1] =	ssyncadd.s32 $0xFFFFFC00  }
0x51f: {  	_ =	swait.ge [sflag:s1], $0x400  }
0x520: {  	[sflag:s1] =	ssyncset.done $0x0  }
0x521: {  	[sflag:s1] =	ssyncadd.s32 $0xFFFFFC00  }
0x522: {  	_ =	swait.ge [sflag:s1], $0x400  }
0x523: {  	[sflag:s1] =	ssyncset.done $0x0  }
0x524: {  	[sflag:s1] =	ssyncadd.s32 $0xFFFFFC00  }
0x525: {  	_ =	swait.ge [sflag:s1], $0x400  }
0x526: {  	[sflag:s1] =	ssyncset.done $0x0  }
0x527: {  	[sflag:s1] =	ssyncadd.s32 $0xFFFFFC00  }
0x528: {  	_ =	swait.ge [sflag:s1], $0x400  }
0x529: {  	[sflag:s1] =	ssyncset.done $0x0  }
0x52a: {  	[sflag:s1] =	ssyncadd.s32 $0xFFFFFC00  }
0x52b: {  	_ =	swait.ge [sflag:s1], $0x400  }
0x52c: {  	[sflag:s1] =	ssyncset.done $0x0  }
0x52d: {  	[sflag:s1] =	ssyncadd.s32 $0xFFFFFC00  }
0x52e: {  	_ =	swait.ge [sflag:s1], $0x400  }
0x52f: {  	[sflag:s1] =	ssyncset.done $0x0  }
0x530: {  	[sflag:s1] =	ssyncadd.s32 $0xFFFFFC00  }
0x531: {  	_ =	swait.ge [sflag:s28], $0x400  }
0x532: {  	[sflag:s28] =	ssyncset.done $0x0  }
0x533: {  	[sflag:s28] =	ssyncadd.s32 $0xFFFFFC00  }
0x534: {  	_ =	swait.ge [sflag:s28], $0x400  }
0x535: {  	[sflag:s28] =	ssyncset.done $0x0  }
0x536: {  	[sflag:s28] =	ssyncadd.s32 $0xFFFFFC00  }
0x537: {  	_ =	swait.ge [sflag:s28], $0x400  }
0x538: {  	[sflag:s28] =	ssyncset.done $0x0  }
0x539: {  	[sflag:s28] =	ssyncadd.s32 $0xFFFFFC00  }
0x53a: {  	_ =	swait.ge [sflag:s28], $0x400  }
0x53b: {  	[sflag:s28] =	ssyncset.done $0x0  }
0x53c: {  	[sflag:s28] =	ssyncadd.s32 $0xFFFFFC00  }
0x53d: {  	_ =	swait.ge [sflag:s28], $0x400  }
0x53e: {  	[sflag:s28] =	ssyncset.done $0x0  }
0x53f: {  	[sflag:s28] =	ssyncadd.s32 $0xFFFFFC00  }
0x540: {  	_ =	swait.ge [sflag:s28], $0x400  }
0x541: {  	[sflag:s28] =	ssyncset.done $0x0  }
0x542: {  	[sflag:s28] =	ssyncadd.s32 $0xFFFFFC00  }
0x543: {  	_ =	swait.ge [sflag:s28], $0x400  }
0x544: {  	[sflag:s28] =	ssyncset.done $0x0  }
0x545: {  	[sflag:s28] =	ssyncadd.s32 $0xFFFFFC00  }
0x546: {  	_ =	swait.ge [sflag:s28], $0x400  }
0x547: {  	s20 =	rddreg [dreg:$0x6]  }
0x548: {  	s31 =	rddreg [dreg:$0x5];
	s20 =	sadd.s32 $0x1, s20  }
0x549: {  	p0 =	sne.s32 s20, s31  }
.Ltmp3:
0x54a: {  	_ = 	snop;
	(pc) =	sbr.rel @p0 .LBB2_1-.Ltmp3, $3  }
0x54b: {  	_ =	sdelay $0x1  }
0x54c: {  	[sflag:s28] =	ssyncset.done $0x0  }
0x54d: {  	[sflag:s28] =	ssyncadd.s32 $0xFFFFFC00  }
0x54e: {  	_ =	sfence.sel $0x180000  }
0x54f: {  	[bflag:$0x0] =	sbarrier.arrive $0xFFFF  }
0x550: {  	_ =	strace $0x90000047  }
0x551: {  	s0 =	stileid.u32;
	[bflag:$0x2] =	sbarrier.arrive $0xFFFF  }
0x552: {  	p0 =	sne.s32 s0, $0x0;
	s0 =	rddreg [dreg:$0x2]  }
0x553: {  	s0 =	sadd.s32 @!p0 $0x100000, s0  }
0x554: {  	[sflag:s0] =	ssyncadd.tile.s32 @!p0 $0x1;
	_ =	shalt  }
.Lfunc_end2:
_tile_overlayer_lowered:
.L_overlay_start_2:
0x555: {  	(tag) =	ssettag $0x2  }
0x556: {  	s0 =	rddreg [dreg:$0x0];
	s2 =	stileid.u32  }
0x557: {  	s1 =	rddreg [dreg:$0x1];
	p0 =	sne.s32 s2, $0x0  }
0x558: {  	s3 =	rddreg [dreg:$0x2];
	[bflag:$0x3] =	sbarrier.arrive $0xFFFF;
	s2 =	simm.s32 @!p0 $0x1C05  }
0x559: {  	[timem:s3], [sflag:s2] =	dma.local @!p0 [hbm:s0], s1  }
0x55a: {  	s0 =	simm.s32 @!p0 $0x5  }
0x55b: {  	_ =	swait.ge @!p0 [sflag:s0], s1  }
0x55c: {  	s1 =	ssub.s32 @!p0 $0x0, s1;
	[sflag:s0] =	ssyncset.done @!p0 $0x0  }
0x55d: {  	[sflag:s0] =	ssyncadd.s32 @!p0 s1  }
0x55e: {  	[bflag:$0x3] =	sbarrier.arrive $0xFFFF  }
0x55f: {  	_ =	shalt  }

</sc_bundles>
